<compile_context>
chip_gen: v7x
topology: tpu7x:2x2x1
jax: 0.10.2.dev20260603
libtpu: 0.0.44.dev20260713+nightly
codegen_flags: <defaults>
</compile_context>

<pallas_src>
import functools

import jax
import jax.numpy as jnp
from jax import lax
from jax.experimental import pallas as pl
from jax.experimental.pallas import tpu as pltpu
from jax.experimental.pallas import tpu_sc as plsc

LANES = 16
NC = 2
NS = 16
NW = NC * NS
GRP = LANES
SUB = 8


@functools.lru_cache(maxsize=None)
def _build(batch, dim):
    bpw = batch // NW
    ngrp = bpw // GRP
    vpr = dim // LANES
    assert ngrp % 2 == 0

    mesh = plsc.VectorSubcoreMesh(core_axis_name="c", subcore_axis_name="s")

    @functools.partial(
        pl.kernel,
        out_type=jax.ShapeDtypeStruct((batch,), jnp.float32),
        mesh=mesh,
        compiler_params=pltpu.CompilerParams(use_tc_tiling_on_sc=True),
        scratch_types=[
            pltpu.VMEM((bpw,), jnp.int32),
            pltpu.VMEM((bpw,), jnp.int32),
            pltpu.VMEM((GRP * SUB, dim), jnp.float32),
            pltpu.VMEM((GRP * SUB, dim), jnp.float32),
            pltpu.VMEM((GRP * SUB, dim), jnp.float32),
            pltpu.VMEM((GRP * SUB, dim), jnp.float32),
            pltpu.VMEM((bpw,), jnp.float32),
            pltpu.SemaphoreType.DMA,
            pltpu.SemaphoreType.DMA,
        ],
    )
    def two_tower(uids_hbm, iids_hbm, utab_hbm, itab_hbm, out_hbm,
                  uidx_v, iidx_v, ubuf0, ubuf1, ibuf0, ibuf1, out_v,
                  sem0, sem1):
        wid = lax.axis_index("s") * NC + lax.axis_index("c")
        base = wid * bpw

        pltpu.sync_copy(uids_hbm.at[pl.ds(base, bpw)], uidx_v)
        pltpu.sync_copy(iids_hbm.at[pl.ds(base, bpw)], iidx_v)

        def issue(g, ubuf, ibuf, sem):
            vu = uidx_v[pl.ds(g * GRP, GRP)] & ~(SUB - 1)
            vi = iidx_v[pl.ds(g * GRP, GRP)] & ~(SUB - 1)
            for t in range(GRP):
                bu = pl.multiple_of(vu[t], SUB)
                bi = pl.multiple_of(vi[t], SUB)
                pltpu.async_copy(
                    utab_hbm.at[pl.ds(bu, SUB)],
                    ubuf.at[pl.ds(t * SUB, SUB)], sem)
                pltpu.async_copy(
                    itab_hbm.at[pl.ds(bi, SUB)],
                    ibuf.at[pl.ds(t * SUB, SUB)], sem)

        def drain(ubuf, ibuf, sem):
            pltpu.make_async_copy(
                utab_hbm.at[pl.ds(0, GRP * SUB)], ubuf, sem).wait()
            pltpu.make_async_copy(
                itab_hbm.at[pl.ds(0, GRP * SUB)], ibuf, sem).wait()

        lane = lax.iota(jnp.int32, LANES)

        def score(g, ubuf, ibuf):
            vu = uidx_v[pl.ds(g * GRP, GRP)] & (SUB - 1)
            vi = iidx_v[pl.ds(g * GRP, GRP)] & (SUB - 1)
            acc = jnp.zeros((LANES,), jnp.float32)
            for t in range(GRP):
                du = t * SUB + vu[t]
                di = t * SUB + vi[t]
                s = None
                for k in range(vpr):
                    uu = ubuf[du, pl.ds(k * LANES, LANES)]
                    vv = ibuf[di, pl.ds(k * LANES, LANES)]
                    p = uu * vv
                    s = p if s is None else s + p
                for h in (1, 2, 4, 8):
                    s = s + s.at[lane ^ h].get(mode="promise_in_bounds")
                acc = jnp.where(lane == t, s, acc)
            out_v[pl.ds(g * GRP, GRP)] = acc

        issue(0, ubuf0, ibuf0, sem0)

        def body(k, _):
            g0 = 2 * k
            issue(g0 + 1, ubuf1, ibuf1, sem1)
            drain(ubuf0, ibuf0, sem0)
            score(g0, ubuf0, ibuf0)

            @pl.when(g0 + 2 < ngrp)
            def _():
                issue(g0 + 2, ubuf0, ibuf0, sem0)

            drain(ubuf1, ibuf1, sem1)
            score(g0 + 1, ubuf1, ibuf1)
            return 0

        lax.fori_loop(0, ngrp // 2, body, 0)

        pltpu.sync_copy(out_v, out_hbm.at[pl.ds(base, bpw)])

    return two_tower


def kernel(user_ids, item_ids, user_table, item_table):
    batch = user_ids.shape[0]
    dim = user_table.shape[1]
    uids = jnp.asarray(user_ids, jnp.int32)
    iids = jnp.asarray(item_ids, jnp.int32)
    fn = _build(batch, dim)
    return fn(uids, iids, user_table, item_table)

# --- scband reference (transcript-rebuilt; emitter-appended) ---
"""Pipeline reference for scband-two-tower-binary-model-17480516895181 (READ-ONLY COPY).

The authoritative reference and input builder live on the scoring server;
editing this copy changes nothing except your own understanding.
"""

import jax, jax.numpy as jnp
import numpy as np

NUM_USERS = 1000000
NUM_ITEMS = 1000000
EMBED_DIM = 64
BATCH = 16384

def setup_inputs(seed: int = 0) -> dict:
    key = jax.random.key(seed)
    k1, k2, k3, k4 = jax.random.split(key, 4)
    user_ids = jax.random.randint(k1, (BATCH,), 0, NUM_USERS, dtype=jnp.int64) if jax.config.jax_enable_x64 else jax.random.randint(k1, (BATCH,), 0, NUM_USERS, dtype=jnp.int32)
    item_ids = jax.random.randint(k2, (BATCH,), 0, NUM_ITEMS, dtype=jnp.int32)
    user_table = jax.random.normal(k3, (NUM_USERS, EMBED_DIM), dtype=jnp.float32) * 0.02
    item_table = jax.random.normal(k4, (NUM_ITEMS, EMBED_DIM), dtype=jnp.float32) * 0.02
    return {"user_ids": user_ids, "item_ids": item_ids, "user_table": user_table, "item_table": item_table}

def reference(user_ids, item_ids, user_table, item_table):
    # user tower: embedding lookup
    user_emb = jnp.take(user_table, user_ids, axis=0)
    # item tower: embedding lookup
    item_emb = jnp.take(item_table, item_ids, axis=0)
    # interaction score: rowwise dot product
    interaction_score = jnp.sum(user_emb * item_emb, axis=1)
    return interaction_score

if __name__ == "__main__":
    import jax
    _d = setup_inputs()
    print(jax.jit(kernel)(*tuple(_d.values())))

</pallas_src>

<mosaic_0001>
#map = affine_map<(d0, d1) -> (0)>
#map1 = affine_map<(d0, d1) -> (0, 0)>
module attributes {stable_mosaic.version = 14 : i64} {
  func.func @two_tower(%arg0: i32, %arg1: i32, %arg2: memref<16384xi32, #tpu.memory_space<hbm>>, %arg3: memref<16384xi32, #tpu.memory_space<hbm>>, %arg4: memref<1000000x64xf32, #tpu.memory_space<hbm>>, %arg5: memref<1000000x64xf32, #tpu.memory_space<hbm>>, %arg6: memref<16384xf32, #tpu.memory_space<hbm>>, %arg7: memref<512xi32, #tpu.memory_space<vmem>>, %arg8: memref<512xi32, #tpu.memory_space<vmem>>, %arg9: memref<128x64xf32, #tpu.memory_space<vmem>>, %arg10: memref<128x64xf32, #tpu.memory_space<vmem>>, %arg11: memref<128x64xf32, #tpu.memory_space<vmem>>, %arg12: memref<128x64xf32, #tpu.memory_space<vmem>>, %arg13: memref<512xf32, #tpu.memory_space<vmem>>, %arg14: memref<!tpu.dma_semaphore, #tpu.memory_space<semaphore_mem>>, %arg15: memref<!tpu.dma_semaphore, #tpu.memory_space<semaphore_mem>>) attributes {dimension_semantics = [#tpu.dimension_semantics<core_parallel>, #tpu.dimension_semantics<subcore_parallel>], iteration_bounds = array<i64: 2, 16>, scalar_prefetch = 0 : i64, scratch_operands = 9 : i64, tpu.core_type = #tpu.core_type<sc_vector_subcore>, window_params = [{transform_indices = #map}, {transform_indices = #map}, {transform_indices = #map1}, {transform_indices = #map1}, {transform_indices = #map}]} {
    %mul3A = arith.constant 2 : i32
    %mul3A_0 = arith.muli %arg1, %mul3A : i32
    %add3A = arith.addi %mul3A_0, %arg0 : i32
    %mul3A_1 = arith.constant 512 : i32
    %mul3A_2 = arith.muli %add3A, %mul3A_1 : i32
    "tpu.region"() ({
      %run_scoped3A = tpu.sem_alloc : memref<!tpu.dma_semaphore, #tpu.memory_space<semaphore_mem>>
      %dma_start3A_431 = tpu.memref_slice %arg2[%mul3A_2] : memref<16384xi32, #tpu.memory_space<hbm>> -> memref<512xi32, #tpu.memory_space<hbm>>
      %dma_start3A_432 = tpu.memref_slice %arg2[%mul3A_2] : memref<16384xi32, #tpu.memory_space<hbm>> -> memref<512xi32, #tpu.memory_space<hbm>>
      tpu.enqueue_dma source(%dma_start3A_432 : memref<512xi32, #tpu.memory_space<hbm>>) target(%arg7 : memref<512xi32, #tpu.memory_space<vmem>>) target_semaphore(%run_scoped3A : memref<!tpu.dma_semaphore, #tpu.memory_space<semaphore_mem>>)
      %dma_wait3A = tpu.memref_slice %arg2[%mul3A_2] : memref<16384xi32, #tpu.memory_space<hbm>> -> memref<512xi32, #tpu.memory_space<hbm>>
      %dma_wait3A_433 = tpu.memref_slice %arg2[%mul3A_2] : memref<16384xi32, #tpu.memory_space<hbm>> -> memref<512xi32, #tpu.memory_space<hbm>>
      tpu.wait_dma2 semaphore(%run_scoped3A : memref<!tpu.dma_semaphore, #tpu.memory_space<semaphore_mem>>) src(%dma_wait3A_433 : memref<512xi32, #tpu.memory_space<hbm>>) dst(%arg7 : memref<512xi32, #tpu.memory_space<vmem>>)
      tpu.yield
    }) : () -> ()
    "tpu.region"() ({
      %run_scoped3A = tpu.sem_alloc : memref<!tpu.dma_semaphore, #tpu.memory_space<semaphore_mem>>
      %dma_start3A_431 = tpu.memref_slice %arg3[%mul3A_2] : memref<16384xi32, #tpu.memory_space<hbm>> -> memref<512xi32, #tpu.memory_space<hbm>>
      %dma_start3A_432 = tpu.memref_slice %arg3[%mul3A_2] : memref<16384xi32, #tpu.memory_space<hbm>> -> memref<512xi32, #tpu.memory_space<hbm>>
      tpu.enqueue_dma source(%dma_start3A_432 : memref<512xi32, #tpu.memory_space<hbm>>) target(%arg8 : memref<512xi32, #tpu.memory_space<vmem>>) target_semaphore(%run_scoped3A : memref<!tpu.dma_semaphore, #tpu.memory_space<semaphore_mem>>)
      %dma_wait3A = tpu.memref_slice %arg3[%mul3A_2] : memref<16384xi32, #tpu.memory_space<hbm>> -> memref<512xi32, #tpu.memory_space<hbm>>
      %dma_wait3A_433 = tpu.memref_slice %arg3[%mul3A_2] : memref<16384xi32, #tpu.memory_space<hbm>> -> memref<512xi32, #tpu.memory_space<hbm>>
      tpu.wait_dma2 semaphore(%run_scoped3A : memref<!tpu.dma_semaphore, #tpu.memory_space<semaphore_mem>>) src(%dma_wait3A_433 : memref<512xi32, #tpu.memory_space<hbm>>) dst(%arg8 : memref<512xi32, #tpu.memory_space<vmem>>)
      tpu.yield
    }) : () -> ()
    %iota3A = tpu.iota {dimensions = array<i32: 0>} : vector<16xi32>
    %get3A = arith.constant 0 : index
    %get3A_3 = tpu.vector_load %arg7[%get3A] {strides = array<i32>} : memref<512xi32, #tpu.memory_space<vmem>>, vector<16xi32>,
    %get3A_4 = vector.shape_cast %get3A_3 : vector<16xi32> to vector<16xi32>
    %and3A = arith.constant -8 : i32
    %and3A_5 = vector.broadcast %and3A : i32 to vector<16xi32>
    %and3A_6 = arith.andi %get3A_4, %and3A_5 : vector<16xi32>
    %get3A_7 = arith.constant 0 : index
    %get3A_8 = tpu.vector_load %arg8[%get3A_7] {strides = array<i32>} : memref<512xi32, #tpu.memory_space<vmem>>, vector<16xi32>,
    %get3A_9 = vector.shape_cast %get3A_8 : vector<16xi32> to vector<16xi32>
    %and3A_10 = arith.constant -8 : i32
    %and3A_11 = vector.broadcast %and3A_10 : i32 to vector<16xi32>
    %and3A_12 = arith.andi %get3A_9, %and3A_11 : vector<16xi32>
    %slice3A = vector.extract_strided_slice %and3A_6 {offsets = [0], sizes = [1], strides = [1]} : vector<16xi32> to vector<1xi32>
    %squeeze3A = vector.extract %slice3A[0] : i32 from vector<1xi32>
    %multiple_of3A = tpu.assume_multiple %squeeze3A, 8 : i32
    %slice3A_13 = vector.extract_strided_slice %and3A_12 {offsets = [0], sizes = [1], strides = [1]} : vector<16xi32> to vector<1xi32>
    %squeeze3A_14 = vector.extract %slice3A_13[0] : i32 from vector<1xi32>
    %multiple_of3A_15 = tpu.assume_multiple %squeeze3A_14, 8 : i32
    %dma_start3A = arith.constant 0 : i32
    %dma_start3A_16 = arith.constant 0 : i32
    %dma_start3A_17 = tpu.memref_slice %arg9[%dma_start3A, %dma_start3A_16] : memref<128x64xf32, #tpu.memory_space<vmem>> -> memref<8x64xf32, #tpu.memory_space<vmem>>
    %dma_start3A_18 = arith.constant 0 : i32
    %dma_start3A_19 = tpu.memref_slice %arg4[%multiple_of3A, %dma_start3A_18] : memref<1000000x64xf32, #tpu.memory_space<hbm>> -> memref<8x64xf32, #tpu.memory_space<hbm>>
    %dma_start3A_20 = arith.constant 0 : i32
    %dma_start3A_21 = arith.constant 0 : i32
    %dma_start3A_22 = tpu.memref_slice %arg9[%dma_start3A_20, %dma_start3A_21] : memref<128x64xf32, #tpu.memory_space<vmem>> -> memref<8x64xf32, #tpu.memory_space<vmem>>
    %dma_start3A_23 = arith.constant 0 : i32
    %dma_start3A_24 = tpu.memref_slice %arg4[%multiple_of3A, %dma_start3A_23] : memref<1000000x64xf32, #tpu.memory_space<hbm>> -> memref<8x64xf32, #tpu.memory_space<hbm>>
    tpu.enqueue_dma source(%dma_start3A_24 : memref<8x64xf32, #tpu.memory_space<hbm>>) target(%dma_start3A_22 : memref<8x64xf32, #tpu.memory_space<vmem>>) target_semaphore(%arg14 : memref<!tpu.dma_semaphore, #tpu.memory_space<semaphore_mem>>)
    %dma_start3A_25 = arith.constant 0 : i32
    %dma_start3A_26 = arith.constant 0 : i32
    %dma_start3A_27 = tpu.memref_slice %arg11[%dma_start3A_25, %dma_start3A_26] : memref<128x64xf32, #tpu.memory_space<vmem>> -> memref<8x64xf32, #tpu.memory_space<vmem>>
    %dma_start3A_28 = arith.constant 0 : i32
    %dma_start3A_29 = tpu.memref_slice %arg5[%multiple_of3A_15, %dma_start3A_28] : memref<1000000x64xf32, #tpu.memory_space<hbm>> -> memref<8x64xf32, #tpu.memory_space<hbm>>
    %dma_start3A_30 = arith.constant 0 : i32
    %dma_start3A_31 = arith.constant 0 : i32
    %dma_start3A_32 = tpu.memref_slice %arg11[%dma_start3A_30, %dma_start3A_31] : memref<128x64xf32, #tpu.memory_space<vmem>> -> memref<8x64xf32, #tpu.memory_space<vmem>>
    %dma_start3A_33 = arith.constant 0 : i32
    %dma_start3A_34 = tpu.memref_slice %arg5[%multiple_of3A_15, %dma_start3A_33] : memref<1000000x64xf32, #tpu.memory_space<hbm>> -> memref<8x64xf32, #tpu.memory_space<hbm>>
    tpu.enqueue_dma source(%dma_start3A_34 : memref<8x64xf32, #tpu.memory_space<hbm>>) target(%dma_start3A_32 : memref<8x64xf32, #tpu.memory_space<vmem>>) target_semaphore(%arg14 : memref<!tpu.dma_semaphore, #tpu.memory_space<semaphore_mem>>)
    %slice3A_35 = vector.extract_strided_slice %and3A_6 {offsets = [1], sizes = [1], strides = [1]} : vector<16xi32> to vector<1xi32>
    %squeeze3A_36 = vector.extract %slice3A_35[0] : i32 from vector<1xi32>
    %multiple_of3A_37 = tpu.assume_multiple %squeeze3A_36, 8 : i32
    %slice3A_38 = vector.extract_strided_slice %and3A_12 {offsets = [1], sizes = [1], strides = [1]} : vector<16xi32> to vector<1xi32>
    %squeeze3A_39 = vector.extract %slice3A_38[0] : i32 from vector<1xi32>
    %multiple_of3A_40 = tpu.assume_multiple %squeeze3A_39, 8 : i32
    %dma_start3A_41 = arith.constant 8 : i32
    %dma_start3A_42 = arith.constant 0 : i32
    %dma_start3A_43 = tpu.memref_slice %arg9[%dma_start3A_41, %dma_start3A_42] : memref<128x64xf32, #tpu.memory_space<vmem>> -> memref<8x64xf32, #tpu.memory_space<vmem>>
    %dma_start3A_44 = arith.constant 0 : i32
    %dma_start3A_45 = tpu.memref_slice %arg4[%multiple_of3A_37, %dma_start3A_44] : memref<1000000x64xf32, #tpu.memory_space<hbm>> -> memref<8x64xf32, #tpu.memory_space<hbm>>
    %dma_start3A_46 = arith.constant 8 : i32
    %dma_start3A_47 = arith.constant 0 : i32
    %dma_start3A_48 = tpu.memref_slice %arg9[%dma_start3A_46, %dma_start3A_47] : memref<128x64xf32, #tpu.memory_space<vmem>> -> memref<8x64xf32, #tpu.memory_space<vmem>>
    %dma_start3A_49 = arith.constant 0 : i32
    %dma_start3A_50 = tpu.memref_slice %arg4[%multiple_of3A_37, %dma_start3A_49] : memref<1000000x64xf32, #tpu.memory_space<hbm>> -> memref<8x64xf32, #tpu.memory_space<hbm>>
    tpu.enqueue_dma source(%dma_start3A_50 : memref<8x64xf32, #tpu.memory_space<hbm>>) target(%dma_start3A_48 : memref<8x64xf32, #tpu.memory_space<vmem>>) target_semaphore(%arg14 : memref<!tpu.dma_semaphore, #tpu.memory_space<semaphore_mem>>)
    %dma_start3A_51 = arith.constant 8 : i32
    %dma_start3A_52 = arith.constant 0 : i32
    %dma_start3A_53 = tpu.memref_slice %arg11[%dma_start3A_51, %dma_start3A_52] : memref<128x64xf32, #tpu.memory_space<vmem>> -> memref<8x64xf32, #tpu.memory_space<vmem>>
    %dma_start3A_54 = arith.constant 0 : i32
    %dma_start3A_55 = tpu.memref_slice %arg5[%multiple_of3A_40, %dma_start3A_54] : memref<1000000x64xf32, #tpu.memory_space<hbm>> -> memref<8x64xf32, #tpu.memory_space<hbm>>
    %dma_start3A_56 = arith.constant 8 : i32
    %dma_start3A_57 = arith.constant 0 : i32
    %dma_start3A_58 = tpu.memref_slice %arg11[%dma_start3A_56, %dma_start3A_57] : memref<128x64xf32, #tpu.memory_space<vmem>> -> memref<8x64xf32, #tpu.memory_space<vmem>>
    %dma_start3A_59 = arith.constant 0 : i32
    %dma_start3A_60 = tpu.memref_slice %arg5[%multiple_of3A_40, %dma_start3A_59] : memref<1000000x64xf32, #tpu.memory_space<hbm>> -> memref<8x64xf32, #tpu.memory_space<hbm>>
    tpu.enqueue_dma source(%dma_start3A_60 : memref<8x64xf32, #tpu.memory_space<hbm>>) target(%dma_start3A_58 : memref<8x64xf32, #tpu.memory_space<vmem>>) target_semaphore(%arg14 : memref<!tpu.dma_semaphore, #tpu.memory_space<semaphore_mem>>)
    %slice3A_61 = vector.extract_strided_slice %and3A_6 {offsets = [2], sizes = [1], strides = [1]} : vector<16xi32> to vector<1xi32>
    %squeeze3A_62 = vector.extract %slice3A_61[0] : i32 from vector<1xi32>
    %multiple_of3A_63 = tpu.assume_multiple %squeeze3A_62, 8 : i32
    %slice3A_64 = vector.extract_strided_slice %and3A_12 {offsets = [2], sizes = [1], strides = [1]} : vector<16xi32> to vector<1xi32>
    %squeeze3A_65 = vector.extract %slice3A_64[0] : i32 from vector<1xi32>
    %multiple_of3A_66 = tpu.assume_multiple %squeeze3A_65, 8 : i32
    %dma_start3A_67 = arith.constant 16 : i32
    %dma_start3A_68 = arith.constant 0 : i32
    %dma_start3A_69 = tpu.memref_slice %arg9[%dma_start3A_67, %dma_start3A_68] : memref<128x64xf32, #tpu.memory_space<vmem>> -> memref<8x64xf32, #tpu.memory_space<vmem>>
    %dma_start3A_70 = arith.constant 0 : i32
    %dma_start3A_71 = tpu.memref_slice %arg4[%multiple_of3A_63, %dma_start3A_70] : memref<1000000x64xf32, #tpu.memory_space<hbm>> -> memref<8x64xf32, #tpu.memory_space<hbm>>
    %dma_start3A_72 = arith.constant 16 : i32
    %dma_start3A_73 = arith.constant 0 : i32
    %dma_start3A_74 = tpu.memref_slice %arg9[%dma_start3A_72, %dma_start3A_73] : memref<128x64xf32, #tpu.memory_space<vmem>> -> memref<8x64xf32, #tpu.memory_space<vmem>>
    %dma_start3A_75 = arith.constant 0 : i32
    %dma_start3A_76 = tpu.memref_slice %arg4[%multiple_of3A_63, %dma_start3A_75] : memref<1000000x64xf32, #tpu.memory_space<hbm>> -> memref<8x64xf32, #tpu.memory_space<hbm>>
    tpu.enqueue_dma source(%dma_start3A_76 : memref<8x64xf32, #tpu.memory_space<hbm>>) target(%dma_start3A_74 : memref<8x64xf32, #tpu.memory_space<vmem>>) target_semaphore(%arg14 : memref<!tpu.dma_semaphore, #tpu.memory_space<semaphore_mem>>)
    %dma_start3A_77 = arith.constant 16 : i32
    %dma_start3A_78 = arith.constant 0 : i32
    %dma_start3A_79 = tpu.memref_slice %arg11[%dma_start3A_77, %dma_start3A_78] : memref<128x64xf32, #tpu.memory_space<vmem>> -> memref<8x64xf32, #tpu.memory_space<vmem>>
    %dma_start3A_80 = arith.constant 0 : i32
    %dma_start3A_81 = tpu.memref_slice %arg5[%multiple_of3A_66, %dma_start3A_80] : memref<1000000x64xf32, #tpu.memory_space<hbm>> -> memref<8x64xf32, #tpu.memory_space<hbm>>
    %dma_start3A_82 = arith.constant 16 : i32
    %dma_start3A_83 = arith.constant 0 : i32
    %dma_start3A_84 = tpu.memref_slice %arg11[%dma_start3A_82, %dma_start3A_83] : memref<128x64xf32, #tpu.memory_space<vmem>> -> memref<8x64xf32, #tpu.memory_space<vmem>>
    %dma_start3A_85 = arith.constant 0 : i32
    %dma_start3A_86 = tpu.memref_slice %arg5[%multiple_of3A_66, %dma_start3A_85] : memref<1000000x64xf32, #tpu.memory_space<hbm>> -> memref<8x64xf32, #tpu.memory_space<hbm>>
    tpu.enqueue_dma source(%dma_start3A_86 : memref<8x64xf32, #tpu.memory_space<hbm>>) target(%dma_start3A_84 : memref<8x64xf32, #tpu.memory_space<vmem>>) target_semaphore(%arg14 : memref<!tpu.dma_semaphore, #tpu.memory_space<semaphore_mem>>)
    %slice3A_87 = vector.extract_strided_slice %and3A_6 {offsets = [3], sizes = [1], strides = [1]} : vector<16xi32> to vector<1xi32>
    %squeeze3A_88 = vector.extract %slice3A_87[0] : i32 from vector<1xi32>
    %multiple_of3A_89 = tpu.assume_multiple %squeeze3A_88, 8 : i32
    %slice3A_90 = vector.extract_strided_slice %and3A_12 {offsets = [3], sizes = [1], strides = [1]} : vector<16xi32> to vector<1xi32>
    %squeeze3A_91 = vector.extract %slice3A_90[0] : i32 from vector<1xi32>
    %multiple_of3A_92 = tpu.assume_multiple %squeeze3A_91, 8 : i32
    %dma_start3A_93 = arith.constant 24 : i32
    %dma_start3A_94 = arith.constant 0 : i32
    %dma_start3A_95 = tpu.memref_slice %arg9[%dma_start3A_93, %dma_start3A_94] : memref<128x64xf32, #tpu.memory_space<vmem>> -> memref<8x64xf32, #tpu.memory_space<vmem>>
    %dma_start3A_96 = arith.constant 0 : i32
    %dma_start3A_97 = tpu.memref_slice %arg4[%multiple_of3A_89, %dma_start3A_96] : memref<1000000x64xf32, #tpu.memory_space<hbm>> -> memref<8x64xf32, #tpu.memory_space<hbm>>
    %dma_start3A_98 = arith.constant 24 : i32
    %dma_start3A_99 = arith.constant 0 : i32
    %dma_start3A_100 = tpu.memref_slice %arg9[%dma_start3A_98, %dma_start3A_99] : memref<128x64xf32, #tpu.memory_space<vmem>> -> memref<8x64xf32, #tpu.memory_space<vmem>>
    %dma_start3A_101 = arith.constant 0 : i32
    %dma_start3A_102 = tpu.memref_slice %arg4[%multiple_of3A_89, %dma_start3A_101] : memref<1000000x64xf32, #tpu.memory_space<hbm>> -> memref<8x64xf32, #tpu.memory_space<hbm>>
    tpu.enqueue_dma source(%dma_start3A_102 : memref<8x64xf32, #tpu.memory_space<hbm>>) target(%dma_start3A_100 : memref<8x64xf32, #tpu.memory_space<vmem>>) target_semaphore(%arg14 : memref<!tpu.dma_semaphore, #tpu.memory_space<semaphore_mem>>)
    %dma_start3A_103 = arith.constant 24 : i32
    %dma_start3A_104 = arith.constant 0 : i32
    %dma_start3A_105 = tpu.memref_slice %arg11[%dma_start3A_103, %dma_start3A_104] : memref<128x64xf32, #tpu.memory_space<vmem>> -> memref<8x64xf32, #tpu.memory_space<vmem>>
    %dma_start3A_106 = arith.constant 0 : i32
    %dma_start3A_107 = tpu.memref_slice %arg5[%multiple_of3A_92, %dma_start3A_106] : memref<1000000x64xf32, #tpu.memory_space<hbm>> -> memref<8x64xf32, #tpu.memory_space<hbm>>
    %dma_start3A_108 = arith.constant 24 : i32
    %dma_start3A_109 = arith.constant 0 : i32
    %dma_start3A_110 = tpu.memref_slice %arg11[%dma_start3A_108, %dma_start3A_109] : memref<128x64xf32, #tpu.memory_space<vmem>> -> memref<8x64xf32, #tpu.memory_space<vmem>>
    %dma_start3A_111 = arith.constant 0 : i32
    %dma_start3A_112 = tpu.memref_slice %arg5[%multiple_of3A_92, %dma_start3A_111] : memref<1000000x64xf32, #tpu.memory_space<hbm>> -> memref<8x64xf32, #tpu.memory_space<hbm>>
    tpu.enqueue_dma source(%dma_start3A_112 : memref<8x64xf32, #tpu.memory_space<hbm>>) target(%dma_start3A_110 : memref<8x64xf32, #tpu.memory_space<vmem>>) target_semaphore(%arg14 : memref<!tpu.dma_semaphore, #tpu.memory_space<semaphore_mem>>)
    %slice3A_113 = vector.extract_strided_slice %and3A_6 {offsets = [4], sizes = [1], strides = [1]} : vector<16xi32> to vector<1xi32>
    %squeeze3A_114 = vector.extract %slice3A_113[0] : i32 from vector<1xi32>
    %multiple_of3A_115 = tpu.assume_multiple %squeeze3A_114, 8 : i32
    %slice3A_116 = vector.extract_strided_slice %and3A_12 {offsets = [4], sizes = [1], strides = [1]} : vector<16xi32> to vector<1xi32>
    %squeeze3A_117 = vector.extract %slice3A_116[0] : i32 from vector<1xi32>
    %multiple_of3A_118 = tpu.assume_multiple %squeeze3A_117, 8 : i32
    %dma_start3A_119 = arith.constant 32 : i32
    %dma_start3A_120 = arith.constant 0 : i32
    %dma_start3A_121 = tpu.memref_slice %arg9[%dma_start3A_119, %dma_start3A_120] : memref<128x64xf32, #tpu.memory_space<vmem>> -> memref<8x64xf32, #tpu.memory_space<vmem>>
    %dma_start3A_122 = arith.constant 0 : i32
    %dma_start3A_123 = tpu.memref_slice %arg4[%multiple_of3A_115, %dma_start3A_122] : memref<1000000x64xf32, #tpu.memory_space<hbm>> -> memref<8x64xf32, #tpu.memory_space<hbm>>
    %dma_start3A_124 = arith.constant 32 : i32
    %dma_start3A_125 = arith.constant 0 : i32
    %dma_start3A_126 = tpu.memref_slice %arg9[%dma_start3A_124, %dma_start3A_125] : memref<128x64xf32, #tpu.memory_space<vmem>> -> memref<8x64xf32, #tpu.memory_space<vmem>>
    %dma_start3A_127 = arith.constant 0 : i32
    %dma_start3A_128 = tpu.memref_slice %arg4[%multiple_of3A_115, %dma_start3A_127] : memref<1000000x64xf32, #tpu.memory_space<hbm>> -> memref<8x64xf32, #tpu.memory_space<hbm>>
    tpu.enqueue_dma source(%dma_start3A_128 : memref<8x64xf32, #tpu.memory_space<hbm>>) target(%dma_start3A_126 : memref<8x64xf32, #tpu.memory_space<vmem>>) target_semaphore(%arg14 : memref<!tpu.dma_semaphore, #tpu.memory_space<semaphore_mem>>)
    %dma_start3A_129 = arith.constant 32 : i32
    %dma_start3A_130 = arith.constant 0 : i32
    %dma_start3A_131 = tpu.memref_slice %arg11[%dma_start3A_129, %dma_start3A_130] : memref<128x64xf32, #tpu.memory_space<vmem>> -> memref<8x64xf32, #tpu.memory_space<vmem>>
    %dma_start3A_132 = arith.constant 0 : i32
    %dma_start3A_133 = tpu.memref_slice %arg5[%multiple_of3A_118, %dma_start3A_132] : memref<1000000x64xf32, #tpu.memory_space<hbm>> -> memref<8x64xf32, #tpu.memory_space<hbm>>
    %dma_start3A_134 = arith.constant 32 : i32
    %dma_start3A_135 = arith.constant 0 : i32
    %dma_start3A_136 = tpu.memref_slice %arg11[%dma_start3A_134, %dma_start3A_135] : memref<128x64xf32, #tpu.memory_space<vmem>> -> memref<8x64xf32, #tpu.memory_space<vmem>>
    %dma_start3A_137 = arith.constant 0 : i32
    %dma_start3A_138 = tpu.memref_slice %arg5[%multiple_of3A_118, %dma_start3A_137] : memref<1000000x64xf32, #tpu.memory_space<hbm>> -> memref<8x64xf32, #tpu.memory_space<hbm>>
    tpu.enqueue_dma source(%dma_start3A_138 : memref<8x64xf32, #tpu.memory_space<hbm>>) target(%dma_start3A_136 : memref<8x64xf32, #tpu.memory_space<vmem>>) target_semaphore(%arg14 : memref<!tpu.dma_semaphore, #tpu.memory_space<semaphore_mem>>)
    %slice3A_139 = vector.extract_strided_slice %and3A_6 {offsets = [5], sizes = [1], strides = [1]} : vector<16xi32> to vector<1xi32>
    %squeeze3A_140 = vector.extract %slice3A_139[0] : i32 from vector<1xi32>
    %multiple_of3A_141 = tpu.assume_multiple %squeeze3A_140, 8 : i32
    %slice3A_142 = vector.extract_strided_slice %and3A_12 {offsets = [5], sizes = [1], strides = [1]} : vector<16xi32> to vector<1xi32>
    %squeeze3A_143 = vector.extract %slice3A_142[0] : i32 from vector<1xi32>
    %multiple_of3A_144 = tpu.assume_multiple %squeeze3A_143, 8 : i32
    %dma_start3A_145 = arith.constant 40 : i32
    %dma_start3A_146 = arith.constant 0 : i32
    %dma_start3A_147 = tpu.memref_slice %arg9[%dma_start3A_145, %dma_start3A_146] : memref<128x64xf32, #tpu.memory_space<vmem>> -> memref<8x64xf32, #tpu.memory_space<vmem>>
    %dma_start3A_148 = arith.constant 0 : i32
    %dma_start3A_149 = tpu.memref_slice %arg4[%multiple_of3A_141, %dma_start3A_148] : memref<1000000x64xf32, #tpu.memory_space<hbm>> -> memref<8x64xf32, #tpu.memory_space<hbm>>
    %dma_start3A_150 = arith.constant 40 : i32
    %dma_start3A_151 = arith.constant 0 : i32
    %dma_start3A_152 = tpu.memref_slice %arg9[%dma_start3A_150, %dma_start3A_151] : memref<128x64xf32, #tpu.memory_space<vmem>> -> memref<8x64xf32, #tpu.memory_space<vmem>>
    %dma_start3A_153 = arith.constant 0 : i32
    %dma_start3A_154 = tpu.memref_slice %arg4[%multiple_of3A_141, %dma_start3A_153] : memref<1000000x64xf32, #tpu.memory_space<hbm>> -> memref<8x64xf32, #tpu.memory_space<hbm>>
    tpu.enqueue_dma source(%dma_start3A_154 : memref<8x64xf32, #tpu.memory_space<hbm>>) target(%dma_start3A_152 : memref<8x64xf32, #tpu.memory_space<vmem>>) target_semaphore(%arg14 : memref<!tpu.dma_semaphore, #tpu.memory_space<semaphore_mem>>)
    %dma_start3A_155 = arith.constant 40 : i32
    %dma_start3A_156 = arith.constant 0 : i32
    %dma_start3A_157 = tpu.memref_slice %arg11[%dma_start3A_155, %dma_start3A_156] : memref<128x64xf32, #tpu.memory_space<vmem>> -> memref<8x64xf32, #tpu.memory_space<vmem>>
    %dma_start3A_158 = arith.constant 0 : i32
    %dma_start3A_159 = tpu.memref_slice %arg5[%multiple_of3A_144, %dma_start3A_158] : memref<1000000x64xf32, #tpu.memory_space<hbm>> -> memref<8x64xf32, #tpu.memory_space<hbm>>
    %dma_start3A_160 = arith.constant 40 : i32
    %dma_start3A_161 = arith.constant 0 : i32
    %dma_start3A_162 = tpu.memref_slice %arg11[%dma_start3A_160, %dma_start3A_161] : memref<128x64xf32, #tpu.memory_space<vmem>> -> memref<8x64xf32, #tpu.memory_space<vmem>>
    %dma_start3A_163 = arith.constant 0 : i32
    %dma_start3A_164 = tpu.memref_slice %arg5[%multiple_of3A_144, %dma_start3A_163] : memref<1000000x64xf32, #tpu.memory_space<hbm>> -> memref<8x64xf32, #tpu.memory_space<hbm>>
    tpu.enqueue_dma source(%dma_start3A_164 : memref<8x64xf32, #tpu.memory_space<hbm>>) target(%dma_start3A_162 : memref<8x64xf32, #tpu.memory_space<vmem>>) target_semaphore(%arg14 : memref<!tpu.dma_semaphore, #tpu.memory_space<semaphore_mem>>)
    %slice3A_165 = vector.extract_strided_slice %and3A_6 {offsets = [6], sizes = [1], strides = [1]} : vector<16xi32> to vector<1xi32>
    %squeeze3A_166 = vector.extract %slice3A_165[0] : i32 from vector<1xi32>
    %multiple_of3A_167 = tpu.assume_multiple %squeeze3A_166, 8 : i32
    %slice3A_168 = vector.extract_strided_slice %and3A_12 {offsets = [6], sizes = [1], strides = [1]} : vector<16xi32> to vector<1xi32>
    %squeeze3A_169 = vector.extract %slice3A_168[0] : i32 from vector<1xi32>
    %multiple_of3A_170 = tpu.assume_multiple %squeeze3A_169, 8 : i32
    %dma_start3A_171 = arith.constant 48 : i32
    %dma_start3A_172 = arith.constant 0 : i32
    %dma_start3A_173 = tpu.memref_slice %arg9[%dma_start3A_171, %dma_start3A_172] : memref<128x64xf32, #tpu.memory_space<vmem>> -> memref<8x64xf32, #tpu.memory_space<vmem>>
    %dma_start3A_174 = arith.constant 0 : i32
    %dma_start3A_175 = tpu.memref_slice %arg4[%multiple_of3A_167, %dma_start3A_174] : memref<1000000x64xf32, #tpu.memory_space<hbm>> -> memref<8x64xf32, #tpu.memory_space<hbm>>
    %dma_start3A_176 = arith.constant 48 : i32
    %dma_start3A_177 = arith.constant 0 : i32
    %dma_start3A_178 = tpu.memref_slice %arg9[%dma_start3A_176, %dma_start3A_177] : memref<128x64xf32, #tpu.memory_space<vmem>> -> memref<8x64xf32, #tpu.memory_space<vmem>>
    %dma_start3A_179 = arith.constant 0 : i32
    %dma_start3A_180 = tpu.memref_slice %arg4[%multiple_of3A_167, %dma_start3A_179] : memref<1000000x64xf32, #tpu.memory_space<hbm>> -> memref<8x64xf32, #tpu.memory_space<hbm>>
    tpu.enqueue_dma source(%dma_start3A_180 : memref<8x64xf32, #tpu.memory_space<hbm>>) target(%dma_start3A_178 : memref<8x64xf32, #tpu.memory_space<vmem>>) target_semaphore(%arg14 : memref<!tpu.dma_semaphore, #tpu.memory_space<semaphore_mem>>)
    %dma_start3A_181 = arith.constant 48 : i32
    %dma_start3A_182 = arith.constant 0 : i32
    %dma_start3A_183 = tpu.memref_slice %arg11[%dma_start3A_181, %dma_start3A_182] : memref<128x64xf32, #tpu.memory_space<vmem>> -> memref<8x64xf32, #tpu.memory_space<vmem>>
    %dma_start3A_184 = arith.constant 0 : i32
    %dma_start3A_185 = tpu.memref_slice %arg5[%multiple_of3A_170, %dma_start3A_184] : memref<1000000x64xf32, #tpu.memory_space<hbm>> -> memref<8x64xf32, #tpu.memory_space<hbm>>
    %dma_start3A_186 = arith.constant 48 : i32
    %dma_start3A_187 = arith.constant 0 : i32
    %dma_start3A_188 = tpu.memref_slice %arg11[%dma_start3A_186, %dma_start3A_187] : memref<128x64xf32, #tpu.memory_space<vmem>> -> memref<8x64xf32, #tpu.memory_space<vmem>>
    %dma_start3A_189 = arith.constant 0 : i32
    %dma_start3A_190 = tpu.memref_slice %arg5[%multiple_of3A_170, %dma_start3A_189] : memref<1000000x64xf32, #tpu.memory_space<hbm>> -> memref<8x64xf32, #tpu.memory_space<hbm>>
    tpu.enqueue_dma source(%dma_start3A_190 : memref<8x64xf32, #tpu.memory_space<hbm>>) target(%dma_start3A_188 : memref<8x64xf32, #tpu.memory_space<vmem>>) target_semaphore(%arg14 : memref<!tpu.dma_semaphore, #tpu.memory_space<semaphore_mem>>)
    %slice3A_191 = vector.extract_strided_slice %and3A_6 {offsets = [7], sizes = [1], strides = [1]} : vector<16xi32> to vector<1xi32>
    %squeeze3A_192 = vector.extract %slice3A_191[0] : i32 from vector<1xi32>
    %multiple_of3A_193 = tpu.assume_multiple %squeeze3A_192, 8 : i32
    %slice3A_194 = vector.extract_strided_slice %and3A_12 {offsets = [7], sizes = [1], strides = [1]} : vector<16xi32> to vector<1xi32>
    %squeeze3A_195 = vector.extract %slice3A_194[0] : i32 from vector<1xi32>
    %multiple_of3A_196 = tpu.assume_multiple %squeeze3A_195, 8 : i32
    %dma_start3A_197 = arith.constant 56 : i32
    %dma_start3A_198 = arith.constant 0 : i32
    %dma_start3A_199 = tpu.memref_slice %arg9[%dma_start3A_197, %dma_start3A_198] : memref<128x64xf32, #tpu.memory_space<vmem>> -> memref<8x64xf32, #tpu.memory_space<vmem>>
    %dma_start3A_200 = arith.constant 0 : i32
    %dma_start3A_201 = tpu.memref_slice %arg4[%multiple_of3A_193, %dma_start3A_200] : memref<1000000x64xf32, #tpu.memory_space<hbm>> -> memref<8x64xf32, #tpu.memory_space<hbm>>
    %dma_start3A_202 = arith.constant 56 : i32
    %dma_start3A_203 = arith.constant 0 : i32
    %dma_start3A_204 = tpu.memref_slice %arg9[%dma_start3A_202, %dma_start3A_203] : memref<128x64xf32, #tpu.memory_space<vmem>> -> memref<8x64xf32, #tpu.memory_space<vmem>>
    %dma_start3A_205 = arith.constant 0 : i32
    %dma_start3A_206 = tpu.memref_slice %arg4[%multiple_of3A_193, %dma_start3A_205] : memref<1000000x64xf32, #tpu.memory_space<hbm>> -> memref<8x64xf32, #tpu.memory_space<hbm>>
    tpu.enqueue_dma source(%dma_start3A_206 : memref<8x64xf32, #tpu.memory_space<hbm>>) target(%dma_start3A_204 : memref<8x64xf32, #tpu.memory_space<vmem>>) target_semaphore(%arg14 : memref<!tpu.dma_semaphore, #tpu.memory_space<semaphore_mem>>)
    %dma_start3A_207 = arith.constant 56 : i32
    %dma_start3A_208 = arith.constant 0 : i32
    %dma_start3A_209 = tpu.memref_slice %arg11[%dma_start3A_207, %dma_start3A_208] : memref<128x64xf32, #tpu.memory_space<vmem>> -> memref<8x64xf32, #tpu.memory_space<vmem>>
    %dma_start3A_210 = arith.constant 0 : i32
    %dma_start3A_211 = tpu.memref_slice %arg5[%multiple_of3A_196, %dma_start3A_210] : memref<1000000x64xf32, #tpu.memory_space<hbm>> -> memref<8x64xf32, #tpu.memory_space<hbm>>
    %dma_start3A_212 = arith.constant 56 : i32
    %dma_start3A_213 = arith.constant 0 : i32
    %dma_start3A_214 = tpu.memref_slice %arg11[%dma_start3A_212, %dma_start3A_213] : memref<128x64xf32, #tpu.memory_space<vmem>> -> memref<8x64xf32, #tpu.memory_space<vmem>>
    %dma_start3A_215 = arith.constant 0 : i32
    %dma_start3A_216 = tpu.memref_slice %arg5[%multiple_of3A_196, %dma_start3A_215] : memref<1000000x64xf32, #tpu.memory_space<hbm>> -> memref<8x64xf32, #tpu.memory_space<hbm>>
    tpu.enqueue_dma source(%dma_start3A_216 : memref<8x64xf32, #tpu.memory_space<hbm>>) target(%dma_start3A_214 : memref<8x64xf32, #tpu.memory_space<vmem>>) target_semaphore(%arg14 : memref<!tpu.dma_semaphore, #tpu.memory_space<semaphore_mem>>)
    %slice3A_217 = vector.extract_strided_slice %and3A_6 {offsets = [8], sizes = [1], strides = [1]} : vector<16xi32> to vector<1xi32>
    %squeeze3A_218 = vector.extract %slice3A_217[0] : i32 from vector<1xi32>
    %multiple_of3A_219 = tpu.assume_multiple %squeeze3A_218, 8 : i32
    %slice3A_220 = vector.extract_strided_slice %and3A_12 {offsets = [8], sizes = [1], strides = [1]} : vector<16xi32> to vector<1xi32>
    %squeeze3A_221 = vector.extract %slice3A_220[0] : i32 from vector<1xi32>
    %multiple_of3A_222 = tpu.assume_multiple %squeeze3A_221, 8 : i32
    %dma_start3A_223 = arith.constant 64 : i32
    %dma_start3A_224 = arith.constant 0 : i32
    %dma_start3A_225 = tpu.memref_slice %arg9[%dma_start3A_223, %dma_start3A_224] : memref<128x64xf32, #tpu.memory_space<vmem>> -> memref<8x64xf32, #tpu.memory_space<vmem>>
    %dma_start3A_226 = arith.constant 0 : i32
    %dma_start3A_227 = tpu.memref_slice %arg4[%multiple_of3A_219, %dma_start3A_226] : memref<1000000x64xf32, #tpu.memory_space<hbm>> -> memref<8x64xf32, #tpu.memory_space<hbm>>
    %dma_start3A_228 = arith.constant 64 : i32
    %dma_start3A_229 = arith.constant 0 : i32
    %dma_start3A_230 = tpu.memref_slice %arg9[%dma_start3A_228, %dma_start3A_229] : memref<128x64xf32, #tpu.memory_space<vmem>> -> memref<8x64xf32, #tpu.memory_space<vmem>>
    %dma_start3A_231 = arith.constant 0 : i32
    %dma_start3A_232 = tpu.memref_slice %arg4[%multiple_of3A_219, %dma_start3A_231] : memref<1000000x64xf32, #tpu.memory_space<hbm>> -> memref<8x64xf32, #tpu.memory_space<hbm>>
    tpu.enqueue_dma source(%dma_start3A_232 : memref<8x64xf32, #tpu.memory_space<hbm>>) target(%dma_start3A_230 : memref<8x64xf32, #tpu.memory_space<vmem>>) target_semaphore(%arg14 : memref<!tpu.dma_semaphore, #tpu.memory_space<semaphore_mem>>)
    %dma_start3A_233 = arith.constant 64 : i32
    %dma_start3A_234 = arith.constant 0 : i32
    %dma_start3A_235 = tpu.memref_slice %arg11[%dma_start3A_233, %dma_start3A_234] : memref<128x64xf32, #tpu.memory_space<vmem>> -> memref<8x64xf32, #tpu.memory_space<vmem>>
    %dma_start3A_236 = arith.constant 0 : i32
    %dma_start3A_237 = tpu.memref_slice %arg5[%multiple_of3A_222, %dma_start3A_236] : memref<1000000x64xf32, #tpu.memory_space<hbm>> -> memref<8x64xf32, #tpu.memory_space<hbm>>
    %dma_start3A_238 = arith.constant 64 : i32
    %dma_start3A_239 = arith.constant 0 : i32
    %dma_start3A_240 = tpu.memref_slice %arg11[%dma_start3A_238, %dma_start3A_239] : memref<128x64xf32, #tpu.memory_space<vmem>> -> memref<8x64xf32, #tpu.memory_space<vmem>>
    %dma_start3A_241 = arith.constant 0 : i32
    %dma_start3A_242 = tpu.memref_slice %arg5[%multiple_of3A_222, %dma_start3A_241] : memref<1000000x64xf32, #tpu.memory_space<hbm>> -> memref<8x64xf32, #tpu.memory_space<hbm>>
    tpu.enqueue_dma source(%dma_start3A_242 : memref<8x64xf32, #tpu.memory_space<hbm>>) target(%dma_start3A_240 : memref<8x64xf32, #tpu.memory_space<vmem>>) target_semaphore(%arg14 : memref<!tpu.dma_semaphore, #tpu.memory_space<semaphore_mem>>)
    %slice3A_243 = vector.extract_strided_slice %and3A_6 {offsets = [9], sizes = [1], strides = [1]} : vector<16xi32> to vector<1xi32>
    %squeeze3A_244 = vector.extract %slice3A_243[0] : i32 from vector<1xi32>
    %multiple_of3A_245 = tpu.assume_multiple %squeeze3A_244, 8 : i32
    %slice3A_246 = vector.extract_strided_slice %and3A_12 {offsets = [9], sizes = [1], strides = [1]} : vector<16xi32> to vector<1xi32>
    %squeeze3A_247 = vector.extract %slice3A_246[0] : i32 from vector<1xi32>
    %multiple_of3A_248 = tpu.assume_multiple %squeeze3A_247, 8 : i32
    %dma_start3A_249 = arith.constant 72 : i32
    %dma_start3A_250 = arith.constant 0 : i32
    %dma_start3A_251 = tpu.memref_slice %arg9[%dma_start3A_249, %dma_start3A_250] : memref<128x64xf32, #tpu.memory_space<vmem>> -> memref<8x64xf32, #tpu.memory_space<vmem>>
    %dma_start3A_252 = arith.constant 0 : i32
    %dma_start3A_253 = tpu.memref_slice %arg4[%multiple_of3A_245, %dma_start3A_252] : memref<1000000x64xf32, #tpu.memory_space<hbm>> -> memref<8x64xf32, #tpu.memory_space<hbm>>
    %dma_start3A_254 = arith.constant 72 : i32
    %dma_start3A_255 = arith.constant 0 : i32
    %dma_start3A_256 = tpu.memref_slice %arg9[%dma_start3A_254, %dma_start3A_255] : memref<128x64xf32, #tpu.memory_space<vmem>> -> memref<8x64xf32, #tpu.memory_space<vmem>>
    %dma_start3A_257 = arith.constant 0 : i32
    %dma_start3A_258 = tpu.memref_slice %arg4[%multiple_of3A_245, %dma_start3A_257] : memref<1000000x64xf32, #tpu.memory_space<hbm>> -> memref<8x64xf32, #tpu.memory_space<hbm>>
    tpu.enqueue_dma source(%dma_start3A_258 : memref<8x64xf32, #tpu.memory_space<hbm>>) target(%dma_start3A_256 : memref<8x64xf32, #tpu.memory_space<vmem>>) target_semaphore(%arg14 : memref<!tpu.dma_semaphore, #tpu.memory_space<semaphore_mem>>)
    %dma_start3A_259 = arith.constant 72 : i32
    %dma_start3A_260 = arith.constant 0 : i32
    %dma_start3A_261 = tpu.memref_slice %arg11[%dma_start3A_259, %dma_start3A_260] : memref<128x64xf32, #tpu.memory_space<vmem>> -> memref<8x64xf32, #tpu.memory_space<vmem>>
    %dma_start3A_262 = arith.constant 0 : i32
    %dma_start3A_263 = tpu.memref_slice %arg5[%multiple_of3A_248, %dma_start3A_262] : memref<1000000x64xf32, #tpu.memory_space<hbm>> -> memref<8x64xf32, #tpu.memory_space<hbm>>
    %dma_start3A_264 = arith.constant 72 : i32
    %dma_start3A_265 = arith.constant 0 : i32
    %dma_start3A_266 = tpu.memref_slice %arg11[%dma_start3A_264, %dma_start3A_265] : memref<128x64xf32, #tpu.memory_space<vmem>> -> memref<8x64xf32, #tpu.memory_space<vmem>>
    %dma_start3A_267 = arith.constant 0 : i32
    %dma_start3A_268 = tpu.memref_slice %arg5[%multiple_of3A_248, %dma_start3A_267] : memref<1000000x64xf32, #tpu.memory_space<hbm>> -> memref<8x64xf32, #tpu.memory_space<hbm>>
    tpu.enqueue_dma source(%dma_start3A_268 : memref<8x64xf32, #tpu.memory_space<hbm>>) target(%dma_start3A_266 : memref<8x64xf32, #tpu.memory_space<vmem>>) target_semaphore(%arg14 : memref<!tpu.dma_semaphore, #tpu.memory_space<semaphore_mem>>)
    %slice3A_269 = vector.extract_strided_slice %and3A_6 {offsets = [10], sizes = [1], strides = [1]} : vector<16xi32> to vector<1xi32>
    %squeeze3A_270 = vector.extract %slice3A_269[0] : i32 from vector<1xi32>
    %multiple_of3A_271 = tpu.assume_multiple %squeeze3A_270, 8 : i32
    %slice3A_272 = vector.extract_strided_slice %and3A_12 {offsets = [10], sizes = [1], strides = [1]} : vector<16xi32> to vector<1xi32>
    %squeeze3A_273 = vector.extract %slice3A_272[0] : i32 from vector<1xi32>
    %multiple_of3A_274 = tpu.assume_multiple %squeeze3A_273, 8 : i32
    %dma_start3A_275 = arith.constant 80 : i32
    %dma_start3A_276 = arith.constant 0 : i32
    %dma_start3A_277 = tpu.memref_slice %arg9[%dma_start3A_275, %dma_start3A_276] : memref<128x64xf32, #tpu.memory_space<vmem>> -> memref<8x64xf32, #tpu.memory_space<vmem>>
    %dma_start3A_278 = arith.constant 0 : i32
    %dma_start3A_279 = tpu.memref_slice %arg4[%multiple_of3A_271, %dma_start3A_278] : memref<1000000x64xf32, #tpu.memory_space<hbm>> -> memref<8x64xf32, #tpu.memory_space<hbm>>
    %dma_start3A_280 = arith.constant 80 : i32
    %dma_start3A_281 = arith.constant 0 : i32
    %dma_start3A_282 = tpu.memref_slice %arg9[%dma_start3A_280, %dma_start3A_281] : memref<128x64xf32, #tpu.memory_space<vmem>> -> memref<8x64xf32, #tpu.memory_space<vmem>>
    %dma_start3A_283 = arith.constant 0 : i32
    %dma_start3A_284 = tpu.memref_slice %arg4[%multiple_of3A_271, %dma_start3A_283] : memref<1000000x64xf32, #tpu.memory_space<hbm>> -> memref<8x64xf32, #tpu.memory_space<hbm>>
    tpu.enqueue_dma source(%dma_start3A_284 : memref<8x64xf32, #tpu.memory_space<hbm>>) target(%dma_start3A_282 : memref<8x64xf32, #tpu.memory_space<vmem>>) target_semaphore(%arg14 : memref<!tpu.dma_semaphore, #tpu.memory_space<semaphore_mem>>)
    %dma_start3A_285 = arith.constant 80 : i32
    %dma_start3A_286 = arith.constant 0 : i32
    %dma_start3A_287 = tpu.memref_slice %arg11[%dma_start3A_285, %dma_start3A_286] : memref<128x64xf32, #tpu.memory_space<vmem>> -> memref<8x64xf32, #tpu.memory_space<vmem>>
    %dma_start3A_288 = arith.constant 0 : i32
    %dma_start3A_289 = tpu.memref_slice %arg5[%multiple_of3A_274, %dma_start3A_288] : memref<1000000x64xf32, #tpu.memory_space<hbm>> -> memref<8x64xf32, #tpu.memory_space<hbm>>
    %dma_start3A_290 = arith.constant 80 : i32
    %dma_start3A_291 = arith.constant 0 : i32
    %dma_start3A_292 = tpu.memref_slice %arg11[%dma_start3A_290, %dma_start3A_291] : memref<128x64xf32, #tpu.memory_space<vmem>> -> memref<8x64xf32, #tpu.memory_space<vmem>>
    %dma_start3A_293 = arith.constant 0 : i32
    %dma_start3A_294 = tpu.memref_slice %arg5[%multiple_of3A_274, %dma_start3A_293] : memref<1000000x64xf32, #tpu.memory_space<hbm>> -> memref<8x64xf32, #tpu.memory_space<hbm>>
    tpu.enqueue_dma source(%dma_start3A_294 : memref<8x64xf32, #tpu.memory_space<hbm>>) target(%dma_start3A_292 : memref<8x64xf32, #tpu.memory_space<vmem>>) target_semaphore(%arg14 : memref<!tpu.dma_semaphore, #tpu.memory_space<semaphore_mem>>)
    %slice3A_295 = vector.extract_strided_slice %and3A_6 {offsets = [11], sizes = [1], strides = [1]} : vector<16xi32> to vector<1xi32>
    %squeeze3A_296 = vector.extract %slice3A_295[0] : i32 from vector<1xi32>
    %multiple_of3A_297 = tpu.assume_multiple %squeeze3A_296, 8 : i32
    %slice3A_298 = vector.extract_strided_slice %and3A_12 {offsets = [11], sizes = [1], strides = [1]} : vector<16xi32> to vector<1xi32>
    %squeeze3A_299 = vector.extract %slice3A_298[0] : i32 from vector<1xi32>
    %multiple_of3A_300 = tpu.assume_multiple %squeeze3A_299, 8 : i32
    %dma_start3A_301 = arith.constant 88 : i32
    %dma_start3A_302 = arith.constant 0 : i32
    %dma_start3A_303 = tpu.memref_slice %arg9[%dma_start3A_301, %dma_start3A_302] : memref<128x64xf32, #tpu.memory_space<vmem>> -> memref<8x64xf32, #tpu.memory_space<vmem>>
    %dma_start3A_304 = arith.constant 0 : i32
    %dma_start3A_305 = tpu.memref_slice %arg4[%multiple_of3A_297, %dma_start3A_304] : memref<1000000x64xf32, #tpu.memory_space<hbm>> -> memref<8x64xf32, #tpu.memory_space<hbm>>
    %dma_start3A_306 = arith.constant 88 : i32
    %dma_start3A_307 = arith.constant 0 : i32
    %dma_start3A_308 = tpu.memref_slice %arg9[%dma_start3A_306, %dma_start3A_307] : memref<128x64xf32, #tpu.memory_space<vmem>> -> memref<8x64xf32, #tpu.memory_space<vmem>>
    %dma_start3A_309 = arith.constant 0 : i32
    %dma_start3A_310 = tpu.memref_slice %arg4[%multiple_of3A_297, %dma_start3A_309] : memref<1000000x64xf32, #tpu.memory_space<hbm>> -> memref<8x64xf32, #tpu.memory_space<hbm>>
    tpu.enqueue_dma source(%dma_start3A_310 : memref<8x64xf32, #tpu.memory_space<hbm>>) target(%dma_start3A_308 : memref<8x64xf32, #tpu.memory_space<vmem>>) target_semaphore(%arg14 : memref<!tpu.dma_semaphore, #tpu.memory_space<semaphore_mem>>)
    %dma_start3A_311 = arith.constant 88 : i32
    %dma_start3A_312 = arith.constant 0 : i32
    %dma_start3A_313 = tpu.memref_slice %arg11[%dma_start3A_311, %dma_start3A_312] : memref<128x64xf32, #tpu.memory_space<vmem>> -> memref<8x64xf32, #tpu.memory_space<vmem>>
    %dma_start3A_314 = arith.constant 0 : i32
    %dma_start3A_315 = tpu.memref_slice %arg5[%multiple_of3A_300, %dma_start3A_314] : memref<1000000x64xf32, #tpu.memory_space<hbm>> -> memref<8x64xf32, #tpu.memory_space<hbm>>
    %dma_start3A_316 = arith.constant 88 : i32
    %dma_start3A_317 = arith.constant 0 : i32
    %dma_start3A_318 = tpu.memref_slice %arg11[%dma_start3A_316, %dma_start3A_317] : memref<128x64xf32, #tpu.memory_space<vmem>> -> memref<8x64xf32, #tpu.memory_space<vmem>>
    %dma_start3A_319 = arith.constant 0 : i32
    %dma_start3A_320 = tpu.memref_slice %arg5[%multiple_of3A_300, %dma_start3A_319] : memref<1000000x64xf32, #tpu.memory_space<hbm>> -> memref<8x64xf32, #tpu.memory_space<hbm>>
    tpu.enqueue_dma source(%dma_start3A_320 : memref<8x64xf32, #tpu.memory_space<hbm>>) target(%dma_start3A_318 : memref<8x64xf32, #tpu.memory_space<vmem>>) target_semaphore(%arg14 : memref<!tpu.dma_semaphore, #tpu.memory_space<semaphore_mem>>)
    %slice3A_321 = vector.extract_strided_slice %and3A_6 {offsets = [12], sizes = [1], strides = [1]} : vector<16xi32> to vector<1xi32>
    %squeeze3A_322 = vector.extract %slice3A_321[0] : i32 from vector<1xi32>
    %multiple_of3A_323 = tpu.assume_multiple %squeeze3A_322, 8 : i32
    %slice3A_324 = vector.extract_strided_slice %and3A_12 {offsets = [12], sizes = [1], strides = [1]} : vector<16xi32> to vector<1xi32>
    %squeeze3A_325 = vector.extract %slice3A_324[0] : i32 from vector<1xi32>
    %multiple_of3A_326 = tpu.assume_multiple %squeeze3A_325, 8 : i32
    %dma_start3A_327 = arith.constant 96 : i32
    %dma_start3A_328 = arith.constant 0 : i32
    %dma_start3A_329 = tpu.memref_slice %arg9[%dma_start3A_327, %dma_start3A_328] : memref<128x64xf32, #tpu.memory_space<vmem>> -> memref<8x64xf32, #tpu.memory_space<vmem>>
    %dma_start3A_330 = arith.constant 0 : i32
    %dma_start3A_331 = tpu.memref_slice %arg4[%multiple_of3A_323, %dma_start3A_330] : memref<1000000x64xf32, #tpu.memory_space<hbm>> -> memref<8x64xf32, #tpu.memory_space<hbm>>
    %dma_start3A_332 = arith.constant 96 : i32
    %dma_start3A_333 = arith.constant 0 : i32
    %dma_start3A_334 = tpu.memref_slice %arg9[%dma_start3A_332, %dma_start3A_333] : memref<128x64xf32, #tpu.memory_space<vmem>> -> memref<8x64xf32, #tpu.memory_space<vmem>>
    %dma_start3A_335 = arith.constant 0 : i32
    %dma_start3A_336 = tpu.memref_slice %arg4[%multiple_of3A_323, %dma_start3A_335] : memref<1000000x64xf32, #tpu.memory_space<hbm>> -> memref<8x64xf32, #tpu.memory_space<hbm>>
    tpu.enqueue_dma source(%dma_start3A_336 : memref<8x64xf32, #tpu.memory_space<hbm>>) target(%dma_start3A_334 : memref<8x64xf32, #tpu.memory_space<vmem>>) target_semaphore(%arg14 : memref<!tpu.dma_semaphore, #tpu.memory_space<semaphore_mem>>)
    %dma_start3A_337 = arith.constant 96 : i32
    %dma_start3A_338 = arith.constant 0 : i32
    %dma_start3A_339 = tpu.memref_slice %arg11[%dma_start3A_337, %dma_start3A_338] : memref<128x64xf32, #tpu.memory_space<vmem>> -> memref<8x64xf32, #tpu.memory_space<vmem>>
    %dma_start3A_340 = arith.constant 0 : i32
    %dma_start3A_341 = tpu.memref_slice %arg5[%multiple_of3A_326, %dma_start3A_340] : memref<1000000x64xf32, #tpu.memory_space<hbm>> -> memref<8x64xf32, #tpu.memory_space<hbm>>
    %dma_start3A_342 = arith.constant 96 : i32
    %dma_start3A_343 = arith.constant 0 : i32
    %dma_start3A_344 = tpu.memref_slice %arg11[%dma_start3A_342, %dma_start3A_343] : memref<128x64xf32, #tpu.memory_space<vmem>> -> memref<8x64xf32, #tpu.memory_space<vmem>>
    %dma_start3A_345 = arith.constant 0 : i32
    %dma_start3A_346 = tpu.memref_slice %arg5[%multiple_of3A_326, %dma_start3A_345] : memref<1000000x64xf32, #tpu.memory_space<hbm>> -> memref<8x64xf32, #tpu.memory_space<hbm>>
    tpu.enqueue_dma source(%dma_start3A_346 : memref<8x64xf32, #tpu.memory_space<hbm>>) target(%dma_start3A_344 : memref<8x64xf32, #tpu.memory_space<vmem>>) target_semaphore(%arg14 : memref<!tpu.dma_semaphore, #tpu.memory_space<semaphore_mem>>)
    %slice3A_347 = vector.extract_strided_slice %and3A_6 {offsets = [13], sizes = [1], strides = [1]} : vector<16xi32> to vector<1xi32>
    %squeeze3A_348 = vector.extract %slice3A_347[0] : i32 from vector<1xi32>
    %multiple_of3A_349 = tpu.assume_multiple %squeeze3A_348, 8 : i32
    %slice3A_350 = vector.extract_strided_slice %and3A_12 {offsets = [13], sizes = [1], strides = [1]} : vector<16xi32> to vector<1xi32>
    %squeeze3A_351 = vector.extract %slice3A_350[0] : i32 from vector<1xi32>
    %multiple_of3A_352 = tpu.assume_multiple %squeeze3A_351, 8 : i32
    %dma_start3A_353 = arith.constant 104 : i32
    %dma_start3A_354 = arith.constant 0 : i32
    %dma_start3A_355 = tpu.memref_slice %arg9[%dma_start3A_353, %dma_start3A_354] : memref<128x64xf32, #tpu.memory_space<vmem>> -> memref<8x64xf32, #tpu.memory_space<vmem>>
    %dma_start3A_356 = arith.constant 0 : i32
    %dma_start3A_357 = tpu.memref_slice %arg4[%multiple_of3A_349, %dma_start3A_356] : memref<1000000x64xf32, #tpu.memory_space<hbm>> -> memref<8x64xf32, #tpu.memory_space<hbm>>
    %dma_start3A_358 = arith.constant 104 : i32
    %dma_start3A_359 = arith.constant 0 : i32
    %dma_start3A_360 = tpu.memref_slice %arg9[%dma_start3A_358, %dma_start3A_359] : memref<128x64xf32, #tpu.memory_space<vmem>> -> memref<8x64xf32, #tpu.memory_space<vmem>>
    %dma_start3A_361 = arith.constant 0 : i32
    %dma_start3A_362 = tpu.memref_slice %arg4[%multiple_of3A_349, %dma_start3A_361] : memref<1000000x64xf32, #tpu.memory_space<hbm>> -> memref<8x64xf32, #tpu.memory_space<hbm>>
    tpu.enqueue_dma source(%dma_start3A_362 : memref<8x64xf32, #tpu.memory_space<hbm>>) target(%dma_start3A_360 : memref<8x64xf32, #tpu.memory_space<vmem>>) target_semaphore(%arg14 : memref<!tpu.dma_semaphore, #tpu.memory_space<semaphore_mem>>)
    %dma_start3A_363 = arith.constant 104 : i32
    %dma_start3A_364 = arith.constant 0 : i32
    %dma_start3A_365 = tpu.memref_slice %arg11[%dma_start3A_363, %dma_start3A_364] : memref<128x64xf32, #tpu.memory_space<vmem>> -> memref<8x64xf32, #tpu.memory_space<vmem>>
    %dma_start3A_366 = arith.constant 0 : i32
    %dma_start3A_367 = tpu.memref_slice %arg5[%multiple_of3A_352, %dma_start3A_366] : memref<1000000x64xf32, #tpu.memory_space<hbm>> -> memref<8x64xf32, #tpu.memory_space<hbm>>
    %dma_start3A_368 = arith.constant 104 : i32
    %dma_start3A_369 = arith.constant 0 : i32
    %dma_start3A_370 = tpu.memref_slice %arg11[%dma_start3A_368, %dma_start3A_369] : memref<128x64xf32, #tpu.memory_space<vmem>> -> memref<8x64xf32, #tpu.memory_space<vmem>>
    %dma_start3A_371 = arith.constant 0 : i32
    %dma_start3A_372 = tpu.memref_slice %arg5[%multiple_of3A_352, %dma_start3A_371] : memref<1000000x64xf32, #tpu.memory_space<hbm>> -> memref<8x64xf32, #tpu.memory_space<hbm>>
    tpu.enqueue_dma source(%dma_start3A_372 : memref<8x64xf32, #tpu.memory_space<hbm>>) target(%dma_start3A_370 : memref<8x64xf32, #tpu.memory_space<vmem>>) target_semaphore(%arg14 : memref<!tpu.dma_semaphore, #tpu.memory_space<semaphore_mem>>)
    %slice3A_373 = vector.extract_strided_slice %and3A_6 {offsets = [14], sizes = [1], strides = [1]} : vector<16xi32> to vector<1xi32>
    %squeeze3A_374 = vector.extract %slice3A_373[0] : i32 from vector<1xi32>
    %multiple_of3A_375 = tpu.assume_multiple %squeeze3A_374, 8 : i32
    %slice3A_376 = vector.extract_strided_slice %and3A_12 {offsets = [14], sizes = [1], strides = [1]} : vector<16xi32> to vector<1xi32>
    %squeeze3A_377 = vector.extract %slice3A_376[0] : i32 from vector<1xi32>
    %multiple_of3A_378 = tpu.assume_multiple %squeeze3A_377, 8 : i32
    %dma_start3A_379 = arith.constant 112 : i32
    %dma_start3A_380 = arith.constant 0 : i32
    %dma_start3A_381 = tpu.memref_slice %arg9[%dma_start3A_379, %dma_start3A_380] : memref<128x64xf32, #tpu.memory_space<vmem>> -> memref<8x64xf32, #tpu.memory_space<vmem>>
    %dma_start3A_382 = arith.constant 0 : i32
    %dma_start3A_383 = tpu.memref_slice %arg4[%multiple_of3A_375, %dma_start3A_382] : memref<1000000x64xf32, #tpu.memory_space<hbm>> -> memref<8x64xf32, #tpu.memory_space<hbm>>
    %dma_start3A_384 = arith.constant 112 : i32
    %dma_start3A_385 = arith.constant 0 : i32
    %dma_start3A_386 = tpu.memref_slice %arg9[%dma_start3A_384, %dma_start3A_385] : memref<128x64xf32, #tpu.memory_space<vmem>> -> memref<8x64xf32, #tpu.memory_space<vmem>>
    %dma_start3A_387 = arith.constant 0 : i32
    %dma_start3A_388 = tpu.memref_slice %arg4[%multiple_of3A_375, %dma_start3A_387] : memref<1000000x64xf32, #tpu.memory_space<hbm>> -> memref<8x64xf32, #tpu.memory_space<hbm>>
    tpu.enqueue_dma source(%dma_start3A_388 : memref<8x64xf32, #tpu.memory_space<hbm>>) target(%dma_start3A_386 : memref<8x64xf32, #tpu.memory_space<vmem>>) target_semaphore(%arg14 : memref<!tpu.dma_semaphore, #tpu.memory_space<semaphore_mem>>)
    %dma_start3A_389 = arith.constant 112 : i32
    %dma_start3A_390 = arith.constant 0 : i32
    %dma_start3A_391 = tpu.memref_slice %arg11[%dma_start3A_389, %dma_start3A_390] : memref<128x64xf32, #tpu.memory_space<vmem>> -> memref<8x64xf32, #tpu.memory_space<vmem>>
    %dma_start3A_392 = arith.constant 0 : i32
    %dma_start3A_393 = tpu.memref_slice %arg5[%multiple_of3A_378, %dma_start3A_392] : memref<1000000x64xf32, #tpu.memory_space<hbm>> -> memref<8x64xf32, #tpu.memory_space<hbm>>
    %dma_start3A_394 = arith.constant 112 : i32
    %dma_start3A_395 = arith.constant 0 : i32
    %dma_start3A_396 = tpu.memref_slice %arg11[%dma_start3A_394, %dma_start3A_395] : memref<128x64xf32, #tpu.memory_space<vmem>> -> memref<8x64xf32, #tpu.memory_space<vmem>>
    %dma_start3A_397 = arith.constant 0 : i32
    %dma_start3A_398 = tpu.memref_slice %arg5[%multiple_of3A_378, %dma_start3A_397] : memref<1000000x64xf32, #tpu.memory_space<hbm>> -> memref<8x64xf32, #tpu.memory_space<hbm>>
    tpu.enqueue_dma source(%dma_start3A_398 : memref<8x64xf32, #tpu.memory_space<hbm>>) target(%dma_start3A_396 : memref<8x64xf32, #tpu.memory_space<vmem>>) target_semaphore(%arg14 : memref<!tpu.dma_semaphore, #tpu.memory_space<semaphore_mem>>)
    %slice3A_399 = vector.extract_strided_slice %and3A_6 {offsets = [15], sizes = [1], strides = [1]} : vector<16xi32> to vector<1xi32>
    %squeeze3A_400 = vector.extract %slice3A_399[0] : i32 from vector<1xi32>
    %multiple_of3A_401 = tpu.assume_multiple %squeeze3A_400, 8 : i32
    %slice3A_402 = vector.extract_strided_slice %and3A_12 {offsets = [15], sizes = [1], strides = [1]} : vector<16xi32> to vector<1xi32>
    %squeeze3A_403 = vector.extract %slice3A_402[0] : i32 from vector<1xi32>
    %multiple_of3A_404 = tpu.assume_multiple %squeeze3A_403, 8 : i32
    %dma_start3A_405 = arith.constant 120 : i32
    %dma_start3A_406 = arith.constant 0 : i32
    %dma_start3A_407 = tpu.memref_slice %arg9[%dma_start3A_405, %dma_start3A_406] : memref<128x64xf32, #tpu.memory_space<vmem>> -> memref<8x64xf32, #tpu.memory_space<vmem>>
    %dma_start3A_408 = arith.constant 0 : i32
    %dma_start3A_409 = tpu.memref_slice %arg4[%multiple_of3A_401, %dma_start3A_408] : memref<1000000x64xf32, #tpu.memory_space<hbm>> -> memref<8x64xf32, #tpu.memory_space<hbm>>
    %dma_start3A_410 = arith.constant 120 : i32
    %dma_start3A_411 = arith.constant 0 : i32
    %dma_start3A_412 = tpu.memref_slice %arg9[%dma_start3A_410, %dma_start3A_411] : memref<128x64xf32, #tpu.memory_space<vmem>> -> memref<8x64xf32, #tpu.memory_space<vmem>>
    %dma_start3A_413 = arith.constant 0 : i32
    %dma_start3A_414 = tpu.memref_slice %arg4[%multiple_of3A_401, %dma_start3A_413] : memref<1000000x64xf32, #tpu.memory_space<hbm>> -> memref<8x64xf32, #tpu.memory_space<hbm>>
    tpu.enqueue_dma source(%dma_start3A_414 : memref<8x64xf32, #tpu.memory_space<hbm>>) target(%dma_start3A_412 : memref<8x64xf32, #tpu.memory_space<vmem>>) target_semaphore(%arg14 : memref<!tpu.dma_semaphore, #tpu.memory_space<semaphore_mem>>)
    %dma_start3A_415 = arith.constant 120 : i32
    %dma_start3A_416 = arith.constant 0 : i32
    %dma_start3A_417 = tpu.memref_slice %arg11[%dma_start3A_415, %dma_start3A_416] : memref<128x64xf32, #tpu.memory_space<vmem>> -> memref<8x64xf32, #tpu.memory_space<vmem>>
    %dma_start3A_418 = arith.constant 0 : i32
    %dma_start3A_419 = tpu.memref_slice %arg5[%multiple_of3A_404, %dma_start3A_418] : memref<1000000x64xf32, #tpu.memory_space<hbm>> -> memref<8x64xf32, #tpu.memory_space<hbm>>
    %dma_start3A_420 = arith.constant 120 : i32
    %dma_start3A_421 = arith.constant 0 : i32
    %dma_start3A_422 = tpu.memref_slice %arg11[%dma_start3A_420, %dma_start3A_421] : memref<128x64xf32, #tpu.memory_space<vmem>> -> memref<8x64xf32, #tpu.memory_space<vmem>>
    %dma_start3A_423 = arith.constant 0 : i32
    %dma_start3A_424 = tpu.memref_slice %arg5[%multiple_of3A_404, %dma_start3A_423] : memref<1000000x64xf32, #tpu.memory_space<hbm>> -> memref<8x64xf32, #tpu.memory_space<hbm>>
    tpu.enqueue_dma source(%dma_start3A_424 : memref<8x64xf32, #tpu.memory_space<hbm>>) target(%dma_start3A_422 : memref<8x64xf32, #tpu.memory_space<vmem>>) target_semaphore(%arg14 : memref<!tpu.dma_semaphore, #tpu.memory_space<semaphore_mem>>)
    %scan3A = arith.constant 0 : i32
    %scan3A_425 = arith.constant 0 : i32
    %scan3A_426 = arith.constant 16 : i32
    %scan3A_427 = arith.addi %scan3A_425, %scan3A_426 : i32
    %scan3A_428 = arith.constant 1 : i32
    %scan3A_429 = scf.for %scan3A_431 = %scan3A_425 to %scan3A_427 step %scan3A_428 iter_args(%scan3A_432 = %scan3A) -> (i32)  : i32 {
      %mul3A_433 = arith.constant 2 : i32
      %mul3A_434 = arith.muli %mul3A_433, %scan3A_431 : i32
      %add3A_435 = arith.constant 1 : i32
      %add3A_436 = arith.addi %mul3A_434, %add3A_435 : i32
      %mul3A_437 = arith.constant 16 : i32
      %mul3A_438 = arith.muli %add3A_436, %mul3A_437 : i32
      %get3A_439 = arith.index_cast %mul3A_438 : i32 to index
      %get3A_440 = tpu.vector_load %arg7[%get3A_439] {strides = array<i32>} : memref<512xi32, #tpu.memory_space<vmem>>, vector<16xi32>,
      %get3A_441 = vector.shape_cast %get3A_440 : vector<16xi32> to vector<16xi32>
      %and3A_442 = arith.constant -8 : i32
      %and3A_443 = vector.broadcast %and3A_442 : i32 to vector<16xi32>
      %and3A_444 = arith.andi %get3A_441, %and3A_443 : vector<16xi32>
      %mul3A_445 = arith.constant 16 : i32
      %mul3A_446 = arith.muli %add3A_436, %mul3A_445 : i32
      %get3A_447 = arith.index_cast %mul3A_446 : i32 to index
      %get3A_448 = tpu.vector_load %arg8[%get3A_447] {strides = array<i32>} : memref<512xi32, #tpu.memory_space<vmem>>, vector<16xi32>,
      %get3A_449 = vector.shape_cast %get3A_448 : vector<16xi32> to vector<16xi32>
      %and3A_450 = arith.constant -8 : i32
      %and3A_451 = vector.broadcast %and3A_450 : i32 to vector<16xi32>
      %and3A_452 = arith.andi %get3A_449, %and3A_451 : vector<16xi32>
      %slice3A_453 = vector.extract_strided_slice %and3A_444 {offsets = [0], sizes = [1], strides = [1]} : vector<16xi32> to vector<1xi32>
      %squeeze3A_454 = vector.extract %slice3A_453[0] : i32 from vector<1xi32>
      %multiple_of3A_455 = tpu.assume_multiple %squeeze3A_454, 8 : i32
      %slice3A_456 = vector.extract_strided_slice %and3A_452 {offsets = [0], sizes = [1], strides = [1]} : vector<16xi32> to vector<1xi32>
      %squeeze3A_457 = vector.extract %slice3A_456[0] : i32 from vector<1xi32>
      %multiple_of3A_458 = tpu.assume_multiple %squeeze3A_457, 8 : i32
      %dma_start3A_459 = arith.constant 0 : i32
      %dma_start3A_460 = arith.constant 0 : i32
      %dma_start3A_461 = tpu.memref_slice %arg10[%dma_start3A_459, %dma_start3A_460] : memref<128x64xf32, #tpu.memory_space<vmem>> -> memref<8x64xf32, #tpu.memory_space<vmem>>
      %dma_start3A_462 = arith.constant 0 : i32
      %dma_start3A_463 = tpu.memref_slice %arg4[%multiple_of3A_455, %dma_start3A_462] : memref<1000000x64xf32, #tpu.memory_space<hbm>> -> memref<8x64xf32, #tpu.memory_space<hbm>>
      %dma_start3A_464 = arith.constant 0 : i32
      %dma_start3A_465 = arith.constant 0 : i32
      %dma_start3A_466 = tpu.memref_slice %arg10[%dma_start3A_464, %dma_start3A_465] : memref<128x64xf32, #tpu.memory_space<vmem>> -> memref<8x64xf32, #tpu.memory_space<vmem>>
      %dma_start3A_467 = arith.constant 0 : i32
      %dma_start3A_468 = tpu.memref_slice %arg4[%multiple_of3A_455, %dma_start3A_467] : memref<1000000x64xf32, #tpu.memory_space<hbm>> -> memref<8x64xf32, #tpu.memory_space<hbm>>
      tpu.enqueue_dma source(%dma_start3A_468 : memref<8x64xf32, #tpu.memory_space<hbm>>) target(%dma_start3A_466 : memref<8x64xf32, #tpu.memory_space<vmem>>) target_semaphore(%arg15 : memref<!tpu.dma_semaphore, #tpu.memory_space<semaphore_mem>>)
      %dma_start3A_469 = arith.constant 0 : i32
      %dma_start3A_470 = arith.constant 0 : i32
      %dma_start3A_471 = tpu.memref_slice %arg12[%dma_start3A_469, %dma_start3A_470] : memref<128x64xf32, #tpu.memory_space<vmem>> -> memref<8x64xf32, #tpu.memory_space<vmem>>
      %dma_start3A_472 = arith.constant 0 : i32
      %dma_start3A_473 = tpu.memref_slice %arg5[%multiple_of3A_458, %dma_start3A_472] : memref<1000000x64xf32, #tpu.memory_space<hbm>> -> memref<8x64xf32, #tpu.memory_space<hbm>>
      %dma_start3A_474 = arith.constant 0 : i32
      %dma_start3A_475 = arith.constant 0 : i32
      %dma_start3A_476 = tpu.memref_slice %arg12[%dma_start3A_474, %dma_start3A_475] : memref<128x64xf32, #tpu.memory_space<vmem>> -> memref<8x64xf32, #tpu.memory_space<vmem>>
      %dma_start3A_477 = arith.constant 0 : i32
      %dma_start3A_478 = tpu.memref_slice %arg5[%multiple_of3A_458, %dma_start3A_477] : memref<1000000x64xf32, #tpu.memory_space<hbm>> -> memref<8x64xf32, #tpu.memory_space<hbm>>
      tpu.enqueue_dma source(%dma_start3A_478 : memref<8x64xf32, #tpu.memory_space<hbm>>) target(%dma_start3A_476 : memref<8x64xf32, #tpu.memory_space<vmem>>) target_semaphore(%arg15 : memref<!tpu.dma_semaphore, #tpu.memory_space<semaphore_mem>>)
      %slice3A_479 = vector.extract_strided_slice %and3A_444 {offsets = [1], sizes = [1], strides = [1]} : vector<16xi32> to vector<1xi32>
      %squeeze3A_480 = vector.extract %slice3A_479[0] : i32 from vector<1xi32>
      %multiple_of3A_481 = tpu.assume_multiple %squeeze3A_480, 8 : i32
      %slice3A_482 = vector.extract_strided_slice %and3A_452 {offsets = [1], sizes = [1], strides = [1]} : vector<16xi32> to vector<1xi32>
      %squeeze3A_483 = vector.extract %slice3A_482[0] : i32 from vector<1xi32>
      %multiple_of3A_484 = tpu.assume_multiple %squeeze3A_483, 8 : i32
      %dma_start3A_485 = arith.constant 8 : i32
      %dma_start3A_486 = arith.constant 0 : i32
      %dma_start3A_487 = tpu.memref_slice %arg10[%dma_start3A_485, %dma_start3A_486] : memref<128x64xf32, #tpu.memory_space<vmem>> -> memref<8x64xf32, #tpu.memory_space<vmem>>
      %dma_start3A_488 = arith.constant 0 : i32
      %dma_start3A_489 = tpu.memref_slice %arg4[%multiple_of3A_481, %dma_start3A_488] : memref<1000000x64xf32, #tpu.memory_space<hbm>> -> memref<8x64xf32, #tpu.memory_space<hbm>>
      %dma_start3A_490 = arith.constant 8 : i32
      %dma_start3A_491 = arith.constant 0 : i32
      %dma_start3A_492 = tpu.memref_slice %arg10[%dma_start3A_490, %dma_start3A_491] : memref<128x64xf32, #tpu.memory_space<vmem>> -> memref<8x64xf32, #tpu.memory_space<vmem>>
      %dma_start3A_493 = arith.constant 0 : i32
      %dma_start3A_494 = tpu.memref_slice %arg4[%multiple_of3A_481, %dma_start3A_493] : memref<1000000x64xf32, #tpu.memory_space<hbm>> -> memref<8x64xf32, #tpu.memory_space<hbm>>
      tpu.enqueue_dma source(%dma_start3A_494 : memref<8x64xf32, #tpu.memory_space<hbm>>) target(%dma_start3A_492 : memref<8x64xf32, #tpu.memory_space<vmem>>) target_semaphore(%arg15 : memref<!tpu.dma_semaphore, #tpu.memory_space<semaphore_mem>>)
      %dma_start3A_495 = arith.constant 8 : i32
      %dma_start3A_496 = arith.constant 0 : i32
      %dma_start3A_497 = tpu.memref_slice %arg12[%dma_start3A_495, %dma_start3A_496] : memref<128x64xf32, #tpu.memory_space<vmem>> -> memref<8x64xf32, #tpu.memory_space<vmem>>
      %dma_start3A_498 = arith.constant 0 : i32
      %dma_start3A_499 = tpu.memref_slice %arg5[%multiple_of3A_484, %dma_start3A_498] : memref<1000000x64xf32, #tpu.memory_space<hbm>> -> memref<8x64xf32, #tpu.memory_space<hbm>>
      %dma_start3A_500 = arith.constant 8 : i32
      %dma_start3A_501 = arith.constant 0 : i32
      %dma_start3A_502 = tpu.memref_slice %arg12[%dma_start3A_500, %dma_start3A_501] : memref<128x64xf32, #tpu.memory_space<vmem>> -> memref<8x64xf32, #tpu.memory_space<vmem>>
      %dma_start3A_503 = arith.constant 0 : i32
      %dma_start3A_504 = tpu.memref_slice %arg5[%multiple_of3A_484, %dma_start3A_503] : memref<1000000x64xf32, #tpu.memory_space<hbm>> -> memref<8x64xf32, #tpu.memory_space<hbm>>
      tpu.enqueue_dma source(%dma_start3A_504 : memref<8x64xf32, #tpu.memory_space<hbm>>) target(%dma_start3A_502 : memref<8x64xf32, #tpu.memory_space<vmem>>) target_semaphore(%arg15 : memref<!tpu.dma_semaphore, #tpu.memory_space<semaphore_mem>>)
      %slice3A_505 = vector.extract_strided_slice %and3A_444 {offsets = [2], sizes = [1], strides = [1]} : vector<16xi32> to vector<1xi32>
      %squeeze3A_506 = vector.extract %slice3A_505[0] : i32 from vector<1xi32>
      %multiple_of3A_507 = tpu.assume_multiple %squeeze3A_506, 8 : i32
      %slice3A_508 = vector.extract_strided_slice %and3A_452 {offsets = [2], sizes = [1], strides = [1]} : vector<16xi32> to vector<1xi32>
      %squeeze3A_509 = vector.extract %slice3A_508[0] : i32 from vector<1xi32>
      %multiple_of3A_510 = tpu.assume_multiple %squeeze3A_509, 8 : i32
      %dma_start3A_511 = arith.constant 16 : i32
      %dma_start3A_512 = arith.constant 0 : i32
      %dma_start3A_513 = tpu.memref_slice %arg10[%dma_start3A_511, %dma_start3A_512] : memref<128x64xf32, #tpu.memory_space<vmem>> -> memref<8x64xf32, #tpu.memory_space<vmem>>
      %dma_start3A_514 = arith.constant 0 : i32
      %dma_start3A_515 = tpu.memref_slice %arg4[%multiple_of3A_507, %dma_start3A_514] : memref<1000000x64xf32, #tpu.memory_space<hbm>> -> memref<8x64xf32, #tpu.memory_space<hbm>>
      %dma_start3A_516 = arith.constant 16 : i32
      %dma_start3A_517 = arith.constant 0 : i32
      %dma_start3A_518 = tpu.memref_slice %arg10[%dma_start3A_516, %dma_start3A_517] : memref<128x64xf32, #tpu.memory_space<vmem>> -> memref<8x64xf32, #tpu.memory_space<vmem>>
      %dma_start3A_519 = arith.constant 0 : i32
      %dma_start3A_520 = tpu.memref_slice %arg4[%multiple_of3A_507, %dma_start3A_519] : memref<1000000x64xf32, #tpu.memory_space<hbm>> -> memref<8x64xf32, #tpu.memory_space<hbm>>
      tpu.enqueue_dma source(%dma_start3A_520 : memref<8x64xf32, #tpu.memory_space<hbm>>) target(%dma_start3A_518 : memref<8x64xf32, #tpu.memory_space<vmem>>) target_semaphore(%arg15 : memref<!tpu.dma_semaphore, #tpu.memory_space<semaphore_mem>>)
      %dma_start3A_521 = arith.constant 16 : i32
      %dma_start3A_522 = arith.constant 0 : i32
      %dma_start3A_523 = tpu.memref_slice %arg12[%dma_start3A_521, %dma_start3A_522] : memref<128x64xf32, #tpu.memory_space<vmem>> -> memref<8x64xf32, #tpu.memory_space<vmem>>
      %dma_start3A_524 = arith.constant 0 : i32
      %dma_start3A_525 = tpu.memref_slice %arg5[%multiple_of3A_510, %dma_start3A_524] : memref<1000000x64xf32, #tpu.memory_space<hbm>> -> memref<8x64xf32, #tpu.memory_space<hbm>>
      %dma_start3A_526 = arith.constant 16 : i32
      %dma_start3A_527 = arith.constant 0 : i32
      %dma_start3A_528 = tpu.memref_slice %arg12[%dma_start3A_526, %dma_start3A_527] : memref<128x64xf32, #tpu.memory_space<vmem>> -> memref<8x64xf32, #tpu.memory_space<vmem>>
      %dma_start3A_529 = arith.constant 0 : i32
      %dma_start3A_530 = tpu.memref_slice %arg5[%multiple_of3A_510, %dma_start3A_529] : memref<1000000x64xf32, #tpu.memory_space<hbm>> -> memref<8x64xf32, #tpu.memory_space<hbm>>
      tpu.enqueue_dma source(%dma_start3A_530 : memref<8x64xf32, #tpu.memory_space<hbm>>) target(%dma_start3A_528 : memref<8x64xf32, #tpu.memory_space<vmem>>) target_semaphore(%arg15 : memref<!tpu.dma_semaphore, #tpu.memory_space<semaphore_mem>>)
      %slice3A_531 = vector.extract_strided_slice %and3A_444 {offsets = [3], sizes = [1], strides = [1]} : vector<16xi32> to vector<1xi32>
      %squeeze3A_532 = vector.extract %slice3A_531[0] : i32 from vector<1xi32>
      %multiple_of3A_533 = tpu.assume_multiple %squeeze3A_532, 8 : i32
      %slice3A_534 = vector.extract_strided_slice %and3A_452 {offsets = [3], sizes = [1], strides = [1]} : vector<16xi32> to vector<1xi32>
      %squeeze3A_535 = vector.extract %slice3A_534[0] : i32 from vector<1xi32>
      %multiple_of3A_536 = tpu.assume_multiple %squeeze3A_535, 8 : i32
      %dma_start3A_537 = arith.constant 24 : i32
      %dma_start3A_538 = arith.constant 0 : i32
      %dma_start3A_539 = tpu.memref_slice %arg10[%dma_start3A_537, %dma_start3A_538] : memref<128x64xf32, #tpu.memory_space<vmem>> -> memref<8x64xf32, #tpu.memory_space<vmem>>
      %dma_start3A_540 = arith.constant 0 : i32
      %dma_start3A_541 = tpu.memref_slice %arg4[%multiple_of3A_533, %dma_start3A_540] : memref<1000000x64xf32, #tpu.memory_space<hbm>> -> memref<8x64xf32, #tpu.memory_space<hbm>>
      %dma_start3A_542 = arith.constant 24 : i32
      %dma_start3A_543 = arith.constant 0 : i32
      %dma_start3A_544 = tpu.memref_slice %arg10[%dma_start3A_542, %dma_start3A_543] : memref<128x64xf32, #tpu.memory_space<vmem>> -> memref<8x64xf32, #tpu.memory_space<vmem>>
      %dma_start3A_545 = arith.constant 0 : i32
      %dma_start3A_546 = tpu.memref_slice %arg4[%multiple_of3A_533, %dma_start3A_545] : memref<1000000x64xf32, #tpu.memory_space<hbm>> -> memref<8x64xf32, #tpu.memory_space<hbm>>
      tpu.enqueue_dma source(%dma_start3A_546 : memref<8x64xf32, #tpu.memory_space<hbm>>) target(%dma_start3A_544 : memref<8x64xf32, #tpu.memory_space<vmem>>) target_semaphore(%arg15 : memref<!tpu.dma_semaphore, #tpu.memory_space<semaphore_mem>>)
      %dma_start3A_547 = arith.constant 24 : i32
      %dma_start3A_548 = arith.constant 0 : i32
      %dma_start3A_549 = tpu.memref_slice %arg12[%dma_start3A_547, %dma_start3A_548] : memref<128x64xf32, #tpu.memory_space<vmem>> -> memref<8x64xf32, #tpu.memory_space<vmem>>
      %dma_start3A_550 = arith.constant 0 : i32
      %dma_start3A_551 = tpu.memref_slice %arg5[%multiple_of3A_536, %dma_start3A_550] : memref<1000000x64xf32, #tpu.memory_space<hbm>> -> memref<8x64xf32, #tpu.memory_space<hbm>>
      %dma_start3A_552 = arith.constant 24 : i32
      %dma_start3A_553 = arith.constant 0 : i32
      %dma_start3A_554 = tpu.memref_slice %arg12[%dma_start3A_552, %dma_start3A_553] : memref<128x64xf32, #tpu.memory_space<vmem>> -> memref<8x64xf32, #tpu.memory_space<vmem>>
      %dma_start3A_555 = arith.constant 0 : i32
      %dma_start3A_556 = tpu.memref_slice %arg5[%multiple_of3A_536, %dma_start3A_555] : memref<1000000x64xf32, #tpu.memory_space<hbm>> -> memref<8x64xf32, #tpu.memory_space<hbm>>
      tpu.enqueue_dma source(%dma_start3A_556 : memref<8x64xf32, #tpu.memory_space<hbm>>) target(%dma_start3A_554 : memref<8x64xf32, #tpu.memory_space<vmem>>) target_semaphore(%arg15 : memref<!tpu.dma_semaphore, #tpu.memory_space<semaphore_mem>>)
      %slice3A_557 = vector.extract_strided_slice %and3A_444 {offsets = [4], sizes = [1], strides = [1]} : vector<16xi32> to vector<1xi32>
      %squeeze3A_558 = vector.extract %slice3A_557[0] : i32 from vector<1xi32>
      %multiple_of3A_559 = tpu.assume_multiple %squeeze3A_558, 8 : i32
      %slice3A_560 = vector.extract_strided_slice %and3A_452 {offsets = [4], sizes = [1], strides = [1]} : vector<16xi32> to vector<1xi32>
      %squeeze3A_561 = vector.extract %slice3A_560[0] : i32 from vector<1xi32>
      %multiple_of3A_562 = tpu.assume_multiple %squeeze3A_561, 8 : i32
      %dma_start3A_563 = arith.constant 32 : i32
      %dma_start3A_564 = arith.constant 0 : i32
      %dma_start3A_565 = tpu.memref_slice %arg10[%dma_start3A_563, %dma_start3A_564] : memref<128x64xf32, #tpu.memory_space<vmem>> -> memref<8x64xf32, #tpu.memory_space<vmem>>
      %dma_start3A_566 = arith.constant 0 : i32
      %dma_start3A_567 = tpu.memref_slice %arg4[%multiple_of3A_559, %dma_start3A_566] : memref<1000000x64xf32, #tpu.memory_space<hbm>> -> memref<8x64xf32, #tpu.memory_space<hbm>>
      %dma_start3A_568 = arith.constant 32 : i32
      %dma_start3A_569 = arith.constant 0 : i32
      %dma_start3A_570 = tpu.memref_slice %arg10[%dma_start3A_568, %dma_start3A_569] : memref<128x64xf32, #tpu.memory_space<vmem>> -> memref<8x64xf32, #tpu.memory_space<vmem>>
      %dma_start3A_571 = arith.constant 0 : i32
      %dma_start3A_572 = tpu.memref_slice %arg4[%multiple_of3A_559, %dma_start3A_571] : memref<1000000x64xf32, #tpu.memory_space<hbm>> -> memref<8x64xf32, #tpu.memory_space<hbm>>
      tpu.enqueue_dma source(%dma_start3A_572 : memref<8x64xf32, #tpu.memory_space<hbm>>) target(%dma_start3A_570 : memref<8x64xf32, #tpu.memory_space<vmem>>) target_semaphore(%arg15 : memref<!tpu.dma_semaphore, #tpu.memory_space<semaphore_mem>>)
      %dma_start3A_573 = arith.constant 32 : i32
      %dma_start3A_574 = arith.constant 0 : i32
      %dma_start3A_575 = tpu.memref_slice %arg12[%dma_start3A_573, %dma_start3A_574] : memref<128x64xf32, #tpu.memory_space<vmem>> -> memref<8x64xf32, #tpu.memory_space<vmem>>
      %dma_start3A_576 = arith.constant 0 : i32
      %dma_start3A_577 = tpu.memref_slice %arg5[%multiple_of3A_562, %dma_start3A_576] : memref<1000000x64xf32, #tpu.memory_space<hbm>> -> memref<8x64xf32, #tpu.memory_space<hbm>>
      %dma_start3A_578 = arith.constant 32 : i32
      %dma_start3A_579 = arith.constant 0 : i32
      %dma_start3A_580 = tpu.memref_slice %arg12[%dma_start3A_578, %dma_start3A_579] : memref<128x64xf32, #tpu.memory_space<vmem>> -> memref<8x64xf32, #tpu.memory_space<vmem>>
      %dma_start3A_581 = arith.constant 0 : i32
      %dma_start3A_582 = tpu.memref_slice %arg5[%multiple_of3A_562, %dma_start3A_581] : memref<1000000x64xf32, #tpu.memory_space<hbm>> -> memref<8x64xf32, #tpu.memory_space<hbm>>
      tpu.enqueue_dma source(%dma_start3A_582 : memref<8x64xf32, #tpu.memory_space<hbm>>) target(%dma_start3A_580 : memref<8x64xf32, #tpu.memory_space<vmem>>) target_semaphore(%arg15 : memref<!tpu.dma_semaphore, #tpu.memory_space<semaphore_mem>>)
      %slice3A_583 = vector.extract_strided_slice %and3A_444 {offsets = [5], sizes = [1], strides = [1]} : vector<16xi32> to vector<1xi32>
      %squeeze3A_584 = vector.extract %slice3A_583[0] : i32 from vector<1xi32>
      %multiple_of3A_585 = tpu.assume_multiple %squeeze3A_584, 8 : i32
      %slice3A_586 = vector.extract_strided_slice %and3A_452 {offsets = [5], sizes = [1], strides = [1]} : vector<16xi32> to vector<1xi32>
      %squeeze3A_587 = vector.extract %slice3A_586[0] : i32 from vector<1xi32>
      %multiple_of3A_588 = tpu.assume_multiple %squeeze3A_587, 8 : i32
      %dma_start3A_589 = arith.constant 40 : i32
      %dma_start3A_590 = arith.constant 0 : i32
      %dma_start3A_591 = tpu.memref_slice %arg10[%dma_start3A_589, %dma_start3A_590] : memref<128x64xf32, #tpu.memory_space<vmem>> -> memref<8x64xf32, #tpu.memory_space<vmem>>
      %dma_start3A_592 = arith.constant 0 : i32
      %dma_start3A_593 = tpu.memref_slice %arg4[%multiple_of3A_585, %dma_start3A_592] : memref<1000000x64xf32, #tpu.memory_space<hbm>> -> memref<8x64xf32, #tpu.memory_space<hbm>>
      %dma_start3A_594 = arith.constant 40 : i32
      %dma_start3A_595 = arith.constant 0 : i32
      %dma_start3A_596 = tpu.memref_slice %arg10[%dma_start3A_594, %dma_start3A_595] : memref<128x64xf32, #tpu.memory_space<vmem>> -> memref<8x64xf32, #tpu.memory_space<vmem>>
      %dma_start3A_597 = arith.constant 0 : i32
      %dma_start3A_598 = tpu.memref_slice %arg4[%multiple_of3A_585, %dma_start3A_597] : memref<1000000x64xf32, #tpu.memory_space<hbm>> -> memref<8x64xf32, #tpu.memory_space<hbm>>
      tpu.enqueue_dma source(%dma_start3A_598 : memref<8x64xf32, #tpu.memory_space<hbm>>) target(%dma_start3A_596 : memref<8x64xf32, #tpu.memory_space<vmem>>) target_semaphore(%arg15 : memref<!tpu.dma_semaphore, #tpu.memory_space<semaphore_mem>>)
      %dma_start3A_599 = arith.constant 40 : i32
      %dma_start3A_600 = arith.constant 0 : i32
      %dma_start3A_601 = tpu.memref_slice %arg12[%dma_start3A_599, %dma_start3A_600] : memref<128x64xf32, #tpu.memory_space<vmem>> -> memref<8x64xf32, #tpu.memory_space<vmem>>
      %dma_start3A_602 = arith.constant 0 : i32
      %dma_start3A_603 = tpu.memref_slice %arg5[%multiple_of3A_588, %dma_start3A_602] : memref<1000000x64xf32, #tpu.memory_space<hbm>> -> memref<8x64xf32, #tpu.memory_space<hbm>>
      %dma_start3A_604 = arith.constant 40 : i32
      %dma_start3A_605 = arith.constant 0 : i32
      %dma_start3A_606 = tpu.memref_slice %arg12[%dma_start3A_604, %dma_start3A_605] : memref<128x64xf32, #tpu.memory_space<vmem>> -> memref<8x64xf32, #tpu.memory_space<vmem>>
      %dma_start3A_607 = arith.constant 0 : i32
      %dma_start3A_608 = tpu.memref_slice %arg5[%multiple_of3A_588, %dma_start3A_607] : memref<1000000x64xf32, #tpu.memory_space<hbm>> -> memref<8x64xf32, #tpu.memory_space<hbm>>
      tpu.enqueue_dma source(%dma_start3A_608 : memref<8x64xf32, #tpu.memory_space<hbm>>) target(%dma_start3A_606 : memref<8x64xf32, #tpu.memory_space<vmem>>) target_semaphore(%arg15 : memref<!tpu.dma_semaphore, #tpu.memory_space<semaphore_mem>>)
      %slice3A_609 = vector.extract_strided_slice %and3A_444 {offsets = [6], sizes = [1], strides = [1]} : vector<16xi32> to vector<1xi32>
      %squeeze3A_610 = vector.extract %slice3A_609[0] : i32 from vector<1xi32>
      %multiple_of3A_611 = tpu.assume_multiple %squeeze3A_610, 8 : i32
      %slice3A_612 = vector.extract_strided_slice %and3A_452 {offsets = [6], sizes = [1], strides = [1]} : vector<16xi32> to vector<1xi32>
      %squeeze3A_613 = vector.extract %slice3A_612[0] : i32 from vector<1xi32>
      %multiple_of3A_614 = tpu.assume_multiple %squeeze3A_613, 8 : i32
      %dma_start3A_615 = arith.constant 48 : i32
      %dma_start3A_616 = arith.constant 0 : i32
      %dma_start3A_617 = tpu.memref_slice %arg10[%dma_start3A_615, %dma_start3A_616] : memref<128x64xf32, #tpu.memory_space<vmem>> -> memref<8x64xf32, #tpu.memory_space<vmem>>
      %dma_start3A_618 = arith.constant 0 : i32
      %dma_start3A_619 = tpu.memref_slice %arg4[%multiple_of3A_611, %dma_start3A_618] : memref<1000000x64xf32, #tpu.memory_space<hbm>> -> memref<8x64xf32, #tpu.memory_space<hbm>>
      %dma_start3A_620 = arith.constant 48 : i32
      %dma_start3A_621 = arith.constant 0 : i32
      %dma_start3A_622 = tpu.memref_slice %arg10[%dma_start3A_620, %dma_start3A_621] : memref<128x64xf32, #tpu.memory_space<vmem>> -> memref<8x64xf32, #tpu.memory_space<vmem>>
      %dma_start3A_623 = arith.constant 0 : i32
      %dma_start3A_624 = tpu.memref_slice %arg4[%multiple_of3A_611, %dma_start3A_623] : memref<1000000x64xf32, #tpu.memory_space<hbm>> -> memref<8x64xf32, #tpu.memory_space<hbm>>
      tpu.enqueue_dma source(%dma_start3A_624 : memref<8x64xf32, #tpu.memory_space<hbm>>) target(%dma_start3A_622 : memref<8x64xf32, #tpu.memory_space<vmem>>) target_semaphore(%arg15 : memref<!tpu.dma_semaphore, #tpu.memory_space<semaphore_mem>>)
      %dma_start3A_625 = arith.constant 48 : i32
      %dma_start3A_626 = arith.constant 0 : i32
      %dma_start3A_627 = tpu.memref_slice %arg12[%dma_start3A_625, %dma_start3A_626] : memref<128x64xf32, #tpu.memory_space<vmem>> -> memref<8x64xf32, #tpu.memory_space<vmem>>
      %dma_start3A_628 = arith.constant 0 : i32
      %dma_start3A_629 = tpu.memref_slice %arg5[%multiple_of3A_614, %dma_start3A_628] : memref<1000000x64xf32, #tpu.memory_space<hbm>> -> memref<8x64xf32, #tpu.memory_space<hbm>>
      %dma_start3A_630 = arith.constant 48 : i32
      %dma_start3A_631 = arith.constant 0 : i32
      %dma_start3A_632 = tpu.memref_slice %arg12[%dma_start3A_630, %dma_start3A_631] : memref<128x64xf32, #tpu.memory_space<vmem>> -> memref<8x64xf32, #tpu.memory_space<vmem>>
      %dma_start3A_633 = arith.constant 0 : i32
      %dma_start3A_634 = tpu.memref_slice %arg5[%multiple_of3A_614, %dma_start3A_633] : memref<1000000x64xf32, #tpu.memory_space<hbm>> -> memref<8x64xf32, #tpu.memory_space<hbm>>
      tpu.enqueue_dma source(%dma_start3A_634 : memref<8x64xf32, #tpu.memory_space<hbm>>) target(%dma_start3A_632 : memref<8x64xf32, #tpu.memory_space<vmem>>) target_semaphore(%arg15 : memref<!tpu.dma_semaphore, #tpu.memory_space<semaphore_mem>>)
      %slice3A_635 = vector.extract_strided_slice %and3A_444 {offsets = [7], sizes = [1], strides = [1]} : vector<16xi32> to vector<1xi32>
      %squeeze3A_636 = vector.extract %slice3A_635[0] : i32 from vector<1xi32>
      %multiple_of3A_637 = tpu.assume_multiple %squeeze3A_636, 8 : i32
      %slice3A_638 = vector.extract_strided_slice %and3A_452 {offsets = [7], sizes = [1], strides = [1]} : vector<16xi32> to vector<1xi32>
      %squeeze3A_639 = vector.extract %slice3A_638[0] : i32 from vector<1xi32>
      %multiple_of3A_640 = tpu.assume_multiple %squeeze3A_639, 8 : i32
      %dma_start3A_641 = arith.constant 56 : i32
      %dma_start3A_642 = arith.constant 0 : i32
      %dma_start3A_643 = tpu.memref_slice %arg10[%dma_start3A_641, %dma_start3A_642] : memref<128x64xf32, #tpu.memory_space<vmem>> -> memref<8x64xf32, #tpu.memory_space<vmem>>
      %dma_start3A_644 = arith.constant 0 : i32
      %dma_start3A_645 = tpu.memref_slice %arg4[%multiple_of3A_637, %dma_start3A_644] : memref<1000000x64xf32, #tpu.memory_space<hbm>> -> memref<8x64xf32, #tpu.memory_space<hbm>>
      %dma_start3A_646 = arith.constant 56 : i32
      %dma_start3A_647 = arith.constant 0 : i32
      %dma_start3A_648 = tpu.memref_slice %arg10[%dma_start3A_646, %dma_start3A_647] : memref<128x64xf32, #tpu.memory_space<vmem>> -> memref<8x64xf32, #tpu.memory_space<vmem>>
      %dma_start3A_649 = arith.constant 0 : i32
      %dma_start3A_650 = tpu.memref_slice %arg4[%multiple_of3A_637, %dma_start3A_649] : memref<1000000x64xf32, #tpu.memory_space<hbm>> -> memref<8x64xf32, #tpu.memory_space<hbm>>
      tpu.enqueue_dma source(%dma_start3A_650 : memref<8x64xf32, #tpu.memory_space<hbm>>) target(%dma_start3A_648 : memref<8x64xf32, #tpu.memory_space<vmem>>) target_semaphore(%arg15 : memref<!tpu.dma_semaphore, #tpu.memory_space<semaphore_mem>>)
      %dma_start3A_651 = arith.constant 56 : i32
      %dma_start3A_652 = arith.constant 0 : i32
      %dma_start3A_653 = tpu.memref_slice %arg12[%dma_start3A_651, %dma_start3A_652] : memref<128x64xf32, #tpu.memory_space<vmem>> -> memref<8x64xf32, #tpu.memory_space<vmem>>
      %dma_start3A_654 = arith.constant 0 : i32
      %dma_start3A_655 = tpu.memref_slice %arg5[%multiple_of3A_640, %dma_start3A_654] : memref<1000000x64xf32, #tpu.memory_space<hbm>> -> memref<8x64xf32, #tpu.memory_space<hbm>>
      %dma_start3A_656 = arith.constant 56 : i32
      %dma_start3A_657 = arith.constant 0 : i32
      %dma_start3A_658 = tpu.memref_slice %arg12[%dma_start3A_656, %dma_start3A_657] : memref<128x64xf32, #tpu.memory_space<vmem>> -> memref<8x64xf32, #tpu.memory_space<vmem>>
      %dma_start3A_659 = arith.constant 0 : i32
      %dma_start3A_660 = tpu.memref_slice %arg5[%multiple_of3A_640, %dma_start3A_659] : memref<1000000x64xf32, #tpu.memory_space<hbm>> -> memref<8x64xf32, #tpu.memory_space<hbm>>
      tpu.enqueue_dma source(%dma_start3A_660 : memref<8x64xf32, #tpu.memory_space<hbm>>) target(%dma_start3A_658 : memref<8x64xf32, #tpu.memory_space<vmem>>) target_semaphore(%arg15 : memref<!tpu.dma_semaphore, #tpu.memory_space<semaphore_mem>>)
      %slice3A_661 = vector.extract_strided_slice %and3A_444 {offsets = [8], sizes = [1], strides = [1]} : vector<16xi32> to vector<1xi32>
      %squeeze3A_662 = vector.extract %slice3A_661[0] : i32 from vector<1xi32>
      %multiple_of3A_663 = tpu.assume_multiple %squeeze3A_662, 8 : i32
      %slice3A_664 = vector.extract_strided_slice %and3A_452 {offsets = [8], sizes = [1], strides = [1]} : vector<16xi32> to vector<1xi32>
      %squeeze3A_665 = vector.extract %slice3A_664[0] : i32 from vector<1xi32>
      %multiple_of3A_666 = tpu.assume_multiple %squeeze3A_665, 8 : i32
      %dma_start3A_667 = arith.constant 64 : i32
      %dma_start3A_668 = arith.constant 0 : i32
      %dma_start3A_669 = tpu.memref_slice %arg10[%dma_start3A_667, %dma_start3A_668] : memref<128x64xf32, #tpu.memory_space<vmem>> -> memref<8x64xf32, #tpu.memory_space<vmem>>
      %dma_start3A_670 = arith.constant 0 : i32
      %dma_start3A_671 = tpu.memref_slice %arg4[%multiple_of3A_663, %dma_start3A_670] : memref<1000000x64xf32, #tpu.memory_space<hbm>> -> memref<8x64xf32, #tpu.memory_space<hbm>>
      %dma_start3A_672 = arith.constant 64 : i32
      %dma_start3A_673 = arith.constant 0 : i32
      %dma_start3A_674 = tpu.memref_slice %arg10[%dma_start3A_672, %dma_start3A_673] : memref<128x64xf32, #tpu.memory_space<vmem>> -> memref<8x64xf32, #tpu.memory_space<vmem>>
      %dma_start3A_675 = arith.constant 0 : i32
      %dma_start3A_676 = tpu.memref_slice %arg4[%multiple_of3A_663, %dma_start3A_675] : memref<1000000x64xf32, #tpu.memory_space<hbm>> -> memref<8x64xf32, #tpu.memory_space<hbm>>
      tpu.enqueue_dma source(%dma_start3A_676 : memref<8x64xf32, #tpu.memory_space<hbm>>) target(%dma_start3A_674 : memref<8x64xf32, #tpu.memory_space<vmem>>) target_semaphore(%arg15 : memref<!tpu.dma_semaphore, #tpu.memory_space<semaphore_mem>>)
      %dma_start3A_677 = arith.constant 64 : i32
      %dma_start3A_678 = arith.constant 0 : i32
      %dma_start3A_679 = tpu.memref_slice %arg12[%dma_start3A_677, %dma_start3A_678] : memref<128x64xf32, #tpu.memory_space<vmem>> -> memref<8x64xf32, #tpu.memory_space<vmem>>
      %dma_start3A_680 = arith.constant 0 : i32
      %dma_start3A_681 = tpu.memref_slice %arg5[%multiple_of3A_666, %dma_start3A_680] : memref<1000000x64xf32, #tpu.memory_space<hbm>> -> memref<8x64xf32, #tpu.memory_space<hbm>>
      %dma_start3A_682 = arith.constant 64 : i32
      %dma_start3A_683 = arith.constant 0 : i32
      %dma_start3A_684 = tpu.memref_slice %arg12[%dma_start3A_682, %dma_start3A_683] : memref<128x64xf32, #tpu.memory_space<vmem>> -> memref<8x64xf32, #tpu.memory_space<vmem>>
      %dma_start3A_685 = arith.constant 0 : i32
      %dma_start3A_686 = tpu.memref_slice %arg5[%multiple_of3A_666, %dma_start3A_685] : memref<1000000x64xf32, #tpu.memory_space<hbm>> -> memref<8x64xf32, #tpu.memory_space<hbm>>
      tpu.enqueue_dma source(%dma_start3A_686 : memref<8x64xf32, #tpu.memory_space<hbm>>) target(%dma_start3A_684 : memref<8x64xf32, #tpu.memory_space<vmem>>) target_semaphore(%arg15 : memref<!tpu.dma_semaphore, #tpu.memory_space<semaphore_mem>>)
      %slice3A_687 = vector.extract_strided_slice %and3A_444 {offsets = [9], sizes = [1], strides = [1]} : vector<16xi32> to vector<1xi32>
      %squeeze3A_688 = vector.extract %slice3A_687[0] : i32 from vector<1xi32>
      %multiple_of3A_689 = tpu.assume_multiple %squeeze3A_688, 8 : i32
      %slice3A_690 = vector.extract_strided_slice %and3A_452 {offsets = [9], sizes = [1], strides = [1]} : vector<16xi32> to vector<1xi32>
      %squeeze3A_691 = vector.extract %slice3A_690[0] : i32 from vector<1xi32>
      %multiple_of3A_692 = tpu.assume_multiple %squeeze3A_691, 8 : i32
      %dma_start3A_693 = arith.constant 72 : i32
      %dma_start3A_694 = arith.constant 0 : i32
      %dma_start3A_695 = tpu.memref_slice %arg10[%dma_start3A_693, %dma_start3A_694] : memref<128x64xf32, #tpu.memory_space<vmem>> -> memref<8x64xf32, #tpu.memory_space<vmem>>
      %dma_start3A_696 = arith.constant 0 : i32
      %dma_start3A_697 = tpu.memref_slice %arg4[%multiple_of3A_689, %dma_start3A_696] : memref<1000000x64xf32, #tpu.memory_space<hbm>> -> memref<8x64xf32, #tpu.memory_space<hbm>>
      %dma_start3A_698 = arith.constant 72 : i32
      %dma_start3A_699 = arith.constant 0 : i32
      %dma_start3A_700 = tpu.memref_slice %arg10[%dma_start3A_698, %dma_start3A_699] : memref<128x64xf32, #tpu.memory_space<vmem>> -> memref<8x64xf32, #tpu.memory_space<vmem>>
      %dma_start3A_701 = arith.constant 0 : i32
      %dma_start3A_702 = tpu.memref_slice %arg4[%multiple_of3A_689, %dma_start3A_701] : memref<1000000x64xf32, #tpu.memory_space<hbm>> -> memref<8x64xf32, #tpu.memory_space<hbm>>
      tpu.enqueue_dma source(%dma_start3A_702 : memref<8x64xf32, #tpu.memory_space<hbm>>) target(%dma_start3A_700 : memref<8x64xf32, #tpu.memory_space<vmem>>) target_semaphore(%arg15 : memref<!tpu.dma_semaphore, #tpu.memory_space<semaphore_mem>>)
      %dma_start3A_703 = arith.constant 72 : i32
      %dma_start3A_704 = arith.constant 0 : i32
      %dma_start3A_705 = tpu.memref_slice %arg12[%dma_start3A_703, %dma_start3A_704] : memref<128x64xf32, #tpu.memory_space<vmem>> -> memref<8x64xf32, #tpu.memory_space<vmem>>
      %dma_start3A_706 = arith.constant 0 : i32
      %dma_start3A_707 = tpu.memref_slice %arg5[%multiple_of3A_692, %dma_start3A_706] : memref<1000000x64xf32, #tpu.memory_space<hbm>> -> memref<8x64xf32, #tpu.memory_space<hbm>>
      %dma_start3A_708 = arith.constant 72 : i32
      %dma_start3A_709 = arith.constant 0 : i32
      %dma_start3A_710 = tpu.memref_slice %arg12[%dma_start3A_708, %dma_start3A_709] : memref<128x64xf32, #tpu.memory_space<vmem>> -> memref<8x64xf32, #tpu.memory_space<vmem>>
      %dma_start3A_711 = arith.constant 0 : i32
      %dma_start3A_712 = tpu.memref_slice %arg5[%multiple_of3A_692, %dma_start3A_711] : memref<1000000x64xf32, #tpu.memory_space<hbm>> -> memref<8x64xf32, #tpu.memory_space<hbm>>
      tpu.enqueue_dma source(%dma_start3A_712 : memref<8x64xf32, #tpu.memory_space<hbm>>) target(%dma_start3A_710 : memref<8x64xf32, #tpu.memory_space<vmem>>) target_semaphore(%arg15 : memref<!tpu.dma_semaphore, #tpu.memory_space<semaphore_mem>>)
      %slice3A_713 = vector.extract_strided_slice %and3A_444 {offsets = [10], sizes = [1], strides = [1]} : vector<16xi32> to vector<1xi32>
      %squeeze3A_714 = vector.extract %slice3A_713[0] : i32 from vector<1xi32>
      %multiple_of3A_715 = tpu.assume_multiple %squeeze3A_714, 8 : i32
      %slice3A_716 = vector.extract_strided_slice %and3A_452 {offsets = [10], sizes = [1], strides = [1]} : vector<16xi32> to vector<1xi32>
      %squeeze3A_717 = vector.extract %slice3A_716[0] : i32 from vector<1xi32>
      %multiple_of3A_718 = tpu.assume_multiple %squeeze3A_717, 8 : i32
      %dma_start3A_719 = arith.constant 80 : i32
      %dma_start3A_720 = arith.constant 0 : i32
      %dma_start3A_721 = tpu.memref_slice %arg10[%dma_start3A_719, %dma_start3A_720] : memref<128x64xf32, #tpu.memory_space<vmem>> -> memref<8x64xf32, #tpu.memory_space<vmem>>
      %dma_start3A_722 = arith.constant 0 : i32
      %dma_start3A_723 = tpu.memref_slice %arg4[%multiple_of3A_715, %dma_start3A_722] : memref<1000000x64xf32, #tpu.memory_space<hbm>> -> memref<8x64xf32, #tpu.memory_space<hbm>>
      %dma_start3A_724 = arith.constant 80 : i32
      %dma_start3A_725 = arith.constant 0 : i32
      %dma_start3A_726 = tpu.memref_slice %arg10[%dma_start3A_724, %dma_start3A_725] : memref<128x64xf32, #tpu.memory_space<vmem>> -> memref<8x64xf32, #tpu.memory_space<vmem>>
      %dma_start3A_727 = arith.constant 0 : i32
      %dma_start3A_728 = tpu.memref_slice %arg4[%multiple_of3A_715, %dma_start3A_727] : memref<1000000x64xf32, #tpu.memory_space<hbm>> -> memref<8x64xf32, #tpu.memory_space<hbm>>
      tpu.enqueue_dma source(%dma_start3A_728 : memref<8x64xf32, #tpu.memory_space<hbm>>) target(%dma_start3A_726 : memref<8x64xf32, #tpu.memory_space<vmem>>) target_semaphore(%arg15 : memref<!tpu.dma_semaphore, #tpu.memory_space<semaphore_mem>>)
      %dma_start3A_729 = arith.constant 80 : i32
      %dma_start3A_730 = arith.constant 0 : i32
      %dma_start3A_731 = tpu.memref_slice %arg12[%dma_start3A_729, %dma_start3A_730] : memref<128x64xf32, #tpu.memory_space<vmem>> -> memref<8x64xf32, #tpu.memory_space<vmem>>
      %dma_start3A_732 = arith.constant 0 : i32
      %dma_start3A_733 = tpu.memref_slice %arg5[%multiple_of3A_718, %dma_start3A_732] : memref<1000000x64xf32, #tpu.memory_space<hbm>> -> memref<8x64xf32, #tpu.memory_space<hbm>>
      %dma_start3A_734 = arith.constant 80 : i32
      %dma_start3A_735 = arith.constant 0 : i32
      %dma_start3A_736 = tpu.memref_slice %arg12[%dma_start3A_734, %dma_start3A_735] : memref<128x64xf32, #tpu.memory_space<vmem>> -> memref<8x64xf32, #tpu.memory_space<vmem>>
      %dma_start3A_737 = arith.constant 0 : i32
      %dma_start3A_738 = tpu.memref_slice %arg5[%multiple_of3A_718, %dma_start3A_737] : memref<1000000x64xf32, #tpu.memory_space<hbm>> -> memref<8x64xf32, #tpu.memory_space<hbm>>
      tpu.enqueue_dma source(%dma_start3A_738 : memref<8x64xf32, #tpu.memory_space<hbm>>) target(%dma_start3A_736 : memref<8x64xf32, #tpu.memory_space<vmem>>) target_semaphore(%arg15 : memref<!tpu.dma_semaphore, #tpu.memory_space<semaphore_mem>>)
      %slice3A_739 = vector.extract_strided_slice %and3A_444 {offsets = [11], sizes = [1], strides = [1]} : vector<16xi32> to vector<1xi32>
      %squeeze3A_740 = vector.extract %slice3A_739[0] : i32 from vector<1xi32>
      %multiple_of3A_741 = tpu.assume_multiple %squeeze3A_740, 8 : i32
      %slice3A_742 = vector.extract_strided_slice %and3A_452 {offsets = [11], sizes = [1], strides = [1]} : vector<16xi32> to vector<1xi32>
      %squeeze3A_743 = vector.extract %slice3A_742[0] : i32 from vector<1xi32>
      %multiple_of3A_744 = tpu.assume_multiple %squeeze3A_743, 8 : i32
      %dma_start3A_745 = arith.constant 88 : i32
      %dma_start3A_746 = arith.constant 0 : i32
      %dma_start3A_747 = tpu.memref_slice %arg10[%dma_start3A_745, %dma_start3A_746] : memref<128x64xf32, #tpu.memory_space<vmem>> -> memref<8x64xf32, #tpu.memory_space<vmem>>
      %dma_start3A_748 = arith.constant 0 : i32
      %dma_start3A_749 = tpu.memref_slice %arg4[%multiple_of3A_741, %dma_start3A_748] : memref<1000000x64xf32, #tpu.memory_space<hbm>> -> memref<8x64xf32, #tpu.memory_space<hbm>>
      %dma_start3A_750 = arith.constant 88 : i32
      %dma_start3A_751 = arith.constant 0 : i32
      %dma_start3A_752 = tpu.memref_slice %arg10[%dma_start3A_750, %dma_start3A_751] : memref<128x64xf32, #tpu.memory_space<vmem>> -> memref<8x64xf32, #tpu.memory_space<vmem>>
      %dma_start3A_753 = arith.constant 0 : i32
      %dma_start3A_754 = tpu.memref_slice %arg4[%multiple_of3A_741, %dma_start3A_753] : memref<1000000x64xf32, #tpu.memory_space<hbm>> -> memref<8x64xf32, #tpu.memory_space<hbm>>
      tpu.enqueue_dma source(%dma_start3A_754 : memref<8x64xf32, #tpu.memory_space<hbm>>) target(%dma_start3A_752 : memref<8x64xf32, #tpu.memory_space<vmem>>) target_semaphore(%arg15 : memref<!tpu.dma_semaphore, #tpu.memory_space<semaphore_mem>>)
      %dma_start3A_755 = arith.constant 88 : i32
      %dma_start3A_756 = arith.constant 0 : i32
      %dma_start3A_757 = tpu.memref_slice %arg12[%dma_start3A_755, %dma_start3A_756] : memref<128x64xf32, #tpu.memory_space<vmem>> -> memref<8x64xf32, #tpu.memory_space<vmem>>
      %dma_start3A_758 = arith.constant 0 : i32
      %dma_start3A_759 = tpu.memref_slice %arg5[%multiple_of3A_744, %dma_start3A_758] : memref<1000000x64xf32, #tpu.memory_space<hbm>> -> memref<8x64xf32, #tpu.memory_space<hbm>>
      %dma_start3A_760 = arith.constant 88 : i32
      %dma_start3A_761 = arith.constant 0 : i32
      %dma_start3A_762 = tpu.memref_slice %arg12[%dma_start3A_760, %dma_start3A_761] : memref<128x64xf32, #tpu.memory_space<vmem>> -> memref<8x64xf32, #tpu.memory_space<vmem>>
      %dma_start3A_763 = arith.constant 0 : i32
      %dma_start3A_764 = tpu.memref_slice %arg5[%multiple_of3A_744, %dma_start3A_763] : memref<1000000x64xf32, #tpu.memory_space<hbm>> -> memref<8x64xf32, #tpu.memory_space<hbm>>
      tpu.enqueue_dma source(%dma_start3A_764 : memref<8x64xf32, #tpu.memory_space<hbm>>) target(%dma_start3A_762 : memref<8x64xf32, #tpu.memory_space<vmem>>) target_semaphore(%arg15 : memref<!tpu.dma_semaphore, #tpu.memory_space<semaphore_mem>>)
      %slice3A_765 = vector.extract_strided_slice %and3A_444 {offsets = [12], sizes = [1], strides = [1]} : vector<16xi32> to vector<1xi32>
      %squeeze3A_766 = vector.extract %slice3A_765[0] : i32 from vector<1xi32>
      %multiple_of3A_767 = tpu.assume_multiple %squeeze3A_766, 8 : i32
      %slice3A_768 = vector.extract_strided_slice %and3A_452 {offsets = [12], sizes = [1], strides = [1]} : vector<16xi32> to vector<1xi32>
      %squeeze3A_769 = vector.extract %slice3A_768[0] : i32 from vector<1xi32>
      %multiple_of3A_770 = tpu.assume_multiple %squeeze3A_769, 8 : i32
      %dma_start3A_771 = arith.constant 96 : i32
      %dma_start3A_772 = arith.constant 0 : i32
      %dma_start3A_773 = tpu.memref_slice %arg10[%dma_start3A_771, %dma_start3A_772] : memref<128x64xf32, #tpu.memory_space<vmem>> -> memref<8x64xf32, #tpu.memory_space<vmem>>
      %dma_start3A_774 = arith.constant 0 : i32
      %dma_start3A_775 = tpu.memref_slice %arg4[%multiple_of3A_767, %dma_start3A_774] : memref<1000000x64xf32, #tpu.memory_space<hbm>> -> memref<8x64xf32, #tpu.memory_space<hbm>>
      %dma_start3A_776 = arith.constant 96 : i32
      %dma_start3A_777 = arith.constant 0 : i32
      %dma_start3A_778 = tpu.memref_slice %arg10[%dma_start3A_776, %dma_start3A_777] : memref<128x64xf32, #tpu.memory_space<vmem>> -> memref<8x64xf32, #tpu.memory_space<vmem>>
      %dma_start3A_779 = arith.constant 0 : i32
      %dma_start3A_780 = tpu.memref_slice %arg4[%multiple_of3A_767, %dma_start3A_779] : memref<1000000x64xf32, #tpu.memory_space<hbm>> -> memref<8x64xf32, #tpu.memory_space<hbm>>
      tpu.enqueue_dma source(%dma_start3A_780 : memref<8x64xf32, #tpu.memory_space<hbm>>) target(%dma_start3A_778 : memref<8x64xf32, #tpu.memory_space<vmem>>) target_semaphore(%arg15 : memref<!tpu.dma_semaphore, #tpu.memory_space<semaphore_mem>>)
      %dma_start3A_781 = arith.constant 96 : i32
      %dma_start3A_782 = arith.constant 0 : i32
      %dma_start3A_783 = tpu.memref_slice %arg12[%dma_start3A_781, %dma_start3A_782] : memref<128x64xf32, #tpu.memory_space<vmem>> -> memref<8x64xf32, #tpu.memory_space<vmem>>
      %dma_start3A_784 = arith.constant 0 : i32
      %dma_start3A_785 = tpu.memref_slice %arg5[%multiple_of3A_770, %dma_start3A_784] : memref<1000000x64xf32, #tpu.memory_space<hbm>> -> memref<8x64xf32, #tpu.memory_space<hbm>>
      %dma_start3A_786 = arith.constant 96 : i32
      %dma_start3A_787 = arith.constant 0 : i32
      %dma_start3A_788 = tpu.memref_slice %arg12[%dma_start3A_786, %dma_start3A_787] : memref<128x64xf32, #tpu.memory_space<vmem>> -> memref<8x64xf32, #tpu.memory_space<vmem>>
      %dma_start3A_789 = arith.constant 0 : i32
      %dma_start3A_790 = tpu.memref_slice %arg5[%multiple_of3A_770, %dma_start3A_789] : memref<1000000x64xf32, #tpu.memory_space<hbm>> -> memref<8x64xf32, #tpu.memory_space<hbm>>
      tpu.enqueue_dma source(%dma_start3A_790 : memref<8x64xf32, #tpu.memory_space<hbm>>) target(%dma_start3A_788 : memref<8x64xf32, #tpu.memory_space<vmem>>) target_semaphore(%arg15 : memref<!tpu.dma_semaphore, #tpu.memory_space<semaphore_mem>>)
      %slice3A_791 = vector.extract_strided_slice %and3A_444 {offsets = [13], sizes = [1], strides = [1]} : vector<16xi32> to vector<1xi32>
      %squeeze3A_792 = vector.extract %slice3A_791[0] : i32 from vector<1xi32>
      %multiple_of3A_793 = tpu.assume_multiple %squeeze3A_792, 8 : i32
      %slice3A_794 = vector.extract_strided_slice %and3A_452 {offsets = [13], sizes = [1], strides = [1]} : vector<16xi32> to vector<1xi32>
      %squeeze3A_795 = vector.extract %slice3A_794[0] : i32 from vector<1xi32>
      %multiple_of3A_796 = tpu.assume_multiple %squeeze3A_795, 8 : i32
      %dma_start3A_797 = arith.constant 104 : i32
      %dma_start3A_798 = arith.constant 0 : i32
      %dma_start3A_799 = tpu.memref_slice %arg10[%dma_start3A_797, %dma_start3A_798] : memref<128x64xf32, #tpu.memory_space<vmem>> -> memref<8x64xf32, #tpu.memory_space<vmem>>
      %dma_start3A_800 = arith.constant 0 : i32
      %dma_start3A_801 = tpu.memref_slice %arg4[%multiple_of3A_793, %dma_start3A_800] : memref<1000000x64xf32, #tpu.memory_space<hbm>> -> memref<8x64xf32, #tpu.memory_space<hbm>>
      %dma_start3A_802 = arith.constant 104 : i32
      %dma_start3A_803 = arith.constant 0 : i32
      %dma_start3A_804 = tpu.memref_slice %arg10[%dma_start3A_802, %dma_start3A_803] : memref<128x64xf32, #tpu.memory_space<vmem>> -> memref<8x64xf32, #tpu.memory_space<vmem>>
      %dma_start3A_805 = arith.constant 0 : i32
      %dma_start3A_806 = tpu.memref_slice %arg4[%multiple_of3A_793, %dma_start3A_805] : memref<1000000x64xf32, #tpu.memory_space<hbm>> -> memref<8x64xf32, #tpu.memory_space<hbm>>
      tpu.enqueue_dma source(%dma_start3A_806 : memref<8x64xf32, #tpu.memory_space<hbm>>) target(%dma_start3A_804 : memref<8x64xf32, #tpu.memory_space<vmem>>) target_semaphore(%arg15 : memref<!tpu.dma_semaphore, #tpu.memory_space<semaphore_mem>>)
      %dma_start3A_807 = arith.constant 104 : i32
      %dma_start3A_808 = arith.constant 0 : i32
      %dma_start3A_809 = tpu.memref_slice %arg12[%dma_start3A_807, %dma_start3A_808] : memref<128x64xf32, #tpu.memory_space<vmem>> -> memref<8x64xf32, #tpu.memory_space<vmem>>
      %dma_start3A_810 = arith.constant 0 : i32
      %dma_start3A_811 = tpu.memref_slice %arg5[%multiple_of3A_796, %dma_start3A_810] : memref<1000000x64xf32, #tpu.memory_space<hbm>> -> memref<8x64xf32, #tpu.memory_space<hbm>>
      %dma_start3A_812 = arith.constant 104 : i32
      %dma_start3A_813 = arith.constant 0 : i32
      %dma_start3A_814 = tpu.memref_slice %arg12[%dma_start3A_812, %dma_start3A_813] : memref<128x64xf32, #tpu.memory_space<vmem>> -> memref<8x64xf32, #tpu.memory_space<vmem>>
      %dma_start3A_815 = arith.constant 0 : i32
      %dma_start3A_816 = tpu.memref_slice %arg5[%multiple_of3A_796, %dma_start3A_815] : memref<1000000x64xf32, #tpu.memory_space<hbm>> -> memref<8x64xf32, #tpu.memory_space<hbm>>
      tpu.enqueue_dma source(%dma_start3A_816 : memref<8x64xf32, #tpu.memory_space<hbm>>) target(%dma_start3A_814 : memref<8x64xf32, #tpu.memory_space<vmem>>) target_semaphore(%arg15 : memref<!tpu.dma_semaphore, #tpu.memory_space<semaphore_mem>>)
      %slice3A_817 = vector.extract_strided_slice %and3A_444 {offsets = [14], sizes = [1], strides = [1]} : vector<16xi32> to vector<1xi32>
      %squeeze3A_818 = vector.extract %slice3A_817[0] : i32 from vector<1xi32>
      %multiple_of3A_819 = tpu.assume_multiple %squeeze3A_818, 8 : i32
      %slice3A_820 = vector.extract_strided_slice %and3A_452 {offsets = [14], sizes = [1], strides = [1]} : vector<16xi32> to vector<1xi32>
      %squeeze3A_821 = vector.extract %slice3A_820[0] : i32 from vector<1xi32>
      %multiple_of3A_822 = tpu.assume_multiple %squeeze3A_821, 8 : i32
      %dma_start3A_823 = arith.constant 112 : i32
      %dma_start3A_824 = arith.constant 0 : i32
      %dma_start3A_825 = tpu.memref_slice %arg10[%dma_start3A_823, %dma_start3A_824] : memref<128x64xf32, #tpu.memory_space<vmem>> -> memref<8x64xf32, #tpu.memory_space<vmem>>
      %dma_start3A_826 = arith.constant 0 : i32
      %dma_start3A_827 = tpu.memref_slice %arg4[%multiple_of3A_819, %dma_start3A_826] : memref<1000000x64xf32, #tpu.memory_space<hbm>> -> memref<8x64xf32, #tpu.memory_space<hbm>>
      %dma_start3A_828 = arith.constant 112 : i32
      %dma_start3A_829 = arith.constant 0 : i32
      %dma_start3A_830 = tpu.memref_slice %arg10[%dma_start3A_828, %dma_start3A_829] : memref<128x64xf32, #tpu.memory_space<vmem>> -> memref<8x64xf32, #tpu.memory_space<vmem>>
      %dma_start3A_831 = arith.constant 0 : i32
      %dma_start3A_832 = tpu.memref_slice %arg4[%multiple_of3A_819, %dma_start3A_831] : memref<1000000x64xf32, #tpu.memory_space<hbm>> -> memref<8x64xf32, #tpu.memory_space<hbm>>
      tpu.enqueue_dma source(%dma_start3A_832 : memref<8x64xf32, #tpu.memory_space<hbm>>) target(%dma_start3A_830 : memref<8x64xf32, #tpu.memory_space<vmem>>) target_semaphore(%arg15 : memref<!tpu.dma_semaphore, #tpu.memory_space<semaphore_mem>>)
      %dma_start3A_833 = arith.constant 112 : i32
      %dma_start3A_834 = arith.constant 0 : i32
      %dma_start3A_835 = tpu.memref_slice %arg12[%dma_start3A_833, %dma_start3A_834] : memref<128x64xf32, #tpu.memory_space<vmem>> -> memref<8x64xf32, #tpu.memory_space<vmem>>
      %dma_start3A_836 = arith.constant 0 : i32
      %dma_start3A_837 = tpu.memref_slice %arg5[%multiple_of3A_822, %dma_start3A_836] : memref<1000000x64xf32, #tpu.memory_space<hbm>> -> memref<8x64xf32, #tpu.memory_space<hbm>>
      %dma_start3A_838 = arith.constant 112 : i32
      %dma_start3A_839 = arith.constant 0 : i32
      %dma_start3A_840 = tpu.memref_slice %arg12[%dma_start3A_838, %dma_start3A_839] : memref<128x64xf32, #tpu.memory_space<vmem>> -> memref<8x64xf32, #tpu.memory_space<vmem>>
      %dma_start3A_841 = arith.constant 0 : i32
      %dma_start3A_842 = tpu.memref_slice %arg5[%multiple_of3A_822, %dma_start3A_841] : memref<1000000x64xf32, #tpu.memory_space<hbm>> -> memref<8x64xf32, #tpu.memory_space<hbm>>
      tpu.enqueue_dma source(%dma_start3A_842 : memref<8x64xf32, #tpu.memory_space<hbm>>) target(%dma_start3A_840 : memref<8x64xf32, #tpu.memory_space<vmem>>) target_semaphore(%arg15 : memref<!tpu.dma_semaphore, #tpu.memory_space<semaphore_mem>>)
      %slice3A_843 = vector.extract_strided_slice %and3A_444 {offsets = [15], sizes = [1], strides = [1]} : vector<16xi32> to vector<1xi32>
      %squeeze3A_844 = vector.extract %slice3A_843[0] : i32 from vector<1xi32>
      %multiple_of3A_845 = tpu.assume_multiple %squeeze3A_844, 8 : i32
      %slice3A_846 = vector.extract_strided_slice %and3A_452 {offsets = [15], sizes = [1], strides = [1]} : vector<16xi32> to vector<1xi32>
      %squeeze3A_847 = vector.extract %slice3A_846[0] : i32 from vector<1xi32>
      %multiple_of3A_848 = tpu.assume_multiple %squeeze3A_847, 8 : i32
      %dma_start3A_849 = arith.constant 120 : i32
      %dma_start3A_850 = arith.constant 0 : i32
      %dma_start3A_851 = tpu.memref_slice %arg10[%dma_start3A_849, %dma_start3A_850] : memref<128x64xf32, #tpu.memory_space<vmem>> -> memref<8x64xf32, #tpu.memory_space<vmem>>
      %dma_start3A_852 = arith.constant 0 : i32
      %dma_start3A_853 = tpu.memref_slice %arg4[%multiple_of3A_845, %dma_start3A_852] : memref<1000000x64xf32, #tpu.memory_space<hbm>> -> memref<8x64xf32, #tpu.memory_space<hbm>>
      %dma_start3A_854 = arith.constant 120 : i32
      %dma_start3A_855 = arith.constant 0 : i32
      %dma_start3A_856 = tpu.memref_slice %arg10[%dma_start3A_854, %dma_start3A_855] : memref<128x64xf32, #tpu.memory_space<vmem>> -> memref<8x64xf32, #tpu.memory_space<vmem>>
      %dma_start3A_857 = arith.constant 0 : i32
      %dma_start3A_858 = tpu.memref_slice %arg4[%multiple_of3A_845, %dma_start3A_857] : memref<1000000x64xf32, #tpu.memory_space<hbm>> -> memref<8x64xf32, #tpu.memory_space<hbm>>
      tpu.enqueue_dma source(%dma_start3A_858 : memref<8x64xf32, #tpu.memory_space<hbm>>) target(%dma_start3A_856 : memref<8x64xf32, #tpu.memory_space<vmem>>) target_semaphore(%arg15 : memref<!tpu.dma_semaphore, #tpu.memory_space<semaphore_mem>>)
      %dma_start3A_859 = arith.constant 120 : i32
      %dma_start3A_860 = arith.constant 0 : i32
      %dma_start3A_861 = tpu.memref_slice %arg12[%dma_start3A_859, %dma_start3A_860] : memref<128x64xf32, #tpu.memory_space<vmem>> -> memref<8x64xf32, #tpu.memory_space<vmem>>
      %dma_start3A_862 = arith.constant 0 : i32
      %dma_start3A_863 = tpu.memref_slice %arg5[%multiple_of3A_848, %dma_start3A_862] : memref<1000000x64xf32, #tpu.memory_space<hbm>> -> memref<8x64xf32, #tpu.memory_space<hbm>>
      %dma_start3A_864 = arith.constant 120 : i32
      %dma_start3A_865 = arith.constant 0 : i32
      %dma_start3A_866 = tpu.memref_slice %arg12[%dma_start3A_864, %dma_start3A_865] : memref<128x64xf32, #tpu.memory_space<vmem>> -> memref<8x64xf32, #tpu.memory_space<vmem>>
      %dma_start3A_867 = arith.constant 0 : i32
      %dma_start3A_868 = tpu.memref_slice %arg5[%multiple_of3A_848, %dma_start3A_867] : memref<1000000x64xf32, #tpu.memory_space<hbm>> -> memref<8x64xf32, #tpu.memory_space<hbm>>
      tpu.enqueue_dma source(%dma_start3A_868 : memref<8x64xf32, #tpu.memory_space<hbm>>) target(%dma_start3A_866 : memref<8x64xf32, #tpu.memory_space<vmem>>) target_semaphore(%arg15 : memref<!tpu.dma_semaphore, #tpu.memory_space<semaphore_mem>>)
      %dma_wait3A = arith.constant 0 : i32
      %dma_wait3A_869 = arith.constant 0 : i32
      %dma_wait3A_870 = tpu.memref_slice %arg4[%dma_wait3A, %dma_wait3A_869] : memref<1000000x64xf32, #tpu.memory_space<hbm>> -> memref<128x64xf32, #tpu.memory_space<hbm>>
      %dma_wait3A_871 = arith.constant 0 : i32
      %dma_wait3A_872 = arith.constant 0 : i32
      %dma_wait3A_873 = tpu.memref_slice %arg4[%dma_wait3A_871, %dma_wait3A_872] : memref<1000000x64xf32, #tpu.memory_space<hbm>> -> memref<128x64xf32, #tpu.memory_space<hbm>>
      tpu.wait_dma2 semaphore(%arg14 : memref<!tpu.dma_semaphore, #tpu.memory_space<semaphore_mem>>) src(%dma_wait3A_873 : memref<128x64xf32, #tpu.memory_space<hbm>>) dst(%arg9 : memref<128x64xf32, #tpu.memory_space<vmem>>)
      %dma_wait3A_874 = arith.constant 0 : i32
      %dma_wait3A_875 = arith.constant 0 : i32
      %dma_wait3A_876 = tpu.memref_slice %arg5[%dma_wait3A_874, %dma_wait3A_875] : memref<1000000x64xf32, #tpu.memory_space<hbm>> -> memref<128x64xf32, #tpu.memory_space<hbm>>
      %dma_wait3A_877 = arith.constant 0 : i32
      %dma_wait3A_878 = arith.constant 0 : i32
      %dma_wait3A_879 = tpu.memref_slice %arg5[%dma_wait3A_877, %dma_wait3A_878] : memref<1000000x64xf32, #tpu.memory_space<hbm>> -> memref<128x64xf32, #tpu.memory_space<hbm>>
      tpu.wait_dma2 semaphore(%arg14 : memref<!tpu.dma_semaphore, #tpu.memory_space<semaphore_mem>>) src(%dma_wait3A_879 : memref<128x64xf32, #tpu.memory_space<hbm>>) dst(%arg11 : memref<128x64xf32, #tpu.memory_space<vmem>>)
      %mul3A_880 = arith.constant 16 : i32
      %mul3A_881 = arith.muli %mul3A_434, %mul3A_880 : i32
      %get3A_882 = arith.index_cast %mul3A_881 : i32 to index
      %get3A_883 = tpu.vector_load %arg7[%get3A_882] {strides = array<i32>} : memref<512xi32, #tpu.memory_space<vmem>>, vector<16xi32>,
      %get3A_884 = vector.shape_cast %get3A_883 : vector<16xi32> to vector<16xi32>
      %and3A_885 = arith.constant 7 : i32
      %and3A_886 = vector.broadcast %and3A_885 : i32 to vector<16xi32>
      %and3A_887 = arith.andi %get3A_884, %and3A_886 : vector<16xi32>
      %mul3A_888 = arith.constant 16 : i32
      %mul3A_889 = arith.muli %mul3A_434, %mul3A_888 : i32
      %get3A_890 = arith.index_cast %mul3A_889 : i32 to index
      %get3A_891 = tpu.vector_load %arg8[%get3A_890] {strides = array<i32>} : memref<512xi32, #tpu.memory_space<vmem>>, vector<16xi32>,
      %get3A_892 = vector.shape_cast %get3A_891 : vector<16xi32> to vector<16xi32>
      %and3A_893 = arith.constant 7 : i32
      %and3A_894 = vector.broadcast %and3A_893 : i32 to vector<16xi32>
      %and3A_895 = arith.andi %get3A_892, %and3A_894 : vector<16xi32>
      %broadcast_in_dim3A = arith.constant 0.000000e+00 : f32
      %broadcast_in_dim3A_896 = vector.broadcast %broadcast_in_dim3A : f32 to vector<16xf32>
      %slice3A_897 = vector.extract_strided_slice %and3A_887 {offsets = [0], sizes = [1], strides = [1]} : vector<16xi32> to vector<1xi32>
      %squeeze3A_898 = vector.extract %slice3A_897[0] : i32 from vector<1xi32>
      %add3A_899 = arith.constant 0 : i32
      %add3A_900 = arith.addi %add3A_899, %squeeze3A_898 : i32
      %slice3A_901 = vector.extract_strided_slice %and3A_895 {offsets = [0], sizes = [1], strides = [1]} : vector<16xi32> to vector<1xi32>
      %squeeze3A_902 = vector.extract %slice3A_901[0] : i32 from vector<1xi32>
      %add3A_903 = arith.constant 0 : i32
      %add3A_904 = arith.addi %add3A_903, %squeeze3A_902 : i32
      %get3A_905 = arith.index_cast %add3A_900 : i32 to index
      %get3A_906 = arith.constant 0 : index
      %get3A_907 = tpu.vector_load %arg9[%get3A_905, %get3A_906] {strides = array<i32>} : memref<128x64xf32, #tpu.memory_space<vmem>>, vector<1x16xf32>,
      %get3A_908 = vector.shape_cast %get3A_907 : vector<1x16xf32> to vector<16xf32>
      %get3A_909 = arith.index_cast %add3A_904 : i32 to index
      %get3A_910 = arith.constant 0 : index
      %get3A_911 = tpu.vector_load %arg11[%get3A_909, %get3A_910] {strides = array<i32>} : memref<128x64xf32, #tpu.memory_space<vmem>>, vector<1x16xf32>,
      %get3A_912 = vector.shape_cast %get3A_911 : vector<1x16xf32> to vector<16xf32>
      %mul3A_913 = arith.mulf %get3A_908, %get3A_912 : vector<16xf32>
      %get3A_914 = arith.index_cast %add3A_900 : i32 to index
      %get3A_915 = arith.constant 16 : index
      %get3A_916 = tpu.vector_load %arg9[%get3A_914, %get3A_915] {strides = array<i32>} : memref<128x64xf32, #tpu.memory_space<vmem>>, vector<1x16xf32>,
      %get3A_917 = vector.shape_cast %get3A_916 : vector<1x16xf32> to vector<16xf32>
      %get3A_918 = arith.index_cast %add3A_904 : i32 to index
      %get3A_919 = arith.constant 16 : index
      %get3A_920 = tpu.vector_load %arg11[%get3A_918, %get3A_919] {strides = array<i32>} : memref<128x64xf32, #tpu.memory_space<vmem>>, vector<1x16xf32>,
      %get3A_921 = vector.shape_cast %get3A_920 : vector<1x16xf32> to vector<16xf32>
      %mul3A_922 = arith.mulf %get3A_917, %get3A_921 : vector<16xf32>
      %add3A_923 = arith.addf %mul3A_913, %mul3A_922 : vector<16xf32>
      %get3A_924 = arith.index_cast %add3A_900 : i32 to index
      %get3A_925 = arith.constant 32 : index
      %get3A_926 = tpu.vector_load %arg9[%get3A_924, %get3A_925] {strides = array<i32>} : memref<128x64xf32, #tpu.memory_space<vmem>>, vector<1x16xf32>,
      %get3A_927 = vector.shape_cast %get3A_926 : vector<1x16xf32> to vector<16xf32>
      %get3A_928 = arith.index_cast %add3A_904 : i32 to index
      %get3A_929 = arith.constant 32 : index
      %get3A_930 = tpu.vector_load %arg11[%get3A_928, %get3A_929] {strides = array<i32>} : memref<128x64xf32, #tpu.memory_space<vmem>>, vector<1x16xf32>,
      %get3A_931 = vector.shape_cast %get3A_930 : vector<1x16xf32> to vector<16xf32>
      %mul3A_932 = arith.mulf %get3A_927, %get3A_931 : vector<16xf32>
      %add3A_933 = arith.addf %add3A_923, %mul3A_932 : vector<16xf32>
      %get3A_934 = arith.index_cast %add3A_900 : i32 to index
      %get3A_935 = arith.constant 48 : index
      %get3A_936 = tpu.vector_load %arg9[%get3A_934, %get3A_935] {strides = array<i32>} : memref<128x64xf32, #tpu.memory_space<vmem>>, vector<1x16xf32>,
      %get3A_937 = vector.shape_cast %get3A_936 : vector<1x16xf32> to vector<16xf32>
      %get3A_938 = arith.index_cast %add3A_904 : i32 to index
      %get3A_939 = arith.constant 48 : index
      %get3A_940 = tpu.vector_load %arg11[%get3A_938, %get3A_939] {strides = array<i32>} : memref<128x64xf32, #tpu.memory_space<vmem>>, vector<1x16xf32>,
      %get3A_941 = vector.shape_cast %get3A_940 : vector<1x16xf32> to vector<16xf32>
      %mul3A_942 = arith.mulf %get3A_937, %get3A_941 : vector<16xf32>
      %add3A_943 = arith.addf %add3A_933, %mul3A_942 : vector<16xf32>
      %xor3A = arith.constant 1 : i32
      %xor3A_944 = vector.broadcast %xor3A : i32 to vector<16xi32>
      %xor3A_945 = arith.xori %iota3A, %xor3A_944 : vector<16xi32>
      %lt3A = arith.constant 0 : i32
      %lt3A_946 = vector.broadcast %lt3A : i32 to vector<16xi32>
      %lt3A_947 = arith.cmpi slt, %xor3A_945, %lt3A_946 : vector<16xi32>
      %add3A_948 = arith.constant 16 : i32
      %add3A_949 = vector.broadcast %add3A_948 : i32 to vector<16xi32>
      %add3A_950 = arith.addi %xor3A_945, %add3A_949 : vector<16xi32>
      %select_n3A = arith.select %lt3A_947, %add3A_950, %xor3A_945 : vector<16xi1>, vector<16xi32>
      %broadcast_in_dim3A_951 = vector.shape_cast %select_n3A : vector<16xi32> to vector<16x1xi32>
      %gather3A = vector.shape_cast %broadcast_in_dim3A_951 : vector<16x1xi32> to vector<16xi32>
      %gather3A_952 = tpu.dynamic_gather %add3A_943[%gather3A] in [0] : vector<16xf32>, vector<16xi32> -> vector<16xf32>
      %add3A_953 = arith.addf %add3A_943, %gather3A_952 : vector<16xf32>
      %xor3A_954 = arith.constant 2 : i32
      %xor3A_955 = vector.broadcast %xor3A_954 : i32 to vector<16xi32>
      %xor3A_956 = arith.xori %iota3A, %xor3A_955 : vector<16xi32>
      %lt3A_957 = arith.constant 0 : i32
      %lt3A_958 = vector.broadcast %lt3A_957 : i32 to vector<16xi32>
      %lt3A_959 = arith.cmpi slt, %xor3A_956, %lt3A_958 : vector<16xi32>
      %add3A_960 = arith.constant 16 : i32
      %add3A_961 = vector.broadcast %add3A_960 : i32 to vector<16xi32>
      %add3A_962 = arith.addi %xor3A_956, %add3A_961 : vector<16xi32>
      %select_n3A_963 = arith.select %lt3A_959, %add3A_962, %xor3A_956 : vector<16xi1>, vector<16xi32>
      %broadcast_in_dim3A_964 = vector.shape_cast %select_n3A_963 : vector<16xi32> to vector<16x1xi32>
      %gather3A_965 = vector.shape_cast %broadcast_in_dim3A_964 : vector<16x1xi32> to vector<16xi32>
      %gather3A_966 = tpu.dynamic_gather %add3A_953[%gather3A_965] in [0] : vector<16xf32>, vector<16xi32> -> vector<16xf32>
      %add3A_967 = arith.addf %add3A_953, %gather3A_966 : vector<16xf32>
      %xor3A_968 = arith.constant 4 : i32
      %xor3A_969 = vector.broadcast %xor3A_968 : i32 to vector<16xi32>
      %xor3A_970 = arith.xori %iota3A, %xor3A_969 : vector<16xi32>
      %lt3A_971 = arith.constant 0 : i32
      %lt3A_972 = vector.broadcast %lt3A_971 : i32 to vector<16xi32>
      %lt3A_973 = arith.cmpi slt, %xor3A_970, %lt3A_972 : vector<16xi32>
      %add3A_974 = arith.constant 16 : i32
      %add3A_975 = vector.broadcast %add3A_974 : i32 to vector<16xi32>
      %add3A_976 = arith.addi %xor3A_970, %add3A_975 : vector<16xi32>
      %select_n3A_977 = arith.select %lt3A_973, %add3A_976, %xor3A_970 : vector<16xi1>, vector<16xi32>
      %broadcast_in_dim3A_978 = vector.shape_cast %select_n3A_977 : vector<16xi32> to vector<16x1xi32>
      %gather3A_979 = vector.shape_cast %broadcast_in_dim3A_978 : vector<16x1xi32> to vector<16xi32>
      %gather3A_980 = tpu.dynamic_gather %add3A_967[%gather3A_979] in [0] : vector<16xf32>, vector<16xi32> -> vector<16xf32>
      %add3A_981 = arith.addf %add3A_967, %gather3A_980 : vector<16xf32>
      %xor3A_982 = arith.constant 8 : i32
      %xor3A_983 = vector.broadcast %xor3A_982 : i32 to vector<16xi32>
      %xor3A_984 = arith.xori %iota3A, %xor3A_983 : vector<16xi32>
      %lt3A_985 = arith.constant 0 : i32
      %lt3A_986 = vector.broadcast %lt3A_985 : i32 to vector<16xi32>
      %lt3A_987 = arith.cmpi slt, %xor3A_984, %lt3A_986 : vector<16xi32>
      %add3A_988 = arith.constant 16 : i32
      %add3A_989 = vector.broadcast %add3A_988 : i32 to vector<16xi32>
      %add3A_990 = arith.addi %xor3A_984, %add3A_989 : vector<16xi32>
      %select_n3A_991 = arith.select %lt3A_987, %add3A_990, %xor3A_984 : vector<16xi1>, vector<16xi32>
      %broadcast_in_dim3A_992 = vector.shape_cast %select_n3A_991 : vector<16xi32> to vector<16x1xi32>
      %gather3A_993 = vector.shape_cast %broadcast_in_dim3A_992 : vector<16x1xi32> to vector<16xi32>
      %gather3A_994 = tpu.dynamic_gather %add3A_981[%gather3A_993] in [0] : vector<16xf32>, vector<16xi32> -> vector<16xf32>
      %add3A_995 = arith.addf %add3A_981, %gather3A_994 : vector<16xf32>
      %eq3A = arith.constant 0 : i32
      %eq3A_996 = vector.broadcast %eq3A : i32 to vector<16xi32>
      %eq3A_997 = arith.cmpi eq, %iota3A, %eq3A_996 : vector<16xi32>
      %select_n3A_998 = arith.select %eq3A_997, %add3A_995, %broadcast_in_dim3A_896 : vector<16xi1>, vector<16xf32>
      %slice3A_999 = vector.extract_strided_slice %and3A_887 {offsets = [1], sizes = [1], strides = [1]} : vector<16xi32> to vector<1xi32>
      %squeeze3A_1000 = vector.extract %slice3A_999[0] : i32 from vector<1xi32>
      %add3A_1001 = arith.constant 8 : i32
      %add3A_1002 = arith.addi %add3A_1001, %squeeze3A_1000 : i32
      %slice3A_1003 = vector.extract_strided_slice %and3A_895 {offsets = [1], sizes = [1], strides = [1]} : vector<16xi32> to vector<1xi32>
      %squeeze3A_1004 = vector.extract %slice3A_1003[0] : i32 from vector<1xi32>
      %add3A_1005 = arith.constant 8 : i32
      %add3A_1006 = arith.addi %add3A_1005, %squeeze3A_1004 : i32
      %get3A_1007 = arith.index_cast %add3A_1002 : i32 to index
      %get3A_1008 = arith.constant 0 : index
      %get3A_1009 = tpu.vector_load %arg9[%get3A_1007, %get3A_1008] {strides = array<i32>} : memref<128x64xf32, #tpu.memory_space<vmem>>, vector<1x16xf32>,
      %get3A_1010 = vector.shape_cast %get3A_1009 : vector<1x16xf32> to vector<16xf32>
      %get3A_1011 = arith.index_cast %add3A_1006 : i32 to index
      %get3A_1012 = arith.constant 0 : index
      %get3A_1013 = tpu.vector_load %arg11[%get3A_1011, %get3A_1012] {strides = array<i32>} : memref<128x64xf32, #tpu.memory_space<vmem>>, vector<1x16xf32>,
      %get3A_1014 = vector.shape_cast %get3A_1013 : vector<1x16xf32> to vector<16xf32>
      %mul3A_1015 = arith.mulf %get3A_1010, %get3A_1014 : vector<16xf32>
      %get3A_1016 = arith.index_cast %add3A_1002 : i32 to index
      %get3A_1017 = arith.constant 16 : index
      %get3A_1018 = tpu.vector_load %arg9[%get3A_1016, %get3A_1017] {strides = array<i32>} : memref<128x64xf32, #tpu.memory_space<vmem>>, vector<1x16xf32>,
      %get3A_1019 = vector.shape_cast %get3A_1018 : vector<1x16xf32> to vector<16xf32>
      %get3A_1020 = arith.index_cast %add3A_1006 : i32 to index
      %get3A_1021 = arith.constant 16 : index
      %get3A_1022 = tpu.vector_load %arg11[%get3A_1020, %get3A_1021] {strides = array<i32>} : memref<128x64xf32, #tpu.memory_space<vmem>>, vector<1x16xf32>,
      %get3A_1023 = vector.shape_cast %get3A_1022 : vector<1x16xf32> to vector<16xf32>
      %mul3A_1024 = arith.mulf %get3A_1019, %get3A_1023 : vector<16xf32>
      %add3A_1025 = arith.addf %mul3A_1015, %mul3A_1024 : vector<16xf32>
      %get3A_1026 = arith.index_cast %add3A_1002 : i32 to index
      %get3A_1027 = arith.constant 32 : index
      %get3A_1028 = tpu.vector_load %arg9[%get3A_1026, %get3A_1027] {strides = array<i32>} : memref<128x64xf32, #tpu.memory_space<vmem>>, vector<1x16xf32>,
      %get3A_1029 = vector.shape_cast %get3A_1028 : vector<1x16xf32> to vector<16xf32>
      %get3A_1030 = arith.index_cast %add3A_1006 : i32 to index
      %get3A_1031 = arith.constant 32 : index
      %get3A_1032 = tpu.vector_load %arg11[%get3A_1030, %get3A_1031] {strides = array<i32>} : memref<128x64xf32, #tpu.memory_space<vmem>>, vector<1x16xf32>,
      %get3A_1033 = vector.shape_cast %get3A_1032 : vector<1x16xf32> to vector<16xf32>
      %mul3A_1034 = arith.mulf %get3A_1029, %get3A_1033 : vector<16xf32>
      %add3A_1035 = arith.addf %add3A_1025, %mul3A_1034 : vector<16xf32>
      %get3A_1036 = arith.index_cast %add3A_1002 : i32 to index
      %get3A_1037 = arith.constant 48 : index
      %get3A_1038 = tpu.vector_load %arg9[%get3A_1036, %get3A_1037] {strides = array<i32>} : memref<128x64xf32, #tpu.memory_space<vmem>>, vector<1x16xf32>,
      %get3A_1039 = vector.shape_cast %get3A_1038 : vector<1x16xf32> to vector<16xf32>
      %get3A_1040 = arith.index_cast %add3A_1006 : i32 to index
      %get3A_1041 = arith.constant 48 : index
      %get3A_1042 = tpu.vector_load %arg11[%get3A_1040, %get3A_1041] {strides = array<i32>} : memref<128x64xf32, #tpu.memory_space<vmem>>, vector<1x16xf32>,
      %get3A_1043 = vector.shape_cast %get3A_1042 : vector<1x16xf32> to vector<16xf32>
      %mul3A_1044 = arith.mulf %get3A_1039, %get3A_1043 : vector<16xf32>
      %add3A_1045 = arith.addf %add3A_1035, %mul3A_1044 : vector<16xf32>
      %xor3A_1046 = arith.constant 1 : i32
      %xor3A_1047 = vector.broadcast %xor3A_1046 : i32 to vector<16xi32>
      %xor3A_1048 = arith.xori %iota3A, %xor3A_1047 : vector<16xi32>
      %lt3A_1049 = arith.constant 0 : i32
      %lt3A_1050 = vector.broadcast %lt3A_1049 : i32 to vector<16xi32>
      %lt3A_1051 = arith.cmpi slt, %xor3A_1048, %lt3A_1050 : vector<16xi32>
      %add3A_1052 = arith.constant 16 : i32
      %add3A_1053 = vector.broadcast %add3A_1052 : i32 to vector<16xi32>
      %add3A_1054 = arith.addi %xor3A_1048, %add3A_1053 : vector<16xi32>
      %select_n3A_1055 = arith.select %lt3A_1051, %add3A_1054, %xor3A_1048 : vector<16xi1>, vector<16xi32>
      %broadcast_in_dim3A_1056 = vector.shape_cast %select_n3A_1055 : vector<16xi32> to vector<16x1xi32>
      %gather3A_1057 = vector.shape_cast %broadcast_in_dim3A_1056 : vector<16x1xi32> to vector<16xi32>
      %gather3A_1058 = tpu.dynamic_gather %add3A_1045[%gather3A_1057] in [0] : vector<16xf32>, vector<16xi32> -> vector<16xf32>
      %add3A_1059 = arith.addf %add3A_1045, %gather3A_1058 : vector<16xf32>
      %xor3A_1060 = arith.constant 2 : i32
      %xor3A_1061 = vector.broadcast %xor3A_1060 : i32 to vector<16xi32>
      %xor3A_1062 = arith.xori %iota3A, %xor3A_1061 : vector<16xi32>
      %lt3A_1063 = arith.constant 0 : i32
      %lt3A_1064 = vector.broadcast %lt3A_1063 : i32 to vector<16xi32>
      %lt3A_1065 = arith.cmpi slt, %xor3A_1062, %lt3A_1064 : vector<16xi32>
      %add3A_1066 = arith.constant 16 : i32
      %add3A_1067 = vector.broadcast %add3A_1066 : i32 to vector<16xi32>
      %add3A_1068 = arith.addi %xor3A_1062, %add3A_1067 : vector<16xi32>
      %select_n3A_1069 = arith.select %lt3A_1065, %add3A_1068, %xor3A_1062 : vector<16xi1>, vector<16xi32>
      %broadcast_in_dim3A_1070 = vector.shape_cast %select_n3A_1069 : vector<16xi32> to vector<16x1xi32>
      %gather3A_1071 = vector.shape_cast %broadcast_in_dim3A_1070 : vector<16x1xi32> to vector<16xi32>
      %gather3A_1072 = tpu.dynamic_gather %add3A_1059[%gather3A_1071] in [0] : vector<16xf32>, vector<16xi32> -> vector<16xf32>
      %add3A_1073 = arith.addf %add3A_1059, %gather3A_1072 : vector<16xf32>
      %xor3A_1074 = arith.constant 4 : i32
      %xor3A_1075 = vector.broadcast %xor3A_1074 : i32 to vector<16xi32>
      %xor3A_1076 = arith.xori %iota3A, %xor3A_1075 : vector<16xi32>
      %lt3A_1077 = arith.constant 0 : i32
      %lt3A_1078 = vector.broadcast %lt3A_1077 : i32 to vector<16xi32>
      %lt3A_1079 = arith.cmpi slt, %xor3A_1076, %lt3A_1078 : vector<16xi32>
      %add3A_1080 = arith.constant 16 : i32
      %add3A_1081 = vector.broadcast %add3A_1080 : i32 to vector<16xi32>
      %add3A_1082 = arith.addi %xor3A_1076, %add3A_1081 : vector<16xi32>
      %select_n3A_1083 = arith.select %lt3A_1079, %add3A_1082, %xor3A_1076 : vector<16xi1>, vector<16xi32>
      %broadcast_in_dim3A_1084 = vector.shape_cast %select_n3A_1083 : vector<16xi32> to vector<16x1xi32>
      %gather3A_1085 = vector.shape_cast %broadcast_in_dim3A_1084 : vector<16x1xi32> to vector<16xi32>
      %gather3A_1086 = tpu.dynamic_gather %add3A_1073[%gather3A_1085] in [0] : vector<16xf32>, vector<16xi32> -> vector<16xf32>
      %add3A_1087 = arith.addf %add3A_1073, %gather3A_1086 : vector<16xf32>
      %xor3A_1088 = arith.constant 8 : i32
      %xor3A_1089 = vector.broadcast %xor3A_1088 : i32 to vector<16xi32>
      %xor3A_1090 = arith.xori %iota3A, %xor3A_1089 : vector<16xi32>
      %lt3A_1091 = arith.constant 0 : i32
      %lt3A_1092 = vector.broadcast %lt3A_1091 : i32 to vector<16xi32>
      %lt3A_1093 = arith.cmpi slt, %xor3A_1090, %lt3A_1092 : vector<16xi32>
      %add3A_1094 = arith.constant 16 : i32
      %add3A_1095 = vector.broadcast %add3A_1094 : i32 to vector<16xi32>
      %add3A_1096 = arith.addi %xor3A_1090, %add3A_1095 : vector<16xi32>
      %select_n3A_1097 = arith.select %lt3A_1093, %add3A_1096, %xor3A_1090 : vector<16xi1>, vector<16xi32>
      %broadcast_in_dim3A_1098 = vector.shape_cast %select_n3A_1097 : vector<16xi32> to vector<16x1xi32>
      %gather3A_1099 = vector.shape_cast %broadcast_in_dim3A_1098 : vector<16x1xi32> to vector<16xi32>
      %gather3A_1100 = tpu.dynamic_gather %add3A_1087[%gather3A_1099] in [0] : vector<16xf32>, vector<16xi32> -> vector<16xf32>
      %add3A_1101 = arith.addf %add3A_1087, %gather3A_1100 : vector<16xf32>
      %eq3A_1102 = arith.constant 1 : i32
      %eq3A_1103 = vector.broadcast %eq3A_1102 : i32 to vector<16xi32>
      %eq3A_1104 = arith.cmpi eq, %iota3A, %eq3A_1103 : vector<16xi32>
      %select_n3A_1105 = arith.select %eq3A_1104, %add3A_1101, %select_n3A_998 : vector<16xi1>, vector<16xf32>
      %slice3A_1106 = vector.extract_strided_slice %and3A_887 {offsets = [2], sizes = [1], strides = [1]} : vector<16xi32> to vector<1xi32>
      %squeeze3A_1107 = vector.extract %slice3A_1106[0] : i32 from vector<1xi32>
      %add3A_1108 = arith.constant 16 : i32
      %add3A_1109 = arith.addi %add3A_1108, %squeeze3A_1107 : i32
      %slice3A_1110 = vector.extract_strided_slice %and3A_895 {offsets = [2], sizes = [1], strides = [1]} : vector<16xi32> to vector<1xi32>
      %squeeze3A_1111 = vector.extract %slice3A_1110[0] : i32 from vector<1xi32>
      %add3A_1112 = arith.constant 16 : i32
      %add3A_1113 = arith.addi %add3A_1112, %squeeze3A_1111 : i32
      %get3A_1114 = arith.index_cast %add3A_1109 : i32 to index
      %get3A_1115 = arith.constant 0 : index
      %get3A_1116 = tpu.vector_load %arg9[%get3A_1114, %get3A_1115] {strides = array<i32>} : memref<128x64xf32, #tpu.memory_space<vmem>>, vector<1x16xf32>,
      %get3A_1117 = vector.shape_cast %get3A_1116 : vector<1x16xf32> to vector<16xf32>
      %get3A_1118 = arith.index_cast %add3A_1113 : i32 to index
      %get3A_1119 = arith.constant 0 : index
      %get3A_1120 = tpu.vector_load %arg11[%get3A_1118, %get3A_1119] {strides = array<i32>} : memref<128x64xf32, #tpu.memory_space<vmem>>, vector<1x16xf32>,
      %get3A_1121 = vector.shape_cast %get3A_1120 : vector<1x16xf32> to vector<16xf32>
      %mul3A_1122 = arith.mulf %get3A_1117, %get3A_1121 : vector<16xf32>
      %get3A_1123 = arith.index_cast %add3A_1109 : i32 to index
      %get3A_1124 = arith.constant 16 : index
      %get3A_1125 = tpu.vector_load %arg9[%get3A_1123, %get3A_1124] {strides = array<i32>} : memref<128x64xf32, #tpu.memory_space<vmem>>, vector<1x16xf32>,
      %get3A_1126 = vector.shape_cast %get3A_1125 : vector<1x16xf32> to vector<16xf32>
      %get3A_1127 = arith.index_cast %add3A_1113 : i32 to index
      %get3A_1128 = arith.constant 16 : index
      %get3A_1129 = tpu.vector_load %arg11[%get3A_1127, %get3A_1128] {strides = array<i32>} : memref<128x64xf32, #tpu.memory_space<vmem>>, vector<1x16xf32>,
      %get3A_1130 = vector.shape_cast %get3A_1129 : vector<1x16xf32> to vector<16xf32>
      %mul3A_1131 = arith.mulf %get3A_1126, %get3A_1130 : vector<16xf32>
      %add3A_1132 = arith.addf %mul3A_1122, %mul3A_1131 : vector<16xf32>
      %get3A_1133 = arith.index_cast %add3A_1109 : i32 to index
      %get3A_1134 = arith.constant 32 : index
      %get3A_1135 = tpu.vector_load %arg9[%get3A_1133, %get3A_1134] {strides = array<i32>} : memref<128x64xf32, #tpu.memory_space<vmem>>, vector<1x16xf32>,
      %get3A_1136 = vector.shape_cast %get3A_1135 : vector<1x16xf32> to vector<16xf32>
      %get3A_1137 = arith.index_cast %add3A_1113 : i32 to index
      %get3A_1138 = arith.constant 32 : index
      %get3A_1139 = tpu.vector_load %arg11[%get3A_1137, %get3A_1138] {strides = array<i32>} : memref<128x64xf32, #tpu.memory_space<vmem>>, vector<1x16xf32>,
      %get3A_1140 = vector.shape_cast %get3A_1139 : vector<1x16xf32> to vector<16xf32>
      %mul3A_1141 = arith.mulf %get3A_1136, %get3A_1140 : vector<16xf32>
      %add3A_1142 = arith.addf %add3A_1132, %mul3A_1141 : vector<16xf32>
      %get3A_1143 = arith.index_cast %add3A_1109 : i32 to index
      %get3A_1144 = arith.constant 48 : index
      %get3A_1145 = tpu.vector_load %arg9[%get3A_1143, %get3A_1144] {strides = array<i32>} : memref<128x64xf32, #tpu.memory_space<vmem>>, vector<1x16xf32>,
      %get3A_1146 = vector.shape_cast %get3A_1145 : vector<1x16xf32> to vector<16xf32>
      %get3A_1147 = arith.index_cast %add3A_1113 : i32 to index
      %get3A_1148 = arith.constant 48 : index
      %get3A_1149 = tpu.vector_load %arg11[%get3A_1147, %get3A_1148] {strides = array<i32>} : memref<128x64xf32, #tpu.memory_space<vmem>>, vector<1x16xf32>,
      %get3A_1150 = vector.shape_cast %get3A_1149 : vector<1x16xf32> to vector<16xf32>
      %mul3A_1151 = arith.mulf %get3A_1146, %get3A_1150 : vector<16xf32>
      %add3A_1152 = arith.addf %add3A_1142, %mul3A_1151 : vector<16xf32>
      %xor3A_1153 = arith.constant 1 : i32
      %xor3A_1154 = vector.broadcast %xor3A_1153 : i32 to vector<16xi32>
      %xor3A_1155 = arith.xori %iota3A, %xor3A_1154 : vector<16xi32>
      %lt3A_1156 = arith.constant 0 : i32
      %lt3A_1157 = vector.broadcast %lt3A_1156 : i32 to vector<16xi32>
      %lt3A_1158 = arith.cmpi slt, %xor3A_1155, %lt3A_1157 : vector<16xi32>
      %add3A_1159 = arith.constant 16 : i32
      %add3A_1160 = vector.broadcast %add3A_1159 : i32 to vector<16xi32>
      %add3A_1161 = arith.addi %xor3A_1155, %add3A_1160 : vector<16xi32>
      %select_n3A_1162 = arith.select %lt3A_1158, %add3A_1161, %xor3A_1155 : vector<16xi1>, vector<16xi32>
      %broadcast_in_dim3A_1163 = vector.shape_cast %select_n3A_1162 : vector<16xi32> to vector<16x1xi32>
      %gather3A_1164 = vector.shape_cast %broadcast_in_dim3A_1163 : vector<16x1xi32> to vector<16xi32>
      %gather3A_1165 = tpu.dynamic_gather %add3A_1152[%gather3A_1164] in [0] : vector<16xf32>, vector<16xi32> -> vector<16xf32>
      %add3A_1166 = arith.addf %add3A_1152, %gather3A_1165 : vector<16xf32>
      %xor3A_1167 = arith.constant 2 : i32
      %xor3A_1168 = vector.broadcast %xor3A_1167 : i32 to vector<16xi32>
      %xor3A_1169 = arith.xori %iota3A, %xor3A_1168 : vector<16xi32>
      %lt3A_1170 = arith.constant 0 : i32
      %lt3A_1171 = vector.broadcast %lt3A_1170 : i32 to vector<16xi32>
      %lt3A_1172 = arith.cmpi slt, %xor3A_1169, %lt3A_1171 : vector<16xi32>
      %add3A_1173 = arith.constant 16 : i32
      %add3A_1174 = vector.broadcast %add3A_1173 : i32 to vector<16xi32>
      %add3A_1175 = arith.addi %xor3A_1169, %add3A_1174 : vector<16xi32>
      %select_n3A_1176 = arith.select %lt3A_1172, %add3A_1175, %xor3A_1169 : vector<16xi1>, vector<16xi32>
      %broadcast_in_dim3A_1177 = vector.shape_cast %select_n3A_1176 : vector<16xi32> to vector<16x1xi32>
      %gather3A_1178 = vector.shape_cast %broadcast_in_dim3A_1177 : vector<16x1xi32> to vector<16xi32>
      %gather3A_1179 = tpu.dynamic_gather %add3A_1166[%gather3A_1178] in [0] : vector<16xf32>, vector<16xi32> -> vector<16xf32>
      %add3A_1180 = arith.addf %add3A_1166, %gather3A_1179 : vector<16xf32>
      %xor3A_1181 = arith.constant 4 : i32
      %xor3A_1182 = vector.broadcast %xor3A_1181 : i32 to vector<16xi32>
      %xor3A_1183 = arith.xori %iota3A, %xor3A_1182 : vector<16xi32>
      %lt3A_1184 = arith.constant 0 : i32
      %lt3A_1185 = vector.broadcast %lt3A_1184 : i32 to vector<16xi32>
      %lt3A_1186 = arith.cmpi slt, %xor3A_1183, %lt3A_1185 : vector<16xi32>
      %add3A_1187 = arith.constant 16 : i32
      %add3A_1188 = vector.broadcast %add3A_1187 : i32 to vector<16xi32>
      %add3A_1189 = arith.addi %xor3A_1183, %add3A_1188 : vector<16xi32>
      %select_n3A_1190 = arith.select %lt3A_1186, %add3A_1189, %xor3A_1183 : vector<16xi1>, vector<16xi32>
      %broadcast_in_dim3A_1191 = vector.shape_cast %select_n3A_1190 : vector<16xi32> to vector<16x1xi32>
      %gather3A_1192 = vector.shape_cast %broadcast_in_dim3A_1191 : vector<16x1xi32> to vector<16xi32>
      %gather3A_1193 = tpu.dynamic_gather %add3A_1180[%gather3A_1192] in [0] : vector<16xf32>, vector<16xi32> -> vector<16xf32>
      %add3A_1194 = arith.addf %add3A_1180, %gather3A_1193 : vector<16xf32>
      %xor3A_1195 = arith.constant 8 : i32
      %xor3A_1196 = vector.broadcast %xor3A_1195 : i32 to vector<16xi32>
      %xor3A_1197 = arith.xori %iota3A, %xor3A_1196 : vector<16xi32>
      %lt3A_1198 = arith.constant 0 : i32
      %lt3A_1199 = vector.broadcast %lt3A_1198 : i32 to vector<16xi32>
      %lt3A_1200 = arith.cmpi slt, %xor3A_1197, %lt3A_1199 : vector<16xi32>
      %add3A_1201 = arith.constant 16 : i32
      %add3A_1202 = vector.broadcast %add3A_1201 : i32 to vector<16xi32>
      %add3A_1203 = arith.addi %xor3A_1197, %add3A_1202 : vector<16xi32>
      %select_n3A_1204 = arith.select %lt3A_1200, %add3A_1203, %xor3A_1197 : vector<16xi1>, vector<16xi32>
      %broadcast_in_dim3A_1205 = vector.shape_cast %select_n3A_1204 : vector<16xi32> to vector<16x1xi32>
      %gather3A_1206 = vector.shape_cast %broadcast_in_dim3A_1205 : vector<16x1xi32> to vector<16xi32>
      %gather3A_1207 = tpu.dynamic_gather %add3A_1194[%gather3A_1206] in [0] : vector<16xf32>, vector<16xi32> -> vector<16xf32>
      %add3A_1208 = arith.addf %add3A_1194, %gather3A_1207 : vector<16xf32>
      %eq3A_1209 = arith.constant 2 : i32
      %eq3A_1210 = vector.broadcast %eq3A_1209 : i32 to vector<16xi32>
      %eq3A_1211 = arith.cmpi eq, %iota3A, %eq3A_1210 : vector<16xi32>
      %select_n3A_1212 = arith.select %eq3A_1211, %add3A_1208, %select_n3A_1105 : vector<16xi1>, vector<16xf32>
      %slice3A_1213 = vector.extract_strided_slice %and3A_887 {offsets = [3], sizes = [1], strides = [1]} : vector<16xi32> to vector<1xi32>
      %squeeze3A_1214 = vector.extract %slice3A_1213[0] : i32 from vector<1xi32>
      %add3A_1215 = arith.constant 24 : i32
      %add3A_1216 = arith.addi %add3A_1215, %squeeze3A_1214 : i32
      %slice3A_1217 = vector.extract_strided_slice %and3A_895 {offsets = [3], sizes = [1], strides = [1]} : vector<16xi32> to vector<1xi32>
      %squeeze3A_1218 = vector.extract %slice3A_1217[0] : i32 from vector<1xi32>
      %add3A_1219 = arith.constant 24 : i32
      %add3A_1220 = arith.addi %add3A_1219, %squeeze3A_1218 : i32
      %get3A_1221 = arith.index_cast %add3A_1216 : i32 to index
      %get3A_1222 = arith.constant 0 : index
      %get3A_1223 = tpu.vector_load %arg9[%get3A_1221, %get3A_1222] {strides = array<i32>} : memref<128x64xf32, #tpu.memory_space<vmem>>, vector<1x16xf32>,
      %get3A_1224 = vector.shape_cast %get3A_1223 : vector<1x16xf32> to vector<16xf32>
      %get3A_1225 = arith.index_cast %add3A_1220 : i32 to index
      %get3A_1226 = arith.constant 0 : index
      %get3A_1227 = tpu.vector_load %arg11[%get3A_1225, %get3A_1226] {strides = array<i32>} : memref<128x64xf32, #tpu.memory_space<vmem>>, vector<1x16xf32>,
      %get3A_1228 = vector.shape_cast %get3A_1227 : vector<1x16xf32> to vector<16xf32>
      %mul3A_1229 = arith.mulf %get3A_1224, %get3A_1228 : vector<16xf32>
      %get3A_1230 = arith.index_cast %add3A_1216 : i32 to index
      %get3A_1231 = arith.constant 16 : index
      %get3A_1232 = tpu.vector_load %arg9[%get3A_1230, %get3A_1231] {strides = array<i32>} : memref<128x64xf32, #tpu.memory_space<vmem>>, vector<1x16xf32>,
      %get3A_1233 = vector.shape_cast %get3A_1232 : vector<1x16xf32> to vector<16xf32>
      %get3A_1234 = arith.index_cast %add3A_1220 : i32 to index
      %get3A_1235 = arith.constant 16 : index
      %get3A_1236 = tpu.vector_load %arg11[%get3A_1234, %get3A_1235] {strides = array<i32>} : memref<128x64xf32, #tpu.memory_space<vmem>>, vector<1x16xf32>,
      %get3A_1237 = vector.shape_cast %get3A_1236 : vector<1x16xf32> to vector<16xf32>
      %mul3A_1238 = arith.mulf %get3A_1233, %get3A_1237 : vector<16xf32>
      %add3A_1239 = arith.addf %mul3A_1229, %mul3A_1238 : vector<16xf32>
      %get3A_1240 = arith.index_cast %add3A_1216 : i32 to index
      %get3A_1241 = arith.constant 32 : index
      %get3A_1242 = tpu.vector_load %arg9[%get3A_1240, %get3A_1241] {strides = array<i32>} : memref<128x64xf32, #tpu.memory_space<vmem>>, vector<1x16xf32>,
      %get3A_1243 = vector.shape_cast %get3A_1242 : vector<1x16xf32> to vector<16xf32>
      %get3A_1244 = arith.index_cast %add3A_1220 : i32 to index
      %get3A_1245 = arith.constant 32 : index
      %get3A_1246 = tpu.vector_load %arg11[%get3A_1244, %get3A_1245] {strides = array<i32>} : memref<128x64xf32, #tpu.memory_space<vmem>>, vector<1x16xf32>,
      %get3A_1247 = vector.shape_cast %get3A_1246 : vector<1x16xf32> to vector<16xf32>
      %mul3A_1248 = arith.mulf %get3A_1243, %get3A_1247 : vector<16xf32>
      %add3A_1249 = arith.addf %add3A_1239, %mul3A_1248 : vector<16xf32>
      %get3A_1250 = arith.index_cast %add3A_1216 : i32 to index
      %get3A_1251 = arith.constant 48 : index
      %get3A_1252 = tpu.vector_load %arg9[%get3A_1250, %get3A_1251] {strides = array<i32>} : memref<128x64xf32, #tpu.memory_space<vmem>>, vector<1x16xf32>,
      %get3A_1253 = vector.shape_cast %get3A_1252 : vector<1x16xf32> to vector<16xf32>
      %get3A_1254 = arith.index_cast %add3A_1220 : i32 to index
      %get3A_1255 = arith.constant 48 : index
      %get3A_1256 = tpu.vector_load %arg11[%get3A_1254, %get3A_1255] {strides = array<i32>} : memref<128x64xf32, #tpu.memory_space<vmem>>, vector<1x16xf32>,
      %get3A_1257 = vector.shape_cast %get3A_1256 : vector<1x16xf32> to vector<16xf32>
      %mul3A_1258 = arith.mulf %get3A_1253, %get3A_1257 : vector<16xf32>
      %add3A_1259 = arith.addf %add3A_1249, %mul3A_1258 : vector<16xf32>
      %xor3A_1260 = arith.constant 1 : i32
      %xor3A_1261 = vector.broadcast %xor3A_1260 : i32 to vector<16xi32>
      %xor3A_1262 = arith.xori %iota3A, %xor3A_1261 : vector<16xi32>
      %lt3A_1263 = arith.constant 0 : i32
      %lt3A_1264 = vector.broadcast %lt3A_1263 : i32 to vector<16xi32>
      %lt3A_1265 = arith.cmpi slt, %xor3A_1262, %lt3A_1264 : vector<16xi32>
      %add3A_1266 = arith.constant 16 : i32
      %add3A_1267 = vector.broadcast %add3A_1266 : i32 to vector<16xi32>
      %add3A_1268 = arith.addi %xor3A_1262, %add3A_1267 : vector<16xi32>
      %select_n3A_1269 = arith.select %lt3A_1265, %add3A_1268, %xor3A_1262 : vector<16xi1>, vector<16xi32>
      %broadcast_in_dim3A_1270 = vector.shape_cast %select_n3A_1269 : vector<16xi32> to vector<16x1xi32>
      %gather3A_1271 = vector.shape_cast %broadcast_in_dim3A_1270 : vector<16x1xi32> to vector<16xi32>
      %gather3A_1272 = tpu.dynamic_gather %add3A_1259[%gather3A_1271] in [0] : vector<16xf32>, vector<16xi32> -> vector<16xf32>
      %add3A_1273 = arith.addf %add3A_1259, %gather3A_1272 : vector<16xf32>
      %xor3A_1274 = arith.constant 2 : i32
      %xor3A_1275 = vector.broadcast %xor3A_1274 : i32 to vector<16xi32>
      %xor3A_1276 = arith.xori %iota3A, %xor3A_1275 : vector<16xi32>
      %lt3A_1277 = arith.constant 0 : i32
      %lt3A_1278 = vector.broadcast %lt3A_1277 : i32 to vector<16xi32>
      %lt3A_1279 = arith.cmpi slt, %xor3A_1276, %lt3A_1278 : vector<16xi32>
      %add3A_1280 = arith.constant 16 : i32
      %add3A_1281 = vector.broadcast %add3A_1280 : i32 to vector<16xi32>
      %add3A_1282 = arith.addi %xor3A_1276, %add3A_1281 : vector<16xi32>
      %select_n3A_1283 = arith.select %lt3A_1279, %add3A_1282, %xor3A_1276 : vector<16xi1>, vector<16xi32>
      %broadcast_in_dim3A_1284 = vector.shape_cast %select_n3A_1283 : vector<16xi32> to vector<16x1xi32>
      %gather3A_1285 = vector.shape_cast %broadcast_in_dim3A_1284 : vector<16x1xi32> to vector<16xi32>
      %gather3A_1286 = tpu.dynamic_gather %add3A_1273[%gather3A_1285] in [0] : vector<16xf32>, vector<16xi32> -> vector<16xf32>
      %add3A_1287 = arith.addf %add3A_1273, %gather3A_1286 : vector<16xf32>
      %xor3A_1288 = arith.constant 4 : i32
      %xor3A_1289 = vector.broadcast %xor3A_1288 : i32 to vector<16xi32>
      %xor3A_1290 = arith.xori %iota3A, %xor3A_1289 : vector<16xi32>
      %lt3A_1291 = arith.constant 0 : i32
      %lt3A_1292 = vector.broadcast %lt3A_1291 : i32 to vector<16xi32>
      %lt3A_1293 = arith.cmpi slt, %xor3A_1290, %lt3A_1292 : vector<16xi32>
      %add3A_1294 = arith.constant 16 : i32
      %add3A_1295 = vector.broadcast %add3A_1294 : i32 to vector<16xi32>
      %add3A_1296 = arith.addi %xor3A_1290, %add3A_1295 : vector<16xi32>
      %select_n3A_1297 = arith.select %lt3A_1293, %add3A_1296, %xor3A_1290 : vector<16xi1>, vector<16xi32>
      %broadcast_in_dim3A_1298 = vector.shape_cast %select_n3A_1297 : vector<16xi32> to vector<16x1xi32>
      %gather3A_1299 = vector.shape_cast %broadcast_in_dim3A_1298 : vector<16x1xi32> to vector<16xi32>
      %gather3A_1300 = tpu.dynamic_gather %add3A_1287[%gather3A_1299] in [0] : vector<16xf32>, vector<16xi32> -> vector<16xf32>
      %add3A_1301 = arith.addf %add3A_1287, %gather3A_1300 : vector<16xf32>
      %xor3A_1302 = arith.constant 8 : i32
      %xor3A_1303 = vector.broadcast %xor3A_1302 : i32 to vector<16xi32>
      %xor3A_1304 = arith.xori %iota3A, %xor3A_1303 : vector<16xi32>
      %lt3A_1305 = arith.constant 0 : i32
      %lt3A_1306 = vector.broadcast %lt3A_1305 : i32 to vector<16xi32>
      %lt3A_1307 = arith.cmpi slt, %xor3A_1304, %lt3A_1306 : vector<16xi32>
      %add3A_1308 = arith.constant 16 : i32
      %add3A_1309 = vector.broadcast %add3A_1308 : i32 to vector<16xi32>
      %add3A_1310 = arith.addi %xor3A_1304, %add3A_1309 : vector<16xi32>
      %select_n3A_1311 = arith.select %lt3A_1307, %add3A_1310, %xor3A_1304 : vector<16xi1>, vector<16xi32>
      %broadcast_in_dim3A_1312 = vector.shape_cast %select_n3A_1311 : vector<16xi32> to vector<16x1xi32>
      %gather3A_1313 = vector.shape_cast %broadcast_in_dim3A_1312 : vector<16x1xi32> to vector<16xi32>
      %gather3A_1314 = tpu.dynamic_gather %add3A_1301[%gather3A_1313] in [0] : vector<16xf32>, vector<16xi32> -> vector<16xf32>
      %add3A_1315 = arith.addf %add3A_1301, %gather3A_1314 : vector<16xf32>
      %eq3A_1316 = arith.constant 3 : i32
      %eq3A_1317 = vector.broadcast %eq3A_1316 : i32 to vector<16xi32>
      %eq3A_1318 = arith.cmpi eq, %iota3A, %eq3A_1317 : vector<16xi32>
      %select_n3A_1319 = arith.select %eq3A_1318, %add3A_1315, %select_n3A_1212 : vector<16xi1>, vector<16xf32>
      %slice3A_1320 = vector.extract_strided_slice %and3A_887 {offsets = [4], sizes = [1], strides = [1]} : vector<16xi32> to vector<1xi32>
      %squeeze3A_1321 = vector.extract %slice3A_1320[0] : i32 from vector<1xi32>
      %add3A_1322 = arith.constant 32 : i32
      %add3A_1323 = arith.addi %add3A_1322, %squeeze3A_1321 : i32
      %slice3A_1324 = vector.extract_strided_slice %and3A_895 {offsets = [4], sizes = [1], strides = [1]} : vector<16xi32> to vector<1xi32>
      %squeeze3A_1325 = vector.extract %slice3A_1324[0] : i32 from vector<1xi32>
      %add3A_1326 = arith.constant 32 : i32
      %add3A_1327 = arith.addi %add3A_1326, %squeeze3A_1325 : i32
      %get3A_1328 = arith.index_cast %add3A_1323 : i32 to index
      %get3A_1329 = arith.constant 0 : index
      %get3A_1330 = tpu.vector_load %arg9[%get3A_1328, %get3A_1329] {strides = array<i32>} : memref<128x64xf32, #tpu.memory_space<vmem>>, vector<1x16xf32>,
      %get3A_1331 = vector.shape_cast %get3A_1330 : vector<1x16xf32> to vector<16xf32>
      %get3A_1332 = arith.index_cast %add3A_1327 : i32 to index
      %get3A_1333 = arith.constant 0 : index
      %get3A_1334 = tpu.vector_load %arg11[%get3A_1332, %get3A_1333] {strides = array<i32>} : memref<128x64xf32, #tpu.memory_space<vmem>>, vector<1x16xf32>,
      %get3A_1335 = vector.shape_cast %get3A_1334 : vector<1x16xf32> to vector<16xf32>
      %mul3A_1336 = arith.mulf %get3A_1331, %get3A_1335 : vector<16xf32>
      %get3A_1337 = arith.index_cast %add3A_1323 : i32 to index
      %get3A_1338 = arith.constant 16 : index
      %get3A_1339 = tpu.vector_load %arg9[%get3A_1337, %get3A_1338] {strides = array<i32>} : memref<128x64xf32, #tpu.memory_space<vmem>>, vector<1x16xf32>,
      %get3A_1340 = vector.shape_cast %get3A_1339 : vector<1x16xf32> to vector<16xf32>
      %get3A_1341 = arith.index_cast %add3A_1327 : i32 to index
      %get3A_1342 = arith.constant 16 : index
      %get3A_1343 = tpu.vector_load %arg11[%get3A_1341, %get3A_1342] {strides = array<i32>} : memref<128x64xf32, #tpu.memory_space<vmem>>, vector<1x16xf32>,
      %get3A_1344 = vector.shape_cast %get3A_1343 : vector<1x16xf32> to vector<16xf32>
      %mul3A_1345 = arith.mulf %get3A_1340, %get3A_1344 : vector<16xf32>
      %add3A_1346 = arith.addf %mul3A_1336, %mul3A_1345 : vector<16xf32>
      %get3A_1347 = arith.index_cast %add3A_1323 : i32 to index
      %get3A_1348 = arith.constant 32 : index
      %get3A_1349 = tpu.vector_load %arg9[%get3A_1347, %get3A_1348] {strides = array<i32>} : memref<128x64xf32, #tpu.memory_space<vmem>>, vector<1x16xf32>,
      %get3A_1350 = vector.shape_cast %get3A_1349 : vector<1x16xf32> to vector<16xf32>
      %get3A_1351 = arith.index_cast %add3A_1327 : i32 to index
      %get3A_1352 = arith.constant 32 : index
      %get3A_1353 = tpu.vector_load %arg11[%get3A_1351, %get3A_1352] {strides = array<i32>} : memref<128x64xf32, #tpu.memory_space<vmem>>, vector<1x16xf32>,
      %get3A_1354 = vector.shape_cast %get3A_1353 : vector<1x16xf32> to vector<16xf32>
      %mul3A_1355 = arith.mulf %get3A_1350, %get3A_1354 : vector<16xf32>
      %add3A_1356 = arith.addf %add3A_1346, %mul3A_1355 : vector<16xf32>
      %get3A_1357 = arith.index_cast %add3A_1323 : i32 to index
      %get3A_1358 = arith.constant 48 : index
      %get3A_1359 = tpu.vector_load %arg9[%get3A_1357, %get3A_1358] {strides = array<i32>} : memref<128x64xf32, #tpu.memory_space<vmem>>, vector<1x16xf32>,
      %get3A_1360 = vector.shape_cast %get3A_1359 : vector<1x16xf32> to vector<16xf32>
      %get3A_1361 = arith.index_cast %add3A_1327 : i32 to index
      %get3A_1362 = arith.constant 48 : index
      %get3A_1363 = tpu.vector_load %arg11[%get3A_1361, %get3A_1362] {strides = array<i32>} : memref<128x64xf32, #tpu.memory_space<vmem>>, vector<1x16xf32>,
      %get3A_1364 = vector.shape_cast %get3A_1363 : vector<1x16xf32> to vector<16xf32>
      %mul3A_1365 = arith.mulf %get3A_1360, %get3A_1364 : vector<16xf32>
      %add3A_1366 = arith.addf %add3A_1356, %mul3A_1365 : vector<16xf32>
      %xor3A_1367 = arith.constant 1 : i32
      %xor3A_1368 = vector.broadcast %xor3A_1367 : i32 to vector<16xi32>
      %xor3A_1369 = arith.xori %iota3A, %xor3A_1368 : vector<16xi32>
      %lt3A_1370 = arith.constant 0 : i32
      %lt3A_1371 = vector.broadcast %lt3A_1370 : i32 to vector<16xi32>
      %lt3A_1372 = arith.cmpi slt, %xor3A_1369, %lt3A_1371 : vector<16xi32>
      %add3A_1373 = arith.constant 16 : i32
      %add3A_1374 = vector.broadcast %add3A_1373 : i32 to vector<16xi32>
      %add3A_1375 = arith.addi %xor3A_1369, %add3A_1374 : vector<16xi32>
      %select_n3A_1376 = arith.select %lt3A_1372, %add3A_1375, %xor3A_1369 : vector<16xi1>, vector<16xi32>
      %broadcast_in_dim3A_1377 = vector.shape_cast %select_n3A_1376 : vector<16xi32> to vector<16x1xi32>
      %gather3A_1378 = vector.shape_cast %broadcast_in_dim3A_1377 : vector<16x1xi32> to vector<16xi32>
      %gather3A_1379 = tpu.dynamic_gather %add3A_1366[%gather3A_1378] in [0] : vector<16xf32>, vector<16xi32> -> vector<16xf32>
      %add3A_1380 = arith.addf %add3A_1366, %gather3A_1379 : vector<16xf32>
      %xor3A_1381 = arith.constant 2 : i32
      %xor3A_1382 = vector.broadcast %xor3A_1381 : i32 to vector<16xi32>
      %xor3A_1383 = arith.xori %iota3A, %xor3A_1382 : vector<16xi32>
      %lt3A_1384 = arith.constant 0 : i32
      %lt3A_1385 = vector.broadcast %lt3A_1384 : i32 to vector<16xi32>
      %lt3A_1386 = arith.cmpi slt, %xor3A_1383, %lt3A_1385 : vector<16xi32>
      %add3A_1387 = arith.constant 16 : i32
      %add3A_1388 = vector.broadcast %add3A_1387 : i32 to vector<16xi32>
      %add3A_1389 = arith.addi %xor3A_1383, %add3A_1388 : vector<16xi32>
      %select_n3A_1390 = arith.select %lt3A_1386, %add3A_1389, %xor3A_1383 : vector<16xi1>, vector<16xi32>
      %broadcast_in_dim3A_1391 = vector.shape_cast %select_n3A_1390 : vector<16xi32> to vector<16x1xi32>
      %gather3A_1392 = vector.shape_cast %broadcast_in_dim3A_1391 : vector<16x1xi32> to vector<16xi32>
      %gather3A_1393 = tpu.dynamic_gather %add3A_1380[%gather3A_1392] in [0] : vector<16xf32>, vector<16xi32> -> vector<16xf32>
      %add3A_1394 = arith.addf %add3A_1380, %gather3A_1393 : vector<16xf32>
      %xor3A_1395 = arith.constant 4 : i32
      %xor3A_1396 = vector.broadcast %xor3A_1395 : i32 to vector<16xi32>
      %xor3A_1397 = arith.xori %iota3A, %xor3A_1396 : vector<16xi32>
      %lt3A_1398 = arith.constant 0 : i32
      %lt3A_1399 = vector.broadcast %lt3A_1398 : i32 to vector<16xi32>
      %lt3A_1400 = arith.cmpi slt, %xor3A_1397, %lt3A_1399 : vector<16xi32>
      %add3A_1401 = arith.constant 16 : i32
      %add3A_1402 = vector.broadcast %add3A_1401 : i32 to vector<16xi32>
      %add3A_1403 = arith.addi %xor3A_1397, %add3A_1402 : vector<16xi32>
      %select_n3A_1404 = arith.select %lt3A_1400, %add3A_1403, %xor3A_1397 : vector<16xi1>, vector<16xi32>
      %broadcast_in_dim3A_1405 = vector.shape_cast %select_n3A_1404 : vector<16xi32> to vector<16x1xi32>
      %gather3A_1406 = vector.shape_cast %broadcast_in_dim3A_1405 : vector<16x1xi32> to vector<16xi32>
      %gather3A_1407 = tpu.dynamic_gather %add3A_1394[%gather3A_1406] in [0] : vector<16xf32>, vector<16xi32> -> vector<16xf32>
      %add3A_1408 = arith.addf %add3A_1394, %gather3A_1407 : vector<16xf32>
      %xor3A_1409 = arith.constant 8 : i32
      %xor3A_1410 = vector.broadcast %xor3A_1409 : i32 to vector<16xi32>
      %xor3A_1411 = arith.xori %iota3A, %xor3A_1410 : vector<16xi32>
      %lt3A_1412 = arith.constant 0 : i32
      %lt3A_1413 = vector.broadcast %lt3A_1412 : i32 to vector<16xi32>
      %lt3A_1414 = arith.cmpi slt, %xor3A_1411, %lt3A_1413 : vector<16xi32>
      %add3A_1415 = arith.constant 16 : i32
      %add3A_1416 = vector.broadcast %add3A_1415 : i32 to vector<16xi32>
      %add3A_1417 = arith.addi %xor3A_1411, %add3A_1416 : vector<16xi32>
      %select_n3A_1418 = arith.select %lt3A_1414, %add3A_1417, %xor3A_1411 : vector<16xi1>, vector<16xi32>
      %broadcast_in_dim3A_1419 = vector.shape_cast %select_n3A_1418 : vector<16xi32> to vector<16x1xi32>
      %gather3A_1420 = vector.shape_cast %broadcast_in_dim3A_1419 : vector<16x1xi32> to vector<16xi32>
      %gather3A_1421 = tpu.dynamic_gather %add3A_1408[%gather3A_1420] in [0] : vector<16xf32>, vector<16xi32> -> vector<16xf32>
      %add3A_1422 = arith.addf %add3A_1408, %gather3A_1421 : vector<16xf32>
      %eq3A_1423 = arith.constant 4 : i32
      %eq3A_1424 = vector.broadcast %eq3A_1423 : i32 to vector<16xi32>
      %eq3A_1425 = arith.cmpi eq, %iota3A, %eq3A_1424 : vector<16xi32>
      %select_n3A_1426 = arith.select %eq3A_1425, %add3A_1422, %select_n3A_1319 : vector<16xi1>, vector<16xf32>
      %slice3A_1427 = vector.extract_strided_slice %and3A_887 {offsets = [5], sizes = [1], strides = [1]} : vector<16xi32> to vector<1xi32>
      %squeeze3A_1428 = vector.extract %slice3A_1427[0] : i32 from vector<1xi32>
      %add3A_1429 = arith.constant 40 : i32
      %add3A_1430 = arith.addi %add3A_1429, %squeeze3A_1428 : i32
      %slice3A_1431 = vector.extract_strided_slice %and3A_895 {offsets = [5], sizes = [1], strides = [1]} : vector<16xi32> to vector<1xi32>
      %squeeze3A_1432 = vector.extract %slice3A_1431[0] : i32 from vector<1xi32>
      %add3A_1433 = arith.constant 40 : i32
      %add3A_1434 = arith.addi %add3A_1433, %squeeze3A_1432 : i32
      %get3A_1435 = arith.index_cast %add3A_1430 : i32 to index
      %get3A_1436 = arith.constant 0 : index
      %get3A_1437 = tpu.vector_load %arg9[%get3A_1435, %get3A_1436] {strides = array<i32>} : memref<128x64xf32, #tpu.memory_space<vmem>>, vector<1x16xf32>,
      %get3A_1438 = vector.shape_cast %get3A_1437 : vector<1x16xf32> to vector<16xf32>
      %get3A_1439 = arith.index_cast %add3A_1434 : i32 to index
      %get3A_1440 = arith.constant 0 : index
      %get3A_1441 = tpu.vector_load %arg11[%get3A_1439, %get3A_1440] {strides = array<i32>} : memref<128x64xf32, #tpu.memory_space<vmem>>, vector<1x16xf32>,
      %get3A_1442 = vector.shape_cast %get3A_1441 : vector<1x16xf32> to vector<16xf32>
      %mul3A_1443 = arith.mulf %get3A_1438, %get3A_1442 : vector<16xf32>
      %get3A_1444 = arith.index_cast %add3A_1430 : i32 to index
      %get3A_1445 = arith.constant 16 : index
      %get3A_1446 = tpu.vector_load %arg9[%get3A_1444, %get3A_1445] {strides = array<i32>} : memref<128x64xf32, #tpu.memory_space<vmem>>, vector<1x16xf32>,
      %get3A_1447 = vector.shape_cast %get3A_1446 : vector<1x16xf32> to vector<16xf32>
      %get3A_1448 = arith.index_cast %add3A_1434 : i32 to index
      %get3A_1449 = arith.constant 16 : index
      %get3A_1450 = tpu.vector_load %arg11[%get3A_1448, %get3A_1449] {strides = array<i32>} : memref<128x64xf32, #tpu.memory_space<vmem>>, vector<1x16xf32>,
      %get3A_1451 = vector.shape_cast %get3A_1450 : vector<1x16xf32> to vector<16xf32>
      %mul3A_1452 = arith.mulf %get3A_1447, %get3A_1451 : vector<16xf32>
      %add3A_1453 = arith.addf %mul3A_1443, %mul3A_1452 : vector<16xf32>
      %get3A_1454 = arith.index_cast %add3A_1430 : i32 to index
      %get3A_1455 = arith.constant 32 : index
      %get3A_1456 = tpu.vector_load %arg9[%get3A_1454, %get3A_1455] {strides = array<i32>} : memref<128x64xf32, #tpu.memory_space<vmem>>, vector<1x16xf32>,
      %get3A_1457 = vector.shape_cast %get3A_1456 : vector<1x16xf32> to vector<16xf32>
      %get3A_1458 = arith.index_cast %add3A_1434 : i32 to index
      %get3A_1459 = arith.constant 32 : index
      %get3A_1460 = tpu.vector_load %arg11[%get3A_1458, %get3A_1459] {strides = array<i32>} : memref<128x64xf32, #tpu.memory_space<vmem>>, vector<1x16xf32>,
      %get3A_1461 = vector.shape_cast %get3A_1460 : vector<1x16xf32> to vector<16xf32>
      %mul3A_1462 = arith.mulf %get3A_1457, %get3A_1461 : vector<16xf32>
      %add3A_1463 = arith.addf %add3A_1453, %mul3A_1462 : vector<16xf32>
      %get3A_1464 = arith.index_cast %add3A_1430 : i32 to index
      %get3A_1465 = arith.constant 48 : index
      %get3A_1466 = tpu.vector_load %arg9[%get3A_1464, %get3A_1465] {strides = array<i32>} : memref<128x64xf32, #tpu.memory_space<vmem>>, vector<1x16xf32>,
      %get3A_1467 = vector.shape_cast %get3A_1466 : vector<1x16xf32> to vector<16xf32>
      %get3A_1468 = arith.index_cast %add3A_1434 : i32 to index
      %get3A_1469 = arith.constant 48 : index
      %get3A_1470 = tpu.vector_load %arg11[%get3A_1468, %get3A_1469] {strides = array<i32>} : memref<128x64xf32, #tpu.memory_space<vmem>>, vector<1x16xf32>,
      %get3A_1471 = vector.shape_cast %get3A_1470 : vector<1x16xf32> to vector<16xf32>
      %mul3A_1472 = arith.mulf %get3A_1467, %get3A_1471 : vector<16xf32>
      %add3A_1473 = arith.addf %add3A_1463, %mul3A_1472 : vector<16xf32>
      %xor3A_1474 = arith.constant 1 : i32
      %xor3A_1475 = vector.broadcast %xor3A_1474 : i32 to vector<16xi32>
      %xor3A_1476 = arith.xori %iota3A, %xor3A_1475 : vector<16xi32>
      %lt3A_1477 = arith.constant 0 : i32
      %lt3A_1478 = vector.broadcast %lt3A_1477 : i32 to vector<16xi32>
      %lt3A_1479 = arith.cmpi slt, %xor3A_1476, %lt3A_1478 : vector<16xi32>
      %add3A_1480 = arith.constant 16 : i32
      %add3A_1481 = vector.broadcast %add3A_1480 : i32 to vector<16xi32>
      %add3A_1482 = arith.addi %xor3A_1476, %add3A_1481 : vector<16xi32>
      %select_n3A_1483 = arith.select %lt3A_1479, %add3A_1482, %xor3A_1476 : vector<16xi1>, vector<16xi32>
      %broadcast_in_dim3A_1484 = vector.shape_cast %select_n3A_1483 : vector<16xi32> to vector<16x1xi32>
      %gather3A_1485 = vector.shape_cast %broadcast_in_dim3A_1484 : vector<16x1xi32> to vector<16xi32>
      %gather3A_1486 = tpu.dynamic_gather %add3A_1473[%gather3A_1485] in [0] : vector<16xf32>, vector<16xi32> -> vector<16xf32>
      %add3A_1487 = arith.addf %add3A_1473, %gather3A_1486 : vector<16xf32>
      %xor3A_1488 = arith.constant 2 : i32
      %xor3A_1489 = vector.broadcast %xor3A_1488 : i32 to vector<16xi32>
      %xor3A_1490 = arith.xori %iota3A, %xor3A_1489 : vector<16xi32>
      %lt3A_1491 = arith.constant 0 : i32
      %lt3A_1492 = vector.broadcast %lt3A_1491 : i32 to vector<16xi32>
      %lt3A_1493 = arith.cmpi slt, %xor3A_1490, %lt3A_1492 : vector<16xi32>
      %add3A_1494 = arith.constant 16 : i32
      %add3A_1495 = vector.broadcast %add3A_1494 : i32 to vector<16xi32>
      %add3A_1496 = arith.addi %xor3A_1490, %add3A_1495 : vector<16xi32>
      %select_n3A_1497 = arith.select %lt3A_1493, %add3A_1496, %xor3A_1490 : vector<16xi1>, vector<16xi32>
      %broadcast_in_dim3A_1498 = vector.shape_cast %select_n3A_1497 : vector<16xi32> to vector<16x1xi32>
      %gather3A_1499 = vector.shape_cast %broadcast_in_dim3A_1498 : vector<16x1xi32> to vector<16xi32>
      %gather3A_1500 = tpu.dynamic_gather %add3A_1487[%gather3A_1499] in [0] : vector<16xf32>, vector<16xi32> -> vector<16xf32>
      %add3A_1501 = arith.addf %add3A_1487, %gather3A_1500 : vector<16xf32>
      %xor3A_1502 = arith.constant 4 : i32
      %xor3A_1503 = vector.broadcast %xor3A_1502 : i32 to vector<16xi32>
      %xor3A_1504 = arith.xori %iota3A, %xor3A_1503 : vector<16xi32>
      %lt3A_1505 = arith.constant 0 : i32
      %lt3A_1506 = vector.broadcast %lt3A_1505 : i32 to vector<16xi32>
      %lt3A_1507 = arith.cmpi slt, %xor3A_1504, %lt3A_1506 : vector<16xi32>
      %add3A_1508 = arith.constant 16 : i32
      %add3A_1509 = vector.broadcast %add3A_1508 : i32 to vector<16xi32>
      %add3A_1510 = arith.addi %xor3A_1504, %add3A_1509 : vector<16xi32>
      %select_n3A_1511 = arith.select %lt3A_1507, %add3A_1510, %xor3A_1504 : vector<16xi1>, vector<16xi32>
      %broadcast_in_dim3A_1512 = vector.shape_cast %select_n3A_1511 : vector<16xi32> to vector<16x1xi32>
      %gather3A_1513 = vector.shape_cast %broadcast_in_dim3A_1512 : vector<16x1xi32> to vector<16xi32>
      %gather3A_1514 = tpu.dynamic_gather %add3A_1501[%gather3A_1513] in [0] : vector<16xf32>, vector<16xi32> -> vector<16xf32>
      %add3A_1515 = arith.addf %add3A_1501, %gather3A_1514 : vector<16xf32>
      %xor3A_1516 = arith.constant 8 : i32
      %xor3A_1517 = vector.broadcast %xor3A_1516 : i32 to vector<16xi32>
      %xor3A_1518 = arith.xori %iota3A, %xor3A_1517 : vector<16xi32>
      %lt3A_1519 = arith.constant 0 : i32
      %lt3A_1520 = vector.broadcast %lt3A_1519 : i32 to vector<16xi32>
      %lt3A_1521 = arith.cmpi slt, %xor3A_1518, %lt3A_1520 : vector<16xi32>
      %add3A_1522 = arith.constant 16 : i32
      %add3A_1523 = vector.broadcast %add3A_1522 : i32 to vector<16xi32>
      %add3A_1524 = arith.addi %xor3A_1518, %add3A_1523 : vector<16xi32>
      %select_n3A_1525 = arith.select %lt3A_1521, %add3A_1524, %xor3A_1518 : vector<16xi1>, vector<16xi32>
      %broadcast_in_dim3A_1526 = vector.shape_cast %select_n3A_1525 : vector<16xi32> to vector<16x1xi32>
      %gather3A_1527 = vector.shape_cast %broadcast_in_dim3A_1526 : vector<16x1xi32> to vector<16xi32>
      %gather3A_1528 = tpu.dynamic_gather %add3A_1515[%gather3A_1527] in [0] : vector<16xf32>, vector<16xi32> -> vector<16xf32>
      %add3A_1529 = arith.addf %add3A_1515, %gather3A_1528 : vector<16xf32>
      %eq3A_1530 = arith.constant 5 : i32
      %eq3A_1531 = vector.broadcast %eq3A_1530 : i32 to vector<16xi32>
      %eq3A_1532 = arith.cmpi eq, %iota3A, %eq3A_1531 : vector<16xi32>
      %select_n3A_1533 = arith.select %eq3A_1532, %add3A_1529, %select_n3A_1426 : vector<16xi1>, vector<16xf32>
      %slice3A_1534 = vector.extract_strided_slice %and3A_887 {offsets = [6], sizes = [1], strides = [1]} : vector<16xi32> to vector<1xi32>
      %squeeze3A_1535 = vector.extract %slice3A_1534[0] : i32 from vector<1xi32>
      %add3A_1536 = arith.constant 48 : i32
      %add3A_1537 = arith.addi %add3A_1536, %squeeze3A_1535 : i32
      %slice3A_1538 = vector.extract_strided_slice %and3A_895 {offsets = [6], sizes = [1], strides = [1]} : vector<16xi32> to vector<1xi32>
      %squeeze3A_1539 = vector.extract %slice3A_1538[0] : i32 from vector<1xi32>
      %add3A_1540 = arith.constant 48 : i32
      %add3A_1541 = arith.addi %add3A_1540, %squeeze3A_1539 : i32
      %get3A_1542 = arith.index_cast %add3A_1537 : i32 to index
      %get3A_1543 = arith.constant 0 : index
      %get3A_1544 = tpu.vector_load %arg9[%get3A_1542, %get3A_1543] {strides = array<i32>} : memref<128x64xf32, #tpu.memory_space<vmem>>, vector<1x16xf32>,
      %get3A_1545 = vector.shape_cast %get3A_1544 : vector<1x16xf32> to vector<16xf32>
      %get3A_1546 = arith.index_cast %add3A_1541 : i32 to index
      %get3A_1547 = arith.constant 0 : index
      %get3A_1548 = tpu.vector_load %arg11[%get3A_1546, %get3A_1547] {strides = array<i32>} : memref<128x64xf32, #tpu.memory_space<vmem>>, vector<1x16xf32>,
      %get3A_1549 = vector.shape_cast %get3A_1548 : vector<1x16xf32> to vector<16xf32>
      %mul3A_1550 = arith.mulf %get3A_1545, %get3A_1549 : vector<16xf32>
      %get3A_1551 = arith.index_cast %add3A_1537 : i32 to index
      %get3A_1552 = arith.constant 16 : index
      %get3A_1553 = tpu.vector_load %arg9[%get3A_1551, %get3A_1552] {strides = array<i32>} : memref<128x64xf32, #tpu.memory_space<vmem>>, vector<1x16xf32>,
      %get3A_1554 = vector.shape_cast %get3A_1553 : vector<1x16xf32> to vector<16xf32>
      %get3A_1555 = arith.index_cast %add3A_1541 : i32 to index
      %get3A_1556 = arith.constant 16 : index
      %get3A_1557 = tpu.vector_load %arg11[%get3A_1555, %get3A_1556] {strides = array<i32>} : memref<128x64xf32, #tpu.memory_space<vmem>>, vector<1x16xf32>,
      %get3A_1558 = vector.shape_cast %get3A_1557 : vector<1x16xf32> to vector<16xf32>
      %mul3A_1559 = arith.mulf %get3A_1554, %get3A_1558 : vector<16xf32>
      %add3A_1560 = arith.addf %mul3A_1550, %mul3A_1559 : vector<16xf32>
      %get3A_1561 = arith.index_cast %add3A_1537 : i32 to index
      %get3A_1562 = arith.constant 32 : index
      %get3A_1563 = tpu.vector_load %arg9[%get3A_1561, %get3A_1562] {strides = array<i32>} : memref<128x64xf32, #tpu.memory_space<vmem>>, vector<1x16xf32>,
      %get3A_1564 = vector.shape_cast %get3A_1563 : vector<1x16xf32> to vector<16xf32>
      %get3A_1565 = arith.index_cast %add3A_1541 : i32 to index
      %get3A_1566 = arith.constant 32 : index
      %get3A_1567 = tpu.vector_load %arg11[%get3A_1565, %get3A_1566] {strides = array<i32>} : memref<128x64xf32, #tpu.memory_space<vmem>>, vector<1x16xf32>,
      %get3A_1568 = vector.shape_cast %get3A_1567 : vector<1x16xf32> to vector<16xf32>
      %mul3A_1569 = arith.mulf %get3A_1564, %get3A_1568 : vector<16xf32>
      %add3A_1570 = arith.addf %add3A_1560, %mul3A_1569 : vector<16xf32>
      %get3A_1571 = arith.index_cast %add3A_1537 : i32 to index
      %get3A_1572 = arith.constant 48 : index
      %get3A_1573 = tpu.vector_load %arg9[%get3A_1571, %get3A_1572] {strides = array<i32>} : memref<128x64xf32, #tpu.memory_space<vmem>>, vector<1x16xf32>,
      %get3A_1574 = vector.shape_cast %get3A_1573 : vector<1x16xf32> to vector<16xf32>
      %get3A_1575 = arith.index_cast %add3A_1541 : i32 to index
      %get3A_1576 = arith.constant 48 : index
      %get3A_1577 = tpu.vector_load %arg11[%get3A_1575, %get3A_1576] {strides = array<i32>} : memref<128x64xf32, #tpu.memory_space<vmem>>, vector<1x16xf32>,
      %get3A_1578 = vector.shape_cast %get3A_1577 : vector<1x16xf32> to vector<16xf32>
      %mul3A_1579 = arith.mulf %get3A_1574, %get3A_1578 : vector<16xf32>
      %add3A_1580 = arith.addf %add3A_1570, %mul3A_1579 : vector<16xf32>
      %xor3A_1581 = arith.constant 1 : i32
      %xor3A_1582 = vector.broadcast %xor3A_1581 : i32 to vector<16xi32>
      %xor3A_1583 = arith.xori %iota3A, %xor3A_1582 : vector<16xi32>
      %lt3A_1584 = arith.constant 0 : i32
      %lt3A_1585 = vector.broadcast %lt3A_1584 : i32 to vector<16xi32>
      %lt3A_1586 = arith.cmpi slt, %xor3A_1583, %lt3A_1585 : vector<16xi32>
      %add3A_1587 = arith.constant 16 : i32
      %add3A_1588 = vector.broadcast %add3A_1587 : i32 to vector<16xi32>
      %add3A_1589 = arith.addi %xor3A_1583, %add3A_1588 : vector<16xi32>
      %select_n3A_1590 = arith.select %lt3A_1586, %add3A_1589, %xor3A_1583 : vector<16xi1>, vector<16xi32>
      %broadcast_in_dim3A_1591 = vector.shape_cast %select_n3A_1590 : vector<16xi32> to vector<16x1xi32>
      %gather3A_1592 = vector.shape_cast %broadcast_in_dim3A_1591 : vector<16x1xi32> to vector<16xi32>
      %gather3A_1593 = tpu.dynamic_gather %add3A_1580[%gather3A_1592] in [0] : vector<16xf32>, vector<16xi32> -> vector<16xf32>
      %add3A_1594 = arith.addf %add3A_1580, %gather3A_1593 : vector<16xf32>
      %xor3A_1595 = arith.constant 2 : i32
      %xor3A_1596 = vector.broadcast %xor3A_1595 : i32 to vector<16xi32>
      %xor3A_1597 = arith.xori %iota3A, %xor3A_1596 : vector<16xi32>
      %lt3A_1598 = arith.constant 0 : i32
      %lt3A_1599 = vector.broadcast %lt3A_1598 : i32 to vector<16xi32>
      %lt3A_1600 = arith.cmpi slt, %xor3A_1597, %lt3A_1599 : vector<16xi32>
      %add3A_1601 = arith.constant 16 : i32
      %add3A_1602 = vector.broadcast %add3A_1601 : i32 to vector<16xi32>
      %add3A_1603 = arith.addi %xor3A_1597, %add3A_1602 : vector<16xi32>
      %select_n3A_1604 = arith.select %lt3A_1600, %add3A_1603, %xor3A_1597 : vector<16xi1>, vector<16xi32>
      %broadcast_in_dim3A_1605 = vector.shape_cast %select_n3A_1604 : vector<16xi32> to vector<16x1xi32>
      %gather3A_1606 = vector.shape_cast %broadcast_in_dim3A_1605 : vector<16x1xi32> to vector<16xi32>
      %gather3A_1607 = tpu.dynamic_gather %add3A_1594[%gather3A_1606] in [0] : vector<16xf32>, vector<16xi32> -> vector<16xf32>
      %add3A_1608 = arith.addf %add3A_1594, %gather3A_1607 : vector<16xf32>
      %xor3A_1609 = arith.constant 4 : i32
      %xor3A_1610 = vector.broadcast %xor3A_1609 : i32 to vector<16xi32>
      %xor3A_1611 = arith.xori %iota3A, %xor3A_1610 : vector<16xi32>
      %lt3A_1612 = arith.constant 0 : i32
      %lt3A_1613 = vector.broadcast %lt3A_1612 : i32 to vector<16xi32>
      %lt3A_1614 = arith.cmpi slt, %xor3A_1611, %lt3A_1613 : vector<16xi32>
      %add3A_1615 = arith.constant 16 : i32
      %add3A_1616 = vector.broadcast %add3A_1615 : i32 to vector<16xi32>
      %add3A_1617 = arith.addi %xor3A_1611, %add3A_1616 : vector<16xi32>
      %select_n3A_1618 = arith.select %lt3A_1614, %add3A_1617, %xor3A_1611 : vector<16xi1>, vector<16xi32>
      %broadcast_in_dim3A_1619 = vector.shape_cast %select_n3A_1618 : vector<16xi32> to vector<16x1xi32>
      %gather3A_1620 = vector.shape_cast %broadcast_in_dim3A_1619 : vector<16x1xi32> to vector<16xi32>
      %gather3A_1621 = tpu.dynamic_gather %add3A_1608[%gather3A_1620] in [0] : vector<16xf32>, vector<16xi32> -> vector<16xf32>
      %add3A_1622 = arith.addf %add3A_1608, %gather3A_1621 : vector<16xf32>
      %xor3A_1623 = arith.constant 8 : i32
      %xor3A_1624 = vector.broadcast %xor3A_1623 : i32 to vector<16xi32>
      %xor3A_1625 = arith.xori %iota3A, %xor3A_1624 : vector<16xi32>
      %lt3A_1626 = arith.constant 0 : i32
      %lt3A_1627 = vector.broadcast %lt3A_1626 : i32 to vector<16xi32>
      %lt3A_1628 = arith.cmpi slt, %xor3A_1625, %lt3A_1627 : vector<16xi32>
      %add3A_1629 = arith.constant 16 : i32
      %add3A_1630 = vector.broadcast %add3A_1629 : i32 to vector<16xi32>
      %add3A_1631 = arith.addi %xor3A_1625, %add3A_1630 : vector<16xi32>
      %select_n3A_1632 = arith.select %lt3A_1628, %add3A_1631, %xor3A_1625 : vector<16xi1>, vector<16xi32>
      %broadcast_in_dim3A_1633 = vector.shape_cast %select_n3A_1632 : vector<16xi32> to vector<16x1xi32>
      %gather3A_1634 = vector.shape_cast %broadcast_in_dim3A_1633 : vector<16x1xi32> to vector<16xi32>
      %gather3A_1635 = tpu.dynamic_gather %add3A_1622[%gather3A_1634] in [0] : vector<16xf32>, vector<16xi32> -> vector<16xf32>
      %add3A_1636 = arith.addf %add3A_1622, %gather3A_1635 : vector<16xf32>
      %eq3A_1637 = arith.constant 6 : i32
      %eq3A_1638 = vector.broadcast %eq3A_1637 : i32 to vector<16xi32>
      %eq3A_1639 = arith.cmpi eq, %iota3A, %eq3A_1638 : vector<16xi32>
      %select_n3A_1640 = arith.select %eq3A_1639, %add3A_1636, %select_n3A_1533 : vector<16xi1>, vector<16xf32>
      %slice3A_1641 = vector.extract_strided_slice %and3A_887 {offsets = [7], sizes = [1], strides = [1]} : vector<16xi32> to vector<1xi32>
      %squeeze3A_1642 = vector.extract %slice3A_1641[0] : i32 from vector<1xi32>
      %add3A_1643 = arith.constant 56 : i32
      %add3A_1644 = arith.addi %add3A_1643, %squeeze3A_1642 : i32
      %slice3A_1645 = vector.extract_strided_slice %and3A_895 {offsets = [7], sizes = [1], strides = [1]} : vector<16xi32> to vector<1xi32>
      %squeeze3A_1646 = vector.extract %slice3A_1645[0] : i32 from vector<1xi32>
      %add3A_1647 = arith.constant 56 : i32
      %add3A_1648 = arith.addi %add3A_1647, %squeeze3A_1646 : i32
      %get3A_1649 = arith.index_cast %add3A_1644 : i32 to index
      %get3A_1650 = arith.constant 0 : index
      %get3A_1651 = tpu.vector_load %arg9[%get3A_1649, %get3A_1650] {strides = array<i32>} : memref<128x64xf32, #tpu.memory_space<vmem>>, vector<1x16xf32>,
      %get3A_1652 = vector.shape_cast %get3A_1651 : vector<1x16xf32> to vector<16xf32>
      %get3A_1653 = arith.index_cast %add3A_1648 : i32 to index
      %get3A_1654 = arith.constant 0 : index
      %get3A_1655 = tpu.vector_load %arg11[%get3A_1653, %get3A_1654] {strides = array<i32>} : memref<128x64xf32, #tpu.memory_space<vmem>>, vector<1x16xf32>,
      %get3A_1656 = vector.shape_cast %get3A_1655 : vector<1x16xf32> to vector<16xf32>
      %mul3A_1657 = arith.mulf %get3A_1652, %get3A_1656 : vector<16xf32>
      %get3A_1658 = arith.index_cast %add3A_1644 : i32 to index
      %get3A_1659 = arith.constant 16 : index
      %get3A_1660 = tpu.vector_load %arg9[%get3A_1658, %get3A_1659] {strides = array<i32>} : memref<128x64xf32, #tpu.memory_space<vmem>>, vector<1x16xf32>,
      %get3A_1661 = vector.shape_cast %get3A_1660 : vector<1x16xf32> to vector<16xf32>
      %get3A_1662 = arith.index_cast %add3A_1648 : i32 to index
      %get3A_1663 = arith.constant 16 : index
      %get3A_1664 = tpu.vector_load %arg11[%get3A_1662, %get3A_1663] {strides = array<i32>} : memref<128x64xf32, #tpu.memory_space<vmem>>, vector<1x16xf32>,
      %get3A_1665 = vector.shape_cast %get3A_1664 : vector<1x16xf32> to vector<16xf32>
      %mul3A_1666 = arith.mulf %get3A_1661, %get3A_1665 : vector<16xf32>
      %add3A_1667 = arith.addf %mul3A_1657, %mul3A_1666 : vector<16xf32>
      %get3A_1668 = arith.index_cast %add3A_1644 : i32 to index
      %get3A_1669 = arith.constant 32 : index
      %get3A_1670 = tpu.vector_load %arg9[%get3A_1668, %get3A_1669] {strides = array<i32>} : memref<128x64xf32, #tpu.memory_space<vmem>>, vector<1x16xf32>,
      %get3A_1671 = vector.shape_cast %get3A_1670 : vector<1x16xf32> to vector<16xf32>
      %get3A_1672 = arith.index_cast %add3A_1648 : i32 to index
      %get3A_1673 = arith.constant 32 : index
      %get3A_1674 = tpu.vector_load %arg11[%get3A_1672, %get3A_1673] {strides = array<i32>} : memref<128x64xf32, #tpu.memory_space<vmem>>, vector<1x16xf32>,
      %get3A_1675 = vector.shape_cast %get3A_1674 : vector<1x16xf32> to vector<16xf32>
      %mul3A_1676 = arith.mulf %get3A_1671, %get3A_1675 : vector<16xf32>
      %add3A_1677 = arith.addf %add3A_1667, %mul3A_1676 : vector<16xf32>
      %get3A_1678 = arith.index_cast %add3A_1644 : i32 to index
      %get3A_1679 = arith.constant 48 : index
      %get3A_1680 = tpu.vector_load %arg9[%get3A_1678, %get3A_1679] {strides = array<i32>} : memref<128x64xf32, #tpu.memory_space<vmem>>, vector<1x16xf32>,
      %get3A_1681 = vector.shape_cast %get3A_1680 : vector<1x16xf32> to vector<16xf32>
      %get3A_1682 = arith.index_cast %add3A_1648 : i32 to index
      %get3A_1683 = arith.constant 48 : index
      %get3A_1684 = tpu.vector_load %arg11[%get3A_1682, %get3A_1683] {strides = array<i32>} : memref<128x64xf32, #tpu.memory_space<vmem>>, vector<1x16xf32>,
      %get3A_1685 = vector.shape_cast %get3A_1684 : vector<1x16xf32> to vector<16xf32>
      %mul3A_1686 = arith.mulf %get3A_1681, %get3A_1685 : vector<16xf32>
      %add3A_1687 = arith.addf %add3A_1677, %mul3A_1686 : vector<16xf32>
      %xor3A_1688 = arith.constant 1 : i32
      %xor3A_1689 = vector.broadcast %xor3A_1688 : i32 to vector<16xi32>
      %xor3A_1690 = arith.xori %iota3A, %xor3A_1689 : vector<16xi32>
      %lt3A_1691 = arith.constant 0 : i32
      %lt3A_1692 = vector.broadcast %lt3A_1691 : i32 to vector<16xi32>
      %lt3A_1693 = arith.cmpi slt, %xor3A_1690, %lt3A_1692 : vector<16xi32>
      %add3A_1694 = arith.constant 16 : i32
      %add3A_1695 = vector.broadcast %add3A_1694 : i32 to vector<16xi32>
      %add3A_1696 = arith.addi %xor3A_1690, %add3A_1695 : vector<16xi32>
      %select_n3A_1697 = arith.select %lt3A_1693, %add3A_1696, %xor3A_1690 : vector<16xi1>, vector<16xi32>
      %broadcast_in_dim3A_1698 = vector.shape_cast %select_n3A_1697 : vector<16xi32> to vector<16x1xi32>
      %gather3A_1699 = vector.shape_cast %broadcast_in_dim3A_1698 : vector<16x1xi32> to vector<16xi32>
      %gather3A_1700 = tpu.dynamic_gather %add3A_1687[%gather3A_1699] in [0] : vector<16xf32>, vector<16xi32> -> vector<16xf32>
      %add3A_1701 = arith.addf %add3A_1687, %gather3A_1700 : vector<16xf32>
      %xor3A_1702 = arith.constant 2 : i32
      %xor3A_1703 = vector.broadcast %xor3A_1702 : i32 to vector<16xi32>
      %xor3A_1704 = arith.xori %iota3A, %xor3A_1703 : vector<16xi32>
      %lt3A_1705 = arith.constant 0 : i32
      %lt3A_1706 = vector.broadcast %lt3A_1705 : i32 to vector<16xi32>
      %lt3A_1707 = arith.cmpi slt, %xor3A_1704, %lt3A_1706 : vector<16xi32>
      %add3A_1708 = arith.constant 16 : i32
      %add3A_1709 = vector.broadcast %add3A_1708 : i32 to vector<16xi32>
      %add3A_1710 = arith.addi %xor3A_1704, %add3A_1709 : vector<16xi32>
      %select_n3A_1711 = arith.select %lt3A_1707, %add3A_1710, %xor3A_1704 : vector<16xi1>, vector<16xi32>
      %broadcast_in_dim3A_1712 = vector.shape_cast %select_n3A_1711 : vector<16xi32> to vector<16x1xi32>
      %gather3A_1713 = vector.shape_cast %broadcast_in_dim3A_1712 : vector<16x1xi32> to vector<16xi32>
      %gather3A_1714 = tpu.dynamic_gather %add3A_1701[%gather3A_1713] in [0] : vector<16xf32>, vector<16xi32> -> vector<16xf32>
      %add3A_1715 = arith.addf %add3A_1701, %gather3A_1714 : vector<16xf32>
      %xor3A_1716 = arith.constant 4 : i32
      %xor3A_1717 = vector.broadcast %xor3A_1716 : i32 to vector<16xi32>
      %xor3A_1718 = arith.xori %iota3A, %xor3A_1717 : vector<16xi32>
      %lt3A_1719 = arith.constant 0 : i32
      %lt3A_1720 = vector.broadcast %lt3A_1719 : i32 to vector<16xi32>
      %lt3A_1721 = arith.cmpi slt, %xor3A_1718, %lt3A_1720 : vector<16xi32>
      %add3A_1722 = arith.constant 16 : i32
      %add3A_1723 = vector.broadcast %add3A_1722 : i32 to vector<16xi32>
      %add3A_1724 = arith.addi %xor3A_1718, %add3A_1723 : vector<16xi32>
      %select_n3A_1725 = arith.select %lt3A_1721, %add3A_1724, %xor3A_1718 : vector<16xi1>, vector<16xi32>
      %broadcast_in_dim3A_1726 = vector.shape_cast %select_n3A_1725 : vector<16xi32> to vector<16x1xi32>
      %gather3A_1727 = vector.shape_cast %broadcast_in_dim3A_1726 : vector<16x1xi32> to vector<16xi32>
      %gather3A_1728 = tpu.dynamic_gather %add3A_1715[%gather3A_1727] in [0] : vector<16xf32>, vector<16xi32> -> vector<16xf32>
      %add3A_1729 = arith.addf %add3A_1715, %gather3A_1728 : vector<16xf32>
      %xor3A_1730 = arith.constant 8 : i32
      %xor3A_1731 = vector.broadcast %xor3A_1730 : i32 to vector<16xi32>
      %xor3A_1732 = arith.xori %iota3A, %xor3A_1731 : vector<16xi32>
      %lt3A_1733 = arith.constant 0 : i32
      %lt3A_1734 = vector.broadcast %lt3A_1733 : i32 to vector<16xi32>
      %lt3A_1735 = arith.cmpi slt, %xor3A_1732, %lt3A_1734 : vector<16xi32>
      %add3A_1736 = arith.constant 16 : i32
      %add3A_1737 = vector.broadcast %add3A_1736 : i32 to vector<16xi32>
      %add3A_1738 = arith.addi %xor3A_1732, %add3A_1737 : vector<16xi32>
      %select_n3A_1739 = arith.select %lt3A_1735, %add3A_1738, %xor3A_1732 : vector<16xi1>, vector<16xi32>
      %broadcast_in_dim3A_1740 = vector.shape_cast %select_n3A_1739 : vector<16xi32> to vector<16x1xi32>
      %gather3A_1741 = vector.shape_cast %broadcast_in_dim3A_1740 : vector<16x1xi32> to vector<16xi32>
      %gather3A_1742 = tpu.dynamic_gather %add3A_1729[%gather3A_1741] in [0] : vector<16xf32>, vector<16xi32> -> vector<16xf32>
      %add3A_1743 = arith.addf %add3A_1729, %gather3A_1742 : vector<16xf32>
      %eq3A_1744 = arith.constant 7 : i32
      %eq3A_1745 = vector.broadcast %eq3A_1744 : i32 to vector<16xi32>
      %eq3A_1746 = arith.cmpi eq, %iota3A, %eq3A_1745 : vector<16xi32>
      %select_n3A_1747 = arith.select %eq3A_1746, %add3A_1743, %select_n3A_1640 : vector<16xi1>, vector<16xf32>
      %slice3A_1748 = vector.extract_strided_slice %and3A_887 {offsets = [8], sizes = [1], strides = [1]} : vector<16xi32> to vector<1xi32>
      %squeeze3A_1749 = vector.extract %slice3A_1748[0] : i32 from vector<1xi32>
      %add3A_1750 = arith.constant 64 : i32
      %add3A_1751 = arith.addi %add3A_1750, %squeeze3A_1749 : i32
      %slice3A_1752 = vector.extract_strided_slice %and3A_895 {offsets = [8], sizes = [1], strides = [1]} : vector<16xi32> to vector<1xi32>
      %squeeze3A_1753 = vector.extract %slice3A_1752[0] : i32 from vector<1xi32>
      %add3A_1754 = arith.constant 64 : i32
      %add3A_1755 = arith.addi %add3A_1754, %squeeze3A_1753 : i32
      %get3A_1756 = arith.index_cast %add3A_1751 : i32 to index
      %get3A_1757 = arith.constant 0 : index
      %get3A_1758 = tpu.vector_load %arg9[%get3A_1756, %get3A_1757] {strides = array<i32>} : memref<128x64xf32, #tpu.memory_space<vmem>>, vector<1x16xf32>,
      %get3A_1759 = vector.shape_cast %get3A_1758 : vector<1x16xf32> to vector<16xf32>
      %get3A_1760 = arith.index_cast %add3A_1755 : i32 to index
      %get3A_1761 = arith.constant 0 : index
      %get3A_1762 = tpu.vector_load %arg11[%get3A_1760, %get3A_1761] {strides = array<i32>} : memref<128x64xf32, #tpu.memory_space<vmem>>, vector<1x16xf32>,
      %get3A_1763 = vector.shape_cast %get3A_1762 : vector<1x16xf32> to vector<16xf32>
      %mul3A_1764 = arith.mulf %get3A_1759, %get3A_1763 : vector<16xf32>
      %get3A_1765 = arith.index_cast %add3A_1751 : i32 to index
      %get3A_1766 = arith.constant 16 : index
      %get3A_1767 = tpu.vector_load %arg9[%get3A_1765, %get3A_1766] {strides = array<i32>} : memref<128x64xf32, #tpu.memory_space<vmem>>, vector<1x16xf32>,
      %get3A_1768 = vector.shape_cast %get3A_1767 : vector<1x16xf32> to vector<16xf32>
      %get3A_1769 = arith.index_cast %add3A_1755 : i32 to index
      %get3A_1770 = arith.constant 16 : index
      %get3A_1771 = tpu.vector_load %arg11[%get3A_1769, %get3A_1770] {strides = array<i32>} : memref<128x64xf32, #tpu.memory_space<vmem>>, vector<1x16xf32>,
      %get3A_1772 = vector.shape_cast %get3A_1771 : vector<1x16xf32> to vector<16xf32>
      %mul3A_1773 = arith.mulf %get3A_1768, %get3A_1772 : vector<16xf32>
      %add3A_1774 = arith.addf %mul3A_1764, %mul3A_1773 : vector<16xf32>
      %get3A_1775 = arith.index_cast %add3A_1751 : i32 to index
      %get3A_1776 = arith.constant 32 : index
      %get3A_1777 = tpu.vector_load %arg9[%get3A_1775, %get3A_1776] {strides = array<i32>} : memref<128x64xf32, #tpu.memory_space<vmem>>, vector<1x16xf32>,
      %get3A_1778 = vector.shape_cast %get3A_1777 : vector<1x16xf32> to vector<16xf32>
      %get3A_1779 = arith.index_cast %add3A_1755 : i32 to index
      %get3A_1780 = arith.constant 32 : index
      %get3A_1781 = tpu.vector_load %arg11[%get3A_1779, %get3A_1780] {strides = array<i32>} : memref<128x64xf32, #tpu.memory_space<vmem>>, vector<1x16xf32>,
      %get3A_1782 = vector.shape_cast %get3A_1781 : vector<1x16xf32> to vector<16xf32>
      %mul3A_1783 = arith.mulf %get3A_1778, %get3A_1782 : vector<16xf32>
      %add3A_1784 = arith.addf %add3A_1774, %mul3A_1783 : vector<16xf32>
      %get3A_1785 = arith.index_cast %add3A_1751 : i32 to index
      %get3A_1786 = arith.constant 48 : index
      %get3A_1787 = tpu.vector_load %arg9[%get3A_1785, %get3A_1786] {strides = array<i32>} : memref<128x64xf32, #tpu.memory_space<vmem>>, vector<1x16xf32>,
      %get3A_1788 = vector.shape_cast %get3A_1787 : vector<1x16xf32> to vector<16xf32>
      %get3A_1789 = arith.index_cast %add3A_1755 : i32 to index
      %get3A_1790 = arith.constant 48 : index
      %get3A_1791 = tpu.vector_load %arg11[%get3A_1789, %get3A_1790] {strides = array<i32>} : memref<128x64xf32, #tpu.memory_space<vmem>>, vector<1x16xf32>,
      %get3A_1792 = vector.shape_cast %get3A_1791 : vector<1x16xf32> to vector<16xf32>
      %mul3A_1793 = arith.mulf %get3A_1788, %get3A_1792 : vector<16xf32>
      %add3A_1794 = arith.addf %add3A_1784, %mul3A_1793 : vector<16xf32>
      %xor3A_1795 = arith.constant 1 : i32
      %xor3A_1796 = vector.broadcast %xor3A_1795 : i32 to vector<16xi32>
      %xor3A_1797 = arith.xori %iota3A, %xor3A_1796 : vector<16xi32>
      %lt3A_1798 = arith.constant 0 : i32
      %lt3A_1799 = vector.broadcast %lt3A_1798 : i32 to vector<16xi32>
      %lt3A_1800 = arith.cmpi slt, %xor3A_1797, %lt3A_1799 : vector<16xi32>
      %add3A_1801 = arith.constant 16 : i32
      %add3A_1802 = vector.broadcast %add3A_1801 : i32 to vector<16xi32>
      %add3A_1803 = arith.addi %xor3A_1797, %add3A_1802 : vector<16xi32>
      %select_n3A_1804 = arith.select %lt3A_1800, %add3A_1803, %xor3A_1797 : vector<16xi1>, vector<16xi32>
      %broadcast_in_dim3A_1805 = vector.shape_cast %select_n3A_1804 : vector<16xi32> to vector<16x1xi32>
      %gather3A_1806 = vector.shape_cast %broadcast_in_dim3A_1805 : vector<16x1xi32> to vector<16xi32>
      %gather3A_1807 = tpu.dynamic_gather %add3A_1794[%gather3A_1806] in [0] : vector<16xf32>, vector<16xi32> -> vector<16xf32>
      %add3A_1808 = arith.addf %add3A_1794, %gather3A_1807 : vector<16xf32>
      %xor3A_1809 = arith.constant 2 : i32
      %xor3A_1810 = vector.broadcast %xor3A_1809 : i32 to vector<16xi32>
      %xor3A_1811 = arith.xori %iota3A, %xor3A_1810 : vector<16xi32>
      %lt3A_1812 = arith.constant 0 : i32
      %lt3A_1813 = vector.broadcast %lt3A_1812 : i32 to vector<16xi32>
      %lt3A_1814 = arith.cmpi slt, %xor3A_1811, %lt3A_1813 : vector<16xi32>
      %add3A_1815 = arith.constant 16 : i32
      %add3A_1816 = vector.broadcast %add3A_1815 : i32 to vector<16xi32>
      %add3A_1817 = arith.addi %xor3A_1811, %add3A_1816 : vector<16xi32>
      %select_n3A_1818 = arith.select %lt3A_1814, %add3A_1817, %xor3A_1811 : vector<16xi1>, vector<16xi32>
      %broadcast_in_dim3A_1819 = vector.shape_cast %select_n3A_1818 : vector<16xi32> to vector<16x1xi32>
      %gather3A_1820 = vector.shape_cast %broadcast_in_dim3A_1819 : vector<16x1xi32> to vector<16xi32>
      %gather3A_1821 = tpu.dynamic_gather %add3A_1808[%gather3A_1820] in [0] : vector<16xf32>, vector<16xi32> -> vector<16xf32>
      %add3A_1822 = arith.addf %add3A_1808, %gather3A_1821 : vector<16xf32>
      %xor3A_1823 = arith.constant 4 : i32
      %xor3A_1824 = vector.broadcast %xor3A_1823 : i32 to vector<16xi32>
      %xor3A_1825 = arith.xori %iota3A, %xor3A_1824 : vector<16xi32>
      %lt3A_1826 = arith.constant 0 : i32
      %lt3A_1827 = vector.broadcast %lt3A_1826 : i32 to vector<16xi32>
      %lt3A_1828 = arith.cmpi slt, %xor3A_1825, %lt3A_1827 : vector<16xi32>
      %add3A_1829 = arith.constant 16 : i32
      %add3A_1830 = vector.broadcast %add3A_1829 : i32 to vector<16xi32>
      %add3A_1831 = arith.addi %xor3A_1825, %add3A_1830 : vector<16xi32>
      %select_n3A_1832 = arith.select %lt3A_1828, %add3A_1831, %xor3A_1825 : vector<16xi1>, vector<16xi32>
      %broadcast_in_dim3A_1833 = vector.shape_cast %select_n3A_1832 : vector<16xi32> to vector<16x1xi32>
      %gather3A_1834 = vector.shape_cast %broadcast_in_dim3A_1833 : vector<16x1xi32> to vector<16xi32>
      %gather3A_1835 = tpu.dynamic_gather %add3A_1822[%gather3A_1834] in [0] : vector<16xf32>, vector<16xi32> -> vector<16xf32>
      %add3A_1836 = arith.addf %add3A_1822, %gather3A_1835 : vector<16xf32>
      %xor3A_1837 = arith.constant 8 : i32
      %xor3A_1838 = vector.broadcast %xor3A_1837 : i32 to vector<16xi32>
      %xor3A_1839 = arith.xori %iota3A, %xor3A_1838 : vector<16xi32>
      %lt3A_1840 = arith.constant 0 : i32
      %lt3A_1841 = vector.broadcast %lt3A_1840 : i32 to vector<16xi32>
      %lt3A_1842 = arith.cmpi slt, %xor3A_1839, %lt3A_1841 : vector<16xi32>
      %add3A_1843 = arith.constant 16 : i32
      %add3A_1844 = vector.broadcast %add3A_1843 : i32 to vector<16xi32>
      %add3A_1845 = arith.addi %xor3A_1839, %add3A_1844 : vector<16xi32>
      %select_n3A_1846 = arith.select %lt3A_1842, %add3A_1845, %xor3A_1839 : vector<16xi1>, vector<16xi32>
      %broadcast_in_dim3A_1847 = vector.shape_cast %select_n3A_1846 : vector<16xi32> to vector<16x1xi32>
      %gather3A_1848 = vector.shape_cast %broadcast_in_dim3A_1847 : vector<16x1xi32> to vector<16xi32>
      %gather3A_1849 = tpu.dynamic_gather %add3A_1836[%gather3A_1848] in [0] : vector<16xf32>, vector<16xi32> -> vector<16xf32>
      %add3A_1850 = arith.addf %add3A_1836, %gather3A_1849 : vector<16xf32>
      %eq3A_1851 = arith.constant 8 : i32
      %eq3A_1852 = vector.broadcast %eq3A_1851 : i32 to vector<16xi32>
      %eq3A_1853 = arith.cmpi eq, %iota3A, %eq3A_1852 : vector<16xi32>
      %select_n3A_1854 = arith.select %eq3A_1853, %add3A_1850, %select_n3A_1747 : vector<16xi1>, vector<16xf32>
      %slice3A_1855 = vector.extract_strided_slice %and3A_887 {offsets = [9], sizes = [1], strides = [1]} : vector<16xi32> to vector<1xi32>
      %squeeze3A_1856 = vector.extract %slice3A_1855[0] : i32 from vector<1xi32>
      %add3A_1857 = arith.constant 72 : i32
      %add3A_1858 = arith.addi %add3A_1857, %squeeze3A_1856 : i32
      %slice3A_1859 = vector.extract_strided_slice %and3A_895 {offsets = [9], sizes = [1], strides = [1]} : vector<16xi32> to vector<1xi32>
      %squeeze3A_1860 = vector.extract %slice3A_1859[0] : i32 from vector<1xi32>
      %add3A_1861 = arith.constant 72 : i32
      %add3A_1862 = arith.addi %add3A_1861, %squeeze3A_1860 : i32
      %get3A_1863 = arith.index_cast %add3A_1858 : i32 to index
      %get3A_1864 = arith.constant 0 : index
      %get3A_1865 = tpu.vector_load %arg9[%get3A_1863, %get3A_1864] {strides = array<i32>} : memref<128x64xf32, #tpu.memory_space<vmem>>, vector<1x16xf32>,
      %get3A_1866 = vector.shape_cast %get3A_1865 : vector<1x16xf32> to vector<16xf32>
      %get3A_1867 = arith.index_cast %add3A_1862 : i32 to index
      %get3A_1868 = arith.constant 0 : index
      %get3A_1869 = tpu.vector_load %arg11[%get3A_1867, %get3A_1868] {strides = array<i32>} : memref<128x64xf32, #tpu.memory_space<vmem>>, vector<1x16xf32>,
      %get3A_1870 = vector.shape_cast %get3A_1869 : vector<1x16xf32> to vector<16xf32>
      %mul3A_1871 = arith.mulf %get3A_1866, %get3A_1870 : vector<16xf32>
      %get3A_1872 = arith.index_cast %add3A_1858 : i32 to index
      %get3A_1873 = arith.constant 16 : index
      %get3A_1874 = tpu.vector_load %arg9[%get3A_1872, %get3A_1873] {strides = array<i32>} : memref<128x64xf32, #tpu.memory_space<vmem>>, vector<1x16xf32>,
      %get3A_1875 = vector.shape_cast %get3A_1874 : vector<1x16xf32> to vector<16xf32>
      %get3A_1876 = arith.index_cast %add3A_1862 : i32 to index
      %get3A_1877 = arith.constant 16 : index
      %get3A_1878 = tpu.vector_load %arg11[%get3A_1876, %get3A_1877] {strides = array<i32>} : memref<128x64xf32, #tpu.memory_space<vmem>>, vector<1x16xf32>,
      %get3A_1879 = vector.shape_cast %get3A_1878 : vector<1x16xf32> to vector<16xf32>
      %mul3A_1880 = arith.mulf %get3A_1875, %get3A_1879 : vector<16xf32>
      %add3A_1881 = arith.addf %mul3A_1871, %mul3A_1880 : vector<16xf32>
      %get3A_1882 = arith.index_cast %add3A_1858 : i32 to index
      %get3A_1883 = arith.constant 32 : index
      %get3A_1884 = tpu.vector_load %arg9[%get3A_1882, %get3A_1883] {strides = array<i32>} : memref<128x64xf32, #tpu.memory_space<vmem>>, vector<1x16xf32>,
      %get3A_1885 = vector.shape_cast %get3A_1884 : vector<1x16xf32> to vector<16xf32>
      %get3A_1886 = arith.index_cast %add3A_1862 : i32 to index
      %get3A_1887 = arith.constant 32 : index
      %get3A_1888 = tpu.vector_load %arg11[%get3A_1886, %get3A_1887] {strides = array<i32>} : memref<128x64xf32, #tpu.memory_space<vmem>>, vector<1x16xf32>,
      %get3A_1889 = vector.shape_cast %get3A_1888 : vector<1x16xf32> to vector<16xf32>
      %mul3A_1890 = arith.mulf %get3A_1885, %get3A_1889 : vector<16xf32>
      %add3A_1891 = arith.addf %add3A_1881, %mul3A_1890 : vector<16xf32>
      %get3A_1892 = arith.index_cast %add3A_1858 : i32 to index
      %get3A_1893 = arith.constant 48 : index
      %get3A_1894 = tpu.vector_load %arg9[%get3A_1892, %get3A_1893] {strides = array<i32>} : memref<128x64xf32, #tpu.memory_space<vmem>>, vector<1x16xf32>,
      %get3A_1895 = vector.shape_cast %get3A_1894 : vector<1x16xf32> to vector<16xf32>
      %get3A_1896 = arith.index_cast %add3A_1862 : i32 to index
      %get3A_1897 = arith.constant 48 : index
      %get3A_1898 = tpu.vector_load %arg11[%get3A_1896, %get3A_1897] {strides = array<i32>} : memref<128x64xf32, #tpu.memory_space<vmem>>, vector<1x16xf32>,
      %get3A_1899 = vector.shape_cast %get3A_1898 : vector<1x16xf32> to vector<16xf32>
      %mul3A_1900 = arith.mulf %get3A_1895, %get3A_1899 : vector<16xf32>
      %add3A_1901 = arith.addf %add3A_1891, %mul3A_1900 : vector<16xf32>
      %xor3A_1902 = arith.constant 1 : i32
      %xor3A_1903 = vector.broadcast %xor3A_1902 : i32 to vector<16xi32>
      %xor3A_1904 = arith.xori %iota3A, %xor3A_1903 : vector<16xi32>
      %lt3A_1905 = arith.constant 0 : i32
      %lt3A_1906 = vector.broadcast %lt3A_1905 : i32 to vector<16xi32>
      %lt3A_1907 = arith.cmpi slt, %xor3A_1904, %lt3A_1906 : vector<16xi32>
      %add3A_1908 = arith.constant 16 : i32
      %add3A_1909 = vector.broadcast %add3A_1908 : i32 to vector<16xi32>
      %add3A_1910 = arith.addi %xor3A_1904, %add3A_1909 : vector<16xi32>
      %select_n3A_1911 = arith.select %lt3A_1907, %add3A_1910, %xor3A_1904 : vector<16xi1>, vector<16xi32>
      %broadcast_in_dim3A_1912 = vector.shape_cast %select_n3A_1911 : vector<16xi32> to vector<16x1xi32>
      %gather3A_1913 = vector.shape_cast %broadcast_in_dim3A_1912 : vector<16x1xi32> to vector<16xi32>
      %gather3A_1914 = tpu.dynamic_gather %add3A_1901[%gather3A_1913] in [0] : vector<16xf32>, vector<16xi32> -> vector<16xf32>
      %add3A_1915 = arith.addf %add3A_1901, %gather3A_1914 : vector<16xf32>
      %xor3A_1916 = arith.constant 2 : i32
      %xor3A_1917 = vector.broadcast %xor3A_1916 : i32 to vector<16xi32>
      %xor3A_1918 = arith.xori %iota3A, %xor3A_1917 : vector<16xi32>
      %lt3A_1919 = arith.constant 0 : i32
      %lt3A_1920 = vector.broadcast %lt3A_1919 : i32 to vector<16xi32>
      %lt3A_1921 = arith.cmpi slt, %xor3A_1918, %lt3A_1920 : vector<16xi32>
      %add3A_1922 = arith.constant 16 : i32
      %add3A_1923 = vector.broadcast %add3A_1922 : i32 to vector<16xi32>
      %add3A_1924 = arith.addi %xor3A_1918, %add3A_1923 : vector<16xi32>
      %select_n3A_1925 = arith.select %lt3A_1921, %add3A_1924, %xor3A_1918 : vector<16xi1>, vector<16xi32>
      %broadcast_in_dim3A_1926 = vector.shape_cast %select_n3A_1925 : vector<16xi32> to vector<16x1xi32>
      %gather3A_1927 = vector.shape_cast %broadcast_in_dim3A_1926 : vector<16x1xi32> to vector<16xi32>
      %gather3A_1928 = tpu.dynamic_gather %add3A_1915[%gather3A_1927] in [0] : vector<16xf32>, vector<16xi32> -> vector<16xf32>
      %add3A_1929 = arith.addf %add3A_1915, %gather3A_1928 : vector<16xf32>
      %xor3A_1930 = arith.constant 4 : i32
      %xor3A_1931 = vector.broadcast %xor3A_1930 : i32 to vector<16xi32>
      %xor3A_1932 = arith.xori %iota3A, %xor3A_1931 : vector<16xi32>
      %lt3A_1933 = arith.constant 0 : i32
      %lt3A_1934 = vector.broadcast %lt3A_1933 : i32 to vector<16xi32>
      %lt3A_1935 = arith.cmpi slt, %xor3A_1932, %lt3A_1934 : vector<16xi32>
      %add3A_1936 = arith.constant 16 : i32
      %add3A_1937 = vector.broadcast %add3A_1936 : i32 to vector<16xi32>
      %add3A_1938 = arith.addi %xor3A_1932, %add3A_1937 : vector<16xi32>
      %select_n3A_1939 = arith.select %lt3A_1935, %add3A_1938, %xor3A_1932 : vector<16xi1>, vector<16xi32>
      %broadcast_in_dim3A_1940 = vector.shape_cast %select_n3A_1939 : vector<16xi32> to vector<16x1xi32>
      %gather3A_1941 = vector.shape_cast %broadcast_in_dim3A_1940 : vector<16x1xi32> to vector<16xi32>
      %gather3A_1942 = tpu.dynamic_gather %add3A_1929[%gather3A_1941] in [0] : vector<16xf32>, vector<16xi32> -> vector<16xf32>
      %add3A_1943 = arith.addf %add3A_1929, %gather3A_1942 : vector<16xf32>
      %xor3A_1944 = arith.constant 8 : i32
      %xor3A_1945 = vector.broadcast %xor3A_1944 : i32 to vector<16xi32>
      %xor3A_1946 = arith.xori %iota3A, %xor3A_1945 : vector<16xi32>
      %lt3A_1947 = arith.constant 0 : i32
      %lt3A_1948 = vector.broadcast %lt3A_1947 : i32 to vector<16xi32>
      %lt3A_1949 = arith.cmpi slt, %xor3A_1946, %lt3A_1948 : vector<16xi32>
      %add3A_1950 = arith.constant 16 : i32
      %add3A_1951 = vector.broadcast %add3A_1950 : i32 to vector<16xi32>
      %add3A_1952 = arith.addi %xor3A_1946, %add3A_1951 : vector<16xi32>
      %select_n3A_1953 = arith.select %lt3A_1949, %add3A_1952, %xor3A_1946 : vector<16xi1>, vector<16xi32>
      %broadcast_in_dim3A_1954 = vector.shape_cast %select_n3A_1953 : vector<16xi32> to vector<16x1xi32>
      %gather3A_1955 = vector.shape_cast %broadcast_in_dim3A_1954 : vector<16x1xi32> to vector<16xi32>
      %gather3A_1956 = tpu.dynamic_gather %add3A_1943[%gather3A_1955] in [0] : vector<16xf32>, vector<16xi32> -> vector<16xf32>
      %add3A_1957 = arith.addf %add3A_1943, %gather3A_1956 : vector<16xf32>
      %eq3A_1958 = arith.constant 9 : i32
      %eq3A_1959 = vector.broadcast %eq3A_1958 : i32 to vector<16xi32>
      %eq3A_1960 = arith.cmpi eq, %iota3A, %eq3A_1959 : vector<16xi32>
      %select_n3A_1961 = arith.select %eq3A_1960, %add3A_1957, %select_n3A_1854 : vector<16xi1>, vector<16xf32>
      %slice3A_1962 = vector.extract_strided_slice %and3A_887 {offsets = [10], sizes = [1], strides = [1]} : vector<16xi32> to vector<1xi32>
      %squeeze3A_1963 = vector.extract %slice3A_1962[0] : i32 from vector<1xi32>
      %add3A_1964 = arith.constant 80 : i32
      %add3A_1965 = arith.addi %add3A_1964, %squeeze3A_1963 : i32
      %slice3A_1966 = vector.extract_strided_slice %and3A_895 {offsets = [10], sizes = [1], strides = [1]} : vector<16xi32> to vector<1xi32>
      %squeeze3A_1967 = vector.extract %slice3A_1966[0] : i32 from vector<1xi32>
      %add3A_1968 = arith.constant 80 : i32
      %add3A_1969 = arith.addi %add3A_1968, %squeeze3A_1967 : i32
      %get3A_1970 = arith.index_cast %add3A_1965 : i32 to index
      %get3A_1971 = arith.constant 0 : index
      %get3A_1972 = tpu.vector_load %arg9[%get3A_1970, %get3A_1971] {strides = array<i32>} : memref<128x64xf32, #tpu.memory_space<vmem>>, vector<1x16xf32>,
      %get3A_1973 = vector.shape_cast %get3A_1972 : vector<1x16xf32> to vector<16xf32>
      %get3A_1974 = arith.index_cast %add3A_1969 : i32 to index
      %get3A_1975 = arith.constant 0 : index
      %get3A_1976 = tpu.vector_load %arg11[%get3A_1974, %get3A_1975] {strides = array<i32>} : memref<128x64xf32, #tpu.memory_space<vmem>>, vector<1x16xf32>,
      %get3A_1977 = vector.shape_cast %get3A_1976 : vector<1x16xf32> to vector<16xf32>
      %mul3A_1978 = arith.mulf %get3A_1973, %get3A_1977 : vector<16xf32>
      %get3A_1979 = arith.index_cast %add3A_1965 : i32 to index
      %get3A_1980 = arith.constant 16 : index
      %get3A_1981 = tpu.vector_load %arg9[%get3A_1979, %get3A_1980] {strides = array<i32>} : memref<128x64xf32, #tpu.memory_space<vmem>>, vector<1x16xf32>,
      %get3A_1982 = vector.shape_cast %get3A_1981 : vector<1x16xf32> to vector<16xf32>
      %get3A_1983 = arith.index_cast %add3A_1969 : i32 to index
      %get3A_1984 = arith.constant 16 : index
      %get3A_1985 = tpu.vector_load %arg11[%get3A_1983, %get3A_1984] {strides = array<i32>} : memref<128x64xf32, #tpu.memory_space<vmem>>, vector<1x16xf32>,
      %get3A_1986 = vector.shape_cast %get3A_1985 : vector<1x16xf32> to vector<16xf32>
      %mul3A_1987 = arith.mulf %get3A_1982, %get3A_1986 : vector<16xf32>
      %add3A_1988 = arith.addf %mul3A_1978, %mul3A_1987 : vector<16xf32>
      %get3A_1989 = arith.index_cast %add3A_1965 : i32 to index
      %get3A_1990 = arith.constant 32 : index
      %get3A_1991 = tpu.vector_load %arg9[%get3A_1989, %get3A_1990] {strides = array<i32>} : memref<128x64xf32, #tpu.memory_space<vmem>>, vector<1x16xf32>,
      %get3A_1992 = vector.shape_cast %get3A_1991 : vector<1x16xf32> to vector<16xf32>
      %get3A_1993 = arith.index_cast %add3A_1969 : i32 to index
      %get3A_1994 = arith.constant 32 : index
      %get3A_1995 = tpu.vector_load %arg11[%get3A_1993, %get3A_1994] {strides = array<i32>} : memref<128x64xf32, #tpu.memory_space<vmem>>, vector<1x16xf32>,
      %get3A_1996 = vector.shape_cast %get3A_1995 : vector<1x16xf32> to vector<16xf32>
      %mul3A_1997 = arith.mulf %get3A_1992, %get3A_1996 : vector<16xf32>
      %add3A_1998 = arith.addf %add3A_1988, %mul3A_1997 : vector<16xf32>
      %get3A_1999 = arith.index_cast %add3A_1965 : i32 to index
      %get3A_2000 = arith.constant 48 : index
      %get3A_2001 = tpu.vector_load %arg9[%get3A_1999, %get3A_2000] {strides = array<i32>} : memref<128x64xf32, #tpu.memory_space<vmem>>, vector<1x16xf32>,
      %get3A_2002 = vector.shape_cast %get3A_2001 : vector<1x16xf32> to vector<16xf32>
      %get3A_2003 = arith.index_cast %add3A_1969 : i32 to index
      %get3A_2004 = arith.constant 48 : index
      %get3A_2005 = tpu.vector_load %arg11[%get3A_2003, %get3A_2004] {strides = array<i32>} : memref<128x64xf32, #tpu.memory_space<vmem>>, vector<1x16xf32>,
      %get3A_2006 = vector.shape_cast %get3A_2005 : vector<1x16xf32> to vector<16xf32>
      %mul3A_2007 = arith.mulf %get3A_2002, %get3A_2006 : vector<16xf32>
      %add3A_2008 = arith.addf %add3A_1998, %mul3A_2007 : vector<16xf32>
      %xor3A_2009 = arith.constant 1 : i32
      %xor3A_2010 = vector.broadcast %xor3A_2009 : i32 to vector<16xi32>
      %xor3A_2011 = arith.xori %iota3A, %xor3A_2010 : vector<16xi32>
      %lt3A_2012 = arith.constant 0 : i32
      %lt3A_2013 = vector.broadcast %lt3A_2012 : i32 to vector<16xi32>
      %lt3A_2014 = arith.cmpi slt, %xor3A_2011, %lt3A_2013 : vector<16xi32>
      %add3A_2015 = arith.constant 16 : i32
      %add3A_2016 = vector.broadcast %add3A_2015 : i32 to vector<16xi32>
      %add3A_2017 = arith.addi %xor3A_2011, %add3A_2016 : vector<16xi32>
      %select_n3A_2018 = arith.select %lt3A_2014, %add3A_2017, %xor3A_2011 : vector<16xi1>, vector<16xi32>
      %broadcast_in_dim3A_2019 = vector.shape_cast %select_n3A_2018 : vector<16xi32> to vector<16x1xi32>
      %gather3A_2020 = vector.shape_cast %broadcast_in_dim3A_2019 : vector<16x1xi32> to vector<16xi32>
      %gather3A_2021 = tpu.dynamic_gather %add3A_2008[%gather3A_2020] in [0] : vector<16xf32>, vector<16xi32> -> vector<16xf32>
      %add3A_2022 = arith.addf %add3A_2008, %gather3A_2021 : vector<16xf32>
      %xor3A_2023 = arith.constant 2 : i32
      %xor3A_2024 = vector.broadcast %xor3A_2023 : i32 to vector<16xi32>
      %xor3A_2025 = arith.xori %iota3A, %xor3A_2024 : vector<16xi32>
      %lt3A_2026 = arith.constant 0 : i32
      %lt3A_2027 = vector.broadcast %lt3A_2026 : i32 to vector<16xi32>
      %lt3A_2028 = arith.cmpi slt, %xor3A_2025, %lt3A_2027 : vector<16xi32>
      %add3A_2029 = arith.constant 16 : i32
      %add3A_2030 = vector.broadcast %add3A_2029 : i32 to vector<16xi32>
      %add3A_2031 = arith.addi %xor3A_2025, %add3A_2030 : vector<16xi32>
      %select_n3A_2032 = arith.select %lt3A_2028, %add3A_2031, %xor3A_2025 : vector<16xi1>, vector<16xi32>
      %broadcast_in_dim3A_2033 = vector.shape_cast %select_n3A_2032 : vector<16xi32> to vector<16x1xi32>
      %gather3A_2034 = vector.shape_cast %broadcast_in_dim3A_2033 : vector<16x1xi32> to vector<16xi32>
      %gather3A_2035 = tpu.dynamic_gather %add3A_2022[%gather3A_2034] in [0] : vector<16xf32>, vector<16xi32> -> vector<16xf32>
      %add3A_2036 = arith.addf %add3A_2022, %gather3A_2035 : vector<16xf32>
      %xor3A_2037 = arith.constant 4 : i32
      %xor3A_2038 = vector.broadcast %xor3A_2037 : i32 to vector<16xi32>
      %xor3A_2039 = arith.xori %iota3A, %xor3A_2038 : vector<16xi32>
      %lt3A_2040 = arith.constant 0 : i32
      %lt3A_2041 = vector.broadcast %lt3A_2040 : i32 to vector<16xi32>
      %lt3A_2042 = arith.cmpi slt, %xor3A_2039, %lt3A_2041 : vector<16xi32>
      %add3A_2043 = arith.constant 16 : i32
      %add3A_2044 = vector.broadcast %add3A_2043 : i32 to vector<16xi32>
      %add3A_2045 = arith.addi %xor3A_2039, %add3A_2044 : vector<16xi32>
      %select_n3A_2046 = arith.select %lt3A_2042, %add3A_2045, %xor3A_2039 : vector<16xi1>, vector<16xi32>
      %broadcast_in_dim3A_2047 = vector.shape_cast %select_n3A_2046 : vector<16xi32> to vector<16x1xi32>
      %gather3A_2048 = vector.shape_cast %broadcast_in_dim3A_2047 : vector<16x1xi32> to vector<16xi32>
      %gather3A_2049 = tpu.dynamic_gather %add3A_2036[%gather3A_2048] in [0] : vector<16xf32>, vector<16xi32> -> vector<16xf32>
      %add3A_2050 = arith.addf %add3A_2036, %gather3A_2049 : vector<16xf32>
      %xor3A_2051 = arith.constant 8 : i32
      %xor3A_2052 = vector.broadcast %xor3A_2051 : i32 to vector<16xi32>
      %xor3A_2053 = arith.xori %iota3A, %xor3A_2052 : vector<16xi32>
      %lt3A_2054 = arith.constant 0 : i32
      %lt3A_2055 = vector.broadcast %lt3A_2054 : i32 to vector<16xi32>
      %lt3A_2056 = arith.cmpi slt, %xor3A_2053, %lt3A_2055 : vector<16xi32>
      %add3A_2057 = arith.constant 16 : i32
      %add3A_2058 = vector.broadcast %add3A_2057 : i32 to vector<16xi32>
      %add3A_2059 = arith.addi %xor3A_2053, %add3A_2058 : vector<16xi32>
      %select_n3A_2060 = arith.select %lt3A_2056, %add3A_2059, %xor3A_2053 : vector<16xi1>, vector<16xi32>
      %broadcast_in_dim3A_2061 = vector.shape_cast %select_n3A_2060 : vector<16xi32> to vector<16x1xi32>
      %gather3A_2062 = vector.shape_cast %broadcast_in_dim3A_2061 : vector<16x1xi32> to vector<16xi32>
      %gather3A_2063 = tpu.dynamic_gather %add3A_2050[%gather3A_2062] in [0] : vector<16xf32>, vector<16xi32> -> vector<16xf32>
      %add3A_2064 = arith.addf %add3A_2050, %gather3A_2063 : vector<16xf32>
      %eq3A_2065 = arith.constant 10 : i32
      %eq3A_2066 = vector.broadcast %eq3A_2065 : i32 to vector<16xi32>
      %eq3A_2067 = arith.cmpi eq, %iota3A, %eq3A_2066 : vector<16xi32>
      %select_n3A_2068 = arith.select %eq3A_2067, %add3A_2064, %select_n3A_1961 : vector<16xi1>, vector<16xf32>
      %slice3A_2069 = vector.extract_strided_slice %and3A_887 {offsets = [11], sizes = [1], strides = [1]} : vector<16xi32> to vector<1xi32>
      %squeeze3A_2070 = vector.extract %slice3A_2069[0] : i32 from vector<1xi32>
      %add3A_2071 = arith.constant 88 : i32
      %add3A_2072 = arith.addi %add3A_2071, %squeeze3A_2070 : i32
      %slice3A_2073 = vector.extract_strided_slice %and3A_895 {offsets = [11], sizes = [1], strides = [1]} : vector<16xi32> to vector<1xi32>
      %squeeze3A_2074 = vector.extract %slice3A_2073[0] : i32 from vector<1xi32>
      %add3A_2075 = arith.constant 88 : i32
      %add3A_2076 = arith.addi %add3A_2075, %squeeze3A_2074 : i32
      %get3A_2077 = arith.index_cast %add3A_2072 : i32 to index
      %get3A_2078 = arith.constant 0 : index
      %get3A_2079 = tpu.vector_load %arg9[%get3A_2077, %get3A_2078] {strides = array<i32>} : memref<128x64xf32, #tpu.memory_space<vmem>>, vector<1x16xf32>,
      %get3A_2080 = vector.shape_cast %get3A_2079 : vector<1x16xf32> to vector<16xf32>
      %get3A_2081 = arith.index_cast %add3A_2076 : i32 to index
      %get3A_2082 = arith.constant 0 : index
      %get3A_2083 = tpu.vector_load %arg11[%get3A_2081, %get3A_2082] {strides = array<i32>} : memref<128x64xf32, #tpu.memory_space<vmem>>, vector<1x16xf32>,
      %get3A_2084 = vector.shape_cast %get3A_2083 : vector<1x16xf32> to vector<16xf32>
      %mul3A_2085 = arith.mulf %get3A_2080, %get3A_2084 : vector<16xf32>
      %get3A_2086 = arith.index_cast %add3A_2072 : i32 to index
      %get3A_2087 = arith.constant 16 : index
      %get3A_2088 = tpu.vector_load %arg9[%get3A_2086, %get3A_2087] {strides = array<i32>} : memref<128x64xf32, #tpu.memory_space<vmem>>, vector<1x16xf32>,
      %get3A_2089 = vector.shape_cast %get3A_2088 : vector<1x16xf32> to vector<16xf32>
      %get3A_2090 = arith.index_cast %add3A_2076 : i32 to index
      %get3A_2091 = arith.constant 16 : index
      %get3A_2092 = tpu.vector_load %arg11[%get3A_2090, %get3A_2091] {strides = array<i32>} : memref<128x64xf32, #tpu.memory_space<vmem>>, vector<1x16xf32>,
      %get3A_2093 = vector.shape_cast %get3A_2092 : vector<1x16xf32> to vector<16xf32>
      %mul3A_2094 = arith.mulf %get3A_2089, %get3A_2093 : vector<16xf32>
      %add3A_2095 = arith.addf %mul3A_2085, %mul3A_2094 : vector<16xf32>
      %get3A_2096 = arith.index_cast %add3A_2072 : i32 to index
      %get3A_2097 = arith.constant 32 : index
      %get3A_2098 = tpu.vector_load %arg9[%get3A_2096, %get3A_2097] {strides = array<i32>} : memref<128x64xf32, #tpu.memory_space<vmem>>, vector<1x16xf32>,
      %get3A_2099 = vector.shape_cast %get3A_2098 : vector<1x16xf32> to vector<16xf32>
      %get3A_2100 = arith.index_cast %add3A_2076 : i32 to index
      %get3A_2101 = arith.constant 32 : index
      %get3A_2102 = tpu.vector_load %arg11[%get3A_2100, %get3A_2101] {strides = array<i32>} : memref<128x64xf32, #tpu.memory_space<vmem>>, vector<1x16xf32>,
      %get3A_2103 = vector.shape_cast %get3A_2102 : vector<1x16xf32> to vector<16xf32>
      %mul3A_2104 = arith.mulf %get3A_2099, %get3A_2103 : vector<16xf32>
      %add3A_2105 = arith.addf %add3A_2095, %mul3A_2104 : vector<16xf32>
      %get3A_2106 = arith.index_cast %add3A_2072 : i32 to index
      %get3A_2107 = arith.constant 48 : index
      %get3A_2108 = tpu.vector_load %arg9[%get3A_2106, %get3A_2107] {strides = array<i32>} : memref<128x64xf32, #tpu.memory_space<vmem>>, vector<1x16xf32>,
      %get3A_2109 = vector.shape_cast %get3A_2108 : vector<1x16xf32> to vector<16xf32>
      %get3A_2110 = arith.index_cast %add3A_2076 : i32 to index
      %get3A_2111 = arith.constant 48 : index
      %get3A_2112 = tpu.vector_load %arg11[%get3A_2110, %get3A_2111] {strides = array<i32>} : memref<128x64xf32, #tpu.memory_space<vmem>>, vector<1x16xf32>,
      %get3A_2113 = vector.shape_cast %get3A_2112 : vector<1x16xf32> to vector<16xf32>
      %mul3A_2114 = arith.mulf %get3A_2109, %get3A_2113 : vector<16xf32>
      %add3A_2115 = arith.addf %add3A_2105, %mul3A_2114 : vector<16xf32>
      %xor3A_2116 = arith.constant 1 : i32
      %xor3A_2117 = vector.broadcast %xor3A_2116 : i32 to vector<16xi32>
      %xor3A_2118 = arith.xori %iota3A, %xor3A_2117 : vector<16xi32>
      %lt3A_2119 = arith.constant 0 : i32
      %lt3A_2120 = vector.broadcast %lt3A_2119 : i32 to vector<16xi32>
      %lt3A_2121 = arith.cmpi slt, %xor3A_2118, %lt3A_2120 : vector<16xi32>
      %add3A_2122 = arith.constant 16 : i32
      %add3A_2123 = vector.broadcast %add3A_2122 : i32 to vector<16xi32>
      %add3A_2124 = arith.addi %xor3A_2118, %add3A_2123 : vector<16xi32>
      %select_n3A_2125 = arith.select %lt3A_2121, %add3A_2124, %xor3A_2118 : vector<16xi1>, vector<16xi32>
      %broadcast_in_dim3A_2126 = vector.shape_cast %select_n3A_2125 : vector<16xi32> to vector<16x1xi32>
      %gather3A_2127 = vector.shape_cast %broadcast_in_dim3A_2126 : vector<16x1xi32> to vector<16xi32>
      %gather3A_2128 = tpu.dynamic_gather %add3A_2115[%gather3A_2127] in [0] : vector<16xf32>, vector<16xi32> -> vector<16xf32>
      %add3A_2129 = arith.addf %add3A_2115, %gather3A_2128 : vector<16xf32>
      %xor3A_2130 = arith.constant 2 : i32
      %xor3A_2131 = vector.broadcast %xor3A_2130 : i32 to vector<16xi32>
      %xor3A_2132 = arith.xori %iota3A, %xor3A_2131 : vector<16xi32>
      %lt3A_2133 = arith.constant 0 : i32
      %lt3A_2134 = vector.broadcast %lt3A_2133 : i32 to vector<16xi32>
      %lt3A_2135 = arith.cmpi slt, %xor3A_2132, %lt3A_2134 : vector<16xi32>
      %add3A_2136 = arith.constant 16 : i32
      %add3A_2137 = vector.broadcast %add3A_2136 : i32 to vector<16xi32>
      %add3A_2138 = arith.addi %xor3A_2132, %add3A_2137 : vector<16xi32>
      %select_n3A_2139 = arith.select %lt3A_2135, %add3A_2138, %xor3A_2132 : vector<16xi1>, vector<16xi32>
      %broadcast_in_dim3A_2140 = vector.shape_cast %select_n3A_2139 : vector<16xi32> to vector<16x1xi32>
      %gather3A_2141 = vector.shape_cast %broadcast_in_dim3A_2140 : vector<16x1xi32> to vector<16xi32>
      %gather3A_2142 = tpu.dynamic_gather %add3A_2129[%gather3A_2141] in [0] : vector<16xf32>, vector<16xi32> -> vector<16xf32>
      %add3A_2143 = arith.addf %add3A_2129, %gather3A_2142 : vector<16xf32>
      %xor3A_2144 = arith.constant 4 : i32
      %xor3A_2145 = vector.broadcast %xor3A_2144 : i32 to vector<16xi32>
      %xor3A_2146 = arith.xori %iota3A, %xor3A_2145 : vector<16xi32>
      %lt3A_2147 = arith.constant 0 : i32
      %lt3A_2148 = vector.broadcast %lt3A_2147 : i32 to vector<16xi32>
      %lt3A_2149 = arith.cmpi slt, %xor3A_2146, %lt3A_2148 : vector<16xi32>
      %add3A_2150 = arith.constant 16 : i32
      %add3A_2151 = vector.broadcast %add3A_2150 : i32 to vector<16xi32>
      %add3A_2152 = arith.addi %xor3A_2146, %add3A_2151 : vector<16xi32>
      %select_n3A_2153 = arith.select %lt3A_2149, %add3A_2152, %xor3A_2146 : vector<16xi1>, vector<16xi32>
      %broadcast_in_dim3A_2154 = vector.shape_cast %select_n3A_2153 : vector<16xi32> to vector<16x1xi32>
      %gather3A_2155 = vector.shape_cast %broadcast_in_dim3A_2154 : vector<16x1xi32> to vector<16xi32>
      %gather3A_2156 = tpu.dynamic_gather %add3A_2143[%gather3A_2155] in [0] : vector<16xf32>, vector<16xi32> -> vector<16xf32>
      %add3A_2157 = arith.addf %add3A_2143, %gather3A_2156 : vector<16xf32>
      %xor3A_2158 = arith.constant 8 : i32
      %xor3A_2159 = vector.broadcast %xor3A_2158 : i32 to vector<16xi32>
      %xor3A_2160 = arith.xori %iota3A, %xor3A_2159 : vector<16xi32>
      %lt3A_2161 = arith.constant 0 : i32
      %lt3A_2162 = vector.broadcast %lt3A_2161 : i32 to vector<16xi32>
      %lt3A_2163 = arith.cmpi slt, %xor3A_2160, %lt3A_2162 : vector<16xi32>
      %add3A_2164 = arith.constant 16 : i32
      %add3A_2165 = vector.broadcast %add3A_2164 : i32 to vector<16xi32>
      %add3A_2166 = arith.addi %xor3A_2160, %add3A_2165 : vector<16xi32>
      %select_n3A_2167 = arith.select %lt3A_2163, %add3A_2166, %xor3A_2160 : vector<16xi1>, vector<16xi32>
      %broadcast_in_dim3A_2168 = vector.shape_cast %select_n3A_2167 : vector<16xi32> to vector<16x1xi32>
      %gather3A_2169 = vector.shape_cast %broadcast_in_dim3A_2168 : vector<16x1xi32> to vector<16xi32>
      %gather3A_2170 = tpu.dynamic_gather %add3A_2157[%gather3A_2169] in [0] : vector<16xf32>, vector<16xi32> -> vector<16xf32>
      %add3A_2171 = arith.addf %add3A_2157, %gather3A_2170 : vector<16xf32>
      %eq3A_2172 = arith.constant 11 : i32
      %eq3A_2173 = vector.broadcast %eq3A_2172 : i32 to vector<16xi32>
      %eq3A_2174 = arith.cmpi eq, %iota3A, %eq3A_2173 : vector<16xi32>
      %select_n3A_2175 = arith.select %eq3A_2174, %add3A_2171, %select_n3A_2068 : vector<16xi1>, vector<16xf32>
      %slice3A_2176 = vector.extract_strided_slice %and3A_887 {offsets = [12], sizes = [1], strides = [1]} : vector<16xi32> to vector<1xi32>
      %squeeze3A_2177 = vector.extract %slice3A_2176[0] : i32 from vector<1xi32>
      %add3A_2178 = arith.constant 96 : i32
      %add3A_2179 = arith.addi %add3A_2178, %squeeze3A_2177 : i32
      %slice3A_2180 = vector.extract_strided_slice %and3A_895 {offsets = [12], sizes = [1], strides = [1]} : vector<16xi32> to vector<1xi32>
      %squeeze3A_2181 = vector.extract %slice3A_2180[0] : i32 from vector<1xi32>
      %add3A_2182 = arith.constant 96 : i32
      %add3A_2183 = arith.addi %add3A_2182, %squeeze3A_2181 : i32
      %get3A_2184 = arith.index_cast %add3A_2179 : i32 to index
      %get3A_2185 = arith.constant 0 : index
      %get3A_2186 = tpu.vector_load %arg9[%get3A_2184, %get3A_2185] {strides = array<i32>} : memref<128x64xf32, #tpu.memory_space<vmem>>, vector<1x16xf32>,
      %get3A_2187 = vector.shape_cast %get3A_2186 : vector<1x16xf32> to vector<16xf32>
      %get3A_2188 = arith.index_cast %add3A_2183 : i32 to index
      %get3A_2189 = arith.constant 0 : index
      %get3A_2190 = tpu.vector_load %arg11[%get3A_2188, %get3A_2189] {strides = array<i32>} : memref<128x64xf32, #tpu.memory_space<vmem>>, vector<1x16xf32>,
      %get3A_2191 = vector.shape_cast %get3A_2190 : vector<1x16xf32> to vector<16xf32>
      %mul3A_2192 = arith.mulf %get3A_2187, %get3A_2191 : vector<16xf32>
      %get3A_2193 = arith.index_cast %add3A_2179 : i32 to index
      %get3A_2194 = arith.constant 16 : index
      %get3A_2195 = tpu.vector_load %arg9[%get3A_2193, %get3A_2194] {strides = array<i32>} : memref<128x64xf32, #tpu.memory_space<vmem>>, vector<1x16xf32>,
      %get3A_2196 = vector.shape_cast %get3A_2195 : vector<1x16xf32> to vector<16xf32>
      %get3A_2197 = arith.index_cast %add3A_2183 : i32 to index
      %get3A_2198 = arith.constant 16 : index
      %get3A_2199 = tpu.vector_load %arg11[%get3A_2197, %get3A_2198] {strides = array<i32>} : memref<128x64xf32, #tpu.memory_space<vmem>>, vector<1x16xf32>,
      %get3A_2200 = vector.shape_cast %get3A_2199 : vector<1x16xf32> to vector<16xf32>
      %mul3A_2201 = arith.mulf %get3A_2196, %get3A_2200 : vector<16xf32>
      %add3A_2202 = arith.addf %mul3A_2192, %mul3A_2201 : vector<16xf32>
      %get3A_2203 = arith.index_cast %add3A_2179 : i32 to index
      %get3A_2204 = arith.constant 32 : index
      %get3A_2205 = tpu.vector_load %arg9[%get3A_2203, %get3A_2204] {strides = array<i32>} : memref<128x64xf32, #tpu.memory_space<vmem>>, vector<1x16xf32>,
      %get3A_2206 = vector.shape_cast %get3A_2205 : vector<1x16xf32> to vector<16xf32>
      %get3A_2207 = arith.index_cast %add3A_2183 : i32 to index
      %get3A_2208 = arith.constant 32 : index
      %get3A_2209 = tpu.vector_load %arg11[%get3A_2207, %get3A_2208] {strides = array<i32>} : memref<128x64xf32, #tpu.memory_space<vmem>>, vector<1x16xf32>,
      %get3A_2210 = vector.shape_cast %get3A_2209 : vector<1x16xf32> to vector<16xf32>
      %mul3A_2211 = arith.mulf %get3A_2206, %get3A_2210 : vector<16xf32>
      %add3A_2212 = arith.addf %add3A_2202, %mul3A_2211 : vector<16xf32>
      %get3A_2213 = arith.index_cast %add3A_2179 : i32 to index
      %get3A_2214 = arith.constant 48 : index
      %get3A_2215 = tpu.vector_load %arg9[%get3A_2213, %get3A_2214] {strides = array<i32>} : memref<128x64xf32, #tpu.memory_space<vmem>>, vector<1x16xf32>,
      %get3A_2216 = vector.shape_cast %get3A_2215 : vector<1x16xf32> to vector<16xf32>
      %get3A_2217 = arith.index_cast %add3A_2183 : i32 to index
      %get3A_2218 = arith.constant 48 : index
      %get3A_2219 = tpu.vector_load %arg11[%get3A_2217, %get3A_2218] {strides = array<i32>} : memref<128x64xf32, #tpu.memory_space<vmem>>, vector<1x16xf32>,
      %get3A_2220 = vector.shape_cast %get3A_2219 : vector<1x16xf32> to vector<16xf32>
      %mul3A_2221 = arith.mulf %get3A_2216, %get3A_2220 : vector<16xf32>
      %add3A_2222 = arith.addf %add3A_2212, %mul3A_2221 : vector<16xf32>
      %xor3A_2223 = arith.constant 1 : i32
      %xor3A_2224 = vector.broadcast %xor3A_2223 : i32 to vector<16xi32>
      %xor3A_2225 = arith.xori %iota3A, %xor3A_2224 : vector<16xi32>
      %lt3A_2226 = arith.constant 0 : i32
      %lt3A_2227 = vector.broadcast %lt3A_2226 : i32 to vector<16xi32>
      %lt3A_2228 = arith.cmpi slt, %xor3A_2225, %lt3A_2227 : vector<16xi32>
      %add3A_2229 = arith.constant 16 : i32
      %add3A_2230 = vector.broadcast %add3A_2229 : i32 to vector<16xi32>
      %add3A_2231 = arith.addi %xor3A_2225, %add3A_2230 : vector<16xi32>
      %select_n3A_2232 = arith.select %lt3A_2228, %add3A_2231, %xor3A_2225 : vector<16xi1>, vector<16xi32>
      %broadcast_in_dim3A_2233 = vector.shape_cast %select_n3A_2232 : vector<16xi32> to vector<16x1xi32>
      %gather3A_2234 = vector.shape_cast %broadcast_in_dim3A_2233 : vector<16x1xi32> to vector<16xi32>
      %gather3A_2235 = tpu.dynamic_gather %add3A_2222[%gather3A_2234] in [0] : vector<16xf32>, vector<16xi32> -> vector<16xf32>
      %add3A_2236 = arith.addf %add3A_2222, %gather3A_2235 : vector<16xf32>
      %xor3A_2237 = arith.constant 2 : i32
      %xor3A_2238 = vector.broadcast %xor3A_2237 : i32 to vector<16xi32>
      %xor3A_2239 = arith.xori %iota3A, %xor3A_2238 : vector<16xi32>
      %lt3A_2240 = arith.constant 0 : i32
      %lt3A_2241 = vector.broadcast %lt3A_2240 : i32 to vector<16xi32>
      %lt3A_2242 = arith.cmpi slt, %xor3A_2239, %lt3A_2241 : vector<16xi32>
      %add3A_2243 = arith.constant 16 : i32
      %add3A_2244 = vector.broadcast %add3A_2243 : i32 to vector<16xi32>
      %add3A_2245 = arith.addi %xor3A_2239, %add3A_2244 : vector<16xi32>
      %select_n3A_2246 = arith.select %lt3A_2242, %add3A_2245, %xor3A_2239 : vector<16xi1>, vector<16xi32>
      %broadcast_in_dim3A_2247 = vector.shape_cast %select_n3A_2246 : vector<16xi32> to vector<16x1xi32>
      %gather3A_2248 = vector.shape_cast %broadcast_in_dim3A_2247 : vector<16x1xi32> to vector<16xi32>
      %gather3A_2249 = tpu.dynamic_gather %add3A_2236[%gather3A_2248] in [0] : vector<16xf32>, vector<16xi32> -> vector<16xf32>
      %add3A_2250 = arith.addf %add3A_2236, %gather3A_2249 : vector<16xf32>
      %xor3A_2251 = arith.constant 4 : i32
      %xor3A_2252 = vector.broadcast %xor3A_2251 : i32 to vector<16xi32>
      %xor3A_2253 = arith.xori %iota3A, %xor3A_2252 : vector<16xi32>
      %lt3A_2254 = arith.constant 0 : i32
      %lt3A_2255 = vector.broadcast %lt3A_2254 : i32 to vector<16xi32>
      %lt3A_2256 = arith.cmpi slt, %xor3A_2253, %lt3A_2255 : vector<16xi32>
      %add3A_2257 = arith.constant 16 : i32
      %add3A_2258 = vector.broadcast %add3A_2257 : i32 to vector<16xi32>
      %add3A_2259 = arith.addi %xor3A_2253, %add3A_2258 : vector<16xi32>
      %select_n3A_2260 = arith.select %lt3A_2256, %add3A_2259, %xor3A_2253 : vector<16xi1>, vector<16xi32>
      %broadcast_in_dim3A_2261 = vector.shape_cast %select_n3A_2260 : vector<16xi32> to vector<16x1xi32>
      %gather3A_2262 = vector.shape_cast %broadcast_in_dim3A_2261 : vector<16x1xi32> to vector<16xi32>
      %gather3A_2263 = tpu.dynamic_gather %add3A_2250[%gather3A_2262] in [0] : vector<16xf32>, vector<16xi32> -> vector<16xf32>
      %add3A_2264 = arith.addf %add3A_2250, %gather3A_2263 : vector<16xf32>
      %xor3A_2265 = arith.constant 8 : i32
      %xor3A_2266 = vector.broadcast %xor3A_2265 : i32 to vector<16xi32>
      %xor3A_2267 = arith.xori %iota3A, %xor3A_2266 : vector<16xi32>
      %lt3A_2268 = arith.constant 0 : i32
      %lt3A_2269 = vector.broadcast %lt3A_2268 : i32 to vector<16xi32>
      %lt3A_2270 = arith.cmpi slt, %xor3A_2267, %lt3A_2269 : vector<16xi32>
      %add3A_2271 = arith.constant 16 : i32
      %add3A_2272 = vector.broadcast %add3A_2271 : i32 to vector<16xi32>
      %add3A_2273 = arith.addi %xor3A_2267, %add3A_2272 : vector<16xi32>
      %select_n3A_2274 = arith.select %lt3A_2270, %add3A_2273, %xor3A_2267 : vector<16xi1>, vector<16xi32>
      %broadcast_in_dim3A_2275 = vector.shape_cast %select_n3A_2274 : vector<16xi32> to vector<16x1xi32>
      %gather3A_2276 = vector.shape_cast %broadcast_in_dim3A_2275 : vector<16x1xi32> to vector<16xi32>
      %gather3A_2277 = tpu.dynamic_gather %add3A_2264[%gather3A_2276] in [0] : vector<16xf32>, vector<16xi32> -> vector<16xf32>
      %add3A_2278 = arith.addf %add3A_2264, %gather3A_2277 : vector<16xf32>
      %eq3A_2279 = arith.constant 12 : i32
      %eq3A_2280 = vector.broadcast %eq3A_2279 : i32 to vector<16xi32>
      %eq3A_2281 = arith.cmpi eq, %iota3A, %eq3A_2280 : vector<16xi32>
      %select_n3A_2282 = arith.select %eq3A_2281, %add3A_2278, %select_n3A_2175 : vector<16xi1>, vector<16xf32>
      %slice3A_2283 = vector.extract_strided_slice %and3A_887 {offsets = [13], sizes = [1], strides = [1]} : vector<16xi32> to vector<1xi32>
      %squeeze3A_2284 = vector.extract %slice3A_2283[0] : i32 from vector<1xi32>
      %add3A_2285 = arith.constant 104 : i32
      %add3A_2286 = arith.addi %add3A_2285, %squeeze3A_2284 : i32
      %slice3A_2287 = vector.extract_strided_slice %and3A_895 {offsets = [13], sizes = [1], strides = [1]} : vector<16xi32> to vector<1xi32>
      %squeeze3A_2288 = vector.extract %slice3A_2287[0] : i32 from vector<1xi32>
      %add3A_2289 = arith.constant 104 : i32
      %add3A_2290 = arith.addi %add3A_2289, %squeeze3A_2288 : i32
      %get3A_2291 = arith.index_cast %add3A_2286 : i32 to index
      %get3A_2292 = arith.constant 0 : index
      %get3A_2293 = tpu.vector_load %arg9[%get3A_2291, %get3A_2292] {strides = array<i32>} : memref<128x64xf32, #tpu.memory_space<vmem>>, vector<1x16xf32>,
      %get3A_2294 = vector.shape_cast %get3A_2293 : vector<1x16xf32> to vector<16xf32>
      %get3A_2295 = arith.index_cast %add3A_2290 : i32 to index
      %get3A_2296 = arith.constant 0 : index
      %get3A_2297 = tpu.vector_load %arg11[%get3A_2295, %get3A_2296] {strides = array<i32>} : memref<128x64xf32, #tpu.memory_space<vmem>>, vector<1x16xf32>,
      %get3A_2298 = vector.shape_cast %get3A_2297 : vector<1x16xf32> to vector<16xf32>
      %mul3A_2299 = arith.mulf %get3A_2294, %get3A_2298 : vector<16xf32>
      %get3A_2300 = arith.index_cast %add3A_2286 : i32 to index
      %get3A_2301 = arith.constant 16 : index
      %get3A_2302 = tpu.vector_load %arg9[%get3A_2300, %get3A_2301] {strides = array<i32>} : memref<128x64xf32, #tpu.memory_space<vmem>>, vector<1x16xf32>,
      %get3A_2303 = vector.shape_cast %get3A_2302 : vector<1x16xf32> to vector<16xf32>
      %get3A_2304 = arith.index_cast %add3A_2290 : i32 to index
      %get3A_2305 = arith.constant 16 : index
      %get3A_2306 = tpu.vector_load %arg11[%get3A_2304, %get3A_2305] {strides = array<i32>} : memref<128x64xf32, #tpu.memory_space<vmem>>, vector<1x16xf32>,
      %get3A_2307 = vector.shape_cast %get3A_2306 : vector<1x16xf32> to vector<16xf32>
      %mul3A_2308 = arith.mulf %get3A_2303, %get3A_2307 : vector<16xf32>
      %add3A_2309 = arith.addf %mul3A_2299, %mul3A_2308 : vector<16xf32>
      %get3A_2310 = arith.index_cast %add3A_2286 : i32 to index
      %get3A_2311 = arith.constant 32 : index
      %get3A_2312 = tpu.vector_load %arg9[%get3A_2310, %get3A_2311] {strides = array<i32>} : memref<128x64xf32, #tpu.memory_space<vmem>>, vector<1x16xf32>,
      %get3A_2313 = vector.shape_cast %get3A_2312 : vector<1x16xf32> to vector<16xf32>
      %get3A_2314 = arith.index_cast %add3A_2290 : i32 to index
      %get3A_2315 = arith.constant 32 : index
      %get3A_2316 = tpu.vector_load %arg11[%get3A_2314, %get3A_2315] {strides = array<i32>} : memref<128x64xf32, #tpu.memory_space<vmem>>, vector<1x16xf32>,
      %get3A_2317 = vector.shape_cast %get3A_2316 : vector<1x16xf32> to vector<16xf32>
      %mul3A_2318 = arith.mulf %get3A_2313, %get3A_2317 : vector<16xf32>
      %add3A_2319 = arith.addf %add3A_2309, %mul3A_2318 : vector<16xf32>
      %get3A_2320 = arith.index_cast %add3A_2286 : i32 to index
      %get3A_2321 = arith.constant 48 : index
      %get3A_2322 = tpu.vector_load %arg9[%get3A_2320, %get3A_2321] {strides = array<i32>} : memref<128x64xf32, #tpu.memory_space<vmem>>, vector<1x16xf32>,
      %get3A_2323 = vector.shape_cast %get3A_2322 : vector<1x16xf32> to vector<16xf32>
      %get3A_2324 = arith.index_cast %add3A_2290 : i32 to index
      %get3A_2325 = arith.constant 48 : index
      %get3A_2326 = tpu.vector_load %arg11[%get3A_2324, %get3A_2325] {strides = array<i32>} : memref<128x64xf32, #tpu.memory_space<vmem>>, vector<1x16xf32>,
      %get3A_2327 = vector.shape_cast %get3A_2326 : vector<1x16xf32> to vector<16xf32>
      %mul3A_2328 = arith.mulf %get3A_2323, %get3A_2327 : vector<16xf32>
      %add3A_2329 = arith.addf %add3A_2319, %mul3A_2328 : vector<16xf32>
      %xor3A_2330 = arith.constant 1 : i32
      %xor3A_2331 = vector.broadcast %xor3A_2330 : i32 to vector<16xi32>
      %xor3A_2332 = arith.xori %iota3A, %xor3A_2331 : vector<16xi32>
      %lt3A_2333 = arith.constant 0 : i32
      %lt3A_2334 = vector.broadcast %lt3A_2333 : i32 to vector<16xi32>
      %lt3A_2335 = arith.cmpi slt, %xor3A_2332, %lt3A_2334 : vector<16xi32>
      %add3A_2336 = arith.constant 16 : i32
      %add3A_2337 = vector.broadcast %add3A_2336 : i32 to vector<16xi32>
      %add3A_2338 = arith.addi %xor3A_2332, %add3A_2337 : vector<16xi32>
      %select_n3A_2339 = arith.select %lt3A_2335, %add3A_2338, %xor3A_2332 : vector<16xi1>, vector<16xi32>
      %broadcast_in_dim3A_2340 = vector.shape_cast %select_n3A_2339 : vector<16xi32> to vector<16x1xi32>
      %gather3A_2341 = vector.shape_cast %broadcast_in_dim3A_2340 : vector<16x1xi32> to vector<16xi32>
      %gather3A_2342 = tpu.dynamic_gather %add3A_2329[%gather3A_2341] in [0] : vector<16xf32>, vector<16xi32> -> vector<16xf32>
      %add3A_2343 = arith.addf %add3A_2329, %gather3A_2342 : vector<16xf32>
      %xor3A_2344 = arith.constant 2 : i32
      %xor3A_2345 = vector.broadcast %xor3A_2344 : i32 to vector<16xi32>
      %xor3A_2346 = arith.xori %iota3A, %xor3A_2345 : vector<16xi32>
      %lt3A_2347 = arith.constant 0 : i32
      %lt3A_2348 = vector.broadcast %lt3A_2347 : i32 to vector<16xi32>
      %lt3A_2349 = arith.cmpi slt, %xor3A_2346, %lt3A_2348 : vector<16xi32>
      %add3A_2350 = arith.constant 16 : i32
      %add3A_2351 = vector.broadcast %add3A_2350 : i32 to vector<16xi32>
      %add3A_2352 = arith.addi %xor3A_2346, %add3A_2351 : vector<16xi32>
      %select_n3A_2353 = arith.select %lt3A_2349, %add3A_2352, %xor3A_2346 : vector<16xi1>, vector<16xi32>
      %broadcast_in_dim3A_2354 = vector.shape_cast %select_n3A_2353 : vector<16xi32> to vector<16x1xi32>
      %gather3A_2355 = vector.shape_cast %broadcast_in_dim3A_2354 : vector<16x1xi32> to vector<16xi32>
      %gather3A_2356 = tpu.dynamic_gather %add3A_2343[%gather3A_2355] in [0] : vector<16xf32>, vector<16xi32> -> vector<16xf32>
      %add3A_2357 = arith.addf %add3A_2343, %gather3A_2356 : vector<16xf32>
      %xor3A_2358 = arith.constant 4 : i32
      %xor3A_2359 = vector.broadcast %xor3A_2358 : i32 to vector<16xi32>
      %xor3A_2360 = arith.xori %iota3A, %xor3A_2359 : vector<16xi32>
      %lt3A_2361 = arith.constant 0 : i32
      %lt3A_2362 = vector.broadcast %lt3A_2361 : i32 to vector<16xi32>
      %lt3A_2363 = arith.cmpi slt, %xor3A_2360, %lt3A_2362 : vector<16xi32>
      %add3A_2364 = arith.constant 16 : i32
      %add3A_2365 = vector.broadcast %add3A_2364 : i32 to vector<16xi32>
      %add3A_2366 = arith.addi %xor3A_2360, %add3A_2365 : vector<16xi32>
      %select_n3A_2367 = arith.select %lt3A_2363, %add3A_2366, %xor3A_2360 : vector<16xi1>, vector<16xi32>
      %broadcast_in_dim3A_2368 = vector.shape_cast %select_n3A_2367 : vector<16xi32> to vector<16x1xi32>
      %gather3A_2369 = vector.shape_cast %broadcast_in_dim3A_2368 : vector<16x1xi32> to vector<16xi32>
      %gather3A_2370 = tpu.dynamic_gather %add3A_2357[%gather3A_2369] in [0] : vector<16xf32>, vector<16xi32> -> vector<16xf32>
      %add3A_2371 = arith.addf %add3A_2357, %gather3A_2370 : vector<16xf32>
      %xor3A_2372 = arith.constant 8 : i32
      %xor3A_2373 = vector.broadcast %xor3A_2372 : i32 to vector<16xi32>
      %xor3A_2374 = arith.xori %iota3A, %xor3A_2373 : vector<16xi32>
      %lt3A_2375 = arith.constant 0 : i32
      %lt3A_2376 = vector.broadcast %lt3A_2375 : i32 to vector<16xi32>
      %lt3A_2377 = arith.cmpi slt, %xor3A_2374, %lt3A_2376 : vector<16xi32>
      %add3A_2378 = arith.constant 16 : i32
      %add3A_2379 = vector.broadcast %add3A_2378 : i32 to vector<16xi32>
      %add3A_2380 = arith.addi %xor3A_2374, %add3A_2379 : vector<16xi32>
      %select_n3A_2381 = arith.select %lt3A_2377, %add3A_2380, %xor3A_2374 : vector<16xi1>, vector<16xi32>
      %broadcast_in_dim3A_2382 = vector.shape_cast %select_n3A_2381 : vector<16xi32> to vector<16x1xi32>
      %gather3A_2383 = vector.shape_cast %broadcast_in_dim3A_2382 : vector<16x1xi32> to vector<16xi32>
      %gather3A_2384 = tpu.dynamic_gather %add3A_2371[%gather3A_2383] in [0] : vector<16xf32>, vector<16xi32> -> vector<16xf32>
      %add3A_2385 = arith.addf %add3A_2371, %gather3A_2384 : vector<16xf32>
      %eq3A_2386 = arith.constant 13 : i32
      %eq3A_2387 = vector.broadcast %eq3A_2386 : i32 to vector<16xi32>
      %eq3A_2388 = arith.cmpi eq, %iota3A, %eq3A_2387 : vector<16xi32>
      %select_n3A_2389 = arith.select %eq3A_2388, %add3A_2385, %select_n3A_2282 : vector<16xi1>, vector<16xf32>
      %slice3A_2390 = vector.extract_strided_slice %and3A_887 {offsets = [14], sizes = [1], strides = [1]} : vector<16xi32> to vector<1xi32>
      %squeeze3A_2391 = vector.extract %slice3A_2390[0] : i32 from vector<1xi32>
      %add3A_2392 = arith.constant 112 : i32
      %add3A_2393 = arith.addi %add3A_2392, %squeeze3A_2391 : i32
      %slice3A_2394 = vector.extract_strided_slice %and3A_895 {offsets = [14], sizes = [1], strides = [1]} : vector<16xi32> to vector<1xi32>
      %squeeze3A_2395 = vector.extract %slice3A_2394[0] : i32 from vector<1xi32>
      %add3A_2396 = arith.constant 112 : i32
      %add3A_2397 = arith.addi %add3A_2396, %squeeze3A_2395 : i32
      %get3A_2398 = arith.index_cast %add3A_2393 : i32 to index
      %get3A_2399 = arith.constant 0 : index
      %get3A_2400 = tpu.vector_load %arg9[%get3A_2398, %get3A_2399] {strides = array<i32>} : memref<128x64xf32, #tpu.memory_space<vmem>>, vector<1x16xf32>,
      %get3A_2401 = vector.shape_cast %get3A_2400 : vector<1x16xf32> to vector<16xf32>
      %get3A_2402 = arith.index_cast %add3A_2397 : i32 to index
      %get3A_2403 = arith.constant 0 : index
      %get3A_2404 = tpu.vector_load %arg11[%get3A_2402, %get3A_2403] {strides = array<i32>} : memref<128x64xf32, #tpu.memory_space<vmem>>, vector<1x16xf32>,
      %get3A_2405 = vector.shape_cast %get3A_2404 : vector<1x16xf32> to vector<16xf32>
      %mul3A_2406 = arith.mulf %get3A_2401, %get3A_2405 : vector<16xf32>
      %get3A_2407 = arith.index_cast %add3A_2393 : i32 to index
      %get3A_2408 = arith.constant 16 : index
      %get3A_2409 = tpu.vector_load %arg9[%get3A_2407, %get3A_2408] {strides = array<i32>} : memref<128x64xf32, #tpu.memory_space<vmem>>, vector<1x16xf32>,
      %get3A_2410 = vector.shape_cast %get3A_2409 : vector<1x16xf32> to vector<16xf32>
      %get3A_2411 = arith.index_cast %add3A_2397 : i32 to index
      %get3A_2412 = arith.constant 16 : index
      %get3A_2413 = tpu.vector_load %arg11[%get3A_2411, %get3A_2412] {strides = array<i32>} : memref<128x64xf32, #tpu.memory_space<vmem>>, vector<1x16xf32>,
      %get3A_2414 = vector.shape_cast %get3A_2413 : vector<1x16xf32> to vector<16xf32>
      %mul3A_2415 = arith.mulf %get3A_2410, %get3A_2414 : vector<16xf32>
      %add3A_2416 = arith.addf %mul3A_2406, %mul3A_2415 : vector<16xf32>
      %get3A_2417 = arith.index_cast %add3A_2393 : i32 to index
      %get3A_2418 = arith.constant 32 : index
      %get3A_2419 = tpu.vector_load %arg9[%get3A_2417, %get3A_2418] {strides = array<i32>} : memref<128x64xf32, #tpu.memory_space<vmem>>, vector<1x16xf32>,
      %get3A_2420 = vector.shape_cast %get3A_2419 : vector<1x16xf32> to vector<16xf32>
      %get3A_2421 = arith.index_cast %add3A_2397 : i32 to index
      %get3A_2422 = arith.constant 32 : index
      %get3A_2423 = tpu.vector_load %arg11[%get3A_2421, %get3A_2422] {strides = array<i32>} : memref<128x64xf32, #tpu.memory_space<vmem>>, vector<1x16xf32>,
      %get3A_2424 = vector.shape_cast %get3A_2423 : vector<1x16xf32> to vector<16xf32>
      %mul3A_2425 = arith.mulf %get3A_2420, %get3A_2424 : vector<16xf32>
      %add3A_2426 = arith.addf %add3A_2416, %mul3A_2425 : vector<16xf32>
      %get3A_2427 = arith.index_cast %add3A_2393 : i32 to index
      %get3A_2428 = arith.constant 48 : index
      %get3A_2429 = tpu.vector_load %arg9[%get3A_2427, %get3A_2428] {strides = array<i32>} : memref<128x64xf32, #tpu.memory_space<vmem>>, vector<1x16xf32>,
      %get3A_2430 = vector.shape_cast %get3A_2429 : vector<1x16xf32> to vector<16xf32>
      %get3A_2431 = arith.index_cast %add3A_2397 : i32 to index
      %get3A_2432 = arith.constant 48 : index
      %get3A_2433 = tpu.vector_load %arg11[%get3A_2431, %get3A_2432] {strides = array<i32>} : memref<128x64xf32, #tpu.memory_space<vmem>>, vector<1x16xf32>,
      %get3A_2434 = vector.shape_cast %get3A_2433 : vector<1x16xf32> to vector<16xf32>
      %mul3A_2435 = arith.mulf %get3A_2430, %get3A_2434 : vector<16xf32>
      %add3A_2436 = arith.addf %add3A_2426, %mul3A_2435 : vector<16xf32>
      %xor3A_2437 = arith.constant 1 : i32
      %xor3A_2438 = vector.broadcast %xor3A_2437 : i32 to vector<16xi32>
      %xor3A_2439 = arith.xori %iota3A, %xor3A_2438 : vector<16xi32>
      %lt3A_2440 = arith.constant 0 : i32
      %lt3A_2441 = vector.broadcast %lt3A_2440 : i32 to vector<16xi32>
      %lt3A_2442 = arith.cmpi slt, %xor3A_2439, %lt3A_2441 : vector<16xi32>
      %add3A_2443 = arith.constant 16 : i32
      %add3A_2444 = vector.broadcast %add3A_2443 : i32 to vector<16xi32>
      %add3A_2445 = arith.addi %xor3A_2439, %add3A_2444 : vector<16xi32>
      %select_n3A_2446 = arith.select %lt3A_2442, %add3A_2445, %xor3A_2439 : vector<16xi1>, vector<16xi32>
      %broadcast_in_dim3A_2447 = vector.shape_cast %select_n3A_2446 : vector<16xi32> to vector<16x1xi32>
      %gather3A_2448 = vector.shape_cast %broadcast_in_dim3A_2447 : vector<16x1xi32> to vector<16xi32>
      %gather3A_2449 = tpu.dynamic_gather %add3A_2436[%gather3A_2448] in [0] : vector<16xf32>, vector<16xi32> -> vector<16xf32>
      %add3A_2450 = arith.addf %add3A_2436, %gather3A_2449 : vector<16xf32>
      %xor3A_2451 = arith.constant 2 : i32
      %xor3A_2452 = vector.broadcast %xor3A_2451 : i32 to vector<16xi32>
      %xor3A_2453 = arith.xori %iota3A, %xor3A_2452 : vector<16xi32>
      %lt3A_2454 = arith.constant 0 : i32
      %lt3A_2455 = vector.broadcast %lt3A_2454 : i32 to vector<16xi32>
      %lt3A_2456 = arith.cmpi slt, %xor3A_2453, %lt3A_2455 : vector<16xi32>
      %add3A_2457 = arith.constant 16 : i32
      %add3A_2458 = vector.broadcast %add3A_2457 : i32 to vector<16xi32>
      %add3A_2459 = arith.addi %xor3A_2453, %add3A_2458 : vector<16xi32>
      %select_n3A_2460 = arith.select %lt3A_2456, %add3A_2459, %xor3A_2453 : vector<16xi1>, vector<16xi32>
      %broadcast_in_dim3A_2461 = vector.shape_cast %select_n3A_2460 : vector<16xi32> to vector<16x1xi32>
      %gather3A_2462 = vector.shape_cast %broadcast_in_dim3A_2461 : vector<16x1xi32> to vector<16xi32>
      %gather3A_2463 = tpu.dynamic_gather %add3A_2450[%gather3A_2462] in [0] : vector<16xf32>, vector<16xi32> -> vector<16xf32>
      %add3A_2464 = arith.addf %add3A_2450, %gather3A_2463 : vector<16xf32>
      %xor3A_2465 = arith.constant 4 : i32
      %xor3A_2466 = vector.broadcast %xor3A_2465 : i32 to vector<16xi32>
      %xor3A_2467 = arith.xori %iota3A, %xor3A_2466 : vector<16xi32>
      %lt3A_2468 = arith.constant 0 : i32
      %lt3A_2469 = vector.broadcast %lt3A_2468 : i32 to vector<16xi32>
      %lt3A_2470 = arith.cmpi slt, %xor3A_2467, %lt3A_2469 : vector<16xi32>
      %add3A_2471 = arith.constant 16 : i32
      %add3A_2472 = vector.broadcast %add3A_2471 : i32 to vector<16xi32>
      %add3A_2473 = arith.addi %xor3A_2467, %add3A_2472 : vector<16xi32>
      %select_n3A_2474 = arith.select %lt3A_2470, %add3A_2473, %xor3A_2467 : vector<16xi1>, vector<16xi32>
      %broadcast_in_dim3A_2475 = vector.shape_cast %select_n3A_2474 : vector<16xi32> to vector<16x1xi32>
      %gather3A_2476 = vector.shape_cast %broadcast_in_dim3A_2475 : vector<16x1xi32> to vector<16xi32>
      %gather3A_2477 = tpu.dynamic_gather %add3A_2464[%gather3A_2476] in [0] : vector<16xf32>, vector<16xi32> -> vector<16xf32>
      %add3A_2478 = arith.addf %add3A_2464, %gather3A_2477 : vector<16xf32>
      %xor3A_2479 = arith.constant 8 : i32
      %xor3A_2480 = vector.broadcast %xor3A_2479 : i32 to vector<16xi32>
      %xor3A_2481 = arith.xori %iota3A, %xor3A_2480 : vector<16xi32>
      %lt3A_2482 = arith.constant 0 : i32
      %lt3A_2483 = vector.broadcast %lt3A_2482 : i32 to vector<16xi32>
      %lt3A_2484 = arith.cmpi slt, %xor3A_2481, %lt3A_2483 : vector<16xi32>
      %add3A_2485 = arith.constant 16 : i32
      %add3A_2486 = vector.broadcast %add3A_2485 : i32 to vector<16xi32>
      %add3A_2487 = arith.addi %xor3A_2481, %add3A_2486 : vector<16xi32>
      %select_n3A_2488 = arith.select %lt3A_2484, %add3A_2487, %xor3A_2481 : vector<16xi1>, vector<16xi32>
      %broadcast_in_dim3A_2489 = vector.shape_cast %select_n3A_2488 : vector<16xi32> to vector<16x1xi32>
      %gather3A_2490 = vector.shape_cast %broadcast_in_dim3A_2489 : vector<16x1xi32> to vector<16xi32>
      %gather3A_2491 = tpu.dynamic_gather %add3A_2478[%gather3A_2490] in [0] : vector<16xf32>, vector<16xi32> -> vector<16xf32>
      %add3A_2492 = arith.addf %add3A_2478, %gather3A_2491 : vector<16xf32>
      %eq3A_2493 = arith.constant 14 : i32
      %eq3A_2494 = vector.broadcast %eq3A_2493 : i32 to vector<16xi32>
      %eq3A_2495 = arith.cmpi eq, %iota3A, %eq3A_2494 : vector<16xi32>
      %select_n3A_2496 = arith.select %eq3A_2495, %add3A_2492, %select_n3A_2389 : vector<16xi1>, vector<16xf32>
      %slice3A_2497 = vector.extract_strided_slice %and3A_887 {offsets = [15], sizes = [1], strides = [1]} : vector<16xi32> to vector<1xi32>
      %squeeze3A_2498 = vector.extract %slice3A_2497[0] : i32 from vector<1xi32>
      %add3A_2499 = arith.constant 120 : i32
      %add3A_2500 = arith.addi %add3A_2499, %squeeze3A_2498 : i32
      %slice3A_2501 = vector.extract_strided_slice %and3A_895 {offsets = [15], sizes = [1], strides = [1]} : vector<16xi32> to vector<1xi32>
      %squeeze3A_2502 = vector.extract %slice3A_2501[0] : i32 from vector<1xi32>
      %add3A_2503 = arith.constant 120 : i32
      %add3A_2504 = arith.addi %add3A_2503, %squeeze3A_2502 : i32
      %get3A_2505 = arith.index_cast %add3A_2500 : i32 to index
      %get3A_2506 = arith.constant 0 : index
      %get3A_2507 = tpu.vector_load %arg9[%get3A_2505, %get3A_2506] {strides = array<i32>} : memref<128x64xf32, #tpu.memory_space<vmem>>, vector<1x16xf32>,
      %get3A_2508 = vector.shape_cast %get3A_2507 : vector<1x16xf32> to vector<16xf32>
      %get3A_2509 = arith.index_cast %add3A_2504 : i32 to index
      %get3A_2510 = arith.constant 0 : index
      %get3A_2511 = tpu.vector_load %arg11[%get3A_2509, %get3A_2510] {strides = array<i32>} : memref<128x64xf32, #tpu.memory_space<vmem>>, vector<1x16xf32>,
      %get3A_2512 = vector.shape_cast %get3A_2511 : vector<1x16xf32> to vector<16xf32>
      %mul3A_2513 = arith.mulf %get3A_2508, %get3A_2512 : vector<16xf32>
      %get3A_2514 = arith.index_cast %add3A_2500 : i32 to index
      %get3A_2515 = arith.constant 16 : index
      %get3A_2516 = tpu.vector_load %arg9[%get3A_2514, %get3A_2515] {strides = array<i32>} : memref<128x64xf32, #tpu.memory_space<vmem>>, vector<1x16xf32>,
      %get3A_2517 = vector.shape_cast %get3A_2516 : vector<1x16xf32> to vector<16xf32>
      %get3A_2518 = arith.index_cast %add3A_2504 : i32 to index
      %get3A_2519 = arith.constant 16 : index
      %get3A_2520 = tpu.vector_load %arg11[%get3A_2518, %get3A_2519] {strides = array<i32>} : memref<128x64xf32, #tpu.memory_space<vmem>>, vector<1x16xf32>,
      %get3A_2521 = vector.shape_cast %get3A_2520 : vector<1x16xf32> to vector<16xf32>
      %mul3A_2522 = arith.mulf %get3A_2517, %get3A_2521 : vector<16xf32>
      %add3A_2523 = arith.addf %mul3A_2513, %mul3A_2522 : vector<16xf32>
      %get3A_2524 = arith.index_cast %add3A_2500 : i32 to index
      %get3A_2525 = arith.constant 32 : index
      %get3A_2526 = tpu.vector_load %arg9[%get3A_2524, %get3A_2525] {strides = array<i32>} : memref<128x64xf32, #tpu.memory_space<vmem>>, vector<1x16xf32>,
      %get3A_2527 = vector.shape_cast %get3A_2526 : vector<1x16xf32> to vector<16xf32>
      %get3A_2528 = arith.index_cast %add3A_2504 : i32 to index
      %get3A_2529 = arith.constant 32 : index
      %get3A_2530 = tpu.vector_load %arg11[%get3A_2528, %get3A_2529] {strides = array<i32>} : memref<128x64xf32, #tpu.memory_space<vmem>>, vector<1x16xf32>,
      %get3A_2531 = vector.shape_cast %get3A_2530 : vector<1x16xf32> to vector<16xf32>
      %mul3A_2532 = arith.mulf %get3A_2527, %get3A_2531 : vector<16xf32>
      %add3A_2533 = arith.addf %add3A_2523, %mul3A_2532 : vector<16xf32>
      %get3A_2534 = arith.index_cast %add3A_2500 : i32 to index
      %get3A_2535 = arith.constant 48 : index
      %get3A_2536 = tpu.vector_load %arg9[%get3A_2534, %get3A_2535] {strides = array<i32>} : memref<128x64xf32, #tpu.memory_space<vmem>>, vector<1x16xf32>,
      %get3A_2537 = vector.shape_cast %get3A_2536 : vector<1x16xf32> to vector<16xf32>
      %get3A_2538 = arith.index_cast %add3A_2504 : i32 to index
      %get3A_2539 = arith.constant 48 : index
      %get3A_2540 = tpu.vector_load %arg11[%get3A_2538, %get3A_2539] {strides = array<i32>} : memref<128x64xf32, #tpu.memory_space<vmem>>, vector<1x16xf32>,
      %get3A_2541 = vector.shape_cast %get3A_2540 : vector<1x16xf32> to vector<16xf32>
      %mul3A_2542 = arith.mulf %get3A_2537, %get3A_2541 : vector<16xf32>
      %add3A_2543 = arith.addf %add3A_2533, %mul3A_2542 : vector<16xf32>
      %xor3A_2544 = arith.constant 1 : i32
      %xor3A_2545 = vector.broadcast %xor3A_2544 : i32 to vector<16xi32>
      %xor3A_2546 = arith.xori %iota3A, %xor3A_2545 : vector<16xi32>
      %lt3A_2547 = arith.constant 0 : i32
      %lt3A_2548 = vector.broadcast %lt3A_2547 : i32 to vector<16xi32>
      %lt3A_2549 = arith.cmpi slt, %xor3A_2546, %lt3A_2548 : vector<16xi32>
      %add3A_2550 = arith.constant 16 : i32
      %add3A_2551 = vector.broadcast %add3A_2550 : i32 to vector<16xi32>
      %add3A_2552 = arith.addi %xor3A_2546, %add3A_2551 : vector<16xi32>
      %select_n3A_2553 = arith.select %lt3A_2549, %add3A_2552, %xor3A_2546 : vector<16xi1>, vector<16xi32>
      %broadcast_in_dim3A_2554 = vector.shape_cast %select_n3A_2553 : vector<16xi32> to vector<16x1xi32>
      %gather3A_2555 = vector.shape_cast %broadcast_in_dim3A_2554 : vector<16x1xi32> to vector<16xi32>
      %gather3A_2556 = tpu.dynamic_gather %add3A_2543[%gather3A_2555] in [0] : vector<16xf32>, vector<16xi32> -> vector<16xf32>
      %add3A_2557 = arith.addf %add3A_2543, %gather3A_2556 : vector<16xf32>
      %xor3A_2558 = arith.constant 2 : i32
      %xor3A_2559 = vector.broadcast %xor3A_2558 : i32 to vector<16xi32>
      %xor3A_2560 = arith.xori %iota3A, %xor3A_2559 : vector<16xi32>
      %lt3A_2561 = arith.constant 0 : i32
      %lt3A_2562 = vector.broadcast %lt3A_2561 : i32 to vector<16xi32>
      %lt3A_2563 = arith.cmpi slt, %xor3A_2560, %lt3A_2562 : vector<16xi32>
      %add3A_2564 = arith.constant 16 : i32
      %add3A_2565 = vector.broadcast %add3A_2564 : i32 to vector<16xi32>
      %add3A_2566 = arith.addi %xor3A_2560, %add3A_2565 : vector<16xi32>
      %select_n3A_2567 = arith.select %lt3A_2563, %add3A_2566, %xor3A_2560 : vector<16xi1>, vector<16xi32>
      %broadcast_in_dim3A_2568 = vector.shape_cast %select_n3A_2567 : vector<16xi32> to vector<16x1xi32>
      %gather3A_2569 = vector.shape_cast %broadcast_in_dim3A_2568 : vector<16x1xi32> to vector<16xi32>
      %gather3A_2570 = tpu.dynamic_gather %add3A_2557[%gather3A_2569] in [0] : vector<16xf32>, vector<16xi32> -> vector<16xf32>
      %add3A_2571 = arith.addf %add3A_2557, %gather3A_2570 : vector<16xf32>
      %xor3A_2572 = arith.constant 4 : i32
      %xor3A_2573 = vector.broadcast %xor3A_2572 : i32 to vector<16xi32>
      %xor3A_2574 = arith.xori %iota3A, %xor3A_2573 : vector<16xi32>
      %lt3A_2575 = arith.constant 0 : i32
      %lt3A_2576 = vector.broadcast %lt3A_2575 : i32 to vector<16xi32>
      %lt3A_2577 = arith.cmpi slt, %xor3A_2574, %lt3A_2576 : vector<16xi32>
      %add3A_2578 = arith.constant 16 : i32
      %add3A_2579 = vector.broadcast %add3A_2578 : i32 to vector<16xi32>
      %add3A_2580 = arith.addi %xor3A_2574, %add3A_2579 : vector<16xi32>
      %select_n3A_2581 = arith.select %lt3A_2577, %add3A_2580, %xor3A_2574 : vector<16xi1>, vector<16xi32>
      %broadcast_in_dim3A_2582 = vector.shape_cast %select_n3A_2581 : vector<16xi32> to vector<16x1xi32>
      %gather3A_2583 = vector.shape_cast %broadcast_in_dim3A_2582 : vector<16x1xi32> to vector<16xi32>
      %gather3A_2584 = tpu.dynamic_gather %add3A_2571[%gather3A_2583] in [0] : vector<16xf32>, vector<16xi32> -> vector<16xf32>
      %add3A_2585 = arith.addf %add3A_2571, %gather3A_2584 : vector<16xf32>
      %xor3A_2586 = arith.constant 8 : i32
      %xor3A_2587 = vector.broadcast %xor3A_2586 : i32 to vector<16xi32>
      %xor3A_2588 = arith.xori %iota3A, %xor3A_2587 : vector<16xi32>
      %lt3A_2589 = arith.constant 0 : i32
      %lt3A_2590 = vector.broadcast %lt3A_2589 : i32 to vector<16xi32>
      %lt3A_2591 = arith.cmpi slt, %xor3A_2588, %lt3A_2590 : vector<16xi32>
      %add3A_2592 = arith.constant 16 : i32
      %add3A_2593 = vector.broadcast %add3A_2592 : i32 to vector<16xi32>
      %add3A_2594 = arith.addi %xor3A_2588, %add3A_2593 : vector<16xi32>
      %select_n3A_2595 = arith.select %lt3A_2591, %add3A_2594, %xor3A_2588 : vector<16xi1>, vector<16xi32>
      %broadcast_in_dim3A_2596 = vector.shape_cast %select_n3A_2595 : vector<16xi32> to vector<16x1xi32>
      %gather3A_2597 = vector.shape_cast %broadcast_in_dim3A_2596 : vector<16x1xi32> to vector<16xi32>
      %gather3A_2598 = tpu.dynamic_gather %add3A_2585[%gather3A_2597] in [0] : vector<16xf32>, vector<16xi32> -> vector<16xf32>
      %add3A_2599 = arith.addf %add3A_2585, %gather3A_2598 : vector<16xf32>
      %eq3A_2600 = arith.constant 15 : i32
      %eq3A_2601 = vector.broadcast %eq3A_2600 : i32 to vector<16xi32>
      %eq3A_2602 = arith.cmpi eq, %iota3A, %eq3A_2601 : vector<16xi32>
      %select_n3A_2603 = arith.select %eq3A_2602, %add3A_2599, %select_n3A_2496 : vector<16xi1>, vector<16xf32>
      %mul3A_2604 = arith.constant 16 : i32
      %mul3A_2605 = arith.muli %mul3A_434, %mul3A_2604 : i32
      %swap3A = arith.index_cast %mul3A_2605 : i32 to index
      %swap3A_2606 = tpu.vector_load %arg13[%swap3A] {strides = array<i32>} : memref<512xf32, #tpu.memory_space<vmem>>, vector<16xf32>,
      %swap3A_2607 = vector.shape_cast %swap3A_2606 : vector<16xf32> to vector<16xf32>
      %swap3A_2608 = vector.shape_cast %select_n3A_2603 : vector<16xf32> to vector<16xf32>
      tpu.vector_store %arg13[%swap3A], %swap3A_2608 {strides = array<i32>} : memref<512xf32, #tpu.memory_space<vmem>>, vector<16xf32>,
      %add3A_2609 = arith.constant 2 : i32
      %add3A_2610 = arith.addi %mul3A_434, %add3A_2609 : i32
      %lt3A_2611 = arith.constant 32 : i32
      %lt3A_2612 = arith.cmpi slt, %add3A_2610, %lt3A_2611 : i32
      %convert_element_type3A = arith.extui %lt3A_2612 : i1 to i32
      %cond3A = arith.constant 0 : i32
      %cond3A_2613 = arith.cmpi ne, %convert_element_type3A, %cond3A : i32
      scf.if %cond3A_2613 {
        %add3A_4365 = arith.constant 2 : i32
        %add3A_4366 = arith.addi %mul3A_434, %add3A_4365 : i32
        %mul3A_4367 = arith.constant 16 : i32
        %mul3A_4368 = arith.muli %add3A_4366, %mul3A_4367 : i32
        %get3A_4369 = arith.index_cast %mul3A_4368 : i32 to index
        %get3A_4370 = tpu.vector_load %arg7[%get3A_4369] {strides = array<i32>} : memref<512xi32, #tpu.memory_space<vmem>>, vector<16xi32>,
        %get3A_4371 = vector.shape_cast %get3A_4370 : vector<16xi32> to vector<16xi32>
        %and3A_4372 = arith.constant -8 : i32
        %and3A_4373 = vector.broadcast %and3A_4372 : i32 to vector<16xi32>
        %and3A_4374 = arith.andi %get3A_4371, %and3A_4373 : vector<16xi32>
        %mul3A_4375 = arith.constant 16 : i32
        %mul3A_4376 = arith.muli %add3A_4366, %mul3A_4375 : i32
        %get3A_4377 = arith.index_cast %mul3A_4376 : i32 to index
        %get3A_4378 = tpu.vector_load %arg8[%get3A_4377] {strides = array<i32>} : memref<512xi32, #tpu.memory_space<vmem>>, vector<16xi32>,
        %get3A_4379 = vector.shape_cast %get3A_4378 : vector<16xi32> to vector<16xi32>
        %and3A_4380 = arith.constant -8 : i32
        %and3A_4381 = vector.broadcast %and3A_4380 : i32 to vector<16xi32>
        %and3A_4382 = arith.andi %get3A_4379, %and3A_4381 : vector<16xi32>
        %slice3A_4383 = vector.extract_strided_slice %and3A_4374 {offsets = [0], sizes = [1], strides = [1]} : vector<16xi32> to vector<1xi32>
        %squeeze3A_4384 = vector.extract %slice3A_4383[0] : i32 from vector<1xi32>
        %multiple_of3A_4385 = tpu.assume_multiple %squeeze3A_4384, 8 : i32
        %slice3A_4386 = vector.extract_strided_slice %and3A_4382 {offsets = [0], sizes = [1], strides = [1]} : vector<16xi32> to vector<1xi32>
        %squeeze3A_4387 = vector.extract %slice3A_4386[0] : i32 from vector<1xi32>
        %multiple_of3A_4388 = tpu.assume_multiple %squeeze3A_4387, 8 : i32
        %dma_start3A_4389 = arith.constant 0 : i32
        %dma_start3A_4390 = arith.constant 0 : i32
        %dma_start3A_4391 = tpu.memref_slice %arg9[%dma_start3A_4389, %dma_start3A_4390] : memref<128x64xf32, #tpu.memory_space<vmem>> -> memref<8x64xf32, #tpu.memory_space<vmem>>
        %dma_start3A_4392 = arith.constant 0 : i32
        %dma_start3A_4393 = tpu.memref_slice %arg4[%multiple_of3A_4385, %dma_start3A_4392] : memref<1000000x64xf32, #tpu.memory_space<hbm>> -> memref<8x64xf32, #tpu.memory_space<hbm>>
        %dma_start3A_4394 = arith.constant 0 : i32
        %dma_start3A_4395 = arith.constant 0 : i32
        %dma_start3A_4396 = tpu.memref_slice %arg9[%dma_start3A_4394, %dma_start3A_4395] : memref<128x64xf32, #tpu.memory_space<vmem>> -> memref<8x64xf32, #tpu.memory_space<vmem>>
        %dma_start3A_4397 = arith.constant 0 : i32
        %dma_start3A_4398 = tpu.memref_slice %arg4[%multiple_of3A_4385, %dma_start3A_4397] : memref<1000000x64xf32, #tpu.memory_space<hbm>> -> memref<8x64xf32, #tpu.memory_space<hbm>>
        tpu.enqueue_dma source(%dma_start3A_4398 : memref<8x64xf32, #tpu.memory_space<hbm>>) target(%dma_start3A_4396 : memref<8x64xf32, #tpu.memory_space<vmem>>) target_semaphore(%arg14 : memref<!tpu.dma_semaphore, #tpu.memory_space<semaphore_mem>>)
        %dma_start3A_4399 = arith.constant 0 : i32
        %dma_start3A_4400 = arith.constant 0 : i32
        %dma_start3A_4401 = tpu.memref_slice %arg11[%dma_start3A_4399, %dma_start3A_4400] : memref<128x64xf32, #tpu.memory_space<vmem>> -> memref<8x64xf32, #tpu.memory_space<vmem>>
        %dma_start3A_4402 = arith.constant 0 : i32
        %dma_start3A_4403 = tpu.memref_slice %arg5[%multiple_of3A_4388, %dma_start3A_4402] : memref<1000000x64xf32, #tpu.memory_space<hbm>> -> memref<8x64xf32, #tpu.memory_space<hbm>>
        %dma_start3A_4404 = arith.constant 0 : i32
        %dma_start3A_4405 = arith.constant 0 : i32
        %dma_start3A_4406 = tpu.memref_slice %arg11[%dma_start3A_4404, %dma_start3A_4405] : memref<128x64xf32, #tpu.memory_space<vmem>> -> memref<8x64xf32, #tpu.memory_space<vmem>>
        %dma_start3A_4407 = arith.constant 0 : i32
        %dma_start3A_4408 = tpu.memref_slice %arg5[%multiple_of3A_4388, %dma_start3A_4407] : memref<1000000x64xf32, #tpu.memory_space<hbm>> -> memref<8x64xf32, #tpu.memory_space<hbm>>
        tpu.enqueue_dma source(%dma_start3A_4408 : memref<8x64xf32, #tpu.memory_space<hbm>>) target(%dma_start3A_4406 : memref<8x64xf32, #tpu.memory_space<vmem>>) target_semaphore(%arg14 : memref<!tpu.dma_semaphore, #tpu.memory_space<semaphore_mem>>)
        %slice3A_4409 = vector.extract_strided_slice %and3A_4374 {offsets = [1], sizes = [1], strides = [1]} : vector<16xi32> to vector<1xi32>
        %squeeze3A_4410 = vector.extract %slice3A_4409[0] : i32 from vector<1xi32>
        %multiple_of3A_4411 = tpu.assume_multiple %squeeze3A_4410, 8 : i32
        %slice3A_4412 = vector.extract_strided_slice %and3A_4382 {offsets = [1], sizes = [1], strides = [1]} : vector<16xi32> to vector<1xi32>
        %squeeze3A_4413 = vector.extract %slice3A_4412[0] : i32 from vector<1xi32>
        %multiple_of3A_4414 = tpu.assume_multiple %squeeze3A_4413, 8 : i32
        %dma_start3A_4415 = arith.constant 8 : i32
        %dma_start3A_4416 = arith.constant 0 : i32
        %dma_start3A_4417 = tpu.memref_slice %arg9[%dma_start3A_4415, %dma_start3A_4416] : memref<128x64xf32, #tpu.memory_space<vmem>> -> memref<8x64xf32, #tpu.memory_space<vmem>>
        %dma_start3A_4418 = arith.constant 0 : i32
        %dma_start3A_4419 = tpu.memref_slice %arg4[%multiple_of3A_4411, %dma_start3A_4418] : memref<1000000x64xf32, #tpu.memory_space<hbm>> -> memref<8x64xf32, #tpu.memory_space<hbm>>
        %dma_start3A_4420 = arith.constant 8 : i32
        %dma_start3A_4421 = arith.constant 0 : i32
        %dma_start3A_4422 = tpu.memref_slice %arg9[%dma_start3A_4420, %dma_start3A_4421] : memref<128x64xf32, #tpu.memory_space<vmem>> -> memref<8x64xf32, #tpu.memory_space<vmem>>
        %dma_start3A_4423 = arith.constant 0 : i32
        %dma_start3A_4424 = tpu.memref_slice %arg4[%multiple_of3A_4411, %dma_start3A_4423] : memref<1000000x64xf32, #tpu.memory_space<hbm>> -> memref<8x64xf32, #tpu.memory_space<hbm>>
        tpu.enqueue_dma source(%dma_start3A_4424 : memref<8x64xf32, #tpu.memory_space<hbm>>) target(%dma_start3A_4422 : memref<8x64xf32, #tpu.memory_space<vmem>>) target_semaphore(%arg14 : memref<!tpu.dma_semaphore, #tpu.memory_space<semaphore_mem>>)
        %dma_start3A_4425 = arith.constant 8 : i32
        %dma_start3A_4426 = arith.constant 0 : i32
        %dma_start3A_4427 = tpu.memref_slice %arg11[%dma_start3A_4425, %dma_start3A_4426] : memref<128x64xf32, #tpu.memory_space<vmem>> -> memref<8x64xf32, #tpu.memory_space<vmem>>
        %dma_start3A_4428 = arith.constant 0 : i32
        %dma_start3A_4429 = tpu.memref_slice %arg5[%multiple_of3A_4414, %dma_start3A_4428] : memref<1000000x64xf32, #tpu.memory_space<hbm>> -> memref<8x64xf32, #tpu.memory_space<hbm>>
        %dma_start3A_4430 = arith.constant 8 : i32
        %dma_start3A_4431 = arith.constant 0 : i32
        %dma_start3A_4432 = tpu.memref_slice %arg11[%dma_start3A_4430, %dma_start3A_4431] : memref<128x64xf32, #tpu.memory_space<vmem>> -> memref<8x64xf32, #tpu.memory_space<vmem>>
        %dma_start3A_4433 = arith.constant 0 : i32
        %dma_start3A_4434 = tpu.memref_slice %arg5[%multiple_of3A_4414, %dma_start3A_4433] : memref<1000000x64xf32, #tpu.memory_space<hbm>> -> memref<8x64xf32, #tpu.memory_space<hbm>>
        tpu.enqueue_dma source(%dma_start3A_4434 : memref<8x64xf32, #tpu.memory_space<hbm>>) target(%dma_start3A_4432 : memref<8x64xf32, #tpu.memory_space<vmem>>) target_semaphore(%arg14 : memref<!tpu.dma_semaphore, #tpu.memory_space<semaphore_mem>>)
        %slice3A_4435 = vector.extract_strided_slice %and3A_4374 {offsets = [2], sizes = [1], strides = [1]} : vector<16xi32> to vector<1xi32>
        %squeeze3A_4436 = vector.extract %slice3A_4435[0] : i32 from vector<1xi32>
        %multiple_of3A_4437 = tpu.assume_multiple %squeeze3A_4436, 8 : i32
        %slice3A_4438 = vector.extract_strided_slice %and3A_4382 {offsets = [2], sizes = [1], strides = [1]} : vector<16xi32> to vector<1xi32>
        %squeeze3A_4439 = vector.extract %slice3A_4438[0] : i32 from vector<1xi32>
        %multiple_of3A_4440 = tpu.assume_multiple %squeeze3A_4439, 8 : i32
        %dma_start3A_4441 = arith.constant 16 : i32
        %dma_start3A_4442 = arith.constant 0 : i32
        %dma_start3A_4443 = tpu.memref_slice %arg9[%dma_start3A_4441, %dma_start3A_4442] : memref<128x64xf32, #tpu.memory_space<vmem>> -> memref<8x64xf32, #tpu.memory_space<vmem>>
        %dma_start3A_4444 = arith.constant 0 : i32
        %dma_start3A_4445 = tpu.memref_slice %arg4[%multiple_of3A_4437, %dma_start3A_4444] : memref<1000000x64xf32, #tpu.memory_space<hbm>> -> memref<8x64xf32, #tpu.memory_space<hbm>>
        %dma_start3A_4446 = arith.constant 16 : i32
        %dma_start3A_4447 = arith.constant 0 : i32
        %dma_start3A_4448 = tpu.memref_slice %arg9[%dma_start3A_4446, %dma_start3A_4447] : memref<128x64xf32, #tpu.memory_space<vmem>> -> memref<8x64xf32, #tpu.memory_space<vmem>>
        %dma_start3A_4449 = arith.constant 0 : i32
        %dma_start3A_4450 = tpu.memref_slice %arg4[%multiple_of3A_4437, %dma_start3A_4449] : memref<1000000x64xf32, #tpu.memory_space<hbm>> -> memref<8x64xf32, #tpu.memory_space<hbm>>
        tpu.enqueue_dma source(%dma_start3A_4450 : memref<8x64xf32, #tpu.memory_space<hbm>>) target(%dma_start3A_4448 : memref<8x64xf32, #tpu.memory_space<vmem>>) target_semaphore(%arg14 : memref<!tpu.dma_semaphore, #tpu.memory_space<semaphore_mem>>)
        %dma_start3A_4451 = arith.constant 16 : i32
        %dma_start3A_4452 = arith.constant 0 : i32
        %dma_start3A_4453 = tpu.memref_slice %arg11[%dma_start3A_4451, %dma_start3A_4452] : memref<128x64xf32, #tpu.memory_space<vmem>> -> memref<8x64xf32, #tpu.memory_space<vmem>>
        %dma_start3A_4454 = arith.constant 0 : i32
        %dma_start3A_4455 = tpu.memref_slice %arg5[%multiple_of3A_4440, %dma_start3A_4454] : memref<1000000x64xf32, #tpu.memory_space<hbm>> -> memref<8x64xf32, #tpu.memory_space<hbm>>
        %dma_start3A_4456 = arith.constant 16 : i32
        %dma_start3A_4457 = arith.constant 0 : i32
        %dma_start3A_4458 = tpu.memref_slice %arg11[%dma_start3A_4456, %dma_start3A_4457] : memref<128x64xf32, #tpu.memory_space<vmem>> -> memref<8x64xf32, #tpu.memory_space<vmem>>
        %dma_start3A_4459 = arith.constant 0 : i32
        %dma_start3A_4460 = tpu.memref_slice %arg5[%multiple_of3A_4440, %dma_start3A_4459] : memref<1000000x64xf32, #tpu.memory_space<hbm>> -> memref<8x64xf32, #tpu.memory_space<hbm>>
        tpu.enqueue_dma source(%dma_start3A_4460 : memref<8x64xf32, #tpu.memory_space<hbm>>) target(%dma_start3A_4458 : memref<8x64xf32, #tpu.memory_space<vmem>>) target_semaphore(%arg14 : memref<!tpu.dma_semaphore, #tpu.memory_space<semaphore_mem>>)
        %slice3A_4461 = vector.extract_strided_slice %and3A_4374 {offsets = [3], sizes = [1], strides = [1]} : vector<16xi32> to vector<1xi32>
        %squeeze3A_4462 = vector.extract %slice3A_4461[0] : i32 from vector<1xi32>
        %multiple_of3A_4463 = tpu.assume_multiple %squeeze3A_4462, 8 : i32
        %slice3A_4464 = vector.extract_strided_slice %and3A_4382 {offsets = [3], sizes = [1], strides = [1]} : vector<16xi32> to vector<1xi32>
        %squeeze3A_4465 = vector.extract %slice3A_4464[0] : i32 from vector<1xi32>
        %multiple_of3A_4466 = tpu.assume_multiple %squeeze3A_4465, 8 : i32
        %dma_start3A_4467 = arith.constant 24 : i32
        %dma_start3A_4468 = arith.constant 0 : i32
        %dma_start3A_4469 = tpu.memref_slice %arg9[%dma_start3A_4467, %dma_start3A_4468] : memref<128x64xf32, #tpu.memory_space<vmem>> -> memref<8x64xf32, #tpu.memory_space<vmem>>
        %dma_start3A_4470 = arith.constant 0 : i32
        %dma_start3A_4471 = tpu.memref_slice %arg4[%multiple_of3A_4463, %dma_start3A_4470] : memref<1000000x64xf32, #tpu.memory_space<hbm>> -> memref<8x64xf32, #tpu.memory_space<hbm>>
        %dma_start3A_4472 = arith.constant 24 : i32
        %dma_start3A_4473 = arith.constant 0 : i32
        %dma_start3A_4474 = tpu.memref_slice %arg9[%dma_start3A_4472, %dma_start3A_4473] : memref<128x64xf32, #tpu.memory_space<vmem>> -> memref<8x64xf32, #tpu.memory_space<vmem>>
        %dma_start3A_4475 = arith.constant 0 : i32
        %dma_start3A_4476 = tpu.memref_slice %arg4[%multiple_of3A_4463, %dma_start3A_4475] : memref<1000000x64xf32, #tpu.memory_space<hbm>> -> memref<8x64xf32, #tpu.memory_space<hbm>>
        tpu.enqueue_dma source(%dma_start3A_4476 : memref<8x64xf32, #tpu.memory_space<hbm>>) target(%dma_start3A_4474 : memref<8x64xf32, #tpu.memory_space<vmem>>) target_semaphore(%arg14 : memref<!tpu.dma_semaphore, #tpu.memory_space<semaphore_mem>>)
        %dma_start3A_4477 = arith.constant 24 : i32
        %dma_start3A_4478 = arith.constant 0 : i32
        %dma_start3A_4479 = tpu.memref_slice %arg11[%dma_start3A_4477, %dma_start3A_4478] : memref<128x64xf32, #tpu.memory_space<vmem>> -> memref<8x64xf32, #tpu.memory_space<vmem>>
        %dma_start3A_4480 = arith.constant 0 : i32
        %dma_start3A_4481 = tpu.memref_slice %arg5[%multiple_of3A_4466, %dma_start3A_4480] : memref<1000000x64xf32, #tpu.memory_space<hbm>> -> memref<8x64xf32, #tpu.memory_space<hbm>>
        %dma_start3A_4482 = arith.constant 24 : i32
        %dma_start3A_4483 = arith.constant 0 : i32
        %dma_start3A_4484 = tpu.memref_slice %arg11[%dma_start3A_4482, %dma_start3A_4483] : memref<128x64xf32, #tpu.memory_space<vmem>> -> memref<8x64xf32, #tpu.memory_space<vmem>>
        %dma_start3A_4485 = arith.constant 0 : i32
        %dma_start3A_4486 = tpu.memref_slice %arg5[%multiple_of3A_4466, %dma_start3A_4485] : memref<1000000x64xf32, #tpu.memory_space<hbm>> -> memref<8x64xf32, #tpu.memory_space<hbm>>
        tpu.enqueue_dma source(%dma_start3A_4486 : memref<8x64xf32, #tpu.memory_space<hbm>>) target(%dma_start3A_4484 : memref<8x64xf32, #tpu.memory_space<vmem>>) target_semaphore(%arg14 : memref<!tpu.dma_semaphore, #tpu.memory_space<semaphore_mem>>)
        %slice3A_4487 = vector.extract_strided_slice %and3A_4374 {offsets = [4], sizes = [1], strides = [1]} : vector<16xi32> to vector<1xi32>
        %squeeze3A_4488 = vector.extract %slice3A_4487[0] : i32 from vector<1xi32>
        %multiple_of3A_4489 = tpu.assume_multiple %squeeze3A_4488, 8 : i32
        %slice3A_4490 = vector.extract_strided_slice %and3A_4382 {offsets = [4], sizes = [1], strides = [1]} : vector<16xi32> to vector<1xi32>
        %squeeze3A_4491 = vector.extract %slice3A_4490[0] : i32 from vector<1xi32>
        %multiple_of3A_4492 = tpu.assume_multiple %squeeze3A_4491, 8 : i32
        %dma_start3A_4493 = arith.constant 32 : i32
        %dma_start3A_4494 = arith.constant 0 : i32
        %dma_start3A_4495 = tpu.memref_slice %arg9[%dma_start3A_4493, %dma_start3A_4494] : memref<128x64xf32, #tpu.memory_space<vmem>> -> memref<8x64xf32, #tpu.memory_space<vmem>>
        %dma_start3A_4496 = arith.constant 0 : i32
        %dma_start3A_4497 = tpu.memref_slice %arg4[%multiple_of3A_4489, %dma_start3A_4496] : memref<1000000x64xf32, #tpu.memory_space<hbm>> -> memref<8x64xf32, #tpu.memory_space<hbm>>
        %dma_start3A_4498 = arith.constant 32 : i32
        %dma_start3A_4499 = arith.constant 0 : i32
        %dma_start3A_4500 = tpu.memref_slice %arg9[%dma_start3A_4498, %dma_start3A_4499] : memref<128x64xf32, #tpu.memory_space<vmem>> -> memref<8x64xf32, #tpu.memory_space<vmem>>
        %dma_start3A_4501 = arith.constant 0 : i32
        %dma_start3A_4502 = tpu.memref_slice %arg4[%multiple_of3A_4489, %dma_start3A_4501] : memref<1000000x64xf32, #tpu.memory_space<hbm>> -> memref<8x64xf32, #tpu.memory_space<hbm>>
        tpu.enqueue_dma source(%dma_start3A_4502 : memref<8x64xf32, #tpu.memory_space<hbm>>) target(%dma_start3A_4500 : memref<8x64xf32, #tpu.memory_space<vmem>>) target_semaphore(%arg14 : memref<!tpu.dma_semaphore, #tpu.memory_space<semaphore_mem>>)
        %dma_start3A_4503 = arith.constant 32 : i32
        %dma_start3A_4504 = arith.constant 0 : i32
        %dma_start3A_4505 = tpu.memref_slice %arg11[%dma_start3A_4503, %dma_start3A_4504] : memref<128x64xf32, #tpu.memory_space<vmem>> -> memref<8x64xf32, #tpu.memory_space<vmem>>
        %dma_start3A_4506 = arith.constant 0 : i32
        %dma_start3A_4507 = tpu.memref_slice %arg5[%multiple_of3A_4492, %dma_start3A_4506] : memref<1000000x64xf32, #tpu.memory_space<hbm>> -> memref<8x64xf32, #tpu.memory_space<hbm>>
        %dma_start3A_4508 = arith.constant 32 : i32
        %dma_start3A_4509 = arith.constant 0 : i32
        %dma_start3A_4510 = tpu.memref_slice %arg11[%dma_start3A_4508, %dma_start3A_4509] : memref<128x64xf32, #tpu.memory_space<vmem>> -> memref<8x64xf32, #tpu.memory_space<vmem>>
        %dma_start3A_4511 = arith.constant 0 : i32
        %dma_start3A_4512 = tpu.memref_slice %arg5[%multiple_of3A_4492, %dma_start3A_4511] : memref<1000000x64xf32, #tpu.memory_space<hbm>> -> memref<8x64xf32, #tpu.memory_space<hbm>>
        tpu.enqueue_dma source(%dma_start3A_4512 : memref<8x64xf32, #tpu.memory_space<hbm>>) target(%dma_start3A_4510 : memref<8x64xf32, #tpu.memory_space<vmem>>) target_semaphore(%arg14 : memref<!tpu.dma_semaphore, #tpu.memory_space<semaphore_mem>>)
        %slice3A_4513 = vector.extract_strided_slice %and3A_4374 {offsets = [5], sizes = [1], strides = [1]} : vector<16xi32> to vector<1xi32>
        %squeeze3A_4514 = vector.extract %slice3A_4513[0] : i32 from vector<1xi32>
        %multiple_of3A_4515 = tpu.assume_multiple %squeeze3A_4514, 8 : i32
        %slice3A_4516 = vector.extract_strided_slice %and3A_4382 {offsets = [5], sizes = [1], strides = [1]} : vector<16xi32> to vector<1xi32>
        %squeeze3A_4517 = vector.extract %slice3A_4516[0] : i32 from vector<1xi32>
        %multiple_of3A_4518 = tpu.assume_multiple %squeeze3A_4517, 8 : i32
        %dma_start3A_4519 = arith.constant 40 : i32
        %dma_start3A_4520 = arith.constant 0 : i32
        %dma_start3A_4521 = tpu.memref_slice %arg9[%dma_start3A_4519, %dma_start3A_4520] : memref<128x64xf32, #tpu.memory_space<vmem>> -> memref<8x64xf32, #tpu.memory_space<vmem>>
        %dma_start3A_4522 = arith.constant 0 : i32
        %dma_start3A_4523 = tpu.memref_slice %arg4[%multiple_of3A_4515, %dma_start3A_4522] : memref<1000000x64xf32, #tpu.memory_space<hbm>> -> memref<8x64xf32, #tpu.memory_space<hbm>>
        %dma_start3A_4524 = arith.constant 40 : i32
        %dma_start3A_4525 = arith.constant 0 : i32
        %dma_start3A_4526 = tpu.memref_slice %arg9[%dma_start3A_4524, %dma_start3A_4525] : memref<128x64xf32, #tpu.memory_space<vmem>> -> memref<8x64xf32, #tpu.memory_space<vmem>>
        %dma_start3A_4527 = arith.constant 0 : i32
        %dma_start3A_4528 = tpu.memref_slice %arg4[%multiple_of3A_4515, %dma_start3A_4527] : memref<1000000x64xf32, #tpu.memory_space<hbm>> -> memref<8x64xf32, #tpu.memory_space<hbm>>
        tpu.enqueue_dma source(%dma_start3A_4528 : memref<8x64xf32, #tpu.memory_space<hbm>>) target(%dma_start3A_4526 : memref<8x64xf32, #tpu.memory_space<vmem>>) target_semaphore(%arg14 : memref<!tpu.dma_semaphore, #tpu.memory_space<semaphore_mem>>)
        %dma_start3A_4529 = arith.constant 40 : i32
        %dma_start3A_4530 = arith.constant 0 : i32
        %dma_start3A_4531 = tpu.memref_slice %arg11[%dma_start3A_4529, %dma_start3A_4530] : memref<128x64xf32, #tpu.memory_space<vmem>> -> memref<8x64xf32, #tpu.memory_space<vmem>>
        %dma_start3A_4532 = arith.constant 0 : i32
        %dma_start3A_4533 = tpu.memref_slice %arg5[%multiple_of3A_4518, %dma_start3A_4532] : memref<1000000x64xf32, #tpu.memory_space<hbm>> -> memref<8x64xf32, #tpu.memory_space<hbm>>
        %dma_start3A_4534 = arith.constant 40 : i32
        %dma_start3A_4535 = arith.constant 0 : i32
        %dma_start3A_4536 = tpu.memref_slice %arg11[%dma_start3A_4534, %dma_start3A_4535] : memref<128x64xf32, #tpu.memory_space<vmem>> -> memref<8x64xf32, #tpu.memory_space<vmem>>
        %dma_start3A_4537 = arith.constant 0 : i32
        %dma_start3A_4538 = tpu.memref_slice %arg5[%multiple_of3A_4518, %dma_start3A_4537] : memref<1000000x64xf32, #tpu.memory_space<hbm>> -> memref<8x64xf32, #tpu.memory_space<hbm>>
        tpu.enqueue_dma source(%dma_start3A_4538 : memref<8x64xf32, #tpu.memory_space<hbm>>) target(%dma_start3A_4536 : memref<8x64xf32, #tpu.memory_space<vmem>>) target_semaphore(%arg14 : memref<!tpu.dma_semaphore, #tpu.memory_space<semaphore_mem>>)
        %slice3A_4539 = vector.extract_strided_slice %and3A_4374 {offsets = [6], sizes = [1], strides = [1]} : vector<16xi32> to vector<1xi32>
        %squeeze3A_4540 = vector.extract %slice3A_4539[0] : i32 from vector<1xi32>
        %multiple_of3A_4541 = tpu.assume_multiple %squeeze3A_4540, 8 : i32
        %slice3A_4542 = vector.extract_strided_slice %and3A_4382 {offsets = [6], sizes = [1], strides = [1]} : vector<16xi32> to vector<1xi32>
        %squeeze3A_4543 = vector.extract %slice3A_4542[0] : i32 from vector<1xi32>
        %multiple_of3A_4544 = tpu.assume_multiple %squeeze3A_4543, 8 : i32
        %dma_start3A_4545 = arith.constant 48 : i32
        %dma_start3A_4546 = arith.constant 0 : i32
        %dma_start3A_4547 = tpu.memref_slice %arg9[%dma_start3A_4545, %dma_start3A_4546] : memref<128x64xf32, #tpu.memory_space<vmem>> -> memref<8x64xf32, #tpu.memory_space<vmem>>
        %dma_start3A_4548 = arith.constant 0 : i32
        %dma_start3A_4549 = tpu.memref_slice %arg4[%multiple_of3A_4541, %dma_start3A_4548] : memref<1000000x64xf32, #tpu.memory_space<hbm>> -> memref<8x64xf32, #tpu.memory_space<hbm>>
        %dma_start3A_4550 = arith.constant 48 : i32
        %dma_start3A_4551 = arith.constant 0 : i32
        %dma_start3A_4552 = tpu.memref_slice %arg9[%dma_start3A_4550, %dma_start3A_4551] : memref<128x64xf32, #tpu.memory_space<vmem>> -> memref<8x64xf32, #tpu.memory_space<vmem>>
        %dma_start3A_4553 = arith.constant 0 : i32
        %dma_start3A_4554 = tpu.memref_slice %arg4[%multiple_of3A_4541, %dma_start3A_4553] : memref<1000000x64xf32, #tpu.memory_space<hbm>> -> memref<8x64xf32, #tpu.memory_space<hbm>>
        tpu.enqueue_dma source(%dma_start3A_4554 : memref<8x64xf32, #tpu.memory_space<hbm>>) target(%dma_start3A_4552 : memref<8x64xf32, #tpu.memory_space<vmem>>) target_semaphore(%arg14 : memref<!tpu.dma_semaphore, #tpu.memory_space<semaphore_mem>>)
        %dma_start3A_4555 = arith.constant 48 : i32
        %dma_start3A_4556 = arith.constant 0 : i32
        %dma_start3A_4557 = tpu.memref_slice %arg11[%dma_start3A_4555, %dma_start3A_4556] : memref<128x64xf32, #tpu.memory_space<vmem>> -> memref<8x64xf32, #tpu.memory_space<vmem>>
        %dma_start3A_4558 = arith.constant 0 : i32
        %dma_start3A_4559 = tpu.memref_slice %arg5[%multiple_of3A_4544, %dma_start3A_4558] : memref<1000000x64xf32, #tpu.memory_space<hbm>> -> memref<8x64xf32, #tpu.memory_space<hbm>>
        %dma_start3A_4560 = arith.constant 48 : i32
        %dma_start3A_4561 = arith.constant 0 : i32
        %dma_start3A_4562 = tpu.memref_slice %arg11[%dma_start3A_4560, %dma_start3A_4561] : memref<128x64xf32, #tpu.memory_space<vmem>> -> memref<8x64xf32, #tpu.memory_space<vmem>>
        %dma_start3A_4563 = arith.constant 0 : i32
        %dma_start3A_4564 = tpu.memref_slice %arg5[%multiple_of3A_4544, %dma_start3A_4563] : memref<1000000x64xf32, #tpu.memory_space<hbm>> -> memref<8x64xf32, #tpu.memory_space<hbm>>
        tpu.enqueue_dma source(%dma_start3A_4564 : memref<8x64xf32, #tpu.memory_space<hbm>>) target(%dma_start3A_4562 : memref<8x64xf32, #tpu.memory_space<vmem>>) target_semaphore(%arg14 : memref<!tpu.dma_semaphore, #tpu.memory_space<semaphore_mem>>)
        %slice3A_4565 = vector.extract_strided_slice %and3A_4374 {offsets = [7], sizes = [1], strides = [1]} : vector<16xi32> to vector<1xi32>
        %squeeze3A_4566 = vector.extract %slice3A_4565[0] : i32 from vector<1xi32>
        %multiple_of3A_4567 = tpu.assume_multiple %squeeze3A_4566, 8 : i32
        %slice3A_4568 = vector.extract_strided_slice %and3A_4382 {offsets = [7], sizes = [1], strides = [1]} : vector<16xi32> to vector<1xi32>
        %squeeze3A_4569 = vector.extract %slice3A_4568[0] : i32 from vector<1xi32>
        %multiple_of3A_4570 = tpu.assume_multiple %squeeze3A_4569, 8 : i32
        %dma_start3A_4571 = arith.constant 56 : i32
        %dma_start3A_4572 = arith.constant 0 : i32
        %dma_start3A_4573 = tpu.memref_slice %arg9[%dma_start3A_4571, %dma_start3A_4572] : memref<128x64xf32, #tpu.memory_space<vmem>> -> memref<8x64xf32, #tpu.memory_space<vmem>>
        %dma_start3A_4574 = arith.constant 0 : i32
        %dma_start3A_4575 = tpu.memref_slice %arg4[%multiple_of3A_4567, %dma_start3A_4574] : memref<1000000x64xf32, #tpu.memory_space<hbm>> -> memref<8x64xf32, #tpu.memory_space<hbm>>
        %dma_start3A_4576 = arith.constant 56 : i32
        %dma_start3A_4577 = arith.constant 0 : i32
        %dma_start3A_4578 = tpu.memref_slice %arg9[%dma_start3A_4576, %dma_start3A_4577] : memref<128x64xf32, #tpu.memory_space<vmem>> -> memref<8x64xf32, #tpu.memory_space<vmem>>
        %dma_start3A_4579 = arith.constant 0 : i32
        %dma_start3A_4580 = tpu.memref_slice %arg4[%multiple_of3A_4567, %dma_start3A_4579] : memref<1000000x64xf32, #tpu.memory_space<hbm>> -> memref<8x64xf32, #tpu.memory_space<hbm>>
        tpu.enqueue_dma source(%dma_start3A_4580 : memref<8x64xf32, #tpu.memory_space<hbm>>) target(%dma_start3A_4578 : memref<8x64xf32, #tpu.memory_space<vmem>>) target_semaphore(%arg14 : memref<!tpu.dma_semaphore, #tpu.memory_space<semaphore_mem>>)
        %dma_start3A_4581 = arith.constant 56 : i32
        %dma_start3A_4582 = arith.constant 0 : i32
        %dma_start3A_4583 = tpu.memref_slice %arg11[%dma_start3A_4581, %dma_start3A_4582] : memref<128x64xf32, #tpu.memory_space<vmem>> -> memref<8x64xf32, #tpu.memory_space<vmem>>
        %dma_start3A_4584 = arith.constant 0 : i32
        %dma_start3A_4585 = tpu.memref_slice %arg5[%multiple_of3A_4570, %dma_start3A_4584] : memref<1000000x64xf32, #tpu.memory_space<hbm>> -> memref<8x64xf32, #tpu.memory_space<hbm>>
        %dma_start3A_4586 = arith.constant 56 : i32
        %dma_start3A_4587 = arith.constant 0 : i32
        %dma_start3A_4588 = tpu.memref_slice %arg11[%dma_start3A_4586, %dma_start3A_4587] : memref<128x64xf32, #tpu.memory_space<vmem>> -> memref<8x64xf32, #tpu.memory_space<vmem>>
        %dma_start3A_4589 = arith.constant 0 : i32
        %dma_start3A_4590 = tpu.memref_slice %arg5[%multiple_of3A_4570, %dma_start3A_4589] : memref<1000000x64xf32, #tpu.memory_space<hbm>> -> memref<8x64xf32, #tpu.memory_space<hbm>>
        tpu.enqueue_dma source(%dma_start3A_4590 : memref<8x64xf32, #tpu.memory_space<hbm>>) target(%dma_start3A_4588 : memref<8x64xf32, #tpu.memory_space<vmem>>) target_semaphore(%arg14 : memref<!tpu.dma_semaphore, #tpu.memory_space<semaphore_mem>>)
        %slice3A_4591 = vector.extract_strided_slice %and3A_4374 {offsets = [8], sizes = [1], strides = [1]} : vector<16xi32> to vector<1xi32>
        %squeeze3A_4592 = vector.extract %slice3A_4591[0] : i32 from vector<1xi32>
        %multiple_of3A_4593 = tpu.assume_multiple %squeeze3A_4592, 8 : i32
        %slice3A_4594 = vector.extract_strided_slice %and3A_4382 {offsets = [8], sizes = [1], strides = [1]} : vector<16xi32> to vector<1xi32>
        %squeeze3A_4595 = vector.extract %slice3A_4594[0] : i32 from vector<1xi32>
        %multiple_of3A_4596 = tpu.assume_multiple %squeeze3A_4595, 8 : i32
        %dma_start3A_4597 = arith.constant 64 : i32
        %dma_start3A_4598 = arith.constant 0 : i32
        %dma_start3A_4599 = tpu.memref_slice %arg9[%dma_start3A_4597, %dma_start3A_4598] : memref<128x64xf32, #tpu.memory_space<vmem>> -> memref<8x64xf32, #tpu.memory_space<vmem>>
        %dma_start3A_4600 = arith.constant 0 : i32
        %dma_start3A_4601 = tpu.memref_slice %arg4[%multiple_of3A_4593, %dma_start3A_4600] : memref<1000000x64xf32, #tpu.memory_space<hbm>> -> memref<8x64xf32, #tpu.memory_space<hbm>>
        %dma_start3A_4602 = arith.constant 64 : i32
        %dma_start3A_4603 = arith.constant 0 : i32
        %dma_start3A_4604 = tpu.memref_slice %arg9[%dma_start3A_4602, %dma_start3A_4603] : memref<128x64xf32, #tpu.memory_space<vmem>> -> memref<8x64xf32, #tpu.memory_space<vmem>>
        %dma_start3A_4605 = arith.constant 0 : i32
        %dma_start3A_4606 = tpu.memref_slice %arg4[%multiple_of3A_4593, %dma_start3A_4605] : memref<1000000x64xf32, #tpu.memory_space<hbm>> -> memref<8x64xf32, #tpu.memory_space<hbm>>
        tpu.enqueue_dma source(%dma_start3A_4606 : memref<8x64xf32, #tpu.memory_space<hbm>>) target(%dma_start3A_4604 : memref<8x64xf32, #tpu.memory_space<vmem>>) target_semaphore(%arg14 : memref<!tpu.dma_semaphore, #tpu.memory_space<semaphore_mem>>)
        %dma_start3A_4607 = arith.constant 64 : i32
        %dma_start3A_4608 = arith.constant 0 : i32
        %dma_start3A_4609 = tpu.memref_slice %arg11[%dma_start3A_4607, %dma_start3A_4608] : memref<128x64xf32, #tpu.memory_space<vmem>> -> memref<8x64xf32, #tpu.memory_space<vmem>>
        %dma_start3A_4610 = arith.constant 0 : i32
        %dma_start3A_4611 = tpu.memref_slice %arg5[%multiple_of3A_4596, %dma_start3A_4610] : memref<1000000x64xf32, #tpu.memory_space<hbm>> -> memref<8x64xf32, #tpu.memory_space<hbm>>
        %dma_start3A_4612 = arith.constant 64 : i32
        %dma_start3A_4613 = arith.constant 0 : i32
        %dma_start3A_4614 = tpu.memref_slice %arg11[%dma_start3A_4612, %dma_start3A_4613] : memref<128x64xf32, #tpu.memory_space<vmem>> -> memref<8x64xf32, #tpu.memory_space<vmem>>
        %dma_start3A_4615 = arith.constant 0 : i32
        %dma_start3A_4616 = tpu.memref_slice %arg5[%multiple_of3A_4596, %dma_start3A_4615] : memref<1000000x64xf32, #tpu.memory_space<hbm>> -> memref<8x64xf32, #tpu.memory_space<hbm>>
        tpu.enqueue_dma source(%dma_start3A_4616 : memref<8x64xf32, #tpu.memory_space<hbm>>) target(%dma_start3A_4614 : memref<8x64xf32, #tpu.memory_space<vmem>>) target_semaphore(%arg14 : memref<!tpu.dma_semaphore, #tpu.memory_space<semaphore_mem>>)
        %slice3A_4617 = vector.extract_strided_slice %and3A_4374 {offsets = [9], sizes = [1], strides = [1]} : vector<16xi32> to vector<1xi32>
        %squeeze3A_4618 = vector.extract %slice3A_4617[0] : i32 from vector<1xi32>
        %multiple_of3A_4619 = tpu.assume_multiple %squeeze3A_4618, 8 : i32
        %slice3A_4620 = vector.extract_strided_slice %and3A_4382 {offsets = [9], sizes = [1], strides = [1]} : vector<16xi32> to vector<1xi32>
        %squeeze3A_4621 = vector.extract %slice3A_4620[0] : i32 from vector<1xi32>
        %multiple_of3A_4622 = tpu.assume_multiple %squeeze3A_4621, 8 : i32
        %dma_start3A_4623 = arith.constant 72 : i32
        %dma_start3A_4624 = arith.constant 0 : i32
        %dma_start3A_4625 = tpu.memref_slice %arg9[%dma_start3A_4623, %dma_start3A_4624] : memref<128x64xf32, #tpu.memory_space<vmem>> -> memref<8x64xf32, #tpu.memory_space<vmem>>
        %dma_start3A_4626 = arith.constant 0 : i32
        %dma_start3A_4627 = tpu.memref_slice %arg4[%multiple_of3A_4619, %dma_start3A_4626] : memref<1000000x64xf32, #tpu.memory_space<hbm>> -> memref<8x64xf32, #tpu.memory_space<hbm>>
        %dma_start3A_4628 = arith.constant 72 : i32
        %dma_start3A_4629 = arith.constant 0 : i32
        %dma_start3A_4630 = tpu.memref_slice %arg9[%dma_start3A_4628, %dma_start3A_4629] : memref<128x64xf32, #tpu.memory_space<vmem>> -> memref<8x64xf32, #tpu.memory_space<vmem>>
        %dma_start3A_4631 = arith.constant 0 : i32
        %dma_start3A_4632 = tpu.memref_slice %arg4[%multiple_of3A_4619, %dma_start3A_4631] : memref<1000000x64xf32, #tpu.memory_space<hbm>> -> memref<8x64xf32, #tpu.memory_space<hbm>>
        tpu.enqueue_dma source(%dma_start3A_4632 : memref<8x64xf32, #tpu.memory_space<hbm>>) target(%dma_start3A_4630 : memref<8x64xf32, #tpu.memory_space<vmem>>) target_semaphore(%arg14 : memref<!tpu.dma_semaphore, #tpu.memory_space<semaphore_mem>>)
        %dma_start3A_4633 = arith.constant 72 : i32
        %dma_start3A_4634 = arith.constant 0 : i32
        %dma_start3A_4635 = tpu.memref_slice %arg11[%dma_start3A_4633, %dma_start3A_4634] : memref<128x64xf32, #tpu.memory_space<vmem>> -> memref<8x64xf32, #tpu.memory_space<vmem>>
        %dma_start3A_4636 = arith.constant 0 : i32
        %dma_start3A_4637 = tpu.memref_slice %arg5[%multiple_of3A_4622, %dma_start3A_4636] : memref<1000000x64xf32, #tpu.memory_space<hbm>> -> memref<8x64xf32, #tpu.memory_space<hbm>>
        %dma_start3A_4638 = arith.constant 72 : i32
        %dma_start3A_4639 = arith.constant 0 : i32
        %dma_start3A_4640 = tpu.memref_slice %arg11[%dma_start3A_4638, %dma_start3A_4639] : memref<128x64xf32, #tpu.memory_space<vmem>> -> memref<8x64xf32, #tpu.memory_space<vmem>>
        %dma_start3A_4641 = arith.constant 0 : i32
        %dma_start3A_4642 = tpu.memref_slice %arg5[%multiple_of3A_4622, %dma_start3A_4641] : memref<1000000x64xf32, #tpu.memory_space<hbm>> -> memref<8x64xf32, #tpu.memory_space<hbm>>
        tpu.enqueue_dma source(%dma_start3A_4642 : memref<8x64xf32, #tpu.memory_space<hbm>>) target(%dma_start3A_4640 : memref<8x64xf32, #tpu.memory_space<vmem>>) target_semaphore(%arg14 : memref<!tpu.dma_semaphore, #tpu.memory_space<semaphore_mem>>)
        %slice3A_4643 = vector.extract_strided_slice %and3A_4374 {offsets = [10], sizes = [1], strides = [1]} : vector<16xi32> to vector<1xi32>
        %squeeze3A_4644 = vector.extract %slice3A_4643[0] : i32 from vector<1xi32>
        %multiple_of3A_4645 = tpu.assume_multiple %squeeze3A_4644, 8 : i32
        %slice3A_4646 = vector.extract_strided_slice %and3A_4382 {offsets = [10], sizes = [1], strides = [1]} : vector<16xi32> to vector<1xi32>
        %squeeze3A_4647 = vector.extract %slice3A_4646[0] : i32 from vector<1xi32>
        %multiple_of3A_4648 = tpu.assume_multiple %squeeze3A_4647, 8 : i32
        %dma_start3A_4649 = arith.constant 80 : i32
        %dma_start3A_4650 = arith.constant 0 : i32
        %dma_start3A_4651 = tpu.memref_slice %arg9[%dma_start3A_4649, %dma_start3A_4650] : memref<128x64xf32, #tpu.memory_space<vmem>> -> memref<8x64xf32, #tpu.memory_space<vmem>>
        %dma_start3A_4652 = arith.constant 0 : i32
        %dma_start3A_4653 = tpu.memref_slice %arg4[%multiple_of3A_4645, %dma_start3A_4652] : memref<1000000x64xf32, #tpu.memory_space<hbm>> -> memref<8x64xf32, #tpu.memory_space<hbm>>
        %dma_start3A_4654 = arith.constant 80 : i32
        %dma_start3A_4655 = arith.constant 0 : i32
        %dma_start3A_4656 = tpu.memref_slice %arg9[%dma_start3A_4654, %dma_start3A_4655] : memref<128x64xf32, #tpu.memory_space<vmem>> -> memref<8x64xf32, #tpu.memory_space<vmem>>
        %dma_start3A_4657 = arith.constant 0 : i32
        %dma_start3A_4658 = tpu.memref_slice %arg4[%multiple_of3A_4645, %dma_start3A_4657] : memref<1000000x64xf32, #tpu.memory_space<hbm>> -> memref<8x64xf32, #tpu.memory_space<hbm>>
        tpu.enqueue_dma source(%dma_start3A_4658 : memref<8x64xf32, #tpu.memory_space<hbm>>) target(%dma_start3A_4656 : memref<8x64xf32, #tpu.memory_space<vmem>>) target_semaphore(%arg14 : memref<!tpu.dma_semaphore, #tpu.memory_space<semaphore_mem>>)
        %dma_start3A_4659 = arith.constant 80 : i32
        %dma_start3A_4660 = arith.constant 0 : i32
        %dma_start3A_4661 = tpu.memref_slice %arg11[%dma_start3A_4659, %dma_start3A_4660] : memref<128x64xf32, #tpu.memory_space<vmem>> -> memref<8x64xf32, #tpu.memory_space<vmem>>
        %dma_start3A_4662 = arith.constant 0 : i32
        %dma_start3A_4663 = tpu.memref_slice %arg5[%multiple_of3A_4648, %dma_start3A_4662] : memref<1000000x64xf32, #tpu.memory_space<hbm>> -> memref<8x64xf32, #tpu.memory_space<hbm>>
        %dma_start3A_4664 = arith.constant 80 : i32
        %dma_start3A_4665 = arith.constant 0 : i32
        %dma_start3A_4666 = tpu.memref_slice %arg11[%dma_start3A_4664, %dma_start3A_4665] : memref<128x64xf32, #tpu.memory_space<vmem>> -> memref<8x64xf32, #tpu.memory_space<vmem>>
        %dma_start3A_4667 = arith.constant 0 : i32
        %dma_start3A_4668 = tpu.memref_slice %arg5[%multiple_of3A_4648, %dma_start3A_4667] : memref<1000000x64xf32, #tpu.memory_space<hbm>> -> memref<8x64xf32, #tpu.memory_space<hbm>>
        tpu.enqueue_dma source(%dma_start3A_4668 : memref<8x64xf32, #tpu.memory_space<hbm>>) target(%dma_start3A_4666 : memref<8x64xf32, #tpu.memory_space<vmem>>) target_semaphore(%arg14 : memref<!tpu.dma_semaphore, #tpu.memory_space<semaphore_mem>>)
        %slice3A_4669 = vector.extract_strided_slice %and3A_4374 {offsets = [11], sizes = [1], strides = [1]} : vector<16xi32> to vector<1xi32>
        %squeeze3A_4670 = vector.extract %slice3A_4669[0] : i32 from vector<1xi32>
        %multiple_of3A_4671 = tpu.assume_multiple %squeeze3A_4670, 8 : i32
        %slice3A_4672 = vector.extract_strided_slice %and3A_4382 {offsets = [11], sizes = [1], strides = [1]} : vector<16xi32> to vector<1xi32>
        %squeeze3A_4673 = vector.extract %slice3A_4672[0] : i32 from vector<1xi32>
        %multiple_of3A_4674 = tpu.assume_multiple %squeeze3A_4673, 8 : i32
        %dma_start3A_4675 = arith.constant 88 : i32
        %dma_start3A_4676 = arith.constant 0 : i32
        %dma_start3A_4677 = tpu.memref_slice %arg9[%dma_start3A_4675, %dma_start3A_4676] : memref<128x64xf32, #tpu.memory_space<vmem>> -> memref<8x64xf32, #tpu.memory_space<vmem>>
        %dma_start3A_4678 = arith.constant 0 : i32
        %dma_start3A_4679 = tpu.memref_slice %arg4[%multiple_of3A_4671, %dma_start3A_4678] : memref<1000000x64xf32, #tpu.memory_space<hbm>> -> memref<8x64xf32, #tpu.memory_space<hbm>>
        %dma_start3A_4680 = arith.constant 88 : i32
        %dma_start3A_4681 = arith.constant 0 : i32
        %dma_start3A_4682 = tpu.memref_slice %arg9[%dma_start3A_4680, %dma_start3A_4681] : memref<128x64xf32, #tpu.memory_space<vmem>> -> memref<8x64xf32, #tpu.memory_space<vmem>>
        %dma_start3A_4683 = arith.constant 0 : i32
        %dma_start3A_4684 = tpu.memref_slice %arg4[%multiple_of3A_4671, %dma_start3A_4683] : memref<1000000x64xf32, #tpu.memory_space<hbm>> -> memref<8x64xf32, #tpu.memory_space<hbm>>
        tpu.enqueue_dma source(%dma_start3A_4684 : memref<8x64xf32, #tpu.memory_space<hbm>>) target(%dma_start3A_4682 : memref<8x64xf32, #tpu.memory_space<vmem>>) target_semaphore(%arg14 : memref<!tpu.dma_semaphore, #tpu.memory_space<semaphore_mem>>)
        %dma_start3A_4685 = arith.constant 88 : i32
        %dma_start3A_4686 = arith.constant 0 : i32
        %dma_start3A_4687 = tpu.memref_slice %arg11[%dma_start3A_4685, %dma_start3A_4686] : memref<128x64xf32, #tpu.memory_space<vmem>> -> memref<8x64xf32, #tpu.memory_space<vmem>>
        %dma_start3A_4688 = arith.constant 0 : i32
        %dma_start3A_4689 = tpu.memref_slice %arg5[%multiple_of3A_4674, %dma_start3A_4688] : memref<1000000x64xf32, #tpu.memory_space<hbm>> -> memref<8x64xf32, #tpu.memory_space<hbm>>
        %dma_start3A_4690 = arith.constant 88 : i32
        %dma_start3A_4691 = arith.constant 0 : i32
        %dma_start3A_4692 = tpu.memref_slice %arg11[%dma_start3A_4690, %dma_start3A_4691] : memref<128x64xf32, #tpu.memory_space<vmem>> -> memref<8x64xf32, #tpu.memory_space<vmem>>
        %dma_start3A_4693 = arith.constant 0 : i32
        %dma_start3A_4694 = tpu.memref_slice %arg5[%multiple_of3A_4674, %dma_start3A_4693] : memref<1000000x64xf32, #tpu.memory_space<hbm>> -> memref<8x64xf32, #tpu.memory_space<hbm>>
        tpu.enqueue_dma source(%dma_start3A_4694 : memref<8x64xf32, #tpu.memory_space<hbm>>) target(%dma_start3A_4692 : memref<8x64xf32, #tpu.memory_space<vmem>>) target_semaphore(%arg14 : memref<!tpu.dma_semaphore, #tpu.memory_space<semaphore_mem>>)
        %slice3A_4695 = vector.extract_strided_slice %and3A_4374 {offsets = [12], sizes = [1], strides = [1]} : vector<16xi32> to vector<1xi32>
        %squeeze3A_4696 = vector.extract %slice3A_4695[0] : i32 from vector<1xi32>
        %multiple_of3A_4697 = tpu.assume_multiple %squeeze3A_4696, 8 : i32
        %slice3A_4698 = vector.extract_strided_slice %and3A_4382 {offsets = [12], sizes = [1], strides = [1]} : vector<16xi32> to vector<1xi32>
        %squeeze3A_4699 = vector.extract %slice3A_4698[0] : i32 from vector<1xi32>
        %multiple_of3A_4700 = tpu.assume_multiple %squeeze3A_4699, 8 : i32
        %dma_start3A_4701 = arith.constant 96 : i32
        %dma_start3A_4702 = arith.constant 0 : i32
        %dma_start3A_4703 = tpu.memref_slice %arg9[%dma_start3A_4701, %dma_start3A_4702] : memref<128x64xf32, #tpu.memory_space<vmem>> -> memref<8x64xf32, #tpu.memory_space<vmem>>
        %dma_start3A_4704 = arith.constant 0 : i32
        %dma_start3A_4705 = tpu.memref_slice %arg4[%multiple_of3A_4697, %dma_start3A_4704] : memref<1000000x64xf32, #tpu.memory_space<hbm>> -> memref<8x64xf32, #tpu.memory_space<hbm>>
        %dma_start3A_4706 = arith.constant 96 : i32
        %dma_start3A_4707 = arith.constant 0 : i32
        %dma_start3A_4708 = tpu.memref_slice %arg9[%dma_start3A_4706, %dma_start3A_4707] : memref<128x64xf32, #tpu.memory_space<vmem>> -> memref<8x64xf32, #tpu.memory_space<vmem>>
        %dma_start3A_4709 = arith.constant 0 : i32
        %dma_start3A_4710 = tpu.memref_slice %arg4[%multiple_of3A_4697, %dma_start3A_4709] : memref<1000000x64xf32, #tpu.memory_space<hbm>> -> memref<8x64xf32, #tpu.memory_space<hbm>>
        tpu.enqueue_dma source(%dma_start3A_4710 : memref<8x64xf32, #tpu.memory_space<hbm>>) target(%dma_start3A_4708 : memref<8x64xf32, #tpu.memory_space<vmem>>) target_semaphore(%arg14 : memref<!tpu.dma_semaphore, #tpu.memory_space<semaphore_mem>>)
        %dma_start3A_4711 = arith.constant 96 : i32
        %dma_start3A_4712 = arith.constant 0 : i32
        %dma_start3A_4713 = tpu.memref_slice %arg11[%dma_start3A_4711, %dma_start3A_4712] : memref<128x64xf32, #tpu.memory_space<vmem>> -> memref<8x64xf32, #tpu.memory_space<vmem>>
        %dma_start3A_4714 = arith.constant 0 : i32
        %dma_start3A_4715 = tpu.memref_slice %arg5[%multiple_of3A_4700, %dma_start3A_4714] : memref<1000000x64xf32, #tpu.memory_space<hbm>> -> memref<8x64xf32, #tpu.memory_space<hbm>>
        %dma_start3A_4716 = arith.constant 96 : i32
        %dma_start3A_4717 = arith.constant 0 : i32
        %dma_start3A_4718 = tpu.memref_slice %arg11[%dma_start3A_4716, %dma_start3A_4717] : memref<128x64xf32, #tpu.memory_space<vmem>> -> memref<8x64xf32, #tpu.memory_space<vmem>>
        %dma_start3A_4719 = arith.constant 0 : i32
        %dma_start3A_4720 = tpu.memref_slice %arg5[%multiple_of3A_4700, %dma_start3A_4719] : memref<1000000x64xf32, #tpu.memory_space<hbm>> -> memref<8x64xf32, #tpu.memory_space<hbm>>
        tpu.enqueue_dma source(%dma_start3A_4720 : memref<8x64xf32, #tpu.memory_space<hbm>>) target(%dma_start3A_4718 : memref<8x64xf32, #tpu.memory_space<vmem>>) target_semaphore(%arg14 : memref<!tpu.dma_semaphore, #tpu.memory_space<semaphore_mem>>)
        %slice3A_4721 = vector.extract_strided_slice %and3A_4374 {offsets = [13], sizes = [1], strides = [1]} : vector<16xi32> to vector<1xi32>
        %squeeze3A_4722 = vector.extract %slice3A_4721[0] : i32 from vector<1xi32>
        %multiple_of3A_4723 = tpu.assume_multiple %squeeze3A_4722, 8 : i32
        %slice3A_4724 = vector.extract_strided_slice %and3A_4382 {offsets = [13], sizes = [1], strides = [1]} : vector<16xi32> to vector<1xi32>
        %squeeze3A_4725 = vector.extract %slice3A_4724[0] : i32 from vector<1xi32>
        %multiple_of3A_4726 = tpu.assume_multiple %squeeze3A_4725, 8 : i32
        %dma_start3A_4727 = arith.constant 104 : i32
        %dma_start3A_4728 = arith.constant 0 : i32
        %dma_start3A_4729 = tpu.memref_slice %arg9[%dma_start3A_4727, %dma_start3A_4728] : memref<128x64xf32, #tpu.memory_space<vmem>> -> memref<8x64xf32, #tpu.memory_space<vmem>>
        %dma_start3A_4730 = arith.constant 0 : i32
        %dma_start3A_4731 = tpu.memref_slice %arg4[%multiple_of3A_4723, %dma_start3A_4730] : memref<1000000x64xf32, #tpu.memory_space<hbm>> -> memref<8x64xf32, #tpu.memory_space<hbm>>
        %dma_start3A_4732 = arith.constant 104 : i32
        %dma_start3A_4733 = arith.constant 0 : i32
        %dma_start3A_4734 = tpu.memref_slice %arg9[%dma_start3A_4732, %dma_start3A_4733] : memref<128x64xf32, #tpu.memory_space<vmem>> -> memref<8x64xf32, #tpu.memory_space<vmem>>
        %dma_start3A_4735 = arith.constant 0 : i32
        %dma_start3A_4736 = tpu.memref_slice %arg4[%multiple_of3A_4723, %dma_start3A_4735] : memref<1000000x64xf32, #tpu.memory_space<hbm>> -> memref<8x64xf32, #tpu.memory_space<hbm>>
        tpu.enqueue_dma source(%dma_start3A_4736 : memref<8x64xf32, #tpu.memory_space<hbm>>) target(%dma_start3A_4734 : memref<8x64xf32, #tpu.memory_space<vmem>>) target_semaphore(%arg14 : memref<!tpu.dma_semaphore, #tpu.memory_space<semaphore_mem>>)
        %dma_start3A_4737 = arith.constant 104 : i32
        %dma_start3A_4738 = arith.constant 0 : i32
        %dma_start3A_4739 = tpu.memref_slice %arg11[%dma_start3A_4737, %dma_start3A_4738] : memref<128x64xf32, #tpu.memory_space<vmem>> -> memref<8x64xf32, #tpu.memory_space<vmem>>
        %dma_start3A_4740 = arith.constant 0 : i32
        %dma_start3A_4741 = tpu.memref_slice %arg5[%multiple_of3A_4726, %dma_start3A_4740] : memref<1000000x64xf32, #tpu.memory_space<hbm>> -> memref<8x64xf32, #tpu.memory_space<hbm>>
        %dma_start3A_4742 = arith.constant 104 : i32
        %dma_start3A_4743 = arith.constant 0 : i32
        %dma_start3A_4744 = tpu.memref_slice %arg11[%dma_start3A_4742, %dma_start3A_4743] : memref<128x64xf32, #tpu.memory_space<vmem>> -> memref<8x64xf32, #tpu.memory_space<vmem>>
        %dma_start3A_4745 = arith.constant 0 : i32
        %dma_start3A_4746 = tpu.memref_slice %arg5[%multiple_of3A_4726, %dma_start3A_4745] : memref<1000000x64xf32, #tpu.memory_space<hbm>> -> memref<8x64xf32, #tpu.memory_space<hbm>>
        tpu.enqueue_dma source(%dma_start3A_4746 : memref<8x64xf32, #tpu.memory_space<hbm>>) target(%dma_start3A_4744 : memref<8x64xf32, #tpu.memory_space<vmem>>) target_semaphore(%arg14 : memref<!tpu.dma_semaphore, #tpu.memory_space<semaphore_mem>>)
        %slice3A_4747 = vector.extract_strided_slice %and3A_4374 {offsets = [14], sizes = [1], strides = [1]} : vector<16xi32> to vector<1xi32>
        %squeeze3A_4748 = vector.extract %slice3A_4747[0] : i32 from vector<1xi32>
        %multiple_of3A_4749 = tpu.assume_multiple %squeeze3A_4748, 8 : i32
        %slice3A_4750 = vector.extract_strided_slice %and3A_4382 {offsets = [14], sizes = [1], strides = [1]} : vector<16xi32> to vector<1xi32>
        %squeeze3A_4751 = vector.extract %slice3A_4750[0] : i32 from vector<1xi32>
        %multiple_of3A_4752 = tpu.assume_multiple %squeeze3A_4751, 8 : i32
        %dma_start3A_4753 = arith.constant 112 : i32
        %dma_start3A_4754 = arith.constant 0 : i32
        %dma_start3A_4755 = tpu.memref_slice %arg9[%dma_start3A_4753, %dma_start3A_4754] : memref<128x64xf32, #tpu.memory_space<vmem>> -> memref<8x64xf32, #tpu.memory_space<vmem>>
        %dma_start3A_4756 = arith.constant 0 : i32
        %dma_start3A_4757 = tpu.memref_slice %arg4[%multiple_of3A_4749, %dma_start3A_4756] : memref<1000000x64xf32, #tpu.memory_space<hbm>> -> memref<8x64xf32, #tpu.memory_space<hbm>>
        %dma_start3A_4758 = arith.constant 112 : i32
        %dma_start3A_4759 = arith.constant 0 : i32
        %dma_start3A_4760 = tpu.memref_slice %arg9[%dma_start3A_4758, %dma_start3A_4759] : memref<128x64xf32, #tpu.memory_space<vmem>> -> memref<8x64xf32, #tpu.memory_space<vmem>>
        %dma_start3A_4761 = arith.constant 0 : i32
        %dma_start3A_4762 = tpu.memref_slice %arg4[%multiple_of3A_4749, %dma_start3A_4761] : memref<1000000x64xf32, #tpu.memory_space<hbm>> -> memref<8x64xf32, #tpu.memory_space<hbm>>
        tpu.enqueue_dma source(%dma_start3A_4762 : memref<8x64xf32, #tpu.memory_space<hbm>>) target(%dma_start3A_4760 : memref<8x64xf32, #tpu.memory_space<vmem>>) target_semaphore(%arg14 : memref<!tpu.dma_semaphore, #tpu.memory_space<semaphore_mem>>)
        %dma_start3A_4763 = arith.constant 112 : i32
        %dma_start3A_4764 = arith.constant 0 : i32
        %dma_start3A_4765 = tpu.memref_slice %arg11[%dma_start3A_4763, %dma_start3A_4764] : memref<128x64xf32, #tpu.memory_space<vmem>> -> memref<8x64xf32, #tpu.memory_space<vmem>>
        %dma_start3A_4766 = arith.constant 0 : i32
        %dma_start3A_4767 = tpu.memref_slice %arg5[%multiple_of3A_4752, %dma_start3A_4766] : memref<1000000x64xf32, #tpu.memory_space<hbm>> -> memref<8x64xf32, #tpu.memory_space<hbm>>
        %dma_start3A_4768 = arith.constant 112 : i32
        %dma_start3A_4769 = arith.constant 0 : i32
        %dma_start3A_4770 = tpu.memref_slice %arg11[%dma_start3A_4768, %dma_start3A_4769] : memref<128x64xf32, #tpu.memory_space<vmem>> -> memref<8x64xf32, #tpu.memory_space<vmem>>
        %dma_start3A_4771 = arith.constant 0 : i32
        %dma_start3A_4772 = tpu.memref_slice %arg5[%multiple_of3A_4752, %dma_start3A_4771] : memref<1000000x64xf32, #tpu.memory_space<hbm>> -> memref<8x64xf32, #tpu.memory_space<hbm>>
        tpu.enqueue_dma source(%dma_start3A_4772 : memref<8x64xf32, #tpu.memory_space<hbm>>) target(%dma_start3A_4770 : memref<8x64xf32, #tpu.memory_space<vmem>>) target_semaphore(%arg14 : memref<!tpu.dma_semaphore, #tpu.memory_space<semaphore_mem>>)
        %slice3A_4773 = vector.extract_strided_slice %and3A_4374 {offsets = [15], sizes = [1], strides = [1]} : vector<16xi32> to vector<1xi32>
        %squeeze3A_4774 = vector.extract %slice3A_4773[0] : i32 from vector<1xi32>
        %multiple_of3A_4775 = tpu.assume_multiple %squeeze3A_4774, 8 : i32
        %slice3A_4776 = vector.extract_strided_slice %and3A_4382 {offsets = [15], sizes = [1], strides = [1]} : vector<16xi32> to vector<1xi32>
        %squeeze3A_4777 = vector.extract %slice3A_4776[0] : i32 from vector<1xi32>
        %multiple_of3A_4778 = tpu.assume_multiple %squeeze3A_4777, 8 : i32
        %dma_start3A_4779 = arith.constant 120 : i32
        %dma_start3A_4780 = arith.constant 0 : i32
        %dma_start3A_4781 = tpu.memref_slice %arg9[%dma_start3A_4779, %dma_start3A_4780] : memref<128x64xf32, #tpu.memory_space<vmem>> -> memref<8x64xf32, #tpu.memory_space<vmem>>
        %dma_start3A_4782 = arith.constant 0 : i32
        %dma_start3A_4783 = tpu.memref_slice %arg4[%multiple_of3A_4775, %dma_start3A_4782] : memref<1000000x64xf32, #tpu.memory_space<hbm>> -> memref<8x64xf32, #tpu.memory_space<hbm>>
        %dma_start3A_4784 = arith.constant 120 : i32
        %dma_start3A_4785 = arith.constant 0 : i32
        %dma_start3A_4786 = tpu.memref_slice %arg9[%dma_start3A_4784, %dma_start3A_4785] : memref<128x64xf32, #tpu.memory_space<vmem>> -> memref<8x64xf32, #tpu.memory_space<vmem>>
        %dma_start3A_4787 = arith.constant 0 : i32
        %dma_start3A_4788 = tpu.memref_slice %arg4[%multiple_of3A_4775, %dma_start3A_4787] : memref<1000000x64xf32, #tpu.memory_space<hbm>> -> memref<8x64xf32, #tpu.memory_space<hbm>>
        tpu.enqueue_dma source(%dma_start3A_4788 : memref<8x64xf32, #tpu.memory_space<hbm>>) target(%dma_start3A_4786 : memref<8x64xf32, #tpu.memory_space<vmem>>) target_semaphore(%arg14 : memref<!tpu.dma_semaphore, #tpu.memory_space<semaphore_mem>>)
        %dma_start3A_4789 = arith.constant 120 : i32
        %dma_start3A_4790 = arith.constant 0 : i32
        %dma_start3A_4791 = tpu.memref_slice %arg11[%dma_start3A_4789, %dma_start3A_4790] : memref<128x64xf32, #tpu.memory_space<vmem>> -> memref<8x64xf32, #tpu.memory_space<vmem>>
        %dma_start3A_4792 = arith.constant 0 : i32
        %dma_start3A_4793 = tpu.memref_slice %arg5[%multiple_of3A_4778, %dma_start3A_4792] : memref<1000000x64xf32, #tpu.memory_space<hbm>> -> memref<8x64xf32, #tpu.memory_space<hbm>>
        %dma_start3A_4794 = arith.constant 120 : i32
        %dma_start3A_4795 = arith.constant 0 : i32
        %dma_start3A_4796 = tpu.memref_slice %arg11[%dma_start3A_4794, %dma_start3A_4795] : memref<128x64xf32, #tpu.memory_space<vmem>> -> memref<8x64xf32, #tpu.memory_space<vmem>>
        %dma_start3A_4797 = arith.constant 0 : i32
        %dma_start3A_4798 = tpu.memref_slice %arg5[%multiple_of3A_4778, %dma_start3A_4797] : memref<1000000x64xf32, #tpu.memory_space<hbm>> -> memref<8x64xf32, #tpu.memory_space<hbm>>
        tpu.enqueue_dma source(%dma_start3A_4798 : memref<8x64xf32, #tpu.memory_space<hbm>>) target(%dma_start3A_4796 : memref<8x64xf32, #tpu.memory_space<vmem>>) target_semaphore(%arg14 : memref<!tpu.dma_semaphore, #tpu.memory_space<semaphore_mem>>)
      } else {
      }
      %dma_wait3A_2614 = arith.constant 0 : i32
      %dma_wait3A_2615 = arith.constant 0 : i32
      %dma_wait3A_2616 = tpu.memref_slice %arg4[%dma_wait3A_2614, %dma_wait3A_2615] : memref<1000000x64xf32, #tpu.memory_space<hbm>> -> memref<128x64xf32, #tpu.memory_space<hbm>>
      %dma_wait3A_2617 = arith.constant 0 : i32
      %dma_wait3A_2618 = arith.constant 0 : i32
      %dma_wait3A_2619 = tpu.memref_slice %arg4[%dma_wait3A_2617, %dma_wait3A_2618] : memref<1000000x64xf32, #tpu.memory_space<hbm>> -> memref<128x64xf32, #tpu.memory_space<hbm>>
      tpu.wait_dma2 semaphore(%arg15 : memref<!tpu.dma_semaphore, #tpu.memory_space<semaphore_mem>>) src(%dma_wait3A_2619 : memref<128x64xf32, #tpu.memory_space<hbm>>) dst(%arg10 : memref<128x64xf32, #tpu.memory_space<vmem>>)
      %dma_wait3A_2620 = arith.constant 0 : i32
      %dma_wait3A_2621 = arith.constant 0 : i32
      %dma_wait3A_2622 = tpu.memref_slice %arg5[%dma_wait3A_2620, %dma_wait3A_2621] : memref<1000000x64xf32, #tpu.memory_space<hbm>> -> memref<128x64xf32, #tpu.memory_space<hbm>>
      %dma_wait3A_2623 = arith.constant 0 : i32
      %dma_wait3A_2624 = arith.constant 0 : i32
      %dma_wait3A_2625 = tpu.memref_slice %arg5[%dma_wait3A_2623, %dma_wait3A_2624] : memref<1000000x64xf32, #tpu.memory_space<hbm>> -> memref<128x64xf32, #tpu.memory_space<hbm>>
      tpu.wait_dma2 semaphore(%arg15 : memref<!tpu.dma_semaphore, #tpu.memory_space<semaphore_mem>>) src(%dma_wait3A_2625 : memref<128x64xf32, #tpu.memory_space<hbm>>) dst(%arg12 : memref<128x64xf32, #tpu.memory_space<vmem>>)
      %add3A_2626 = arith.constant 1 : i32
      %add3A_2627 = arith.addi %mul3A_434, %add3A_2626 : i32
      %mul3A_2628 = arith.constant 16 : i32
      %mul3A_2629 = arith.muli %add3A_2627, %mul3A_2628 : i32
      %get3A_2630 = arith.index_cast %mul3A_2629 : i32 to index
      %get3A_2631 = tpu.vector_load %arg7[%get3A_2630] {strides = array<i32>} : memref<512xi32, #tpu.memory_space<vmem>>, vector<16xi32>,
      %get3A_2632 = vector.shape_cast %get3A_2631 : vector<16xi32> to vector<16xi32>
      %and3A_2633 = arith.constant 7 : i32
      %and3A_2634 = vector.broadcast %and3A_2633 : i32 to vector<16xi32>
      %and3A_2635 = arith.andi %get3A_2632, %and3A_2634 : vector<16xi32>
      %mul3A_2636 = arith.constant 16 : i32
      %mul3A_2637 = arith.muli %add3A_2627, %mul3A_2636 : i32
      %get3A_2638 = arith.index_cast %mul3A_2637 : i32 to index
      %get3A_2639 = tpu.vector_load %arg8[%get3A_2638] {strides = array<i32>} : memref<512xi32, #tpu.memory_space<vmem>>, vector<16xi32>,
      %get3A_2640 = vector.shape_cast %get3A_2639 : vector<16xi32> to vector<16xi32>
      %and3A_2641 = arith.constant 7 : i32
      %and3A_2642 = vector.broadcast %and3A_2641 : i32 to vector<16xi32>
      %and3A_2643 = arith.andi %get3A_2640, %and3A_2642 : vector<16xi32>
      %broadcast_in_dim3A_2644 = arith.constant 0.000000e+00 : f32
      %broadcast_in_dim3A_2645 = vector.broadcast %broadcast_in_dim3A_2644 : f32 to vector<16xf32>
      %slice3A_2646 = vector.extract_strided_slice %and3A_2635 {offsets = [0], sizes = [1], strides = [1]} : vector<16xi32> to vector<1xi32>
      %squeeze3A_2647 = vector.extract %slice3A_2646[0] : i32 from vector<1xi32>
      %add3A_2648 = arith.constant 0 : i32
      %add3A_2649 = arith.addi %add3A_2648, %squeeze3A_2647 : i32
      %slice3A_2650 = vector.extract_strided_slice %and3A_2643 {offsets = [0], sizes = [1], strides = [1]} : vector<16xi32> to vector<1xi32>
      %squeeze3A_2651 = vector.extract %slice3A_2650[0] : i32 from vector<1xi32>
      %add3A_2652 = arith.constant 0 : i32
      %add3A_2653 = arith.addi %add3A_2652, %squeeze3A_2651 : i32
      %get3A_2654 = arith.index_cast %add3A_2649 : i32 to index
      %get3A_2655 = arith.constant 0 : index
      %get3A_2656 = tpu.vector_load %arg10[%get3A_2654, %get3A_2655] {strides = array<i32>} : memref<128x64xf32, #tpu.memory_space<vmem>>, vector<1x16xf32>,
      %get3A_2657 = vector.shape_cast %get3A_2656 : vector<1x16xf32> to vector<16xf32>
      %get3A_2658 = arith.index_cast %add3A_2653 : i32 to index
      %get3A_2659 = arith.constant 0 : index
      %get3A_2660 = tpu.vector_load %arg12[%get3A_2658, %get3A_2659] {strides = array<i32>} : memref<128x64xf32, #tpu.memory_space<vmem>>, vector<1x16xf32>,
      %get3A_2661 = vector.shape_cast %get3A_2660 : vector<1x16xf32> to vector<16xf32>
      %mul3A_2662 = arith.mulf %get3A_2657, %get3A_2661 : vector<16xf32>
      %get3A_2663 = arith.index_cast %add3A_2649 : i32 to index
      %get3A_2664 = arith.constant 16 : index
      %get3A_2665 = tpu.vector_load %arg10[%get3A_2663, %get3A_2664] {strides = array<i32>} : memref<128x64xf32, #tpu.memory_space<vmem>>, vector<1x16xf32>,
      %get3A_2666 = vector.shape_cast %get3A_2665 : vector<1x16xf32> to vector<16xf32>
      %get3A_2667 = arith.index_cast %add3A_2653 : i32 to index
      %get3A_2668 = arith.constant 16 : index
      %get3A_2669 = tpu.vector_load %arg12[%get3A_2667, %get3A_2668] {strides = array<i32>} : memref<128x64xf32, #tpu.memory_space<vmem>>, vector<1x16xf32>,
      %get3A_2670 = vector.shape_cast %get3A_2669 : vector<1x16xf32> to vector<16xf32>
      %mul3A_2671 = arith.mulf %get3A_2666, %get3A_2670 : vector<16xf32>
      %add3A_2672 = arith.addf %mul3A_2662, %mul3A_2671 : vector<16xf32>
      %get3A_2673 = arith.index_cast %add3A_2649 : i32 to index
      %get3A_2674 = arith.constant 32 : index
      %get3A_2675 = tpu.vector_load %arg10[%get3A_2673, %get3A_2674] {strides = array<i32>} : memref<128x64xf32, #tpu.memory_space<vmem>>, vector<1x16xf32>,
      %get3A_2676 = vector.shape_cast %get3A_2675 : vector<1x16xf32> to vector<16xf32>
      %get3A_2677 = arith.index_cast %add3A_2653 : i32 to index
      %get3A_2678 = arith.constant 32 : index
      %get3A_2679 = tpu.vector_load %arg12[%get3A_2677, %get3A_2678] {strides = array<i32>} : memref<128x64xf32, #tpu.memory_space<vmem>>, vector<1x16xf32>,
      %get3A_2680 = vector.shape_cast %get3A_2679 : vector<1x16xf32> to vector<16xf32>
      %mul3A_2681 = arith.mulf %get3A_2676, %get3A_2680 : vector<16xf32>
      %add3A_2682 = arith.addf %add3A_2672, %mul3A_2681 : vector<16xf32>
      %get3A_2683 = arith.index_cast %add3A_2649 : i32 to index
      %get3A_2684 = arith.constant 48 : index
      %get3A_2685 = tpu.vector_load %arg10[%get3A_2683, %get3A_2684] {strides = array<i32>} : memref<128x64xf32, #tpu.memory_space<vmem>>, vector<1x16xf32>,
      %get3A_2686 = vector.shape_cast %get3A_2685 : vector<1x16xf32> to vector<16xf32>
      %get3A_2687 = arith.index_cast %add3A_2653 : i32 to index
      %get3A_2688 = arith.constant 48 : index
      %get3A_2689 = tpu.vector_load %arg12[%get3A_2687, %get3A_2688] {strides = array<i32>} : memref<128x64xf32, #tpu.memory_space<vmem>>, vector<1x16xf32>,
      %get3A_2690 = vector.shape_cast %get3A_2689 : vector<1x16xf32> to vector<16xf32>
      %mul3A_2691 = arith.mulf %get3A_2686, %get3A_2690 : vector<16xf32>
      %add3A_2692 = arith.addf %add3A_2682, %mul3A_2691 : vector<16xf32>
      %xor3A_2693 = arith.constant 1 : i32
      %xor3A_2694 = vector.broadcast %xor3A_2693 : i32 to vector<16xi32>
      %xor3A_2695 = arith.xori %iota3A, %xor3A_2694 : vector<16xi32>
      %lt3A_2696 = arith.constant 0 : i32
      %lt3A_2697 = vector.broadcast %lt3A_2696 : i32 to vector<16xi32>
      %lt3A_2698 = arith.cmpi slt, %xor3A_2695, %lt3A_2697 : vector<16xi32>
      %add3A_2699 = arith.constant 16 : i32
      %add3A_2700 = vector.broadcast %add3A_2699 : i32 to vector<16xi32>
      %add3A_2701 = arith.addi %xor3A_2695, %add3A_2700 : vector<16xi32>
      %select_n3A_2702 = arith.select %lt3A_2698, %add3A_2701, %xor3A_2695 : vector<16xi1>, vector<16xi32>
      %broadcast_in_dim3A_2703 = vector.shape_cast %select_n3A_2702 : vector<16xi32> to vector<16x1xi32>
      %gather3A_2704 = vector.shape_cast %broadcast_in_dim3A_2703 : vector<16x1xi32> to vector<16xi32>
      %gather3A_2705 = tpu.dynamic_gather %add3A_2692[%gather3A_2704] in [0] : vector<16xf32>, vector<16xi32> -> vector<16xf32>
      %add3A_2706 = arith.addf %add3A_2692, %gather3A_2705 : vector<16xf32>
      %xor3A_2707 = arith.constant 2 : i32
      %xor3A_2708 = vector.broadcast %xor3A_2707 : i32 to vector<16xi32>
      %xor3A_2709 = arith.xori %iota3A, %xor3A_2708 : vector<16xi32>
      %lt3A_2710 = arith.constant 0 : i32
      %lt3A_2711 = vector.broadcast %lt3A_2710 : i32 to vector<16xi32>
      %lt3A_2712 = arith.cmpi slt, %xor3A_2709, %lt3A_2711 : vector<16xi32>
      %add3A_2713 = arith.constant 16 : i32
      %add3A_2714 = vector.broadcast %add3A_2713 : i32 to vector<16xi32>
      %add3A_2715 = arith.addi %xor3A_2709, %add3A_2714 : vector<16xi32>
      %select_n3A_2716 = arith.select %lt3A_2712, %add3A_2715, %xor3A_2709 : vector<16xi1>, vector<16xi32>
      %broadcast_in_dim3A_2717 = vector.shape_cast %select_n3A_2716 : vector<16xi32> to vector<16x1xi32>
      %gather3A_2718 = vector.shape_cast %broadcast_in_dim3A_2717 : vector<16x1xi32> to vector<16xi32>
      %gather3A_2719 = tpu.dynamic_gather %add3A_2706[%gather3A_2718] in [0] : vector<16xf32>, vector<16xi32> -> vector<16xf32>
      %add3A_2720 = arith.addf %add3A_2706, %gather3A_2719 : vector<16xf32>
      %xor3A_2721 = arith.constant 4 : i32
      %xor3A_2722 = vector.broadcast %xor3A_2721 : i32 to vector<16xi32>
      %xor3A_2723 = arith.xori %iota3A, %xor3A_2722 : vector<16xi32>
      %lt3A_2724 = arith.constant 0 : i32
      %lt3A_2725 = vector.broadcast %lt3A_2724 : i32 to vector<16xi32>
      %lt3A_2726 = arith.cmpi slt, %xor3A_2723, %lt3A_2725 : vector<16xi32>
      %add3A_2727 = arith.constant 16 : i32
      %add3A_2728 = vector.broadcast %add3A_2727 : i32 to vector<16xi32>
      %add3A_2729 = arith.addi %xor3A_2723, %add3A_2728 : vector<16xi32>
      %select_n3A_2730 = arith.select %lt3A_2726, %add3A_2729, %xor3A_2723 : vector<16xi1>, vector<16xi32>
      %broadcast_in_dim3A_2731 = vector.shape_cast %select_n3A_2730 : vector<16xi32> to vector<16x1xi32>
      %gather3A_2732 = vector.shape_cast %broadcast_in_dim3A_2731 : vector<16x1xi32> to vector<16xi32>
      %gather3A_2733 = tpu.dynamic_gather %add3A_2720[%gather3A_2732] in [0] : vector<16xf32>, vector<16xi32> -> vector<16xf32>
      %add3A_2734 = arith.addf %add3A_2720, %gather3A_2733 : vector<16xf32>
      %xor3A_2735 = arith.constant 8 : i32
      %xor3A_2736 = vector.broadcast %xor3A_2735 : i32 to vector<16xi32>
      %xor3A_2737 = arith.xori %iota3A, %xor3A_2736 : vector<16xi32>
      %lt3A_2738 = arith.constant 0 : i32
      %lt3A_2739 = vector.broadcast %lt3A_2738 : i32 to vector<16xi32>
      %lt3A_2740 = arith.cmpi slt, %xor3A_2737, %lt3A_2739 : vector<16xi32>
      %add3A_2741 = arith.constant 16 : i32
      %add3A_2742 = vector.broadcast %add3A_2741 : i32 to vector<16xi32>
      %add3A_2743 = arith.addi %xor3A_2737, %add3A_2742 : vector<16xi32>
      %select_n3A_2744 = arith.select %lt3A_2740, %add3A_2743, %xor3A_2737 : vector<16xi1>, vector<16xi32>
      %broadcast_in_dim3A_2745 = vector.shape_cast %select_n3A_2744 : vector<16xi32> to vector<16x1xi32>
      %gather3A_2746 = vector.shape_cast %broadcast_in_dim3A_2745 : vector<16x1xi32> to vector<16xi32>
      %gather3A_2747 = tpu.dynamic_gather %add3A_2734[%gather3A_2746] in [0] : vector<16xf32>, vector<16xi32> -> vector<16xf32>
      %add3A_2748 = arith.addf %add3A_2734, %gather3A_2747 : vector<16xf32>
      %eq3A_2749 = arith.constant 0 : i32
      %eq3A_2750 = vector.broadcast %eq3A_2749 : i32 to vector<16xi32>
      %eq3A_2751 = arith.cmpi eq, %iota3A, %eq3A_2750 : vector<16xi32>
      %select_n3A_2752 = arith.select %eq3A_2751, %add3A_2748, %broadcast_in_dim3A_2645 : vector<16xi1>, vector<16xf32>
      %slice3A_2753 = vector.extract_strided_slice %and3A_2635 {offsets = [1], sizes = [1], strides = [1]} : vector<16xi32> to vector<1xi32>
      %squeeze3A_2754 = vector.extract %slice3A_2753[0] : i32 from vector<1xi32>
      %add3A_2755 = arith.constant 8 : i32
      %add3A_2756 = arith.addi %add3A_2755, %squeeze3A_2754 : i32
      %slice3A_2757 = vector.extract_strided_slice %and3A_2643 {offsets = [1], sizes = [1], strides = [1]} : vector<16xi32> to vector<1xi32>
      %squeeze3A_2758 = vector.extract %slice3A_2757[0] : i32 from vector<1xi32>
      %add3A_2759 = arith.constant 8 : i32
      %add3A_2760 = arith.addi %add3A_2759, %squeeze3A_2758 : i32
      %get3A_2761 = arith.index_cast %add3A_2756 : i32 to index
      %get3A_2762 = arith.constant 0 : index
      %get3A_2763 = tpu.vector_load %arg10[%get3A_2761, %get3A_2762] {strides = array<i32>} : memref<128x64xf32, #tpu.memory_space<vmem>>, vector<1x16xf32>,
      %get3A_2764 = vector.shape_cast %get3A_2763 : vector<1x16xf32> to vector<16xf32>
      %get3A_2765 = arith.index_cast %add3A_2760 : i32 to index
      %get3A_2766 = arith.constant 0 : index
      %get3A_2767 = tpu.vector_load %arg12[%get3A_2765, %get3A_2766] {strides = array<i32>} : memref<128x64xf32, #tpu.memory_space<vmem>>, vector<1x16xf32>,
      %get3A_2768 = vector.shape_cast %get3A_2767 : vector<1x16xf32> to vector<16xf32>
      %mul3A_2769 = arith.mulf %get3A_2764, %get3A_2768 : vector<16xf32>
      %get3A_2770 = arith.index_cast %add3A_2756 : i32 to index
      %get3A_2771 = arith.constant 16 : index
      %get3A_2772 = tpu.vector_load %arg10[%get3A_2770, %get3A_2771] {strides = array<i32>} : memref<128x64xf32, #tpu.memory_space<vmem>>, vector<1x16xf32>,
      %get3A_2773 = vector.shape_cast %get3A_2772 : vector<1x16xf32> to vector<16xf32>
      %get3A_2774 = arith.index_cast %add3A_2760 : i32 to index
      %get3A_2775 = arith.constant 16 : index
      %get3A_2776 = tpu.vector_load %arg12[%get3A_2774, %get3A_2775] {strides = array<i32>} : memref<128x64xf32, #tpu.memory_space<vmem>>, vector<1x16xf32>,
      %get3A_2777 = vector.shape_cast %get3A_2776 : vector<1x16xf32> to vector<16xf32>
      %mul3A_2778 = arith.mulf %get3A_2773, %get3A_2777 : vector<16xf32>
      %add3A_2779 = arith.addf %mul3A_2769, %mul3A_2778 : vector<16xf32>
      %get3A_2780 = arith.index_cast %add3A_2756 : i32 to index
      %get3A_2781 = arith.constant 32 : index
      %get3A_2782 = tpu.vector_load %arg10[%get3A_2780, %get3A_2781] {strides = array<i32>} : memref<128x64xf32, #tpu.memory_space<vmem>>, vector<1x16xf32>,
      %get3A_2783 = vector.shape_cast %get3A_2782 : vector<1x16xf32> to vector<16xf32>
      %get3A_2784 = arith.index_cast %add3A_2760 : i32 to index
      %get3A_2785 = arith.constant 32 : index
      %get3A_2786 = tpu.vector_load %arg12[%get3A_2784, %get3A_2785] {strides = array<i32>} : memref<128x64xf32, #tpu.memory_space<vmem>>, vector<1x16xf32>,
      %get3A_2787 = vector.shape_cast %get3A_2786 : vector<1x16xf32> to vector<16xf32>
      %mul3A_2788 = arith.mulf %get3A_2783, %get3A_2787 : vector<16xf32>
      %add3A_2789 = arith.addf %add3A_2779, %mul3A_2788 : vector<16xf32>
      %get3A_2790 = arith.index_cast %add3A_2756 : i32 to index
      %get3A_2791 = arith.constant 48 : index
      %get3A_2792 = tpu.vector_load %arg10[%get3A_2790, %get3A_2791] {strides = array<i32>} : memref<128x64xf32, #tpu.memory_space<vmem>>, vector<1x16xf32>,
      %get3A_2793 = vector.shape_cast %get3A_2792 : vector<1x16xf32> to vector<16xf32>
      %get3A_2794 = arith.index_cast %add3A_2760 : i32 to index
      %get3A_2795 = arith.constant 48 : index
      %get3A_2796 = tpu.vector_load %arg12[%get3A_2794, %get3A_2795] {strides = array<i32>} : memref<128x64xf32, #tpu.memory_space<vmem>>, vector<1x16xf32>,
      %get3A_2797 = vector.shape_cast %get3A_2796 : vector<1x16xf32> to vector<16xf32>
      %mul3A_2798 = arith.mulf %get3A_2793, %get3A_2797 : vector<16xf32>
      %add3A_2799 = arith.addf %add3A_2789, %mul3A_2798 : vector<16xf32>
      %xor3A_2800 = arith.constant 1 : i32
      %xor3A_2801 = vector.broadcast %xor3A_2800 : i32 to vector<16xi32>
      %xor3A_2802 = arith.xori %iota3A, %xor3A_2801 : vector<16xi32>
      %lt3A_2803 = arith.constant 0 : i32
      %lt3A_2804 = vector.broadcast %lt3A_2803 : i32 to vector<16xi32>
      %lt3A_2805 = arith.cmpi slt, %xor3A_2802, %lt3A_2804 : vector<16xi32>
      %add3A_2806 = arith.constant 16 : i32
      %add3A_2807 = vector.broadcast %add3A_2806 : i32 to vector<16xi32>
      %add3A_2808 = arith.addi %xor3A_2802, %add3A_2807 : vector<16xi32>
      %select_n3A_2809 = arith.select %lt3A_2805, %add3A_2808, %xor3A_2802 : vector<16xi1>, vector<16xi32>
      %broadcast_in_dim3A_2810 = vector.shape_cast %select_n3A_2809 : vector<16xi32> to vector<16x1xi32>
      %gather3A_2811 = vector.shape_cast %broadcast_in_dim3A_2810 : vector<16x1xi32> to vector<16xi32>
      %gather3A_2812 = tpu.dynamic_gather %add3A_2799[%gather3A_2811] in [0] : vector<16xf32>, vector<16xi32> -> vector<16xf32>
      %add3A_2813 = arith.addf %add3A_2799, %gather3A_2812 : vector<16xf32>
      %xor3A_2814 = arith.constant 2 : i32
      %xor3A_2815 = vector.broadcast %xor3A_2814 : i32 to vector<16xi32>
      %xor3A_2816 = arith.xori %iota3A, %xor3A_2815 : vector<16xi32>
      %lt3A_2817 = arith.constant 0 : i32
      %lt3A_2818 = vector.broadcast %lt3A_2817 : i32 to vector<16xi32>
      %lt3A_2819 = arith.cmpi slt, %xor3A_2816, %lt3A_2818 : vector<16xi32>
      %add3A_2820 = arith.constant 16 : i32
      %add3A_2821 = vector.broadcast %add3A_2820 : i32 to vector<16xi32>
      %add3A_2822 = arith.addi %xor3A_2816, %add3A_2821 : vector<16xi32>
      %select_n3A_2823 = arith.select %lt3A_2819, %add3A_2822, %xor3A_2816 : vector<16xi1>, vector<16xi32>
      %broadcast_in_dim3A_2824 = vector.shape_cast %select_n3A_2823 : vector<16xi32> to vector<16x1xi32>
      %gather3A_2825 = vector.shape_cast %broadcast_in_dim3A_2824 : vector<16x1xi32> to vector<16xi32>
      %gather3A_2826 = tpu.dynamic_gather %add3A_2813[%gather3A_2825] in [0] : vector<16xf32>, vector<16xi32> -> vector<16xf32>
      %add3A_2827 = arith.addf %add3A_2813, %gather3A_2826 : vector<16xf32>
      %xor3A_2828 = arith.constant 4 : i32
      %xor3A_2829 = vector.broadcast %xor3A_2828 : i32 to vector<16xi32>
      %xor3A_2830 = arith.xori %iota3A, %xor3A_2829 : vector<16xi32>
      %lt3A_2831 = arith.constant 0 : i32
      %lt3A_2832 = vector.broadcast %lt3A_2831 : i32 to vector<16xi32>
      %lt3A_2833 = arith.cmpi slt, %xor3A_2830, %lt3A_2832 : vector<16xi32>
      %add3A_2834 = arith.constant 16 : i32
      %add3A_2835 = vector.broadcast %add3A_2834 : i32 to vector<16xi32>
      %add3A_2836 = arith.addi %xor3A_2830, %add3A_2835 : vector<16xi32>
      %select_n3A_2837 = arith.select %lt3A_2833, %add3A_2836, %xor3A_2830 : vector<16xi1>, vector<16xi32>
      %broadcast_in_dim3A_2838 = vector.shape_cast %select_n3A_2837 : vector<16xi32> to vector<16x1xi32>
      %gather3A_2839 = vector.shape_cast %broadcast_in_dim3A_2838 : vector<16x1xi32> to vector<16xi32>
      %gather3A_2840 = tpu.dynamic_gather %add3A_2827[%gather3A_2839] in [0] : vector<16xf32>, vector<16xi32> -> vector<16xf32>
      %add3A_2841 = arith.addf %add3A_2827, %gather3A_2840 : vector<16xf32>
      %xor3A_2842 = arith.constant 8 : i32
      %xor3A_2843 = vector.broadcast %xor3A_2842 : i32 to vector<16xi32>
      %xor3A_2844 = arith.xori %iota3A, %xor3A_2843 : vector<16xi32>
      %lt3A_2845 = arith.constant 0 : i32
      %lt3A_2846 = vector.broadcast %lt3A_2845 : i32 to vector<16xi32>
      %lt3A_2847 = arith.cmpi slt, %xor3A_2844, %lt3A_2846 : vector<16xi32>
      %add3A_2848 = arith.constant 16 : i32
      %add3A_2849 = vector.broadcast %add3A_2848 : i32 to vector<16xi32>
      %add3A_2850 = arith.addi %xor3A_2844, %add3A_2849 : vector<16xi32>
      %select_n3A_2851 = arith.select %lt3A_2847, %add3A_2850, %xor3A_2844 : vector<16xi1>, vector<16xi32>
      %broadcast_in_dim3A_2852 = vector.shape_cast %select_n3A_2851 : vector<16xi32> to vector<16x1xi32>
      %gather3A_2853 = vector.shape_cast %broadcast_in_dim3A_2852 : vector<16x1xi32> to vector<16xi32>
      %gather3A_2854 = tpu.dynamic_gather %add3A_2841[%gather3A_2853] in [0] : vector<16xf32>, vector<16xi32> -> vector<16xf32>
      %add3A_2855 = arith.addf %add3A_2841, %gather3A_2854 : vector<16xf32>
      %eq3A_2856 = arith.constant 1 : i32
      %eq3A_2857 = vector.broadcast %eq3A_2856 : i32 to vector<16xi32>
      %eq3A_2858 = arith.cmpi eq, %iota3A, %eq3A_2857 : vector<16xi32>
      %select_n3A_2859 = arith.select %eq3A_2858, %add3A_2855, %select_n3A_2752 : vector<16xi1>, vector<16xf32>
      %slice3A_2860 = vector.extract_strided_slice %and3A_2635 {offsets = [2], sizes = [1], strides = [1]} : vector<16xi32> to vector<1xi32>
      %squeeze3A_2861 = vector.extract %slice3A_2860[0] : i32 from vector<1xi32>
      %add3A_2862 = arith.constant 16 : i32
      %add3A_2863 = arith.addi %add3A_2862, %squeeze3A_2861 : i32
      %slice3A_2864 = vector.extract_strided_slice %and3A_2643 {offsets = [2], sizes = [1], strides = [1]} : vector<16xi32> to vector<1xi32>
      %squeeze3A_2865 = vector.extract %slice3A_2864[0] : i32 from vector<1xi32>
      %add3A_2866 = arith.constant 16 : i32
      %add3A_2867 = arith.addi %add3A_2866, %squeeze3A_2865 : i32
      %get3A_2868 = arith.index_cast %add3A_2863 : i32 to index
      %get3A_2869 = arith.constant 0 : index
      %get3A_2870 = tpu.vector_load %arg10[%get3A_2868, %get3A_2869] {strides = array<i32>} : memref<128x64xf32, #tpu.memory_space<vmem>>, vector<1x16xf32>,
      %get3A_2871 = vector.shape_cast %get3A_2870 : vector<1x16xf32> to vector<16xf32>
      %get3A_2872 = arith.index_cast %add3A_2867 : i32 to index
      %get3A_2873 = arith.constant 0 : index
      %get3A_2874 = tpu.vector_load %arg12[%get3A_2872, %get3A_2873] {strides = array<i32>} : memref<128x64xf32, #tpu.memory_space<vmem>>, vector<1x16xf32>,
      %get3A_2875 = vector.shape_cast %get3A_2874 : vector<1x16xf32> to vector<16xf32>
      %mul3A_2876 = arith.mulf %get3A_2871, %get3A_2875 : vector<16xf32>
      %get3A_2877 = arith.index_cast %add3A_2863 : i32 to index
      %get3A_2878 = arith.constant 16 : index
      %get3A_2879 = tpu.vector_load %arg10[%get3A_2877, %get3A_2878] {strides = array<i32>} : memref<128x64xf32, #tpu.memory_space<vmem>>, vector<1x16xf32>,
      %get3A_2880 = vector.shape_cast %get3A_2879 : vector<1x16xf32> to vector<16xf32>
      %get3A_2881 = arith.index_cast %add3A_2867 : i32 to index
      %get3A_2882 = arith.constant 16 : index
      %get3A_2883 = tpu.vector_load %arg12[%get3A_2881, %get3A_2882] {strides = array<i32>} : memref<128x64xf32, #tpu.memory_space<vmem>>, vector<1x16xf32>,
      %get3A_2884 = vector.shape_cast %get3A_2883 : vector<1x16xf32> to vector<16xf32>
      %mul3A_2885 = arith.mulf %get3A_2880, %get3A_2884 : vector<16xf32>
      %add3A_2886 = arith.addf %mul3A_2876, %mul3A_2885 : vector<16xf32>
      %get3A_2887 = arith.index_cast %add3A_2863 : i32 to index
      %get3A_2888 = arith.constant 32 : index
      %get3A_2889 = tpu.vector_load %arg10[%get3A_2887, %get3A_2888] {strides = array<i32>} : memref<128x64xf32, #tpu.memory_space<vmem>>, vector<1x16xf32>,
      %get3A_2890 = vector.shape_cast %get3A_2889 : vector<1x16xf32> to vector<16xf32>
      %get3A_2891 = arith.index_cast %add3A_2867 : i32 to index
      %get3A_2892 = arith.constant 32 : index
      %get3A_2893 = tpu.vector_load %arg12[%get3A_2891, %get3A_2892] {strides = array<i32>} : memref<128x64xf32, #tpu.memory_space<vmem>>, vector<1x16xf32>,
      %get3A_2894 = vector.shape_cast %get3A_2893 : vector<1x16xf32> to vector<16xf32>
      %mul3A_2895 = arith.mulf %get3A_2890, %get3A_2894 : vector<16xf32>
      %add3A_2896 = arith.addf %add3A_2886, %mul3A_2895 : vector<16xf32>
      %get3A_2897 = arith.index_cast %add3A_2863 : i32 to index
      %get3A_2898 = arith.constant 48 : index
      %get3A_2899 = tpu.vector_load %arg10[%get3A_2897, %get3A_2898] {strides = array<i32>} : memref<128x64xf32, #tpu.memory_space<vmem>>, vector<1x16xf32>,
      %get3A_2900 = vector.shape_cast %get3A_2899 : vector<1x16xf32> to vector<16xf32>
      %get3A_2901 = arith.index_cast %add3A_2867 : i32 to index
      %get3A_2902 = arith.constant 48 : index
      %get3A_2903 = tpu.vector_load %arg12[%get3A_2901, %get3A_2902] {strides = array<i32>} : memref<128x64xf32, #tpu.memory_space<vmem>>, vector<1x16xf32>,
      %get3A_2904 = vector.shape_cast %get3A_2903 : vector<1x16xf32> to vector<16xf32>
      %mul3A_2905 = arith.mulf %get3A_2900, %get3A_2904 : vector<16xf32>
      %add3A_2906 = arith.addf %add3A_2896, %mul3A_2905 : vector<16xf32>
      %xor3A_2907 = arith.constant 1 : i32
      %xor3A_2908 = vector.broadcast %xor3A_2907 : i32 to vector<16xi32>
      %xor3A_2909 = arith.xori %iota3A, %xor3A_2908 : vector<16xi32>
      %lt3A_2910 = arith.constant 0 : i32
      %lt3A_2911 = vector.broadcast %lt3A_2910 : i32 to vector<16xi32>
      %lt3A_2912 = arith.cmpi slt, %xor3A_2909, %lt3A_2911 : vector<16xi32>
      %add3A_2913 = arith.constant 16 : i32
      %add3A_2914 = vector.broadcast %add3A_2913 : i32 to vector<16xi32>
      %add3A_2915 = arith.addi %xor3A_2909, %add3A_2914 : vector<16xi32>
      %select_n3A_2916 = arith.select %lt3A_2912, %add3A_2915, %xor3A_2909 : vector<16xi1>, vector<16xi32>
      %broadcast_in_dim3A_2917 = vector.shape_cast %select_n3A_2916 : vector<16xi32> to vector<16x1xi32>
      %gather3A_2918 = vector.shape_cast %broadcast_in_dim3A_2917 : vector<16x1xi32> to vector<16xi32>
      %gather3A_2919 = tpu.dynamic_gather %add3A_2906[%gather3A_2918] in [0] : vector<16xf32>, vector<16xi32> -> vector<16xf32>
      %add3A_2920 = arith.addf %add3A_2906, %gather3A_2919 : vector<16xf32>
      %xor3A_2921 = arith.constant 2 : i32
      %xor3A_2922 = vector.broadcast %xor3A_2921 : i32 to vector<16xi32>
      %xor3A_2923 = arith.xori %iota3A, %xor3A_2922 : vector<16xi32>
      %lt3A_2924 = arith.constant 0 : i32
      %lt3A_2925 = vector.broadcast %lt3A_2924 : i32 to vector<16xi32>
      %lt3A_2926 = arith.cmpi slt, %xor3A_2923, %lt3A_2925 : vector<16xi32>
      %add3A_2927 = arith.constant 16 : i32
      %add3A_2928 = vector.broadcast %add3A_2927 : i32 to vector<16xi32>
      %add3A_2929 = arith.addi %xor3A_2923, %add3A_2928 : vector<16xi32>
      %select_n3A_2930 = arith.select %lt3A_2926, %add3A_2929, %xor3A_2923 : vector<16xi1>, vector<16xi32>
      %broadcast_in_dim3A_2931 = vector.shape_cast %select_n3A_2930 : vector<16xi32> to vector<16x1xi32>
      %gather3A_2932 = vector.shape_cast %broadcast_in_dim3A_2931 : vector<16x1xi32> to vector<16xi32>
      %gather3A_2933 = tpu.dynamic_gather %add3A_2920[%gather3A_2932] in [0] : vector<16xf32>, vector<16xi32> -> vector<16xf32>
      %add3A_2934 = arith.addf %add3A_2920, %gather3A_2933 : vector<16xf32>
      %xor3A_2935 = arith.constant 4 : i32
      %xor3A_2936 = vector.broadcast %xor3A_2935 : i32 to vector<16xi32>
      %xor3A_2937 = arith.xori %iota3A, %xor3A_2936 : vector<16xi32>
      %lt3A_2938 = arith.constant 0 : i32
      %lt3A_2939 = vector.broadcast %lt3A_2938 : i32 to vector<16xi32>
      %lt3A_2940 = arith.cmpi slt, %xor3A_2937, %lt3A_2939 : vector<16xi32>
      %add3A_2941 = arith.constant 16 : i32
      %add3A_2942 = vector.broadcast %add3A_2941 : i32 to vector<16xi32>
      %add3A_2943 = arith.addi %xor3A_2937, %add3A_2942 : vector<16xi32>
      %select_n3A_2944 = arith.select %lt3A_2940, %add3A_2943, %xor3A_2937 : vector<16xi1>, vector<16xi32>
      %broadcast_in_dim3A_2945 = vector.shape_cast %select_n3A_2944 : vector<16xi32> to vector<16x1xi32>
      %gather3A_2946 = vector.shape_cast %broadcast_in_dim3A_2945 : vector<16x1xi32> to vector<16xi32>
      %gather3A_2947 = tpu.dynamic_gather %add3A_2934[%gather3A_2946] in [0] : vector<16xf32>, vector<16xi32> -> vector<16xf32>
      %add3A_2948 = arith.addf %add3A_2934, %gather3A_2947 : vector<16xf32>
      %xor3A_2949 = arith.constant 8 : i32
      %xor3A_2950 = vector.broadcast %xor3A_2949 : i32 to vector<16xi32>
      %xor3A_2951 = arith.xori %iota3A, %xor3A_2950 : vector<16xi32>
      %lt3A_2952 = arith.constant 0 : i32
      %lt3A_2953 = vector.broadcast %lt3A_2952 : i32 to vector<16xi32>
      %lt3A_2954 = arith.cmpi slt, %xor3A_2951, %lt3A_2953 : vector<16xi32>
      %add3A_2955 = arith.constant 16 : i32
      %add3A_2956 = vector.broadcast %add3A_2955 : i32 to vector<16xi32>
      %add3A_2957 = arith.addi %xor3A_2951, %add3A_2956 : vector<16xi32>
      %select_n3A_2958 = arith.select %lt3A_2954, %add3A_2957, %xor3A_2951 : vector<16xi1>, vector<16xi32>
      %broadcast_in_dim3A_2959 = vector.shape_cast %select_n3A_2958 : vector<16xi32> to vector<16x1xi32>
      %gather3A_2960 = vector.shape_cast %broadcast_in_dim3A_2959 : vector<16x1xi32> to vector<16xi32>
      %gather3A_2961 = tpu.dynamic_gather %add3A_2948[%gather3A_2960] in [0] : vector<16xf32>, vector<16xi32> -> vector<16xf32>
      %add3A_2962 = arith.addf %add3A_2948, %gather3A_2961 : vector<16xf32>
      %eq3A_2963 = arith.constant 2 : i32
      %eq3A_2964 = vector.broadcast %eq3A_2963 : i32 to vector<16xi32>
      %eq3A_2965 = arith.cmpi eq, %iota3A, %eq3A_2964 : vector<16xi32>
      %select_n3A_2966 = arith.select %eq3A_2965, %add3A_2962, %select_n3A_2859 : vector<16xi1>, vector<16xf32>
      %slice3A_2967 = vector.extract_strided_slice %and3A_2635 {offsets = [3], sizes = [1], strides = [1]} : vector<16xi32> to vector<1xi32>
      %squeeze3A_2968 = vector.extract %slice3A_2967[0] : i32 from vector<1xi32>
      %add3A_2969 = arith.constant 24 : i32
      %add3A_2970 = arith.addi %add3A_2969, %squeeze3A_2968 : i32
      %slice3A_2971 = vector.extract_strided_slice %and3A_2643 {offsets = [3], sizes = [1], strides = [1]} : vector<16xi32> to vector<1xi32>
      %squeeze3A_2972 = vector.extract %slice3A_2971[0] : i32 from vector<1xi32>
      %add3A_2973 = arith.constant 24 : i32
      %add3A_2974 = arith.addi %add3A_2973, %squeeze3A_2972 : i32
      %get3A_2975 = arith.index_cast %add3A_2970 : i32 to index
      %get3A_2976 = arith.constant 0 : index
      %get3A_2977 = tpu.vector_load %arg10[%get3A_2975, %get3A_2976] {strides = array<i32>} : memref<128x64xf32, #tpu.memory_space<vmem>>, vector<1x16xf32>,
      %get3A_2978 = vector.shape_cast %get3A_2977 : vector<1x16xf32> to vector<16xf32>
      %get3A_2979 = arith.index_cast %add3A_2974 : i32 to index
      %get3A_2980 = arith.constant 0 : index
      %get3A_2981 = tpu.vector_load %arg12[%get3A_2979, %get3A_2980] {strides = array<i32>} : memref<128x64xf32, #tpu.memory_space<vmem>>, vector<1x16xf32>,
      %get3A_2982 = vector.shape_cast %get3A_2981 : vector<1x16xf32> to vector<16xf32>
      %mul3A_2983 = arith.mulf %get3A_2978, %get3A_2982 : vector<16xf32>
      %get3A_2984 = arith.index_cast %add3A_2970 : i32 to index
      %get3A_2985 = arith.constant 16 : index
      %get3A_2986 = tpu.vector_load %arg10[%get3A_2984, %get3A_2985] {strides = array<i32>} : memref<128x64xf32, #tpu.memory_space<vmem>>, vector<1x16xf32>,
      %get3A_2987 = vector.shape_cast %get3A_2986 : vector<1x16xf32> to vector<16xf32>
      %get3A_2988 = arith.index_cast %add3A_2974 : i32 to index
      %get3A_2989 = arith.constant 16 : index
      %get3A_2990 = tpu.vector_load %arg12[%get3A_2988, %get3A_2989] {strides = array<i32>} : memref<128x64xf32, #tpu.memory_space<vmem>>, vector<1x16xf32>,
      %get3A_2991 = vector.shape_cast %get3A_2990 : vector<1x16xf32> to vector<16xf32>
      %mul3A_2992 = arith.mulf %get3A_2987, %get3A_2991 : vector<16xf32>
      %add3A_2993 = arith.addf %mul3A_2983, %mul3A_2992 : vector<16xf32>
      %get3A_2994 = arith.index_cast %add3A_2970 : i32 to index
      %get3A_2995 = arith.constant 32 : index
      %get3A_2996 = tpu.vector_load %arg10[%get3A_2994, %get3A_2995] {strides = array<i32>} : memref<128x64xf32, #tpu.memory_space<vmem>>, vector<1x16xf32>,
      %get3A_2997 = vector.shape_cast %get3A_2996 : vector<1x16xf32> to vector<16xf32>
      %get3A_2998 = arith.index_cast %add3A_2974 : i32 to index
      %get3A_2999 = arith.constant 32 : index
      %get3A_3000 = tpu.vector_load %arg12[%get3A_2998, %get3A_2999] {strides = array<i32>} : memref<128x64xf32, #tpu.memory_space<vmem>>, vector<1x16xf32>,
      %get3A_3001 = vector.shape_cast %get3A_3000 : vector<1x16xf32> to vector<16xf32>
      %mul3A_3002 = arith.mulf %get3A_2997, %get3A_3001 : vector<16xf32>
      %add3A_3003 = arith.addf %add3A_2993, %mul3A_3002 : vector<16xf32>
      %get3A_3004 = arith.index_cast %add3A_2970 : i32 to index
      %get3A_3005 = arith.constant 48 : index
      %get3A_3006 = tpu.vector_load %arg10[%get3A_3004, %get3A_3005] {strides = array<i32>} : memref<128x64xf32, #tpu.memory_space<vmem>>, vector<1x16xf32>,
      %get3A_3007 = vector.shape_cast %get3A_3006 : vector<1x16xf32> to vector<16xf32>
      %get3A_3008 = arith.index_cast %add3A_2974 : i32 to index
      %get3A_3009 = arith.constant 48 : index
      %get3A_3010 = tpu.vector_load %arg12[%get3A_3008, %get3A_3009] {strides = array<i32>} : memref<128x64xf32, #tpu.memory_space<vmem>>, vector<1x16xf32>,
      %get3A_3011 = vector.shape_cast %get3A_3010 : vector<1x16xf32> to vector<16xf32>
      %mul3A_3012 = arith.mulf %get3A_3007, %get3A_3011 : vector<16xf32>
      %add3A_3013 = arith.addf %add3A_3003, %mul3A_3012 : vector<16xf32>
      %xor3A_3014 = arith.constant 1 : i32
      %xor3A_3015 = vector.broadcast %xor3A_3014 : i32 to vector<16xi32>
      %xor3A_3016 = arith.xori %iota3A, %xor3A_3015 : vector<16xi32>
      %lt3A_3017 = arith.constant 0 : i32
      %lt3A_3018 = vector.broadcast %lt3A_3017 : i32 to vector<16xi32>
      %lt3A_3019 = arith.cmpi slt, %xor3A_3016, %lt3A_3018 : vector<16xi32>
      %add3A_3020 = arith.constant 16 : i32
      %add3A_3021 = vector.broadcast %add3A_3020 : i32 to vector<16xi32>
      %add3A_3022 = arith.addi %xor3A_3016, %add3A_3021 : vector<16xi32>
      %select_n3A_3023 = arith.select %lt3A_3019, %add3A_3022, %xor3A_3016 : vector<16xi1>, vector<16xi32>
      %broadcast_in_dim3A_3024 = vector.shape_cast %select_n3A_3023 : vector<16xi32> to vector<16x1xi32>
      %gather3A_3025 = vector.shape_cast %broadcast_in_dim3A_3024 : vector<16x1xi32> to vector<16xi32>
      %gather3A_3026 = tpu.dynamic_gather %add3A_3013[%gather3A_3025] in [0] : vector<16xf32>, vector<16xi32> -> vector<16xf32>
      %add3A_3027 = arith.addf %add3A_3013, %gather3A_3026 : vector<16xf32>
      %xor3A_3028 = arith.constant 2 : i32
      %xor3A_3029 = vector.broadcast %xor3A_3028 : i32 to vector<16xi32>
      %xor3A_3030 = arith.xori %iota3A, %xor3A_3029 : vector<16xi32>
      %lt3A_3031 = arith.constant 0 : i32
      %lt3A_3032 = vector.broadcast %lt3A_3031 : i32 to vector<16xi32>
      %lt3A_3033 = arith.cmpi slt, %xor3A_3030, %lt3A_3032 : vector<16xi32>
      %add3A_3034 = arith.constant 16 : i32
      %add3A_3035 = vector.broadcast %add3A_3034 : i32 to vector<16xi32>
      %add3A_3036 = arith.addi %xor3A_3030, %add3A_3035 : vector<16xi32>
      %select_n3A_3037 = arith.select %lt3A_3033, %add3A_3036, %xor3A_3030 : vector<16xi1>, vector<16xi32>
      %broadcast_in_dim3A_3038 = vector.shape_cast %select_n3A_3037 : vector<16xi32> to vector<16x1xi32>
      %gather3A_3039 = vector.shape_cast %broadcast_in_dim3A_3038 : vector<16x1xi32> to vector<16xi32>
      %gather3A_3040 = tpu.dynamic_gather %add3A_3027[%gather3A_3039] in [0] : vector<16xf32>, vector<16xi32> -> vector<16xf32>
      %add3A_3041 = arith.addf %add3A_3027, %gather3A_3040 : vector<16xf32>
      %xor3A_3042 = arith.constant 4 : i32
      %xor3A_3043 = vector.broadcast %xor3A_3042 : i32 to vector<16xi32>
      %xor3A_3044 = arith.xori %iota3A, %xor3A_3043 : vector<16xi32>
      %lt3A_3045 = arith.constant 0 : i32
      %lt3A_3046 = vector.broadcast %lt3A_3045 : i32 to vector<16xi32>
      %lt3A_3047 = arith.cmpi slt, %xor3A_3044, %lt3A_3046 : vector<16xi32>
      %add3A_3048 = arith.constant 16 : i32
      %add3A_3049 = vector.broadcast %add3A_3048 : i32 to vector<16xi32>
      %add3A_3050 = arith.addi %xor3A_3044, %add3A_3049 : vector<16xi32>
      %select_n3A_3051 = arith.select %lt3A_3047, %add3A_3050, %xor3A_3044 : vector<16xi1>, vector<16xi32>
      %broadcast_in_dim3A_3052 = vector.shape_cast %select_n3A_3051 : vector<16xi32> to vector<16x1xi32>
      %gather3A_3053 = vector.shape_cast %broadcast_in_dim3A_3052 : vector<16x1xi32> to vector<16xi32>
      %gather3A_3054 = tpu.dynamic_gather %add3A_3041[%gather3A_3053] in [0] : vector<16xf32>, vector<16xi32> -> vector<16xf32>
      %add3A_3055 = arith.addf %add3A_3041, %gather3A_3054 : vector<16xf32>
      %xor3A_3056 = arith.constant 8 : i32
      %xor3A_3057 = vector.broadcast %xor3A_3056 : i32 to vector<16xi32>
      %xor3A_3058 = arith.xori %iota3A, %xor3A_3057 : vector<16xi32>
      %lt3A_3059 = arith.constant 0 : i32
      %lt3A_3060 = vector.broadcast %lt3A_3059 : i32 to vector<16xi32>
      %lt3A_3061 = arith.cmpi slt, %xor3A_3058, %lt3A_3060 : vector<16xi32>
      %add3A_3062 = arith.constant 16 : i32
      %add3A_3063 = vector.broadcast %add3A_3062 : i32 to vector<16xi32>
      %add3A_3064 = arith.addi %xor3A_3058, %add3A_3063 : vector<16xi32>
      %select_n3A_3065 = arith.select %lt3A_3061, %add3A_3064, %xor3A_3058 : vector<16xi1>, vector<16xi32>
      %broadcast_in_dim3A_3066 = vector.shape_cast %select_n3A_3065 : vector<16xi32> to vector<16x1xi32>
      %gather3A_3067 = vector.shape_cast %broadcast_in_dim3A_3066 : vector<16x1xi32> to vector<16xi32>
      %gather3A_3068 = tpu.dynamic_gather %add3A_3055[%gather3A_3067] in [0] : vector<16xf32>, vector<16xi32> -> vector<16xf32>
      %add3A_3069 = arith.addf %add3A_3055, %gather3A_3068 : vector<16xf32>
      %eq3A_3070 = arith.constant 3 : i32
      %eq3A_3071 = vector.broadcast %eq3A_3070 : i32 to vector<16xi32>
      %eq3A_3072 = arith.cmpi eq, %iota3A, %eq3A_3071 : vector<16xi32>
      %select_n3A_3073 = arith.select %eq3A_3072, %add3A_3069, %select_n3A_2966 : vector<16xi1>, vector<16xf32>
      %slice3A_3074 = vector.extract_strided_slice %and3A_2635 {offsets = [4], sizes = [1], strides = [1]} : vector<16xi32> to vector<1xi32>
      %squeeze3A_3075 = vector.extract %slice3A_3074[0] : i32 from vector<1xi32>
      %add3A_3076 = arith.constant 32 : i32
      %add3A_3077 = arith.addi %add3A_3076, %squeeze3A_3075 : i32
      %slice3A_3078 = vector.extract_strided_slice %and3A_2643 {offsets = [4], sizes = [1], strides = [1]} : vector<16xi32> to vector<1xi32>
      %squeeze3A_3079 = vector.extract %slice3A_3078[0] : i32 from vector<1xi32>
      %add3A_3080 = arith.constant 32 : i32
      %add3A_3081 = arith.addi %add3A_3080, %squeeze3A_3079 : i32
      %get3A_3082 = arith.index_cast %add3A_3077 : i32 to index
      %get3A_3083 = arith.constant 0 : index
      %get3A_3084 = tpu.vector_load %arg10[%get3A_3082, %get3A_3083] {strides = array<i32>} : memref<128x64xf32, #tpu.memory_space<vmem>>, vector<1x16xf32>,
      %get3A_3085 = vector.shape_cast %get3A_3084 : vector<1x16xf32> to vector<16xf32>
      %get3A_3086 = arith.index_cast %add3A_3081 : i32 to index
      %get3A_3087 = arith.constant 0 : index
      %get3A_3088 = tpu.vector_load %arg12[%get3A_3086, %get3A_3087] {strides = array<i32>} : memref<128x64xf32, #tpu.memory_space<vmem>>, vector<1x16xf32>,
      %get3A_3089 = vector.shape_cast %get3A_3088 : vector<1x16xf32> to vector<16xf32>
      %mul3A_3090 = arith.mulf %get3A_3085, %get3A_3089 : vector<16xf32>
      %get3A_3091 = arith.index_cast %add3A_3077 : i32 to index
      %get3A_3092 = arith.constant 16 : index
      %get3A_3093 = tpu.vector_load %arg10[%get3A_3091, %get3A_3092] {strides = array<i32>} : memref<128x64xf32, #tpu.memory_space<vmem>>, vector<1x16xf32>,
      %get3A_3094 = vector.shape_cast %get3A_3093 : vector<1x16xf32> to vector<16xf32>
      %get3A_3095 = arith.index_cast %add3A_3081 : i32 to index
      %get3A_3096 = arith.constant 16 : index
      %get3A_3097 = tpu.vector_load %arg12[%get3A_3095, %get3A_3096] {strides = array<i32>} : memref<128x64xf32, #tpu.memory_space<vmem>>, vector<1x16xf32>,
      %get3A_3098 = vector.shape_cast %get3A_3097 : vector<1x16xf32> to vector<16xf32>
      %mul3A_3099 = arith.mulf %get3A_3094, %get3A_3098 : vector<16xf32>
      %add3A_3100 = arith.addf %mul3A_3090, %mul3A_3099 : vector<16xf32>
      %get3A_3101 = arith.index_cast %add3A_3077 : i32 to index
      %get3A_3102 = arith.constant 32 : index
      %get3A_3103 = tpu.vector_load %arg10[%get3A_3101, %get3A_3102] {strides = array<i32>} : memref<128x64xf32, #tpu.memory_space<vmem>>, vector<1x16xf32>,
      %get3A_3104 = vector.shape_cast %get3A_3103 : vector<1x16xf32> to vector<16xf32>
      %get3A_3105 = arith.index_cast %add3A_3081 : i32 to index
      %get3A_3106 = arith.constant 32 : index
      %get3A_3107 = tpu.vector_load %arg12[%get3A_3105, %get3A_3106] {strides = array<i32>} : memref<128x64xf32, #tpu.memory_space<vmem>>, vector<1x16xf32>,
      %get3A_3108 = vector.shape_cast %get3A_3107 : vector<1x16xf32> to vector<16xf32>
      %mul3A_3109 = arith.mulf %get3A_3104, %get3A_3108 : vector<16xf32>
      %add3A_3110 = arith.addf %add3A_3100, %mul3A_3109 : vector<16xf32>
      %get3A_3111 = arith.index_cast %add3A_3077 : i32 to index
      %get3A_3112 = arith.constant 48 : index
      %get3A_3113 = tpu.vector_load %arg10[%get3A_3111, %get3A_3112] {strides = array<i32>} : memref<128x64xf32, #tpu.memory_space<vmem>>, vector<1x16xf32>,
      %get3A_3114 = vector.shape_cast %get3A_3113 : vector<1x16xf32> to vector<16xf32>
      %get3A_3115 = arith.index_cast %add3A_3081 : i32 to index
      %get3A_3116 = arith.constant 48 : index
      %get3A_3117 = tpu.vector_load %arg12[%get3A_3115, %get3A_3116] {strides = array<i32>} : memref<128x64xf32, #tpu.memory_space<vmem>>, vector<1x16xf32>,
      %get3A_3118 = vector.shape_cast %get3A_3117 : vector<1x16xf32> to vector<16xf32>
      %mul3A_3119 = arith.mulf %get3A_3114, %get3A_3118 : vector<16xf32>
      %add3A_3120 = arith.addf %add3A_3110, %mul3A_3119 : vector<16xf32>
      %xor3A_3121 = arith.constant 1 : i32
      %xor3A_3122 = vector.broadcast %xor3A_3121 : i32 to vector<16xi32>
      %xor3A_3123 = arith.xori %iota3A, %xor3A_3122 : vector<16xi32>
      %lt3A_3124 = arith.constant 0 : i32
      %lt3A_3125 = vector.broadcast %lt3A_3124 : i32 to vector<16xi32>
      %lt3A_3126 = arith.cmpi slt, %xor3A_3123, %lt3A_3125 : vector<16xi32>
      %add3A_3127 = arith.constant 16 : i32
      %add3A_3128 = vector.broadcast %add3A_3127 : i32 to vector<16xi32>
      %add3A_3129 = arith.addi %xor3A_3123, %add3A_3128 : vector<16xi32>
      %select_n3A_3130 = arith.select %lt3A_3126, %add3A_3129, %xor3A_3123 : vector<16xi1>, vector<16xi32>
      %broadcast_in_dim3A_3131 = vector.shape_cast %select_n3A_3130 : vector<16xi32> to vector<16x1xi32>
      %gather3A_3132 = vector.shape_cast %broadcast_in_dim3A_3131 : vector<16x1xi32> to vector<16xi32>
      %gather3A_3133 = tpu.dynamic_gather %add3A_3120[%gather3A_3132] in [0] : vector<16xf32>, vector<16xi32> -> vector<16xf32>
      %add3A_3134 = arith.addf %add3A_3120, %gather3A_3133 : vector<16xf32>
      %xor3A_3135 = arith.constant 2 : i32
      %xor3A_3136 = vector.broadcast %xor3A_3135 : i32 to vector<16xi32>
      %xor3A_3137 = arith.xori %iota3A, %xor3A_3136 : vector<16xi32>
      %lt3A_3138 = arith.constant 0 : i32
      %lt3A_3139 = vector.broadcast %lt3A_3138 : i32 to vector<16xi32>
      %lt3A_3140 = arith.cmpi slt, %xor3A_3137, %lt3A_3139 : vector<16xi32>
      %add3A_3141 = arith.constant 16 : i32
      %add3A_3142 = vector.broadcast %add3A_3141 : i32 to vector<16xi32>
      %add3A_3143 = arith.addi %xor3A_3137, %add3A_3142 : vector<16xi32>
      %select_n3A_3144 = arith.select %lt3A_3140, %add3A_3143, %xor3A_3137 : vector<16xi1>, vector<16xi32>
      %broadcast_in_dim3A_3145 = vector.shape_cast %select_n3A_3144 : vector<16xi32> to vector<16x1xi32>
      %gather3A_3146 = vector.shape_cast %broadcast_in_dim3A_3145 : vector<16x1xi32> to vector<16xi32>
      %gather3A_3147 = tpu.dynamic_gather %add3A_3134[%gather3A_3146] in [0] : vector<16xf32>, vector<16xi32> -> vector<16xf32>
      %add3A_3148 = arith.addf %add3A_3134, %gather3A_3147 : vector<16xf32>
      %xor3A_3149 = arith.constant 4 : i32
      %xor3A_3150 = vector.broadcast %xor3A_3149 : i32 to vector<16xi32>
      %xor3A_3151 = arith.xori %iota3A, %xor3A_3150 : vector<16xi32>
      %lt3A_3152 = arith.constant 0 : i32
      %lt3A_3153 = vector.broadcast %lt3A_3152 : i32 to vector<16xi32>
      %lt3A_3154 = arith.cmpi slt, %xor3A_3151, %lt3A_3153 : vector<16xi32>
      %add3A_3155 = arith.constant 16 : i32
      %add3A_3156 = vector.broadcast %add3A_3155 : i32 to vector<16xi32>
      %add3A_3157 = arith.addi %xor3A_3151, %add3A_3156 : vector<16xi32>
      %select_n3A_3158 = arith.select %lt3A_3154, %add3A_3157, %xor3A_3151 : vector<16xi1>, vector<16xi32>
      %broadcast_in_dim3A_3159 = vector.shape_cast %select_n3A_3158 : vector<16xi32> to vector<16x1xi32>
      %gather3A_3160 = vector.shape_cast %broadcast_in_dim3A_3159 : vector<16x1xi32> to vector<16xi32>
      %gather3A_3161 = tpu.dynamic_gather %add3A_3148[%gather3A_3160] in [0] : vector<16xf32>, vector<16xi32> -> vector<16xf32>
      %add3A_3162 = arith.addf %add3A_3148, %gather3A_3161 : vector<16xf32>
      %xor3A_3163 = arith.constant 8 : i32
      %xor3A_3164 = vector.broadcast %xor3A_3163 : i32 to vector<16xi32>
      %xor3A_3165 = arith.xori %iota3A, %xor3A_3164 : vector<16xi32>
      %lt3A_3166 = arith.constant 0 : i32
      %lt3A_3167 = vector.broadcast %lt3A_3166 : i32 to vector<16xi32>
      %lt3A_3168 = arith.cmpi slt, %xor3A_3165, %lt3A_3167 : vector<16xi32>
      %add3A_3169 = arith.constant 16 : i32
      %add3A_3170 = vector.broadcast %add3A_3169 : i32 to vector<16xi32>
      %add3A_3171 = arith.addi %xor3A_3165, %add3A_3170 : vector<16xi32>
      %select_n3A_3172 = arith.select %lt3A_3168, %add3A_3171, %xor3A_3165 : vector<16xi1>, vector<16xi32>
      %broadcast_in_dim3A_3173 = vector.shape_cast %select_n3A_3172 : vector<16xi32> to vector<16x1xi32>
      %gather3A_3174 = vector.shape_cast %broadcast_in_dim3A_3173 : vector<16x1xi32> to vector<16xi32>
      %gather3A_3175 = tpu.dynamic_gather %add3A_3162[%gather3A_3174] in [0] : vector<16xf32>, vector<16xi32> -> vector<16xf32>
      %add3A_3176 = arith.addf %add3A_3162, %gather3A_3175 : vector<16xf32>
      %eq3A_3177 = arith.constant 4 : i32
      %eq3A_3178 = vector.broadcast %eq3A_3177 : i32 to vector<16xi32>
      %eq3A_3179 = arith.cmpi eq, %iota3A, %eq3A_3178 : vector<16xi32>
      %select_n3A_3180 = arith.select %eq3A_3179, %add3A_3176, %select_n3A_3073 : vector<16xi1>, vector<16xf32>
      %slice3A_3181 = vector.extract_strided_slice %and3A_2635 {offsets = [5], sizes = [1], strides = [1]} : vector<16xi32> to vector<1xi32>
      %squeeze3A_3182 = vector.extract %slice3A_3181[0] : i32 from vector<1xi32>
      %add3A_3183 = arith.constant 40 : i32
      %add3A_3184 = arith.addi %add3A_3183, %squeeze3A_3182 : i32
      %slice3A_3185 = vector.extract_strided_slice %and3A_2643 {offsets = [5], sizes = [1], strides = [1]} : vector<16xi32> to vector<1xi32>
      %squeeze3A_3186 = vector.extract %slice3A_3185[0] : i32 from vector<1xi32>
      %add3A_3187 = arith.constant 40 : i32
      %add3A_3188 = arith.addi %add3A_3187, %squeeze3A_3186 : i32
      %get3A_3189 = arith.index_cast %add3A_3184 : i32 to index
      %get3A_3190 = arith.constant 0 : index
      %get3A_3191 = tpu.vector_load %arg10[%get3A_3189, %get3A_3190] {strides = array<i32>} : memref<128x64xf32, #tpu.memory_space<vmem>>, vector<1x16xf32>,
      %get3A_3192 = vector.shape_cast %get3A_3191 : vector<1x16xf32> to vector<16xf32>
      %get3A_3193 = arith.index_cast %add3A_3188 : i32 to index
      %get3A_3194 = arith.constant 0 : index
      %get3A_3195 = tpu.vector_load %arg12[%get3A_3193, %get3A_3194] {strides = array<i32>} : memref<128x64xf32, #tpu.memory_space<vmem>>, vector<1x16xf32>,
      %get3A_3196 = vector.shape_cast %get3A_3195 : vector<1x16xf32> to vector<16xf32>
      %mul3A_3197 = arith.mulf %get3A_3192, %get3A_3196 : vector<16xf32>
      %get3A_3198 = arith.index_cast %add3A_3184 : i32 to index
      %get3A_3199 = arith.constant 16 : index
      %get3A_3200 = tpu.vector_load %arg10[%get3A_3198, %get3A_3199] {strides = array<i32>} : memref<128x64xf32, #tpu.memory_space<vmem>>, vector<1x16xf32>,
      %get3A_3201 = vector.shape_cast %get3A_3200 : vector<1x16xf32> to vector<16xf32>
      %get3A_3202 = arith.index_cast %add3A_3188 : i32 to index
      %get3A_3203 = arith.constant 16 : index
      %get3A_3204 = tpu.vector_load %arg12[%get3A_3202, %get3A_3203] {strides = array<i32>} : memref<128x64xf32, #tpu.memory_space<vmem>>, vector<1x16xf32>,
      %get3A_3205 = vector.shape_cast %get3A_3204 : vector<1x16xf32> to vector<16xf32>
      %mul3A_3206 = arith.mulf %get3A_3201, %get3A_3205 : vector<16xf32>
      %add3A_3207 = arith.addf %mul3A_3197, %mul3A_3206 : vector<16xf32>
      %get3A_3208 = arith.index_cast %add3A_3184 : i32 to index
      %get3A_3209 = arith.constant 32 : index
      %get3A_3210 = tpu.vector_load %arg10[%get3A_3208, %get3A_3209] {strides = array<i32>} : memref<128x64xf32, #tpu.memory_space<vmem>>, vector<1x16xf32>,
      %get3A_3211 = vector.shape_cast %get3A_3210 : vector<1x16xf32> to vector<16xf32>
      %get3A_3212 = arith.index_cast %add3A_3188 : i32 to index
      %get3A_3213 = arith.constant 32 : index
      %get3A_3214 = tpu.vector_load %arg12[%get3A_3212, %get3A_3213] {strides = array<i32>} : memref<128x64xf32, #tpu.memory_space<vmem>>, vector<1x16xf32>,
      %get3A_3215 = vector.shape_cast %get3A_3214 : vector<1x16xf32> to vector<16xf32>
      %mul3A_3216 = arith.mulf %get3A_3211, %get3A_3215 : vector<16xf32>
      %add3A_3217 = arith.addf %add3A_3207, %mul3A_3216 : vector<16xf32>
      %get3A_3218 = arith.index_cast %add3A_3184 : i32 to index
      %get3A_3219 = arith.constant 48 : index
      %get3A_3220 = tpu.vector_load %arg10[%get3A_3218, %get3A_3219] {strides = array<i32>} : memref<128x64xf32, #tpu.memory_space<vmem>>, vector<1x16xf32>,
      %get3A_3221 = vector.shape_cast %get3A_3220 : vector<1x16xf32> to vector<16xf32>
      %get3A_3222 = arith.index_cast %add3A_3188 : i32 to index
      %get3A_3223 = arith.constant 48 : index
      %get3A_3224 = tpu.vector_load %arg12[%get3A_3222, %get3A_3223] {strides = array<i32>} : memref<128x64xf32, #tpu.memory_space<vmem>>, vector<1x16xf32>,
      %get3A_3225 = vector.shape_cast %get3A_3224 : vector<1x16xf32> to vector<16xf32>
      %mul3A_3226 = arith.mulf %get3A_3221, %get3A_3225 : vector<16xf32>
      %add3A_3227 = arith.addf %add3A_3217, %mul3A_3226 : vector<16xf32>
      %xor3A_3228 = arith.constant 1 : i32
      %xor3A_3229 = vector.broadcast %xor3A_3228 : i32 to vector<16xi32>
      %xor3A_3230 = arith.xori %iota3A, %xor3A_3229 : vector<16xi32>
      %lt3A_3231 = arith.constant 0 : i32
      %lt3A_3232 = vector.broadcast %lt3A_3231 : i32 to vector<16xi32>
      %lt3A_3233 = arith.cmpi slt, %xor3A_3230, %lt3A_3232 : vector<16xi32>
      %add3A_3234 = arith.constant 16 : i32
      %add3A_3235 = vector.broadcast %add3A_3234 : i32 to vector<16xi32>
      %add3A_3236 = arith.addi %xor3A_3230, %add3A_3235 : vector<16xi32>
      %select_n3A_3237 = arith.select %lt3A_3233, %add3A_3236, %xor3A_3230 : vector<16xi1>, vector<16xi32>
      %broadcast_in_dim3A_3238 = vector.shape_cast %select_n3A_3237 : vector<16xi32> to vector<16x1xi32>
      %gather3A_3239 = vector.shape_cast %broadcast_in_dim3A_3238 : vector<16x1xi32> to vector<16xi32>
      %gather3A_3240 = tpu.dynamic_gather %add3A_3227[%gather3A_3239] in [0] : vector<16xf32>, vector<16xi32> -> vector<16xf32>
      %add3A_3241 = arith.addf %add3A_3227, %gather3A_3240 : vector<16xf32>
      %xor3A_3242 = arith.constant 2 : i32
      %xor3A_3243 = vector.broadcast %xor3A_3242 : i32 to vector<16xi32>
      %xor3A_3244 = arith.xori %iota3A, %xor3A_3243 : vector<16xi32>
      %lt3A_3245 = arith.constant 0 : i32
      %lt3A_3246 = vector.broadcast %lt3A_3245 : i32 to vector<16xi32>
      %lt3A_3247 = arith.cmpi slt, %xor3A_3244, %lt3A_3246 : vector<16xi32>
      %add3A_3248 = arith.constant 16 : i32
      %add3A_3249 = vector.broadcast %add3A_3248 : i32 to vector<16xi32>
      %add3A_3250 = arith.addi %xor3A_3244, %add3A_3249 : vector<16xi32>
      %select_n3A_3251 = arith.select %lt3A_3247, %add3A_3250, %xor3A_3244 : vector<16xi1>, vector<16xi32>
      %broadcast_in_dim3A_3252 = vector.shape_cast %select_n3A_3251 : vector<16xi32> to vector<16x1xi32>
      %gather3A_3253 = vector.shape_cast %broadcast_in_dim3A_3252 : vector<16x1xi32> to vector<16xi32>
      %gather3A_3254 = tpu.dynamic_gather %add3A_3241[%gather3A_3253] in [0] : vector<16xf32>, vector<16xi32> -> vector<16xf32>
      %add3A_3255 = arith.addf %add3A_3241, %gather3A_3254 : vector<16xf32>
      %xor3A_3256 = arith.constant 4 : i32
      %xor3A_3257 = vector.broadcast %xor3A_3256 : i32 to vector<16xi32>
      %xor3A_3258 = arith.xori %iota3A, %xor3A_3257 : vector<16xi32>
      %lt3A_3259 = arith.constant 0 : i32
      %lt3A_3260 = vector.broadcast %lt3A_3259 : i32 to vector<16xi32>
      %lt3A_3261 = arith.cmpi slt, %xor3A_3258, %lt3A_3260 : vector<16xi32>
      %add3A_3262 = arith.constant 16 : i32
      %add3A_3263 = vector.broadcast %add3A_3262 : i32 to vector<16xi32>
      %add3A_3264 = arith.addi %xor3A_3258, %add3A_3263 : vector<16xi32>
      %select_n3A_3265 = arith.select %lt3A_3261, %add3A_3264, %xor3A_3258 : vector<16xi1>, vector<16xi32>
      %broadcast_in_dim3A_3266 = vector.shape_cast %select_n3A_3265 : vector<16xi32> to vector<16x1xi32>
      %gather3A_3267 = vector.shape_cast %broadcast_in_dim3A_3266 : vector<16x1xi32> to vector<16xi32>
      %gather3A_3268 = tpu.dynamic_gather %add3A_3255[%gather3A_3267] in [0] : vector<16xf32>, vector<16xi32> -> vector<16xf32>
      %add3A_3269 = arith.addf %add3A_3255, %gather3A_3268 : vector<16xf32>
      %xor3A_3270 = arith.constant 8 : i32
      %xor3A_3271 = vector.broadcast %xor3A_3270 : i32 to vector<16xi32>
      %xor3A_3272 = arith.xori %iota3A, %xor3A_3271 : vector<16xi32>
      %lt3A_3273 = arith.constant 0 : i32
      %lt3A_3274 = vector.broadcast %lt3A_3273 : i32 to vector<16xi32>
      %lt3A_3275 = arith.cmpi slt, %xor3A_3272, %lt3A_3274 : vector<16xi32>
      %add3A_3276 = arith.constant 16 : i32
      %add3A_3277 = vector.broadcast %add3A_3276 : i32 to vector<16xi32>
      %add3A_3278 = arith.addi %xor3A_3272, %add3A_3277 : vector<16xi32>
      %select_n3A_3279 = arith.select %lt3A_3275, %add3A_3278, %xor3A_3272 : vector<16xi1>, vector<16xi32>
      %broadcast_in_dim3A_3280 = vector.shape_cast %select_n3A_3279 : vector<16xi32> to vector<16x1xi32>
      %gather3A_3281 = vector.shape_cast %broadcast_in_dim3A_3280 : vector<16x1xi32> to vector<16xi32>
      %gather3A_3282 = tpu.dynamic_gather %add3A_3269[%gather3A_3281] in [0] : vector<16xf32>, vector<16xi32> -> vector<16xf32>
      %add3A_3283 = arith.addf %add3A_3269, %gather3A_3282 : vector<16xf32>
      %eq3A_3284 = arith.constant 5 : i32
      %eq3A_3285 = vector.broadcast %eq3A_3284 : i32 to vector<16xi32>
      %eq3A_3286 = arith.cmpi eq, %iota3A, %eq3A_3285 : vector<16xi32>
      %select_n3A_3287 = arith.select %eq3A_3286, %add3A_3283, %select_n3A_3180 : vector<16xi1>, vector<16xf32>
      %slice3A_3288 = vector.extract_strided_slice %and3A_2635 {offsets = [6], sizes = [1], strides = [1]} : vector<16xi32> to vector<1xi32>
      %squeeze3A_3289 = vector.extract %slice3A_3288[0] : i32 from vector<1xi32>
      %add3A_3290 = arith.constant 48 : i32
      %add3A_3291 = arith.addi %add3A_3290, %squeeze3A_3289 : i32
      %slice3A_3292 = vector.extract_strided_slice %and3A_2643 {offsets = [6], sizes = [1], strides = [1]} : vector<16xi32> to vector<1xi32>
      %squeeze3A_3293 = vector.extract %slice3A_3292[0] : i32 from vector<1xi32>
      %add3A_3294 = arith.constant 48 : i32
      %add3A_3295 = arith.addi %add3A_3294, %squeeze3A_3293 : i32
      %get3A_3296 = arith.index_cast %add3A_3291 : i32 to index
      %get3A_3297 = arith.constant 0 : index
      %get3A_3298 = tpu.vector_load %arg10[%get3A_3296, %get3A_3297] {strides = array<i32>} : memref<128x64xf32, #tpu.memory_space<vmem>>, vector<1x16xf32>,
      %get3A_3299 = vector.shape_cast %get3A_3298 : vector<1x16xf32> to vector<16xf32>
      %get3A_3300 = arith.index_cast %add3A_3295 : i32 to index
      %get3A_3301 = arith.constant 0 : index
      %get3A_3302 = tpu.vector_load %arg12[%get3A_3300, %get3A_3301] {strides = array<i32>} : memref<128x64xf32, #tpu.memory_space<vmem>>, vector<1x16xf32>,
      %get3A_3303 = vector.shape_cast %get3A_3302 : vector<1x16xf32> to vector<16xf32>
      %mul3A_3304 = arith.mulf %get3A_3299, %get3A_3303 : vector<16xf32>
      %get3A_3305 = arith.index_cast %add3A_3291 : i32 to index
      %get3A_3306 = arith.constant 16 : index
      %get3A_3307 = tpu.vector_load %arg10[%get3A_3305, %get3A_3306] {strides = array<i32>} : memref<128x64xf32, #tpu.memory_space<vmem>>, vector<1x16xf32>,
      %get3A_3308 = vector.shape_cast %get3A_3307 : vector<1x16xf32> to vector<16xf32>
      %get3A_3309 = arith.index_cast %add3A_3295 : i32 to index
      %get3A_3310 = arith.constant 16 : index
      %get3A_3311 = tpu.vector_load %arg12[%get3A_3309, %get3A_3310] {strides = array<i32>} : memref<128x64xf32, #tpu.memory_space<vmem>>, vector<1x16xf32>,
      %get3A_3312 = vector.shape_cast %get3A_3311 : vector<1x16xf32> to vector<16xf32>
      %mul3A_3313 = arith.mulf %get3A_3308, %get3A_3312 : vector<16xf32>
      %add3A_3314 = arith.addf %mul3A_3304, %mul3A_3313 : vector<16xf32>
      %get3A_3315 = arith.index_cast %add3A_3291 : i32 to index
      %get3A_3316 = arith.constant 32 : index
      %get3A_3317 = tpu.vector_load %arg10[%get3A_3315, %get3A_3316] {strides = array<i32>} : memref<128x64xf32, #tpu.memory_space<vmem>>, vector<1x16xf32>,
      %get3A_3318 = vector.shape_cast %get3A_3317 : vector<1x16xf32> to vector<16xf32>
      %get3A_3319 = arith.index_cast %add3A_3295 : i32 to index
      %get3A_3320 = arith.constant 32 : index
      %get3A_3321 = tpu.vector_load %arg12[%get3A_3319, %get3A_3320] {strides = array<i32>} : memref<128x64xf32, #tpu.memory_space<vmem>>, vector<1x16xf32>,
      %get3A_3322 = vector.shape_cast %get3A_3321 : vector<1x16xf32> to vector<16xf32>
      %mul3A_3323 = arith.mulf %get3A_3318, %get3A_3322 : vector<16xf32>
      %add3A_3324 = arith.addf %add3A_3314, %mul3A_3323 : vector<16xf32>
      %get3A_3325 = arith.index_cast %add3A_3291 : i32 to index
      %get3A_3326 = arith.constant 48 : index
      %get3A_3327 = tpu.vector_load %arg10[%get3A_3325, %get3A_3326] {strides = array<i32>} : memref<128x64xf32, #tpu.memory_space<vmem>>, vector<1x16xf32>,
      %get3A_3328 = vector.shape_cast %get3A_3327 : vector<1x16xf32> to vector<16xf32>
      %get3A_3329 = arith.index_cast %add3A_3295 : i32 to index
      %get3A_3330 = arith.constant 48 : index
      %get3A_3331 = tpu.vector_load %arg12[%get3A_3329, %get3A_3330] {strides = array<i32>} : memref<128x64xf32, #tpu.memory_space<vmem>>, vector<1x16xf32>,
      %get3A_3332 = vector.shape_cast %get3A_3331 : vector<1x16xf32> to vector<16xf32>
      %mul3A_3333 = arith.mulf %get3A_3328, %get3A_3332 : vector<16xf32>
      %add3A_3334 = arith.addf %add3A_3324, %mul3A_3333 : vector<16xf32>
      %xor3A_3335 = arith.constant 1 : i32
      %xor3A_3336 = vector.broadcast %xor3A_3335 : i32 to vector<16xi32>
      %xor3A_3337 = arith.xori %iota3A, %xor3A_3336 : vector<16xi32>
      %lt3A_3338 = arith.constant 0 : i32
      %lt3A_3339 = vector.broadcast %lt3A_3338 : i32 to vector<16xi32>
      %lt3A_3340 = arith.cmpi slt, %xor3A_3337, %lt3A_3339 : vector<16xi32>
      %add3A_3341 = arith.constant 16 : i32
      %add3A_3342 = vector.broadcast %add3A_3341 : i32 to vector<16xi32>
      %add3A_3343 = arith.addi %xor3A_3337, %add3A_3342 : vector<16xi32>
      %select_n3A_3344 = arith.select %lt3A_3340, %add3A_3343, %xor3A_3337 : vector<16xi1>, vector<16xi32>
      %broadcast_in_dim3A_3345 = vector.shape_cast %select_n3A_3344 : vector<16xi32> to vector<16x1xi32>
      %gather3A_3346 = vector.shape_cast %broadcast_in_dim3A_3345 : vector<16x1xi32> to vector<16xi32>
      %gather3A_3347 = tpu.dynamic_gather %add3A_3334[%gather3A_3346] in [0] : vector<16xf32>, vector<16xi32> -> vector<16xf32>
      %add3A_3348 = arith.addf %add3A_3334, %gather3A_3347 : vector<16xf32>
      %xor3A_3349 = arith.constant 2 : i32
      %xor3A_3350 = vector.broadcast %xor3A_3349 : i32 to vector<16xi32>
      %xor3A_3351 = arith.xori %iota3A, %xor3A_3350 : vector<16xi32>
      %lt3A_3352 = arith.constant 0 : i32
      %lt3A_3353 = vector.broadcast %lt3A_3352 : i32 to vector<16xi32>
      %lt3A_3354 = arith.cmpi slt, %xor3A_3351, %lt3A_3353 : vector<16xi32>
      %add3A_3355 = arith.constant 16 : i32
      %add3A_3356 = vector.broadcast %add3A_3355 : i32 to vector<16xi32>
      %add3A_3357 = arith.addi %xor3A_3351, %add3A_3356 : vector<16xi32>
      %select_n3A_3358 = arith.select %lt3A_3354, %add3A_3357, %xor3A_3351 : vector<16xi1>, vector<16xi32>
      %broadcast_in_dim3A_3359 = vector.shape_cast %select_n3A_3358 : vector<16xi32> to vector<16x1xi32>
      %gather3A_3360 = vector.shape_cast %broadcast_in_dim3A_3359 : vector<16x1xi32> to vector<16xi32>
      %gather3A_3361 = tpu.dynamic_gather %add3A_3348[%gather3A_3360] in [0] : vector<16xf32>, vector<16xi32> -> vector<16xf32>
      %add3A_3362 = arith.addf %add3A_3348, %gather3A_3361 : vector<16xf32>
      %xor3A_3363 = arith.constant 4 : i32
      %xor3A_3364 = vector.broadcast %xor3A_3363 : i32 to vector<16xi32>
      %xor3A_3365 = arith.xori %iota3A, %xor3A_3364 : vector<16xi32>
      %lt3A_3366 = arith.constant 0 : i32
      %lt3A_3367 = vector.broadcast %lt3A_3366 : i32 to vector<16xi32>
      %lt3A_3368 = arith.cmpi slt, %xor3A_3365, %lt3A_3367 : vector<16xi32>
      %add3A_3369 = arith.constant 16 : i32
      %add3A_3370 = vector.broadcast %add3A_3369 : i32 to vector<16xi32>
      %add3A_3371 = arith.addi %xor3A_3365, %add3A_3370 : vector<16xi32>
      %select_n3A_3372 = arith.select %lt3A_3368, %add3A_3371, %xor3A_3365 : vector<16xi1>, vector<16xi32>
      %broadcast_in_dim3A_3373 = vector.shape_cast %select_n3A_3372 : vector<16xi32> to vector<16x1xi32>
      %gather3A_3374 = vector.shape_cast %broadcast_in_dim3A_3373 : vector<16x1xi32> to vector<16xi32>
      %gather3A_3375 = tpu.dynamic_gather %add3A_3362[%gather3A_3374] in [0] : vector<16xf32>, vector<16xi32> -> vector<16xf32>
      %add3A_3376 = arith.addf %add3A_3362, %gather3A_3375 : vector<16xf32>
      %xor3A_3377 = arith.constant 8 : i32
      %xor3A_3378 = vector.broadcast %xor3A_3377 : i32 to vector<16xi32>
      %xor3A_3379 = arith.xori %iota3A, %xor3A_3378 : vector<16xi32>
      %lt3A_3380 = arith.constant 0 : i32
      %lt3A_3381 = vector.broadcast %lt3A_3380 : i32 to vector<16xi32>
      %lt3A_3382 = arith.cmpi slt, %xor3A_3379, %lt3A_3381 : vector<16xi32>
      %add3A_3383 = arith.constant 16 : i32
      %add3A_3384 = vector.broadcast %add3A_3383 : i32 to vector<16xi32>
      %add3A_3385 = arith.addi %xor3A_3379, %add3A_3384 : vector<16xi32>
      %select_n3A_3386 = arith.select %lt3A_3382, %add3A_3385, %xor3A_3379 : vector<16xi1>, vector<16xi32>
      %broadcast_in_dim3A_3387 = vector.shape_cast %select_n3A_3386 : vector<16xi32> to vector<16x1xi32>
      %gather3A_3388 = vector.shape_cast %broadcast_in_dim3A_3387 : vector<16x1xi32> to vector<16xi32>
      %gather3A_3389 = tpu.dynamic_gather %add3A_3376[%gather3A_3388] in [0] : vector<16xf32>, vector<16xi32> -> vector<16xf32>
      %add3A_3390 = arith.addf %add3A_3376, %gather3A_3389 : vector<16xf32>
      %eq3A_3391 = arith.constant 6 : i32
      %eq3A_3392 = vector.broadcast %eq3A_3391 : i32 to vector<16xi32>
      %eq3A_3393 = arith.cmpi eq, %iota3A, %eq3A_3392 : vector<16xi32>
      %select_n3A_3394 = arith.select %eq3A_3393, %add3A_3390, %select_n3A_3287 : vector<16xi1>, vector<16xf32>
      %slice3A_3395 = vector.extract_strided_slice %and3A_2635 {offsets = [7], sizes = [1], strides = [1]} : vector<16xi32> to vector<1xi32>
      %squeeze3A_3396 = vector.extract %slice3A_3395[0] : i32 from vector<1xi32>
      %add3A_3397 = arith.constant 56 : i32
      %add3A_3398 = arith.addi %add3A_3397, %squeeze3A_3396 : i32
      %slice3A_3399 = vector.extract_strided_slice %and3A_2643 {offsets = [7], sizes = [1], strides = [1]} : vector<16xi32> to vector<1xi32>
      %squeeze3A_3400 = vector.extract %slice3A_3399[0] : i32 from vector<1xi32>
      %add3A_3401 = arith.constant 56 : i32
      %add3A_3402 = arith.addi %add3A_3401, %squeeze3A_3400 : i32
      %get3A_3403 = arith.index_cast %add3A_3398 : i32 to index
      %get3A_3404 = arith.constant 0 : index
      %get3A_3405 = tpu.vector_load %arg10[%get3A_3403, %get3A_3404] {strides = array<i32>} : memref<128x64xf32, #tpu.memory_space<vmem>>, vector<1x16xf32>,
      %get3A_3406 = vector.shape_cast %get3A_3405 : vector<1x16xf32> to vector<16xf32>
      %get3A_3407 = arith.index_cast %add3A_3402 : i32 to index
      %get3A_3408 = arith.constant 0 : index
      %get3A_3409 = tpu.vector_load %arg12[%get3A_3407, %get3A_3408] {strides = array<i32>} : memref<128x64xf32, #tpu.memory_space<vmem>>, vector<1x16xf32>,
      %get3A_3410 = vector.shape_cast %get3A_3409 : vector<1x16xf32> to vector<16xf32>
      %mul3A_3411 = arith.mulf %get3A_3406, %get3A_3410 : vector<16xf32>
      %get3A_3412 = arith.index_cast %add3A_3398 : i32 to index
      %get3A_3413 = arith.constant 16 : index
      %get3A_3414 = tpu.vector_load %arg10[%get3A_3412, %get3A_3413] {strides = array<i32>} : memref<128x64xf32, #tpu.memory_space<vmem>>, vector<1x16xf32>,
      %get3A_3415 = vector.shape_cast %get3A_3414 : vector<1x16xf32> to vector<16xf32>
      %get3A_3416 = arith.index_cast %add3A_3402 : i32 to index
      %get3A_3417 = arith.constant 16 : index
      %get3A_3418 = tpu.vector_load %arg12[%get3A_3416, %get3A_3417] {strides = array<i32>} : memref<128x64xf32, #tpu.memory_space<vmem>>, vector<1x16xf32>,
      %get3A_3419 = vector.shape_cast %get3A_3418 : vector<1x16xf32> to vector<16xf32>
      %mul3A_3420 = arith.mulf %get3A_3415, %get3A_3419 : vector<16xf32>
      %add3A_3421 = arith.addf %mul3A_3411, %mul3A_3420 : vector<16xf32>
      %get3A_3422 = arith.index_cast %add3A_3398 : i32 to index
      %get3A_3423 = arith.constant 32 : index
      %get3A_3424 = tpu.vector_load %arg10[%get3A_3422, %get3A_3423] {strides = array<i32>} : memref<128x64xf32, #tpu.memory_space<vmem>>, vector<1x16xf32>,
      %get3A_3425 = vector.shape_cast %get3A_3424 : vector<1x16xf32> to vector<16xf32>
      %get3A_3426 = arith.index_cast %add3A_3402 : i32 to index
      %get3A_3427 = arith.constant 32 : index
      %get3A_3428 = tpu.vector_load %arg12[%get3A_3426, %get3A_3427] {strides = array<i32>} : memref<128x64xf32, #tpu.memory_space<vmem>>, vector<1x16xf32>,
      %get3A_3429 = vector.shape_cast %get3A_3428 : vector<1x16xf32> to vector<16xf32>
      %mul3A_3430 = arith.mulf %get3A_3425, %get3A_3429 : vector<16xf32>
      %add3A_3431 = arith.addf %add3A_3421, %mul3A_3430 : vector<16xf32>
      %get3A_3432 = arith.index_cast %add3A_3398 : i32 to index
      %get3A_3433 = arith.constant 48 : index
      %get3A_3434 = tpu.vector_load %arg10[%get3A_3432, %get3A_3433] {strides = array<i32>} : memref<128x64xf32, #tpu.memory_space<vmem>>, vector<1x16xf32>,
      %get3A_3435 = vector.shape_cast %get3A_3434 : vector<1x16xf32> to vector<16xf32>
      %get3A_3436 = arith.index_cast %add3A_3402 : i32 to index
      %get3A_3437 = arith.constant 48 : index
      %get3A_3438 = tpu.vector_load %arg12[%get3A_3436, %get3A_3437] {strides = array<i32>} : memref<128x64xf32, #tpu.memory_space<vmem>>, vector<1x16xf32>,
      %get3A_3439 = vector.shape_cast %get3A_3438 : vector<1x16xf32> to vector<16xf32>
      %mul3A_3440 = arith.mulf %get3A_3435, %get3A_3439 : vector<16xf32>
      %add3A_3441 = arith.addf %add3A_3431, %mul3A_3440 : vector<16xf32>
      %xor3A_3442 = arith.constant 1 : i32
      %xor3A_3443 = vector.broadcast %xor3A_3442 : i32 to vector<16xi32>
      %xor3A_3444 = arith.xori %iota3A, %xor3A_3443 : vector<16xi32>
      %lt3A_3445 = arith.constant 0 : i32
      %lt3A_3446 = vector.broadcast %lt3A_3445 : i32 to vector<16xi32>
      %lt3A_3447 = arith.cmpi slt, %xor3A_3444, %lt3A_3446 : vector<16xi32>
      %add3A_3448 = arith.constant 16 : i32
      %add3A_3449 = vector.broadcast %add3A_3448 : i32 to vector<16xi32>
      %add3A_3450 = arith.addi %xor3A_3444, %add3A_3449 : vector<16xi32>
      %select_n3A_3451 = arith.select %lt3A_3447, %add3A_3450, %xor3A_3444 : vector<16xi1>, vector<16xi32>
      %broadcast_in_dim3A_3452 = vector.shape_cast %select_n3A_3451 : vector<16xi32> to vector<16x1xi32>
      %gather3A_3453 = vector.shape_cast %broadcast_in_dim3A_3452 : vector<16x1xi32> to vector<16xi32>
      %gather3A_3454 = tpu.dynamic_gather %add3A_3441[%gather3A_3453] in [0] : vector<16xf32>, vector<16xi32> -> vector<16xf32>
      %add3A_3455 = arith.addf %add3A_3441, %gather3A_3454 : vector<16xf32>
      %xor3A_3456 = arith.constant 2 : i32
      %xor3A_3457 = vector.broadcast %xor3A_3456 : i32 to vector<16xi32>
      %xor3A_3458 = arith.xori %iota3A, %xor3A_3457 : vector<16xi32>
      %lt3A_3459 = arith.constant 0 : i32
      %lt3A_3460 = vector.broadcast %lt3A_3459 : i32 to vector<16xi32>
      %lt3A_3461 = arith.cmpi slt, %xor3A_3458, %lt3A_3460 : vector<16xi32>
      %add3A_3462 = arith.constant 16 : i32
      %add3A_3463 = vector.broadcast %add3A_3462 : i32 to vector<16xi32>
      %add3A_3464 = arith.addi %xor3A_3458, %add3A_3463 : vector<16xi32>
      %select_n3A_3465 = arith.select %lt3A_3461, %add3A_3464, %xor3A_3458 : vector<16xi1>, vector<16xi32>
      %broadcast_in_dim3A_3466 = vector.shape_cast %select_n3A_3465 : vector<16xi32> to vector<16x1xi32>
      %gather3A_3467 = vector.shape_cast %broadcast_in_dim3A_3466 : vector<16x1xi32> to vector<16xi32>
      %gather3A_3468 = tpu.dynamic_gather %add3A_3455[%gather3A_3467] in [0] : vector<16xf32>, vector<16xi32> -> vector<16xf32>
      %add3A_3469 = arith.addf %add3A_3455, %gather3A_3468 : vector<16xf32>
      %xor3A_3470 = arith.constant 4 : i32
      %xor3A_3471 = vector.broadcast %xor3A_3470 : i32 to vector<16xi32>
      %xor3A_3472 = arith.xori %iota3A, %xor3A_3471 : vector<16xi32>
      %lt3A_3473 = arith.constant 0 : i32
      %lt3A_3474 = vector.broadcast %lt3A_3473 : i32 to vector<16xi32>
      %lt3A_3475 = arith.cmpi slt, %xor3A_3472, %lt3A_3474 : vector<16xi32>
      %add3A_3476 = arith.constant 16 : i32
      %add3A_3477 = vector.broadcast %add3A_3476 : i32 to vector<16xi32>
      %add3A_3478 = arith.addi %xor3A_3472, %add3A_3477 : vector<16xi32>
      %select_n3A_3479 = arith.select %lt3A_3475, %add3A_3478, %xor3A_3472 : vector<16xi1>, vector<16xi32>
      %broadcast_in_dim3A_3480 = vector.shape_cast %select_n3A_3479 : vector<16xi32> to vector<16x1xi32>
      %gather3A_3481 = vector.shape_cast %broadcast_in_dim3A_3480 : vector<16x1xi32> to vector<16xi32>
      %gather3A_3482 = tpu.dynamic_gather %add3A_3469[%gather3A_3481] in [0] : vector<16xf32>, vector<16xi32> -> vector<16xf32>
      %add3A_3483 = arith.addf %add3A_3469, %gather3A_3482 : vector<16xf32>
      %xor3A_3484 = arith.constant 8 : i32
      %xor3A_3485 = vector.broadcast %xor3A_3484 : i32 to vector<16xi32>
      %xor3A_3486 = arith.xori %iota3A, %xor3A_3485 : vector<16xi32>
      %lt3A_3487 = arith.constant 0 : i32
      %lt3A_3488 = vector.broadcast %lt3A_3487 : i32 to vector<16xi32>
      %lt3A_3489 = arith.cmpi slt, %xor3A_3486, %lt3A_3488 : vector<16xi32>
      %add3A_3490 = arith.constant 16 : i32
      %add3A_3491 = vector.broadcast %add3A_3490 : i32 to vector<16xi32>
      %add3A_3492 = arith.addi %xor3A_3486, %add3A_3491 : vector<16xi32>
      %select_n3A_3493 = arith.select %lt3A_3489, %add3A_3492, %xor3A_3486 : vector<16xi1>, vector<16xi32>
      %broadcast_in_dim3A_3494 = vector.shape_cast %select_n3A_3493 : vector<16xi32> to vector<16x1xi32>
      %gather3A_3495 = vector.shape_cast %broadcast_in_dim3A_3494 : vector<16x1xi32> to vector<16xi32>
      %gather3A_3496 = tpu.dynamic_gather %add3A_3483[%gather3A_3495] in [0] : vector<16xf32>, vector<16xi32> -> vector<16xf32>
      %add3A_3497 = arith.addf %add3A_3483, %gather3A_3496 : vector<16xf32>
      %eq3A_3498 = arith.constant 7 : i32
      %eq3A_3499 = vector.broadcast %eq3A_3498 : i32 to vector<16xi32>
      %eq3A_3500 = arith.cmpi eq, %iota3A, %eq3A_3499 : vector<16xi32>
      %select_n3A_3501 = arith.select %eq3A_3500, %add3A_3497, %select_n3A_3394 : vector<16xi1>, vector<16xf32>
      %slice3A_3502 = vector.extract_strided_slice %and3A_2635 {offsets = [8], sizes = [1], strides = [1]} : vector<16xi32> to vector<1xi32>
      %squeeze3A_3503 = vector.extract %slice3A_3502[0] : i32 from vector<1xi32>
      %add3A_3504 = arith.constant 64 : i32
      %add3A_3505 = arith.addi %add3A_3504, %squeeze3A_3503 : i32
      %slice3A_3506 = vector.extract_strided_slice %and3A_2643 {offsets = [8], sizes = [1], strides = [1]} : vector<16xi32> to vector<1xi32>
      %squeeze3A_3507 = vector.extract %slice3A_3506[0] : i32 from vector<1xi32>
      %add3A_3508 = arith.constant 64 : i32
      %add3A_3509 = arith.addi %add3A_3508, %squeeze3A_3507 : i32
      %get3A_3510 = arith.index_cast %add3A_3505 : i32 to index
      %get3A_3511 = arith.constant 0 : index
      %get3A_3512 = tpu.vector_load %arg10[%get3A_3510, %get3A_3511] {strides = array<i32>} : memref<128x64xf32, #tpu.memory_space<vmem>>, vector<1x16xf32>,
      %get3A_3513 = vector.shape_cast %get3A_3512 : vector<1x16xf32> to vector<16xf32>
      %get3A_3514 = arith.index_cast %add3A_3509 : i32 to index
      %get3A_3515 = arith.constant 0 : index
      %get3A_3516 = tpu.vector_load %arg12[%get3A_3514, %get3A_3515] {strides = array<i32>} : memref<128x64xf32, #tpu.memory_space<vmem>>, vector<1x16xf32>,
      %get3A_3517 = vector.shape_cast %get3A_3516 : vector<1x16xf32> to vector<16xf32>
      %mul3A_3518 = arith.mulf %get3A_3513, %get3A_3517 : vector<16xf32>
      %get3A_3519 = arith.index_cast %add3A_3505 : i32 to index
      %get3A_3520 = arith.constant 16 : index
      %get3A_3521 = tpu.vector_load %arg10[%get3A_3519, %get3A_3520] {strides = array<i32>} : memref<128x64xf32, #tpu.memory_space<vmem>>, vector<1x16xf32>,
      %get3A_3522 = vector.shape_cast %get3A_3521 : vector<1x16xf32> to vector<16xf32>
      %get3A_3523 = arith.index_cast %add3A_3509 : i32 to index
      %get3A_3524 = arith.constant 16 : index
      %get3A_3525 = tpu.vector_load %arg12[%get3A_3523, %get3A_3524] {strides = array<i32>} : memref<128x64xf32, #tpu.memory_space<vmem>>, vector<1x16xf32>,
      %get3A_3526 = vector.shape_cast %get3A_3525 : vector<1x16xf32> to vector<16xf32>
      %mul3A_3527 = arith.mulf %get3A_3522, %get3A_3526 : vector<16xf32>
      %add3A_3528 = arith.addf %mul3A_3518, %mul3A_3527 : vector<16xf32>
      %get3A_3529 = arith.index_cast %add3A_3505 : i32 to index
      %get3A_3530 = arith.constant 32 : index
      %get3A_3531 = tpu.vector_load %arg10[%get3A_3529, %get3A_3530] {strides = array<i32>} : memref<128x64xf32, #tpu.memory_space<vmem>>, vector<1x16xf32>,
      %get3A_3532 = vector.shape_cast %get3A_3531 : vector<1x16xf32> to vector<16xf32>
      %get3A_3533 = arith.index_cast %add3A_3509 : i32 to index
      %get3A_3534 = arith.constant 32 : index
      %get3A_3535 = tpu.vector_load %arg12[%get3A_3533, %get3A_3534] {strides = array<i32>} : memref<128x64xf32, #tpu.memory_space<vmem>>, vector<1x16xf32>,
      %get3A_3536 = vector.shape_cast %get3A_3535 : vector<1x16xf32> to vector<16xf32>
      %mul3A_3537 = arith.mulf %get3A_3532, %get3A_3536 : vector<16xf32>
      %add3A_3538 = arith.addf %add3A_3528, %mul3A_3537 : vector<16xf32>
      %get3A_3539 = arith.index_cast %add3A_3505 : i32 to index
      %get3A_3540 = arith.constant 48 : index
      %get3A_3541 = tpu.vector_load %arg10[%get3A_3539, %get3A_3540] {strides = array<i32>} : memref<128x64xf32, #tpu.memory_space<vmem>>, vector<1x16xf32>,
      %get3A_3542 = vector.shape_cast %get3A_3541 : vector<1x16xf32> to vector<16xf32>
      %get3A_3543 = arith.index_cast %add3A_3509 : i32 to index
      %get3A_3544 = arith.constant 48 : index
      %get3A_3545 = tpu.vector_load %arg12[%get3A_3543, %get3A_3544] {strides = array<i32>} : memref<128x64xf32, #tpu.memory_space<vmem>>, vector<1x16xf32>,
      %get3A_3546 = vector.shape_cast %get3A_3545 : vector<1x16xf32> to vector<16xf32>
      %mul3A_3547 = arith.mulf %get3A_3542, %get3A_3546 : vector<16xf32>
      %add3A_3548 = arith.addf %add3A_3538, %mul3A_3547 : vector<16xf32>
      %xor3A_3549 = arith.constant 1 : i32
      %xor3A_3550 = vector.broadcast %xor3A_3549 : i32 to vector<16xi32>
      %xor3A_3551 = arith.xori %iota3A, %xor3A_3550 : vector<16xi32>
      %lt3A_3552 = arith.constant 0 : i32
      %lt3A_3553 = vector.broadcast %lt3A_3552 : i32 to vector<16xi32>
      %lt3A_3554 = arith.cmpi slt, %xor3A_3551, %lt3A_3553 : vector<16xi32>
      %add3A_3555 = arith.constant 16 : i32
      %add3A_3556 = vector.broadcast %add3A_3555 : i32 to vector<16xi32>
      %add3A_3557 = arith.addi %xor3A_3551, %add3A_3556 : vector<16xi32>
      %select_n3A_3558 = arith.select %lt3A_3554, %add3A_3557, %xor3A_3551 : vector<16xi1>, vector<16xi32>
      %broadcast_in_dim3A_3559 = vector.shape_cast %select_n3A_3558 : vector<16xi32> to vector<16x1xi32>
      %gather3A_3560 = vector.shape_cast %broadcast_in_dim3A_3559 : vector<16x1xi32> to vector<16xi32>
      %gather3A_3561 = tpu.dynamic_gather %add3A_3548[%gather3A_3560] in [0] : vector<16xf32>, vector<16xi32> -> vector<16xf32>
      %add3A_3562 = arith.addf %add3A_3548, %gather3A_3561 : vector<16xf32>
      %xor3A_3563 = arith.constant 2 : i32
      %xor3A_3564 = vector.broadcast %xor3A_3563 : i32 to vector<16xi32>
      %xor3A_3565 = arith.xori %iota3A, %xor3A_3564 : vector<16xi32>
      %lt3A_3566 = arith.constant 0 : i32
      %lt3A_3567 = vector.broadcast %lt3A_3566 : i32 to vector<16xi32>
      %lt3A_3568 = arith.cmpi slt, %xor3A_3565, %lt3A_3567 : vector<16xi32>
      %add3A_3569 = arith.constant 16 : i32
      %add3A_3570 = vector.broadcast %add3A_3569 : i32 to vector<16xi32>
      %add3A_3571 = arith.addi %xor3A_3565, %add3A_3570 : vector<16xi32>
      %select_n3A_3572 = arith.select %lt3A_3568, %add3A_3571, %xor3A_3565 : vector<16xi1>, vector<16xi32>
      %broadcast_in_dim3A_3573 = vector.shape_cast %select_n3A_3572 : vector<16xi32> to vector<16x1xi32>
      %gather3A_3574 = vector.shape_cast %broadcast_in_dim3A_3573 : vector<16x1xi32> to vector<16xi32>
      %gather3A_3575 = tpu.dynamic_gather %add3A_3562[%gather3A_3574] in [0] : vector<16xf32>, vector<16xi32> -> vector<16xf32>
      %add3A_3576 = arith.addf %add3A_3562, %gather3A_3575 : vector<16xf32>
      %xor3A_3577 = arith.constant 4 : i32
      %xor3A_3578 = vector.broadcast %xor3A_3577 : i32 to vector<16xi32>
      %xor3A_3579 = arith.xori %iota3A, %xor3A_3578 : vector<16xi32>
      %lt3A_3580 = arith.constant 0 : i32
      %lt3A_3581 = vector.broadcast %lt3A_3580 : i32 to vector<16xi32>
      %lt3A_3582 = arith.cmpi slt, %xor3A_3579, %lt3A_3581 : vector<16xi32>
      %add3A_3583 = arith.constant 16 : i32
      %add3A_3584 = vector.broadcast %add3A_3583 : i32 to vector<16xi32>
      %add3A_3585 = arith.addi %xor3A_3579, %add3A_3584 : vector<16xi32>
      %select_n3A_3586 = arith.select %lt3A_3582, %add3A_3585, %xor3A_3579 : vector<16xi1>, vector<16xi32>
      %broadcast_in_dim3A_3587 = vector.shape_cast %select_n3A_3586 : vector<16xi32> to vector<16x1xi32>
      %gather3A_3588 = vector.shape_cast %broadcast_in_dim3A_3587 : vector<16x1xi32> to vector<16xi32>
      %gather3A_3589 = tpu.dynamic_gather %add3A_3576[%gather3A_3588] in [0] : vector<16xf32>, vector<16xi32> -> vector<16xf32>
      %add3A_3590 = arith.addf %add3A_3576, %gather3A_3589 : vector<16xf32>
      %xor3A_3591 = arith.constant 8 : i32
      %xor3A_3592 = vector.broadcast %xor3A_3591 : i32 to vector<16xi32>
      %xor3A_3593 = arith.xori %iota3A, %xor3A_3592 : vector<16xi32>
      %lt3A_3594 = arith.constant 0 : i32
      %lt3A_3595 = vector.broadcast %lt3A_3594 : i32 to vector<16xi32>
      %lt3A_3596 = arith.cmpi slt, %xor3A_3593, %lt3A_3595 : vector<16xi32>
      %add3A_3597 = arith.constant 16 : i32
      %add3A_3598 = vector.broadcast %add3A_3597 : i32 to vector<16xi32>
      %add3A_3599 = arith.addi %xor3A_3593, %add3A_3598 : vector<16xi32>
      %select_n3A_3600 = arith.select %lt3A_3596, %add3A_3599, %xor3A_3593 : vector<16xi1>, vector<16xi32>
      %broadcast_in_dim3A_3601 = vector.shape_cast %select_n3A_3600 : vector<16xi32> to vector<16x1xi32>
      %gather3A_3602 = vector.shape_cast %broadcast_in_dim3A_3601 : vector<16x1xi32> to vector<16xi32>
      %gather3A_3603 = tpu.dynamic_gather %add3A_3590[%gather3A_3602] in [0] : vector<16xf32>, vector<16xi32> -> vector<16xf32>
      %add3A_3604 = arith.addf %add3A_3590, %gather3A_3603 : vector<16xf32>
      %eq3A_3605 = arith.constant 8 : i32
      %eq3A_3606 = vector.broadcast %eq3A_3605 : i32 to vector<16xi32>
      %eq3A_3607 = arith.cmpi eq, %iota3A, %eq3A_3606 : vector<16xi32>
      %select_n3A_3608 = arith.select %eq3A_3607, %add3A_3604, %select_n3A_3501 : vector<16xi1>, vector<16xf32>
      %slice3A_3609 = vector.extract_strided_slice %and3A_2635 {offsets = [9], sizes = [1], strides = [1]} : vector<16xi32> to vector<1xi32>
      %squeeze3A_3610 = vector.extract %slice3A_3609[0] : i32 from vector<1xi32>
      %add3A_3611 = arith.constant 72 : i32
      %add3A_3612 = arith.addi %add3A_3611, %squeeze3A_3610 : i32
      %slice3A_3613 = vector.extract_strided_slice %and3A_2643 {offsets = [9], sizes = [1], strides = [1]} : vector<16xi32> to vector<1xi32>
      %squeeze3A_3614 = vector.extract %slice3A_3613[0] : i32 from vector<1xi32>
      %add3A_3615 = arith.constant 72 : i32
      %add3A_3616 = arith.addi %add3A_3615, %squeeze3A_3614 : i32
      %get3A_3617 = arith.index_cast %add3A_3612 : i32 to index
      %get3A_3618 = arith.constant 0 : index
      %get3A_3619 = tpu.vector_load %arg10[%get3A_3617, %get3A_3618] {strides = array<i32>} : memref<128x64xf32, #tpu.memory_space<vmem>>, vector<1x16xf32>,
      %get3A_3620 = vector.shape_cast %get3A_3619 : vector<1x16xf32> to vector<16xf32>
      %get3A_3621 = arith.index_cast %add3A_3616 : i32 to index
      %get3A_3622 = arith.constant 0 : index
      %get3A_3623 = tpu.vector_load %arg12[%get3A_3621, %get3A_3622] {strides = array<i32>} : memref<128x64xf32, #tpu.memory_space<vmem>>, vector<1x16xf32>,
      %get3A_3624 = vector.shape_cast %get3A_3623 : vector<1x16xf32> to vector<16xf32>
      %mul3A_3625 = arith.mulf %get3A_3620, %get3A_3624 : vector<16xf32>
      %get3A_3626 = arith.index_cast %add3A_3612 : i32 to index
      %get3A_3627 = arith.constant 16 : index
      %get3A_3628 = tpu.vector_load %arg10[%get3A_3626, %get3A_3627] {strides = array<i32>} : memref<128x64xf32, #tpu.memory_space<vmem>>, vector<1x16xf32>,
      %get3A_3629 = vector.shape_cast %get3A_3628 : vector<1x16xf32> to vector<16xf32>
      %get3A_3630 = arith.index_cast %add3A_3616 : i32 to index
      %get3A_3631 = arith.constant 16 : index
      %get3A_3632 = tpu.vector_load %arg12[%get3A_3630, %get3A_3631] {strides = array<i32>} : memref<128x64xf32, #tpu.memory_space<vmem>>, vector<1x16xf32>,
      %get3A_3633 = vector.shape_cast %get3A_3632 : vector<1x16xf32> to vector<16xf32>
      %mul3A_3634 = arith.mulf %get3A_3629, %get3A_3633 : vector<16xf32>
      %add3A_3635 = arith.addf %mul3A_3625, %mul3A_3634 : vector<16xf32>
      %get3A_3636 = arith.index_cast %add3A_3612 : i32 to index
      %get3A_3637 = arith.constant 32 : index
      %get3A_3638 = tpu.vector_load %arg10[%get3A_3636, %get3A_3637] {strides = array<i32>} : memref<128x64xf32, #tpu.memory_space<vmem>>, vector<1x16xf32>,
      %get3A_3639 = vector.shape_cast %get3A_3638 : vector<1x16xf32> to vector<16xf32>
      %get3A_3640 = arith.index_cast %add3A_3616 : i32 to index
      %get3A_3641 = arith.constant 32 : index
      %get3A_3642 = tpu.vector_load %arg12[%get3A_3640, %get3A_3641] {strides = array<i32>} : memref<128x64xf32, #tpu.memory_space<vmem>>, vector<1x16xf32>,
      %get3A_3643 = vector.shape_cast %get3A_3642 : vector<1x16xf32> to vector<16xf32>
      %mul3A_3644 = arith.mulf %get3A_3639, %get3A_3643 : vector<16xf32>
      %add3A_3645 = arith.addf %add3A_3635, %mul3A_3644 : vector<16xf32>
      %get3A_3646 = arith.index_cast %add3A_3612 : i32 to index
      %get3A_3647 = arith.constant 48 : index
      %get3A_3648 = tpu.vector_load %arg10[%get3A_3646, %get3A_3647] {strides = array<i32>} : memref<128x64xf32, #tpu.memory_space<vmem>>, vector<1x16xf32>,
      %get3A_3649 = vector.shape_cast %get3A_3648 : vector<1x16xf32> to vector<16xf32>
      %get3A_3650 = arith.index_cast %add3A_3616 : i32 to index
      %get3A_3651 = arith.constant 48 : index
      %get3A_3652 = tpu.vector_load %arg12[%get3A_3650, %get3A_3651] {strides = array<i32>} : memref<128x64xf32, #tpu.memory_space<vmem>>, vector<1x16xf32>,
      %get3A_3653 = vector.shape_cast %get3A_3652 : vector<1x16xf32> to vector<16xf32>
      %mul3A_3654 = arith.mulf %get3A_3649, %get3A_3653 : vector<16xf32>
      %add3A_3655 = arith.addf %add3A_3645, %mul3A_3654 : vector<16xf32>
      %xor3A_3656 = arith.constant 1 : i32
      %xor3A_3657 = vector.broadcast %xor3A_3656 : i32 to vector<16xi32>
      %xor3A_3658 = arith.xori %iota3A, %xor3A_3657 : vector<16xi32>
      %lt3A_3659 = arith.constant 0 : i32
      %lt3A_3660 = vector.broadcast %lt3A_3659 : i32 to vector<16xi32>
      %lt3A_3661 = arith.cmpi slt, %xor3A_3658, %lt3A_3660 : vector<16xi32>
      %add3A_3662 = arith.constant 16 : i32
      %add3A_3663 = vector.broadcast %add3A_3662 : i32 to vector<16xi32>
      %add3A_3664 = arith.addi %xor3A_3658, %add3A_3663 : vector<16xi32>
      %select_n3A_3665 = arith.select %lt3A_3661, %add3A_3664, %xor3A_3658 : vector<16xi1>, vector<16xi32>
      %broadcast_in_dim3A_3666 = vector.shape_cast %select_n3A_3665 : vector<16xi32> to vector<16x1xi32>
      %gather3A_3667 = vector.shape_cast %broadcast_in_dim3A_3666 : vector<16x1xi32> to vector<16xi32>
      %gather3A_3668 = tpu.dynamic_gather %add3A_3655[%gather3A_3667] in [0] : vector<16xf32>, vector<16xi32> -> vector<16xf32>
      %add3A_3669 = arith.addf %add3A_3655, %gather3A_3668 : vector<16xf32>
      %xor3A_3670 = arith.constant 2 : i32
      %xor3A_3671 = vector.broadcast %xor3A_3670 : i32 to vector<16xi32>
      %xor3A_3672 = arith.xori %iota3A, %xor3A_3671 : vector<16xi32>
      %lt3A_3673 = arith.constant 0 : i32
      %lt3A_3674 = vector.broadcast %lt3A_3673 : i32 to vector<16xi32>
      %lt3A_3675 = arith.cmpi slt, %xor3A_3672, %lt3A_3674 : vector<16xi32>
      %add3A_3676 = arith.constant 16 : i32
      %add3A_3677 = vector.broadcast %add3A_3676 : i32 to vector<16xi32>
      %add3A_3678 = arith.addi %xor3A_3672, %add3A_3677 : vector<16xi32>
      %select_n3A_3679 = arith.select %lt3A_3675, %add3A_3678, %xor3A_3672 : vector<16xi1>, vector<16xi32>
      %broadcast_in_dim3A_3680 = vector.shape_cast %select_n3A_3679 : vector<16xi32> to vector<16x1xi32>
      %gather3A_3681 = vector.shape_cast %broadcast_in_dim3A_3680 : vector<16x1xi32> to vector<16xi32>
      %gather3A_3682 = tpu.dynamic_gather %add3A_3669[%gather3A_3681] in [0] : vector<16xf32>, vector<16xi32> -> vector<16xf32>
      %add3A_3683 = arith.addf %add3A_3669, %gather3A_3682 : vector<16xf32>
      %xor3A_3684 = arith.constant 4 : i32
      %xor3A_3685 = vector.broadcast %xor3A_3684 : i32 to vector<16xi32>
      %xor3A_3686 = arith.xori %iota3A, %xor3A_3685 : vector<16xi32>
      %lt3A_3687 = arith.constant 0 : i32
      %lt3A_3688 = vector.broadcast %lt3A_3687 : i32 to vector<16xi32>
      %lt3A_3689 = arith.cmpi slt, %xor3A_3686, %lt3A_3688 : vector<16xi32>
      %add3A_3690 = arith.constant 16 : i32
      %add3A_3691 = vector.broadcast %add3A_3690 : i32 to vector<16xi32>
      %add3A_3692 = arith.addi %xor3A_3686, %add3A_3691 : vector<16xi32>
      %select_n3A_3693 = arith.select %lt3A_3689, %add3A_3692, %xor3A_3686 : vector<16xi1>, vector<16xi32>
      %broadcast_in_dim3A_3694 = vector.shape_cast %select_n3A_3693 : vector<16xi32> to vector<16x1xi32>
      %gather3A_3695 = vector.shape_cast %broadcast_in_dim3A_3694 : vector<16x1xi32> to vector<16xi32>
      %gather3A_3696 = tpu.dynamic_gather %add3A_3683[%gather3A_3695] in [0] : vector<16xf32>, vector<16xi32> -> vector<16xf32>
      %add3A_3697 = arith.addf %add3A_3683, %gather3A_3696 : vector<16xf32>
      %xor3A_3698 = arith.constant 8 : i32
      %xor3A_3699 = vector.broadcast %xor3A_3698 : i32 to vector<16xi32>
      %xor3A_3700 = arith.xori %iota3A, %xor3A_3699 : vector<16xi32>
      %lt3A_3701 = arith.constant 0 : i32
      %lt3A_3702 = vector.broadcast %lt3A_3701 : i32 to vector<16xi32>
      %lt3A_3703 = arith.cmpi slt, %xor3A_3700, %lt3A_3702 : vector<16xi32>
      %add3A_3704 = arith.constant 16 : i32
      %add3A_3705 = vector.broadcast %add3A_3704 : i32 to vector<16xi32>
      %add3A_3706 = arith.addi %xor3A_3700, %add3A_3705 : vector<16xi32>
      %select_n3A_3707 = arith.select %lt3A_3703, %add3A_3706, %xor3A_3700 : vector<16xi1>, vector<16xi32>
      %broadcast_in_dim3A_3708 = vector.shape_cast %select_n3A_3707 : vector<16xi32> to vector<16x1xi32>
      %gather3A_3709 = vector.shape_cast %broadcast_in_dim3A_3708 : vector<16x1xi32> to vector<16xi32>
      %gather3A_3710 = tpu.dynamic_gather %add3A_3697[%gather3A_3709] in [0] : vector<16xf32>, vector<16xi32> -> vector<16xf32>
      %add3A_3711 = arith.addf %add3A_3697, %gather3A_3710 : vector<16xf32>
      %eq3A_3712 = arith.constant 9 : i32
      %eq3A_3713 = vector.broadcast %eq3A_3712 : i32 to vector<16xi32>
      %eq3A_3714 = arith.cmpi eq, %iota3A, %eq3A_3713 : vector<16xi32>
      %select_n3A_3715 = arith.select %eq3A_3714, %add3A_3711, %select_n3A_3608 : vector<16xi1>, vector<16xf32>
      %slice3A_3716 = vector.extract_strided_slice %and3A_2635 {offsets = [10], sizes = [1], strides = [1]} : vector<16xi32> to vector<1xi32>
      %squeeze3A_3717 = vector.extract %slice3A_3716[0] : i32 from vector<1xi32>
      %add3A_3718 = arith.constant 80 : i32
      %add3A_3719 = arith.addi %add3A_3718, %squeeze3A_3717 : i32
      %slice3A_3720 = vector.extract_strided_slice %and3A_2643 {offsets = [10], sizes = [1], strides = [1]} : vector<16xi32> to vector<1xi32>
      %squeeze3A_3721 = vector.extract %slice3A_3720[0] : i32 from vector<1xi32>
      %add3A_3722 = arith.constant 80 : i32
      %add3A_3723 = arith.addi %add3A_3722, %squeeze3A_3721 : i32
      %get3A_3724 = arith.index_cast %add3A_3719 : i32 to index
      %get3A_3725 = arith.constant 0 : index
      %get3A_3726 = tpu.vector_load %arg10[%get3A_3724, %get3A_3725] {strides = array<i32>} : memref<128x64xf32, #tpu.memory_space<vmem>>, vector<1x16xf32>,
      %get3A_3727 = vector.shape_cast %get3A_3726 : vector<1x16xf32> to vector<16xf32>
      %get3A_3728 = arith.index_cast %add3A_3723 : i32 to index
      %get3A_3729 = arith.constant 0 : index
      %get3A_3730 = tpu.vector_load %arg12[%get3A_3728, %get3A_3729] {strides = array<i32>} : memref<128x64xf32, #tpu.memory_space<vmem>>, vector<1x16xf32>,
      %get3A_3731 = vector.shape_cast %get3A_3730 : vector<1x16xf32> to vector<16xf32>
      %mul3A_3732 = arith.mulf %get3A_3727, %get3A_3731 : vector<16xf32>
      %get3A_3733 = arith.index_cast %add3A_3719 : i32 to index
      %get3A_3734 = arith.constant 16 : index
      %get3A_3735 = tpu.vector_load %arg10[%get3A_3733, %get3A_3734] {strides = array<i32>} : memref<128x64xf32, #tpu.memory_space<vmem>>, vector<1x16xf32>,
      %get3A_3736 = vector.shape_cast %get3A_3735 : vector<1x16xf32> to vector<16xf32>
      %get3A_3737 = arith.index_cast %add3A_3723 : i32 to index
      %get3A_3738 = arith.constant 16 : index
      %get3A_3739 = tpu.vector_load %arg12[%get3A_3737, %get3A_3738] {strides = array<i32>} : memref<128x64xf32, #tpu.memory_space<vmem>>, vector<1x16xf32>,
      %get3A_3740 = vector.shape_cast %get3A_3739 : vector<1x16xf32> to vector<16xf32>
      %mul3A_3741 = arith.mulf %get3A_3736, %get3A_3740 : vector<16xf32>
      %add3A_3742 = arith.addf %mul3A_3732, %mul3A_3741 : vector<16xf32>
      %get3A_3743 = arith.index_cast %add3A_3719 : i32 to index
      %get3A_3744 = arith.constant 32 : index
      %get3A_3745 = tpu.vector_load %arg10[%get3A_3743, %get3A_3744] {strides = array<i32>} : memref<128x64xf32, #tpu.memory_space<vmem>>, vector<1x16xf32>,
      %get3A_3746 = vector.shape_cast %get3A_3745 : vector<1x16xf32> to vector<16xf32>
      %get3A_3747 = arith.index_cast %add3A_3723 : i32 to index
      %get3A_3748 = arith.constant 32 : index
      %get3A_3749 = tpu.vector_load %arg12[%get3A_3747, %get3A_3748] {strides = array<i32>} : memref<128x64xf32, #tpu.memory_space<vmem>>, vector<1x16xf32>,
      %get3A_3750 = vector.shape_cast %get3A_3749 : vector<1x16xf32> to vector<16xf32>
      %mul3A_3751 = arith.mulf %get3A_3746, %get3A_3750 : vector<16xf32>
      %add3A_3752 = arith.addf %add3A_3742, %mul3A_3751 : vector<16xf32>
      %get3A_3753 = arith.index_cast %add3A_3719 : i32 to index
      %get3A_3754 = arith.constant 48 : index
      %get3A_3755 = tpu.vector_load %arg10[%get3A_3753, %get3A_3754] {strides = array<i32>} : memref<128x64xf32, #tpu.memory_space<vmem>>, vector<1x16xf32>,
      %get3A_3756 = vector.shape_cast %get3A_3755 : vector<1x16xf32> to vector<16xf32>
      %get3A_3757 = arith.index_cast %add3A_3723 : i32 to index
      %get3A_3758 = arith.constant 48 : index
      %get3A_3759 = tpu.vector_load %arg12[%get3A_3757, %get3A_3758] {strides = array<i32>} : memref<128x64xf32, #tpu.memory_space<vmem>>, vector<1x16xf32>,
      %get3A_3760 = vector.shape_cast %get3A_3759 : vector<1x16xf32> to vector<16xf32>
      %mul3A_3761 = arith.mulf %get3A_3756, %get3A_3760 : vector<16xf32>
      %add3A_3762 = arith.addf %add3A_3752, %mul3A_3761 : vector<16xf32>
      %xor3A_3763 = arith.constant 1 : i32
      %xor3A_3764 = vector.broadcast %xor3A_3763 : i32 to vector<16xi32>
      %xor3A_3765 = arith.xori %iota3A, %xor3A_3764 : vector<16xi32>
      %lt3A_3766 = arith.constant 0 : i32
      %lt3A_3767 = vector.broadcast %lt3A_3766 : i32 to vector<16xi32>
      %lt3A_3768 = arith.cmpi slt, %xor3A_3765, %lt3A_3767 : vector<16xi32>
      %add3A_3769 = arith.constant 16 : i32
      %add3A_3770 = vector.broadcast %add3A_3769 : i32 to vector<16xi32>
      %add3A_3771 = arith.addi %xor3A_3765, %add3A_3770 : vector<16xi32>
      %select_n3A_3772 = arith.select %lt3A_3768, %add3A_3771, %xor3A_3765 : vector<16xi1>, vector<16xi32>
      %broadcast_in_dim3A_3773 = vector.shape_cast %select_n3A_3772 : vector<16xi32> to vector<16x1xi32>
      %gather3A_3774 = vector.shape_cast %broadcast_in_dim3A_3773 : vector<16x1xi32> to vector<16xi32>
      %gather3A_3775 = tpu.dynamic_gather %add3A_3762[%gather3A_3774] in [0] : vector<16xf32>, vector<16xi32> -> vector<16xf32>
      %add3A_3776 = arith.addf %add3A_3762, %gather3A_3775 : vector<16xf32>
      %xor3A_3777 = arith.constant 2 : i32
      %xor3A_3778 = vector.broadcast %xor3A_3777 : i32 to vector<16xi32>
      %xor3A_3779 = arith.xori %iota3A, %xor3A_3778 : vector<16xi32>
      %lt3A_3780 = arith.constant 0 : i32
      %lt3A_3781 = vector.broadcast %lt3A_3780 : i32 to vector<16xi32>
      %lt3A_3782 = arith.cmpi slt, %xor3A_3779, %lt3A_3781 : vector<16xi32>
      %add3A_3783 = arith.constant 16 : i32
      %add3A_3784 = vector.broadcast %add3A_3783 : i32 to vector<16xi32>
      %add3A_3785 = arith.addi %xor3A_3779, %add3A_3784 : vector<16xi32>
      %select_n3A_3786 = arith.select %lt3A_3782, %add3A_3785, %xor3A_3779 : vector<16xi1>, vector<16xi32>
      %broadcast_in_dim3A_3787 = vector.shape_cast %select_n3A_3786 : vector<16xi32> to vector<16x1xi32>
      %gather3A_3788 = vector.shape_cast %broadcast_in_dim3A_3787 : vector<16x1xi32> to vector<16xi32>
      %gather3A_3789 = tpu.dynamic_gather %add3A_3776[%gather3A_3788] in [0] : vector<16xf32>, vector<16xi32> -> vector<16xf32>
      %add3A_3790 = arith.addf %add3A_3776, %gather3A_3789 : vector<16xf32>
      %xor3A_3791 = arith.constant 4 : i32
      %xor3A_3792 = vector.broadcast %xor3A_3791 : i32 to vector<16xi32>
      %xor3A_3793 = arith.xori %iota3A, %xor3A_3792 : vector<16xi32>
      %lt3A_3794 = arith.constant 0 : i32
      %lt3A_3795 = vector.broadcast %lt3A_3794 : i32 to vector<16xi32>
      %lt3A_3796 = arith.cmpi slt, %xor3A_3793, %lt3A_3795 : vector<16xi32>
      %add3A_3797 = arith.constant 16 : i32
      %add3A_3798 = vector.broadcast %add3A_3797 : i32 to vector<16xi32>
      %add3A_3799 = arith.addi %xor3A_3793, %add3A_3798 : vector<16xi32>
      %select_n3A_3800 = arith.select %lt3A_3796, %add3A_3799, %xor3A_3793 : vector<16xi1>, vector<16xi32>
      %broadcast_in_dim3A_3801 = vector.shape_cast %select_n3A_3800 : vector<16xi32> to vector<16x1xi32>
      %gather3A_3802 = vector.shape_cast %broadcast_in_dim3A_3801 : vector<16x1xi32> to vector<16xi32>
      %gather3A_3803 = tpu.dynamic_gather %add3A_3790[%gather3A_3802] in [0] : vector<16xf32>, vector<16xi32> -> vector<16xf32>
      %add3A_3804 = arith.addf %add3A_3790, %gather3A_3803 : vector<16xf32>
      %xor3A_3805 = arith.constant 8 : i32
      %xor3A_3806 = vector.broadcast %xor3A_3805 : i32 to vector<16xi32>
      %xor3A_3807 = arith.xori %iota3A, %xor3A_3806 : vector<16xi32>
      %lt3A_3808 = arith.constant 0 : i32
      %lt3A_3809 = vector.broadcast %lt3A_3808 : i32 to vector<16xi32>
      %lt3A_3810 = arith.cmpi slt, %xor3A_3807, %lt3A_3809 : vector<16xi32>
      %add3A_3811 = arith.constant 16 : i32
      %add3A_3812 = vector.broadcast %add3A_3811 : i32 to vector<16xi32>
      %add3A_3813 = arith.addi %xor3A_3807, %add3A_3812 : vector<16xi32>
      %select_n3A_3814 = arith.select %lt3A_3810, %add3A_3813, %xor3A_3807 : vector<16xi1>, vector<16xi32>
      %broadcast_in_dim3A_3815 = vector.shape_cast %select_n3A_3814 : vector<16xi32> to vector<16x1xi32>
      %gather3A_3816 = vector.shape_cast %broadcast_in_dim3A_3815 : vector<16x1xi32> to vector<16xi32>
      %gather3A_3817 = tpu.dynamic_gather %add3A_3804[%gather3A_3816] in [0] : vector<16xf32>, vector<16xi32> -> vector<16xf32>
      %add3A_3818 = arith.addf %add3A_3804, %gather3A_3817 : vector<16xf32>
      %eq3A_3819 = arith.constant 10 : i32
      %eq3A_3820 = vector.broadcast %eq3A_3819 : i32 to vector<16xi32>
      %eq3A_3821 = arith.cmpi eq, %iota3A, %eq3A_3820 : vector<16xi32>
      %select_n3A_3822 = arith.select %eq3A_3821, %add3A_3818, %select_n3A_3715 : vector<16xi1>, vector<16xf32>
      %slice3A_3823 = vector.extract_strided_slice %and3A_2635 {offsets = [11], sizes = [1], strides = [1]} : vector<16xi32> to vector<1xi32>
      %squeeze3A_3824 = vector.extract %slice3A_3823[0] : i32 from vector<1xi32>
      %add3A_3825 = arith.constant 88 : i32
      %add3A_3826 = arith.addi %add3A_3825, %squeeze3A_3824 : i32
      %slice3A_3827 = vector.extract_strided_slice %and3A_2643 {offsets = [11], sizes = [1], strides = [1]} : vector<16xi32> to vector<1xi32>
      %squeeze3A_3828 = vector.extract %slice3A_3827[0] : i32 from vector<1xi32>
      %add3A_3829 = arith.constant 88 : i32
      %add3A_3830 = arith.addi %add3A_3829, %squeeze3A_3828 : i32
      %get3A_3831 = arith.index_cast %add3A_3826 : i32 to index
      %get3A_3832 = arith.constant 0 : index
      %get3A_3833 = tpu.vector_load %arg10[%get3A_3831, %get3A_3832] {strides = array<i32>} : memref<128x64xf32, #tpu.memory_space<vmem>>, vector<1x16xf32>,
      %get3A_3834 = vector.shape_cast %get3A_3833 : vector<1x16xf32> to vector<16xf32>
      %get3A_3835 = arith.index_cast %add3A_3830 : i32 to index
      %get3A_3836 = arith.constant 0 : index
      %get3A_3837 = tpu.vector_load %arg12[%get3A_3835, %get3A_3836] {strides = array<i32>} : memref<128x64xf32, #tpu.memory_space<vmem>>, vector<1x16xf32>,
      %get3A_3838 = vector.shape_cast %get3A_3837 : vector<1x16xf32> to vector<16xf32>
      %mul3A_3839 = arith.mulf %get3A_3834, %get3A_3838 : vector<16xf32>
      %get3A_3840 = arith.index_cast %add3A_3826 : i32 to index
      %get3A_3841 = arith.constant 16 : index
      %get3A_3842 = tpu.vector_load %arg10[%get3A_3840, %get3A_3841] {strides = array<i32>} : memref<128x64xf32, #tpu.memory_space<vmem>>, vector<1x16xf32>,
      %get3A_3843 = vector.shape_cast %get3A_3842 : vector<1x16xf32> to vector<16xf32>
      %get3A_3844 = arith.index_cast %add3A_3830 : i32 to index
      %get3A_3845 = arith.constant 16 : index
      %get3A_3846 = tpu.vector_load %arg12[%get3A_3844, %get3A_3845] {strides = array<i32>} : memref<128x64xf32, #tpu.memory_space<vmem>>, vector<1x16xf32>,
      %get3A_3847 = vector.shape_cast %get3A_3846 : vector<1x16xf32> to vector<16xf32>
      %mul3A_3848 = arith.mulf %get3A_3843, %get3A_3847 : vector<16xf32>
      %add3A_3849 = arith.addf %mul3A_3839, %mul3A_3848 : vector<16xf32>
      %get3A_3850 = arith.index_cast %add3A_3826 : i32 to index
      %get3A_3851 = arith.constant 32 : index
      %get3A_3852 = tpu.vector_load %arg10[%get3A_3850, %get3A_3851] {strides = array<i32>} : memref<128x64xf32, #tpu.memory_space<vmem>>, vector<1x16xf32>,
      %get3A_3853 = vector.shape_cast %get3A_3852 : vector<1x16xf32> to vector<16xf32>
      %get3A_3854 = arith.index_cast %add3A_3830 : i32 to index
      %get3A_3855 = arith.constant 32 : index
      %get3A_3856 = tpu.vector_load %arg12[%get3A_3854, %get3A_3855] {strides = array<i32>} : memref<128x64xf32, #tpu.memory_space<vmem>>, vector<1x16xf32>,
      %get3A_3857 = vector.shape_cast %get3A_3856 : vector<1x16xf32> to vector<16xf32>
      %mul3A_3858 = arith.mulf %get3A_3853, %get3A_3857 : vector<16xf32>
      %add3A_3859 = arith.addf %add3A_3849, %mul3A_3858 : vector<16xf32>
      %get3A_3860 = arith.index_cast %add3A_3826 : i32 to index
      %get3A_3861 = arith.constant 48 : index
      %get3A_3862 = tpu.vector_load %arg10[%get3A_3860, %get3A_3861] {strides = array<i32>} : memref<128x64xf32, #tpu.memory_space<vmem>>, vector<1x16xf32>,
      %get3A_3863 = vector.shape_cast %get3A_3862 : vector<1x16xf32> to vector<16xf32>
      %get3A_3864 = arith.index_cast %add3A_3830 : i32 to index
      %get3A_3865 = arith.constant 48 : index
      %get3A_3866 = tpu.vector_load %arg12[%get3A_3864, %get3A_3865] {strides = array<i32>} : memref<128x64xf32, #tpu.memory_space<vmem>>, vector<1x16xf32>,
      %get3A_3867 = vector.shape_cast %get3A_3866 : vector<1x16xf32> to vector<16xf32>
      %mul3A_3868 = arith.mulf %get3A_3863, %get3A_3867 : vector<16xf32>
      %add3A_3869 = arith.addf %add3A_3859, %mul3A_3868 : vector<16xf32>
      %xor3A_3870 = arith.constant 1 : i32
      %xor3A_3871 = vector.broadcast %xor3A_3870 : i32 to vector<16xi32>
      %xor3A_3872 = arith.xori %iota3A, %xor3A_3871 : vector<16xi32>
      %lt3A_3873 = arith.constant 0 : i32
      %lt3A_3874 = vector.broadcast %lt3A_3873 : i32 to vector<16xi32>
      %lt3A_3875 = arith.cmpi slt, %xor3A_3872, %lt3A_3874 : vector<16xi32>
      %add3A_3876 = arith.constant 16 : i32
      %add3A_3877 = vector.broadcast %add3A_3876 : i32 to vector<16xi32>
      %add3A_3878 = arith.addi %xor3A_3872, %add3A_3877 : vector<16xi32>
      %select_n3A_3879 = arith.select %lt3A_3875, %add3A_3878, %xor3A_3872 : vector<16xi1>, vector<16xi32>
      %broadcast_in_dim3A_3880 = vector.shape_cast %select_n3A_3879 : vector<16xi32> to vector<16x1xi32>
      %gather3A_3881 = vector.shape_cast %broadcast_in_dim3A_3880 : vector<16x1xi32> to vector<16xi32>
      %gather3A_3882 = tpu.dynamic_gather %add3A_3869[%gather3A_3881] in [0] : vector<16xf32>, vector<16xi32> -> vector<16xf32>
      %add3A_3883 = arith.addf %add3A_3869, %gather3A_3882 : vector<16xf32>
      %xor3A_3884 = arith.constant 2 : i32
      %xor3A_3885 = vector.broadcast %xor3A_3884 : i32 to vector<16xi32>
      %xor3A_3886 = arith.xori %iota3A, %xor3A_3885 : vector<16xi32>
      %lt3A_3887 = arith.constant 0 : i32
      %lt3A_3888 = vector.broadcast %lt3A_3887 : i32 to vector<16xi32>
      %lt3A_3889 = arith.cmpi slt, %xor3A_3886, %lt3A_3888 : vector<16xi32>
      %add3A_3890 = arith.constant 16 : i32
      %add3A_3891 = vector.broadcast %add3A_3890 : i32 to vector<16xi32>
      %add3A_3892 = arith.addi %xor3A_3886, %add3A_3891 : vector<16xi32>
      %select_n3A_3893 = arith.select %lt3A_3889, %add3A_3892, %xor3A_3886 : vector<16xi1>, vector<16xi32>
      %broadcast_in_dim3A_3894 = vector.shape_cast %select_n3A_3893 : vector<16xi32> to vector<16x1xi32>
      %gather3A_3895 = vector.shape_cast %broadcast_in_dim3A_3894 : vector<16x1xi32> to vector<16xi32>
      %gather3A_3896 = tpu.dynamic_gather %add3A_3883[%gather3A_3895] in [0] : vector<16xf32>, vector<16xi32> -> vector<16xf32>
      %add3A_3897 = arith.addf %add3A_3883, %gather3A_3896 : vector<16xf32>
      %xor3A_3898 = arith.constant 4 : i32
      %xor3A_3899 = vector.broadcast %xor3A_3898 : i32 to vector<16xi32>
      %xor3A_3900 = arith.xori %iota3A, %xor3A_3899 : vector<16xi32>
      %lt3A_3901 = arith.constant 0 : i32
      %lt3A_3902 = vector.broadcast %lt3A_3901 : i32 to vector<16xi32>
      %lt3A_3903 = arith.cmpi slt, %xor3A_3900, %lt3A_3902 : vector<16xi32>
      %add3A_3904 = arith.constant 16 : i32
      %add3A_3905 = vector.broadcast %add3A_3904 : i32 to vector<16xi32>
      %add3A_3906 = arith.addi %xor3A_3900, %add3A_3905 : vector<16xi32>
      %select_n3A_3907 = arith.select %lt3A_3903, %add3A_3906, %xor3A_3900 : vector<16xi1>, vector<16xi32>
      %broadcast_in_dim3A_3908 = vector.shape_cast %select_n3A_3907 : vector<16xi32> to vector<16x1xi32>
      %gather3A_3909 = vector.shape_cast %broadcast_in_dim3A_3908 : vector<16x1xi32> to vector<16xi32>
      %gather3A_3910 = tpu.dynamic_gather %add3A_3897[%gather3A_3909] in [0] : vector<16xf32>, vector<16xi32> -> vector<16xf32>
      %add3A_3911 = arith.addf %add3A_3897, %gather3A_3910 : vector<16xf32>
      %xor3A_3912 = arith.constant 8 : i32
      %xor3A_3913 = vector.broadcast %xor3A_3912 : i32 to vector<16xi32>
      %xor3A_3914 = arith.xori %iota3A, %xor3A_3913 : vector<16xi32>
      %lt3A_3915 = arith.constant 0 : i32
      %lt3A_3916 = vector.broadcast %lt3A_3915 : i32 to vector<16xi32>
      %lt3A_3917 = arith.cmpi slt, %xor3A_3914, %lt3A_3916 : vector<16xi32>
      %add3A_3918 = arith.constant 16 : i32
      %add3A_3919 = vector.broadcast %add3A_3918 : i32 to vector<16xi32>
      %add3A_3920 = arith.addi %xor3A_3914, %add3A_3919 : vector<16xi32>
      %select_n3A_3921 = arith.select %lt3A_3917, %add3A_3920, %xor3A_3914 : vector<16xi1>, vector<16xi32>
      %broadcast_in_dim3A_3922 = vector.shape_cast %select_n3A_3921 : vector<16xi32> to vector<16x1xi32>
      %gather3A_3923 = vector.shape_cast %broadcast_in_dim3A_3922 : vector<16x1xi32> to vector<16xi32>
      %gather3A_3924 = tpu.dynamic_gather %add3A_3911[%gather3A_3923] in [0] : vector<16xf32>, vector<16xi32> -> vector<16xf32>
      %add3A_3925 = arith.addf %add3A_3911, %gather3A_3924 : vector<16xf32>
      %eq3A_3926 = arith.constant 11 : i32
      %eq3A_3927 = vector.broadcast %eq3A_3926 : i32 to vector<16xi32>
      %eq3A_3928 = arith.cmpi eq, %iota3A, %eq3A_3927 : vector<16xi32>
      %select_n3A_3929 = arith.select %eq3A_3928, %add3A_3925, %select_n3A_3822 : vector<16xi1>, vector<16xf32>
      %slice3A_3930 = vector.extract_strided_slice %and3A_2635 {offsets = [12], sizes = [1], strides = [1]} : vector<16xi32> to vector<1xi32>
      %squeeze3A_3931 = vector.extract %slice3A_3930[0] : i32 from vector<1xi32>
      %add3A_3932 = arith.constant 96 : i32
      %add3A_3933 = arith.addi %add3A_3932, %squeeze3A_3931 : i32
      %slice3A_3934 = vector.extract_strided_slice %and3A_2643 {offsets = [12], sizes = [1], strides = [1]} : vector<16xi32> to vector<1xi32>
      %squeeze3A_3935 = vector.extract %slice3A_3934[0] : i32 from vector<1xi32>
      %add3A_3936 = arith.constant 96 : i32
      %add3A_3937 = arith.addi %add3A_3936, %squeeze3A_3935 : i32
      %get3A_3938 = arith.index_cast %add3A_3933 : i32 to index
      %get3A_3939 = arith.constant 0 : index
      %get3A_3940 = tpu.vector_load %arg10[%get3A_3938, %get3A_3939] {strides = array<i32>} : memref<128x64xf32, #tpu.memory_space<vmem>>, vector<1x16xf32>,
      %get3A_3941 = vector.shape_cast %get3A_3940 : vector<1x16xf32> to vector<16xf32>
      %get3A_3942 = arith.index_cast %add3A_3937 : i32 to index
      %get3A_3943 = arith.constant 0 : index
      %get3A_3944 = tpu.vector_load %arg12[%get3A_3942, %get3A_3943] {strides = array<i32>} : memref<128x64xf32, #tpu.memory_space<vmem>>, vector<1x16xf32>,
      %get3A_3945 = vector.shape_cast %get3A_3944 : vector<1x16xf32> to vector<16xf32>
      %mul3A_3946 = arith.mulf %get3A_3941, %get3A_3945 : vector<16xf32>
      %get3A_3947 = arith.index_cast %add3A_3933 : i32 to index
      %get3A_3948 = arith.constant 16 : index
      %get3A_3949 = tpu.vector_load %arg10[%get3A_3947, %get3A_3948] {strides = array<i32>} : memref<128x64xf32, #tpu.memory_space<vmem>>, vector<1x16xf32>,
      %get3A_3950 = vector.shape_cast %get3A_3949 : vector<1x16xf32> to vector<16xf32>
      %get3A_3951 = arith.index_cast %add3A_3937 : i32 to index
      %get3A_3952 = arith.constant 16 : index
      %get3A_3953 = tpu.vector_load %arg12[%get3A_3951, %get3A_3952] {strides = array<i32>} : memref<128x64xf32, #tpu.memory_space<vmem>>, vector<1x16xf32>,
      %get3A_3954 = vector.shape_cast %get3A_3953 : vector<1x16xf32> to vector<16xf32>
      %mul3A_3955 = arith.mulf %get3A_3950, %get3A_3954 : vector<16xf32>
      %add3A_3956 = arith.addf %mul3A_3946, %mul3A_3955 : vector<16xf32>
      %get3A_3957 = arith.index_cast %add3A_3933 : i32 to index
      %get3A_3958 = arith.constant 32 : index
      %get3A_3959 = tpu.vector_load %arg10[%get3A_3957, %get3A_3958] {strides = array<i32>} : memref<128x64xf32, #tpu.memory_space<vmem>>, vector<1x16xf32>,
      %get3A_3960 = vector.shape_cast %get3A_3959 : vector<1x16xf32> to vector<16xf32>
      %get3A_3961 = arith.index_cast %add3A_3937 : i32 to index
      %get3A_3962 = arith.constant 32 : index
      %get3A_3963 = tpu.vector_load %arg12[%get3A_3961, %get3A_3962] {strides = array<i32>} : memref<128x64xf32, #tpu.memory_space<vmem>>, vector<1x16xf32>,
      %get3A_3964 = vector.shape_cast %get3A_3963 : vector<1x16xf32> to vector<16xf32>
      %mul3A_3965 = arith.mulf %get3A_3960, %get3A_3964 : vector<16xf32>
      %add3A_3966 = arith.addf %add3A_3956, %mul3A_3965 : vector<16xf32>
      %get3A_3967 = arith.index_cast %add3A_3933 : i32 to index
      %get3A_3968 = arith.constant 48 : index
      %get3A_3969 = tpu.vector_load %arg10[%get3A_3967, %get3A_3968] {strides = array<i32>} : memref<128x64xf32, #tpu.memory_space<vmem>>, vector<1x16xf32>,
      %get3A_3970 = vector.shape_cast %get3A_3969 : vector<1x16xf32> to vector<16xf32>
      %get3A_3971 = arith.index_cast %add3A_3937 : i32 to index
      %get3A_3972 = arith.constant 48 : index
      %get3A_3973 = tpu.vector_load %arg12[%get3A_3971, %get3A_3972] {strides = array<i32>} : memref<128x64xf32, #tpu.memory_space<vmem>>, vector<1x16xf32>,
      %get3A_3974 = vector.shape_cast %get3A_3973 : vector<1x16xf32> to vector<16xf32>
      %mul3A_3975 = arith.mulf %get3A_3970, %get3A_3974 : vector<16xf32>
      %add3A_3976 = arith.addf %add3A_3966, %mul3A_3975 : vector<16xf32>
      %xor3A_3977 = arith.constant 1 : i32
      %xor3A_3978 = vector.broadcast %xor3A_3977 : i32 to vector<16xi32>
      %xor3A_3979 = arith.xori %iota3A, %xor3A_3978 : vector<16xi32>
      %lt3A_3980 = arith.constant 0 : i32
      %lt3A_3981 = vector.broadcast %lt3A_3980 : i32 to vector<16xi32>
      %lt3A_3982 = arith.cmpi slt, %xor3A_3979, %lt3A_3981 : vector<16xi32>
      %add3A_3983 = arith.constant 16 : i32
      %add3A_3984 = vector.broadcast %add3A_3983 : i32 to vector<16xi32>
      %add3A_3985 = arith.addi %xor3A_3979, %add3A_3984 : vector<16xi32>
      %select_n3A_3986 = arith.select %lt3A_3982, %add3A_3985, %xor3A_3979 : vector<16xi1>, vector<16xi32>
      %broadcast_in_dim3A_3987 = vector.shape_cast %select_n3A_3986 : vector<16xi32> to vector<16x1xi32>
      %gather3A_3988 = vector.shape_cast %broadcast_in_dim3A_3987 : vector<16x1xi32> to vector<16xi32>
      %gather3A_3989 = tpu.dynamic_gather %add3A_3976[%gather3A_3988] in [0] : vector<16xf32>, vector<16xi32> -> vector<16xf32>
      %add3A_3990 = arith.addf %add3A_3976, %gather3A_3989 : vector<16xf32>
      %xor3A_3991 = arith.constant 2 : i32
      %xor3A_3992 = vector.broadcast %xor3A_3991 : i32 to vector<16xi32>
      %xor3A_3993 = arith.xori %iota3A, %xor3A_3992 : vector<16xi32>
      %lt3A_3994 = arith.constant 0 : i32
      %lt3A_3995 = vector.broadcast %lt3A_3994 : i32 to vector<16xi32>
      %lt3A_3996 = arith.cmpi slt, %xor3A_3993, %lt3A_3995 : vector<16xi32>
      %add3A_3997 = arith.constant 16 : i32
      %add3A_3998 = vector.broadcast %add3A_3997 : i32 to vector<16xi32>
      %add3A_3999 = arith.addi %xor3A_3993, %add3A_3998 : vector<16xi32>
      %select_n3A_4000 = arith.select %lt3A_3996, %add3A_3999, %xor3A_3993 : vector<16xi1>, vector<16xi32>
      %broadcast_in_dim3A_4001 = vector.shape_cast %select_n3A_4000 : vector<16xi32> to vector<16x1xi32>
      %gather3A_4002 = vector.shape_cast %broadcast_in_dim3A_4001 : vector<16x1xi32> to vector<16xi32>
      %gather3A_4003 = tpu.dynamic_gather %add3A_3990[%gather3A_4002] in [0] : vector<16xf32>, vector<16xi32> -> vector<16xf32>
      %add3A_4004 = arith.addf %add3A_3990, %gather3A_4003 : vector<16xf32>
      %xor3A_4005 = arith.constant 4 : i32
      %xor3A_4006 = vector.broadcast %xor3A_4005 : i32 to vector<16xi32>
      %xor3A_4007 = arith.xori %iota3A, %xor3A_4006 : vector<16xi32>
      %lt3A_4008 = arith.constant 0 : i32
      %lt3A_4009 = vector.broadcast %lt3A_4008 : i32 to vector<16xi32>
      %lt3A_4010 = arith.cmpi slt, %xor3A_4007, %lt3A_4009 : vector<16xi32>
      %add3A_4011 = arith.constant 16 : i32
      %add3A_4012 = vector.broadcast %add3A_4011 : i32 to vector<16xi32>
      %add3A_4013 = arith.addi %xor3A_4007, %add3A_4012 : vector<16xi32>
      %select_n3A_4014 = arith.select %lt3A_4010, %add3A_4013, %xor3A_4007 : vector<16xi1>, vector<16xi32>
      %broadcast_in_dim3A_4015 = vector.shape_cast %select_n3A_4014 : vector<16xi32> to vector<16x1xi32>
      %gather3A_4016 = vector.shape_cast %broadcast_in_dim3A_4015 : vector<16x1xi32> to vector<16xi32>
      %gather3A_4017 = tpu.dynamic_gather %add3A_4004[%gather3A_4016] in [0] : vector<16xf32>, vector<16xi32> -> vector<16xf32>
      %add3A_4018 = arith.addf %add3A_4004, %gather3A_4017 : vector<16xf32>
      %xor3A_4019 = arith.constant 8 : i32
      %xor3A_4020 = vector.broadcast %xor3A_4019 : i32 to vector<16xi32>
      %xor3A_4021 = arith.xori %iota3A, %xor3A_4020 : vector<16xi32>
      %lt3A_4022 = arith.constant 0 : i32
      %lt3A_4023 = vector.broadcast %lt3A_4022 : i32 to vector<16xi32>
      %lt3A_4024 = arith.cmpi slt, %xor3A_4021, %lt3A_4023 : vector<16xi32>
      %add3A_4025 = arith.constant 16 : i32
      %add3A_4026 = vector.broadcast %add3A_4025 : i32 to vector<16xi32>
      %add3A_4027 = arith.addi %xor3A_4021, %add3A_4026 : vector<16xi32>
      %select_n3A_4028 = arith.select %lt3A_4024, %add3A_4027, %xor3A_4021 : vector<16xi1>, vector<16xi32>
      %broadcast_in_dim3A_4029 = vector.shape_cast %select_n3A_4028 : vector<16xi32> to vector<16x1xi32>
      %gather3A_4030 = vector.shape_cast %broadcast_in_dim3A_4029 : vector<16x1xi32> to vector<16xi32>
      %gather3A_4031 = tpu.dynamic_gather %add3A_4018[%gather3A_4030] in [0] : vector<16xf32>, vector<16xi32> -> vector<16xf32>
      %add3A_4032 = arith.addf %add3A_4018, %gather3A_4031 : vector<16xf32>
      %eq3A_4033 = arith.constant 12 : i32
      %eq3A_4034 = vector.broadcast %eq3A_4033 : i32 to vector<16xi32>
      %eq3A_4035 = arith.cmpi eq, %iota3A, %eq3A_4034 : vector<16xi32>
      %select_n3A_4036 = arith.select %eq3A_4035, %add3A_4032, %select_n3A_3929 : vector<16xi1>, vector<16xf32>
      %slice3A_4037 = vector.extract_strided_slice %and3A_2635 {offsets = [13], sizes = [1], strides = [1]} : vector<16xi32> to vector<1xi32>
      %squeeze3A_4038 = vector.extract %slice3A_4037[0] : i32 from vector<1xi32>
      %add3A_4039 = arith.constant 104 : i32
      %add3A_4040 = arith.addi %add3A_4039, %squeeze3A_4038 : i32
      %slice3A_4041 = vector.extract_strided_slice %and3A_2643 {offsets = [13], sizes = [1], strides = [1]} : vector<16xi32> to vector<1xi32>
      %squeeze3A_4042 = vector.extract %slice3A_4041[0] : i32 from vector<1xi32>
      %add3A_4043 = arith.constant 104 : i32
      %add3A_4044 = arith.addi %add3A_4043, %squeeze3A_4042 : i32
      %get3A_4045 = arith.index_cast %add3A_4040 : i32 to index
      %get3A_4046 = arith.constant 0 : index
      %get3A_4047 = tpu.vector_load %arg10[%get3A_4045, %get3A_4046] {strides = array<i32>} : memref<128x64xf32, #tpu.memory_space<vmem>>, vector<1x16xf32>,
      %get3A_4048 = vector.shape_cast %get3A_4047 : vector<1x16xf32> to vector<16xf32>
      %get3A_4049 = arith.index_cast %add3A_4044 : i32 to index
      %get3A_4050 = arith.constant 0 : index
      %get3A_4051 = tpu.vector_load %arg12[%get3A_4049, %get3A_4050] {strides = array<i32>} : memref<128x64xf32, #tpu.memory_space<vmem>>, vector<1x16xf32>,
      %get3A_4052 = vector.shape_cast %get3A_4051 : vector<1x16xf32> to vector<16xf32>
      %mul3A_4053 = arith.mulf %get3A_4048, %get3A_4052 : vector<16xf32>
      %get3A_4054 = arith.index_cast %add3A_4040 : i32 to index
      %get3A_4055 = arith.constant 16 : index
      %get3A_4056 = tpu.vector_load %arg10[%get3A_4054, %get3A_4055] {strides = array<i32>} : memref<128x64xf32, #tpu.memory_space<vmem>>, vector<1x16xf32>,
      %get3A_4057 = vector.shape_cast %get3A_4056 : vector<1x16xf32> to vector<16xf32>
      %get3A_4058 = arith.index_cast %add3A_4044 : i32 to index
      %get3A_4059 = arith.constant 16 : index
      %get3A_4060 = tpu.vector_load %arg12[%get3A_4058, %get3A_4059] {strides = array<i32>} : memref<128x64xf32, #tpu.memory_space<vmem>>, vector<1x16xf32>,
      %get3A_4061 = vector.shape_cast %get3A_4060 : vector<1x16xf32> to vector<16xf32>
      %mul3A_4062 = arith.mulf %get3A_4057, %get3A_4061 : vector<16xf32>
      %add3A_4063 = arith.addf %mul3A_4053, %mul3A_4062 : vector<16xf32>
      %get3A_4064 = arith.index_cast %add3A_4040 : i32 to index
      %get3A_4065 = arith.constant 32 : index
      %get3A_4066 = tpu.vector_load %arg10[%get3A_4064, %get3A_4065] {strides = array<i32>} : memref<128x64xf32, #tpu.memory_space<vmem>>, vector<1x16xf32>,
      %get3A_4067 = vector.shape_cast %get3A_4066 : vector<1x16xf32> to vector<16xf32>
      %get3A_4068 = arith.index_cast %add3A_4044 : i32 to index
      %get3A_4069 = arith.constant 32 : index
      %get3A_4070 = tpu.vector_load %arg12[%get3A_4068, %get3A_4069] {strides = array<i32>} : memref<128x64xf32, #tpu.memory_space<vmem>>, vector<1x16xf32>,
      %get3A_4071 = vector.shape_cast %get3A_4070 : vector<1x16xf32> to vector<16xf32>
      %mul3A_4072 = arith.mulf %get3A_4067, %get3A_4071 : vector<16xf32>
      %add3A_4073 = arith.addf %add3A_4063, %mul3A_4072 : vector<16xf32>
      %get3A_4074 = arith.index_cast %add3A_4040 : i32 to index
      %get3A_4075 = arith.constant 48 : index
      %get3A_4076 = tpu.vector_load %arg10[%get3A_4074, %get3A_4075] {strides = array<i32>} : memref<128x64xf32, #tpu.memory_space<vmem>>, vector<1x16xf32>,
      %get3A_4077 = vector.shape_cast %get3A_4076 : vector<1x16xf32> to vector<16xf32>
      %get3A_4078 = arith.index_cast %add3A_4044 : i32 to index
      %get3A_4079 = arith.constant 48 : index
      %get3A_4080 = tpu.vector_load %arg12[%get3A_4078, %get3A_4079] {strides = array<i32>} : memref<128x64xf32, #tpu.memory_space<vmem>>, vector<1x16xf32>,
      %get3A_4081 = vector.shape_cast %get3A_4080 : vector<1x16xf32> to vector<16xf32>
      %mul3A_4082 = arith.mulf %get3A_4077, %get3A_4081 : vector<16xf32>
      %add3A_4083 = arith.addf %add3A_4073, %mul3A_4082 : vector<16xf32>
      %xor3A_4084 = arith.constant 1 : i32
      %xor3A_4085 = vector.broadcast %xor3A_4084 : i32 to vector<16xi32>
      %xor3A_4086 = arith.xori %iota3A, %xor3A_4085 : vector<16xi32>
      %lt3A_4087 = arith.constant 0 : i32
      %lt3A_4088 = vector.broadcast %lt3A_4087 : i32 to vector<16xi32>
      %lt3A_4089 = arith.cmpi slt, %xor3A_4086, %lt3A_4088 : vector<16xi32>
      %add3A_4090 = arith.constant 16 : i32
      %add3A_4091 = vector.broadcast %add3A_4090 : i32 to vector<16xi32>
      %add3A_4092 = arith.addi %xor3A_4086, %add3A_4091 : vector<16xi32>
      %select_n3A_4093 = arith.select %lt3A_4089, %add3A_4092, %xor3A_4086 : vector<16xi1>, vector<16xi32>
      %broadcast_in_dim3A_4094 = vector.shape_cast %select_n3A_4093 : vector<16xi32> to vector<16x1xi32>
      %gather3A_4095 = vector.shape_cast %broadcast_in_dim3A_4094 : vector<16x1xi32> to vector<16xi32>
      %gather3A_4096 = tpu.dynamic_gather %add3A_4083[%gather3A_4095] in [0] : vector<16xf32>, vector<16xi32> -> vector<16xf32>
      %add3A_4097 = arith.addf %add3A_4083, %gather3A_4096 : vector<16xf32>
      %xor3A_4098 = arith.constant 2 : i32
      %xor3A_4099 = vector.broadcast %xor3A_4098 : i32 to vector<16xi32>
      %xor3A_4100 = arith.xori %iota3A, %xor3A_4099 : vector<16xi32>
      %lt3A_4101 = arith.constant 0 : i32
      %lt3A_4102 = vector.broadcast %lt3A_4101 : i32 to vector<16xi32>
      %lt3A_4103 = arith.cmpi slt, %xor3A_4100, %lt3A_4102 : vector<16xi32>
      %add3A_4104 = arith.constant 16 : i32
      %add3A_4105 = vector.broadcast %add3A_4104 : i32 to vector<16xi32>
      %add3A_4106 = arith.addi %xor3A_4100, %add3A_4105 : vector<16xi32>
      %select_n3A_4107 = arith.select %lt3A_4103, %add3A_4106, %xor3A_4100 : vector<16xi1>, vector<16xi32>
      %broadcast_in_dim3A_4108 = vector.shape_cast %select_n3A_4107 : vector<16xi32> to vector<16x1xi32>
      %gather3A_4109 = vector.shape_cast %broadcast_in_dim3A_4108 : vector<16x1xi32> to vector<16xi32>
      %gather3A_4110 = tpu.dynamic_gather %add3A_4097[%gather3A_4109] in [0] : vector<16xf32>, vector<16xi32> -> vector<16xf32>
      %add3A_4111 = arith.addf %add3A_4097, %gather3A_4110 : vector<16xf32>
      %xor3A_4112 = arith.constant 4 : i32
      %xor3A_4113 = vector.broadcast %xor3A_4112 : i32 to vector<16xi32>
      %xor3A_4114 = arith.xori %iota3A, %xor3A_4113 : vector<16xi32>
      %lt3A_4115 = arith.constant 0 : i32
      %lt3A_4116 = vector.broadcast %lt3A_4115 : i32 to vector<16xi32>
      %lt3A_4117 = arith.cmpi slt, %xor3A_4114, %lt3A_4116 : vector<16xi32>
      %add3A_4118 = arith.constant 16 : i32
      %add3A_4119 = vector.broadcast %add3A_4118 : i32 to vector<16xi32>
      %add3A_4120 = arith.addi %xor3A_4114, %add3A_4119 : vector<16xi32>
      %select_n3A_4121 = arith.select %lt3A_4117, %add3A_4120, %xor3A_4114 : vector<16xi1>, vector<16xi32>
      %broadcast_in_dim3A_4122 = vector.shape_cast %select_n3A_4121 : vector<16xi32> to vector<16x1xi32>
      %gather3A_4123 = vector.shape_cast %broadcast_in_dim3A_4122 : vector<16x1xi32> to vector<16xi32>
      %gather3A_4124 = tpu.dynamic_gather %add3A_4111[%gather3A_4123] in [0] : vector<16xf32>, vector<16xi32> -> vector<16xf32>
      %add3A_4125 = arith.addf %add3A_4111, %gather3A_4124 : vector<16xf32>
      %xor3A_4126 = arith.constant 8 : i32
      %xor3A_4127 = vector.broadcast %xor3A_4126 : i32 to vector<16xi32>
      %xor3A_4128 = arith.xori %iota3A, %xor3A_4127 : vector<16xi32>
      %lt3A_4129 = arith.constant 0 : i32
      %lt3A_4130 = vector.broadcast %lt3A_4129 : i32 to vector<16xi32>
      %lt3A_4131 = arith.cmpi slt, %xor3A_4128, %lt3A_4130 : vector<16xi32>
      %add3A_4132 = arith.constant 16 : i32
      %add3A_4133 = vector.broadcast %add3A_4132 : i32 to vector<16xi32>
      %add3A_4134 = arith.addi %xor3A_4128, %add3A_4133 : vector<16xi32>
      %select_n3A_4135 = arith.select %lt3A_4131, %add3A_4134, %xor3A_4128 : vector<16xi1>, vector<16xi32>
      %broadcast_in_dim3A_4136 = vector.shape_cast %select_n3A_4135 : vector<16xi32> to vector<16x1xi32>
      %gather3A_4137 = vector.shape_cast %broadcast_in_dim3A_4136 : vector<16x1xi32> to vector<16xi32>
      %gather3A_4138 = tpu.dynamic_gather %add3A_4125[%gather3A_4137] in [0] : vector<16xf32>, vector<16xi32> -> vector<16xf32>
      %add3A_4139 = arith.addf %add3A_4125, %gather3A_4138 : vector<16xf32>
      %eq3A_4140 = arith.constant 13 : i32
      %eq3A_4141 = vector.broadcast %eq3A_4140 : i32 to vector<16xi32>
      %eq3A_4142 = arith.cmpi eq, %iota3A, %eq3A_4141 : vector<16xi32>
      %select_n3A_4143 = arith.select %eq3A_4142, %add3A_4139, %select_n3A_4036 : vector<16xi1>, vector<16xf32>
      %slice3A_4144 = vector.extract_strided_slice %and3A_2635 {offsets = [14], sizes = [1], strides = [1]} : vector<16xi32> to vector<1xi32>
      %squeeze3A_4145 = vector.extract %slice3A_4144[0] : i32 from vector<1xi32>
      %add3A_4146 = arith.constant 112 : i32
      %add3A_4147 = arith.addi %add3A_4146, %squeeze3A_4145 : i32
      %slice3A_4148 = vector.extract_strided_slice %and3A_2643 {offsets = [14], sizes = [1], strides = [1]} : vector<16xi32> to vector<1xi32>
      %squeeze3A_4149 = vector.extract %slice3A_4148[0] : i32 from vector<1xi32>
      %add3A_4150 = arith.constant 112 : i32
      %add3A_4151 = arith.addi %add3A_4150, %squeeze3A_4149 : i32
      %get3A_4152 = arith.index_cast %add3A_4147 : i32 to index
      %get3A_4153 = arith.constant 0 : index
      %get3A_4154 = tpu.vector_load %arg10[%get3A_4152, %get3A_4153] {strides = array<i32>} : memref<128x64xf32, #tpu.memory_space<vmem>>, vector<1x16xf32>,
      %get3A_4155 = vector.shape_cast %get3A_4154 : vector<1x16xf32> to vector<16xf32>
      %get3A_4156 = arith.index_cast %add3A_4151 : i32 to index
      %get3A_4157 = arith.constant 0 : index
      %get3A_4158 = tpu.vector_load %arg12[%get3A_4156, %get3A_4157] {strides = array<i32>} : memref<128x64xf32, #tpu.memory_space<vmem>>, vector<1x16xf32>,
      %get3A_4159 = vector.shape_cast %get3A_4158 : vector<1x16xf32> to vector<16xf32>
      %mul3A_4160 = arith.mulf %get3A_4155, %get3A_4159 : vector<16xf32>
      %get3A_4161 = arith.index_cast %add3A_4147 : i32 to index
      %get3A_4162 = arith.constant 16 : index
      %get3A_4163 = tpu.vector_load %arg10[%get3A_4161, %get3A_4162] {strides = array<i32>} : memref<128x64xf32, #tpu.memory_space<vmem>>, vector<1x16xf32>,
      %get3A_4164 = vector.shape_cast %get3A_4163 : vector<1x16xf32> to vector<16xf32>
      %get3A_4165 = arith.index_cast %add3A_4151 : i32 to index
      %get3A_4166 = arith.constant 16 : index
      %get3A_4167 = tpu.vector_load %arg12[%get3A_4165, %get3A_4166] {strides = array<i32>} : memref<128x64xf32, #tpu.memory_space<vmem>>, vector<1x16xf32>,
      %get3A_4168 = vector.shape_cast %get3A_4167 : vector<1x16xf32> to vector<16xf32>
      %mul3A_4169 = arith.mulf %get3A_4164, %get3A_4168 : vector<16xf32>
      %add3A_4170 = arith.addf %mul3A_4160, %mul3A_4169 : vector<16xf32>
      %get3A_4171 = arith.index_cast %add3A_4147 : i32 to index
      %get3A_4172 = arith.constant 32 : index
      %get3A_4173 = tpu.vector_load %arg10[%get3A_4171, %get3A_4172] {strides = array<i32>} : memref<128x64xf32, #tpu.memory_space<vmem>>, vector<1x16xf32>,
      %get3A_4174 = vector.shape_cast %get3A_4173 : vector<1x16xf32> to vector<16xf32>
      %get3A_4175 = arith.index_cast %add3A_4151 : i32 to index
      %get3A_4176 = arith.constant 32 : index
      %get3A_4177 = tpu.vector_load %arg12[%get3A_4175, %get3A_4176] {strides = array<i32>} : memref<128x64xf32, #tpu.memory_space<vmem>>, vector<1x16xf32>,
      %get3A_4178 = vector.shape_cast %get3A_4177 : vector<1x16xf32> to vector<16xf32>
      %mul3A_4179 = arith.mulf %get3A_4174, %get3A_4178 : vector<16xf32>
      %add3A_4180 = arith.addf %add3A_4170, %mul3A_4179 : vector<16xf32>
      %get3A_4181 = arith.index_cast %add3A_4147 : i32 to index
      %get3A_4182 = arith.constant 48 : index
      %get3A_4183 = tpu.vector_load %arg10[%get3A_4181, %get3A_4182] {strides = array<i32>} : memref<128x64xf32, #tpu.memory_space<vmem>>, vector<1x16xf32>,
      %get3A_4184 = vector.shape_cast %get3A_4183 : vector<1x16xf32> to vector<16xf32>
      %get3A_4185 = arith.index_cast %add3A_4151 : i32 to index
      %get3A_4186 = arith.constant 48 : index
      %get3A_4187 = tpu.vector_load %arg12[%get3A_4185, %get3A_4186] {strides = array<i32>} : memref<128x64xf32, #tpu.memory_space<vmem>>, vector<1x16xf32>,
      %get3A_4188 = vector.shape_cast %get3A_4187 : vector<1x16xf32> to vector<16xf32>
      %mul3A_4189 = arith.mulf %get3A_4184, %get3A_4188 : vector<16xf32>
      %add3A_4190 = arith.addf %add3A_4180, %mul3A_4189 : vector<16xf32>
      %xor3A_4191 = arith.constant 1 : i32
      %xor3A_4192 = vector.broadcast %xor3A_4191 : i32 to vector<16xi32>
      %xor3A_4193 = arith.xori %iota3A, %xor3A_4192 : vector<16xi32>
      %lt3A_4194 = arith.constant 0 : i32
      %lt3A_4195 = vector.broadcast %lt3A_4194 : i32 to vector<16xi32>
      %lt3A_4196 = arith.cmpi slt, %xor3A_4193, %lt3A_4195 : vector<16xi32>
      %add3A_4197 = arith.constant 16 : i32
      %add3A_4198 = vector.broadcast %add3A_4197 : i32 to vector<16xi32>
      %add3A_4199 = arith.addi %xor3A_4193, %add3A_4198 : vector<16xi32>
      %select_n3A_4200 = arith.select %lt3A_4196, %add3A_4199, %xor3A_4193 : vector<16xi1>, vector<16xi32>
      %broadcast_in_dim3A_4201 = vector.shape_cast %select_n3A_4200 : vector<16xi32> to vector<16x1xi32>
      %gather3A_4202 = vector.shape_cast %broadcast_in_dim3A_4201 : vector<16x1xi32> to vector<16xi32>
      %gather3A_4203 = tpu.dynamic_gather %add3A_4190[%gather3A_4202] in [0] : vector<16xf32>, vector<16xi32> -> vector<16xf32>
      %add3A_4204 = arith.addf %add3A_4190, %gather3A_4203 : vector<16xf32>
      %xor3A_4205 = arith.constant 2 : i32
      %xor3A_4206 = vector.broadcast %xor3A_4205 : i32 to vector<16xi32>
      %xor3A_4207 = arith.xori %iota3A, %xor3A_4206 : vector<16xi32>
      %lt3A_4208 = arith.constant 0 : i32
      %lt3A_4209 = vector.broadcast %lt3A_4208 : i32 to vector<16xi32>
      %lt3A_4210 = arith.cmpi slt, %xor3A_4207, %lt3A_4209 : vector<16xi32>
      %add3A_4211 = arith.constant 16 : i32
      %add3A_4212 = vector.broadcast %add3A_4211 : i32 to vector<16xi32>
      %add3A_4213 = arith.addi %xor3A_4207, %add3A_4212 : vector<16xi32>
      %select_n3A_4214 = arith.select %lt3A_4210, %add3A_4213, %xor3A_4207 : vector<16xi1>, vector<16xi32>
      %broadcast_in_dim3A_4215 = vector.shape_cast %select_n3A_4214 : vector<16xi32> to vector<16x1xi32>
      %gather3A_4216 = vector.shape_cast %broadcast_in_dim3A_4215 : vector<16x1xi32> to vector<16xi32>
      %gather3A_4217 = tpu.dynamic_gather %add3A_4204[%gather3A_4216] in [0] : vector<16xf32>, vector<16xi32> -> vector<16xf32>
      %add3A_4218 = arith.addf %add3A_4204, %gather3A_4217 : vector<16xf32>
      %xor3A_4219 = arith.constant 4 : i32
      %xor3A_4220 = vector.broadcast %xor3A_4219 : i32 to vector<16xi32>
      %xor3A_4221 = arith.xori %iota3A, %xor3A_4220 : vector<16xi32>
      %lt3A_4222 = arith.constant 0 : i32
      %lt3A_4223 = vector.broadcast %lt3A_4222 : i32 to vector<16xi32>
      %lt3A_4224 = arith.cmpi slt, %xor3A_4221, %lt3A_4223 : vector<16xi32>
      %add3A_4225 = arith.constant 16 : i32
      %add3A_4226 = vector.broadcast %add3A_4225 : i32 to vector<16xi32>
      %add3A_4227 = arith.addi %xor3A_4221, %add3A_4226 : vector<16xi32>
      %select_n3A_4228 = arith.select %lt3A_4224, %add3A_4227, %xor3A_4221 : vector<16xi1>, vector<16xi32>
      %broadcast_in_dim3A_4229 = vector.shape_cast %select_n3A_4228 : vector<16xi32> to vector<16x1xi32>
      %gather3A_4230 = vector.shape_cast %broadcast_in_dim3A_4229 : vector<16x1xi32> to vector<16xi32>
      %gather3A_4231 = tpu.dynamic_gather %add3A_4218[%gather3A_4230] in [0] : vector<16xf32>, vector<16xi32> -> vector<16xf32>
      %add3A_4232 = arith.addf %add3A_4218, %gather3A_4231 : vector<16xf32>
      %xor3A_4233 = arith.constant 8 : i32
      %xor3A_4234 = vector.broadcast %xor3A_4233 : i32 to vector<16xi32>
      %xor3A_4235 = arith.xori %iota3A, %xor3A_4234 : vector<16xi32>
      %lt3A_4236 = arith.constant 0 : i32
      %lt3A_4237 = vector.broadcast %lt3A_4236 : i32 to vector<16xi32>
      %lt3A_4238 = arith.cmpi slt, %xor3A_4235, %lt3A_4237 : vector<16xi32>
      %add3A_4239 = arith.constant 16 : i32
      %add3A_4240 = vector.broadcast %add3A_4239 : i32 to vector<16xi32>
      %add3A_4241 = arith.addi %xor3A_4235, %add3A_4240 : vector<16xi32>
      %select_n3A_4242 = arith.select %lt3A_4238, %add3A_4241, %xor3A_4235 : vector<16xi1>, vector<16xi32>
      %broadcast_in_dim3A_4243 = vector.shape_cast %select_n3A_4242 : vector<16xi32> to vector<16x1xi32>
      %gather3A_4244 = vector.shape_cast %broadcast_in_dim3A_4243 : vector<16x1xi32> to vector<16xi32>
      %gather3A_4245 = tpu.dynamic_gather %add3A_4232[%gather3A_4244] in [0] : vector<16xf32>, vector<16xi32> -> vector<16xf32>
      %add3A_4246 = arith.addf %add3A_4232, %gather3A_4245 : vector<16xf32>
      %eq3A_4247 = arith.constant 14 : i32
      %eq3A_4248 = vector.broadcast %eq3A_4247 : i32 to vector<16xi32>
      %eq3A_4249 = arith.cmpi eq, %iota3A, %eq3A_4248 : vector<16xi32>
      %select_n3A_4250 = arith.select %eq3A_4249, %add3A_4246, %select_n3A_4143 : vector<16xi1>, vector<16xf32>
      %slice3A_4251 = vector.extract_strided_slice %and3A_2635 {offsets = [15], sizes = [1], strides = [1]} : vector<16xi32> to vector<1xi32>
      %squeeze3A_4252 = vector.extract %slice3A_4251[0] : i32 from vector<1xi32>
      %add3A_4253 = arith.constant 120 : i32
      %add3A_4254 = arith.addi %add3A_4253, %squeeze3A_4252 : i32
      %slice3A_4255 = vector.extract_strided_slice %and3A_2643 {offsets = [15], sizes = [1], strides = [1]} : vector<16xi32> to vector<1xi32>
      %squeeze3A_4256 = vector.extract %slice3A_4255[0] : i32 from vector<1xi32>
      %add3A_4257 = arith.constant 120 : i32
      %add3A_4258 = arith.addi %add3A_4257, %squeeze3A_4256 : i32
      %get3A_4259 = arith.index_cast %add3A_4254 : i32 to index
      %get3A_4260 = arith.constant 0 : index
      %get3A_4261 = tpu.vector_load %arg10[%get3A_4259, %get3A_4260] {strides = array<i32>} : memref<128x64xf32, #tpu.memory_space<vmem>>, vector<1x16xf32>,
      %get3A_4262 = vector.shape_cast %get3A_4261 : vector<1x16xf32> to vector<16xf32>
      %get3A_4263 = arith.index_cast %add3A_4258 : i32 to index
      %get3A_4264 = arith.constant 0 : index
      %get3A_4265 = tpu.vector_load %arg12[%get3A_4263, %get3A_4264] {strides = array<i32>} : memref<128x64xf32, #tpu.memory_space<vmem>>, vector<1x16xf32>,
      %get3A_4266 = vector.shape_cast %get3A_4265 : vector<1x16xf32> to vector<16xf32>
      %mul3A_4267 = arith.mulf %get3A_4262, %get3A_4266 : vector<16xf32>
      %get3A_4268 = arith.index_cast %add3A_4254 : i32 to index
      %get3A_4269 = arith.constant 16 : index
      %get3A_4270 = tpu.vector_load %arg10[%get3A_4268, %get3A_4269] {strides = array<i32>} : memref<128x64xf32, #tpu.memory_space<vmem>>, vector<1x16xf32>,
      %get3A_4271 = vector.shape_cast %get3A_4270 : vector<1x16xf32> to vector<16xf32>
      %get3A_4272 = arith.index_cast %add3A_4258 : i32 to index
      %get3A_4273 = arith.constant 16 : index
      %get3A_4274 = tpu.vector_load %arg12[%get3A_4272, %get3A_4273] {strides = array<i32>} : memref<128x64xf32, #tpu.memory_space<vmem>>, vector<1x16xf32>,
      %get3A_4275 = vector.shape_cast %get3A_4274 : vector<1x16xf32> to vector<16xf32>
      %mul3A_4276 = arith.mulf %get3A_4271, %get3A_4275 : vector<16xf32>
      %add3A_4277 = arith.addf %mul3A_4267, %mul3A_4276 : vector<16xf32>
      %get3A_4278 = arith.index_cast %add3A_4254 : i32 to index
      %get3A_4279 = arith.constant 32 : index
      %get3A_4280 = tpu.vector_load %arg10[%get3A_4278, %get3A_4279] {strides = array<i32>} : memref<128x64xf32, #tpu.memory_space<vmem>>, vector<1x16xf32>,
      %get3A_4281 = vector.shape_cast %get3A_4280 : vector<1x16xf32> to vector<16xf32>
      %get3A_4282 = arith.index_cast %add3A_4258 : i32 to index
      %get3A_4283 = arith.constant 32 : index
      %get3A_4284 = tpu.vector_load %arg12[%get3A_4282, %get3A_4283] {strides = array<i32>} : memref<128x64xf32, #tpu.memory_space<vmem>>, vector<1x16xf32>,
      %get3A_4285 = vector.shape_cast %get3A_4284 : vector<1x16xf32> to vector<16xf32>
      %mul3A_4286 = arith.mulf %get3A_4281, %get3A_4285 : vector<16xf32>
      %add3A_4287 = arith.addf %add3A_4277, %mul3A_4286 : vector<16xf32>
      %get3A_4288 = arith.index_cast %add3A_4254 : i32 to index
      %get3A_4289 = arith.constant 48 : index
      %get3A_4290 = tpu.vector_load %arg10[%get3A_4288, %get3A_4289] {strides = array<i32>} : memref<128x64xf32, #tpu.memory_space<vmem>>, vector<1x16xf32>,
      %get3A_4291 = vector.shape_cast %get3A_4290 : vector<1x16xf32> to vector<16xf32>
      %get3A_4292 = arith.index_cast %add3A_4258 : i32 to index
      %get3A_4293 = arith.constant 48 : index
      %get3A_4294 = tpu.vector_load %arg12[%get3A_4292, %get3A_4293] {strides = array<i32>} : memref<128x64xf32, #tpu.memory_space<vmem>>, vector<1x16xf32>,
      %get3A_4295 = vector.shape_cast %get3A_4294 : vector<1x16xf32> to vector<16xf32>
      %mul3A_4296 = arith.mulf %get3A_4291, %get3A_4295 : vector<16xf32>
      %add3A_4297 = arith.addf %add3A_4287, %mul3A_4296 : vector<16xf32>
      %xor3A_4298 = arith.constant 1 : i32
      %xor3A_4299 = vector.broadcast %xor3A_4298 : i32 to vector<16xi32>
      %xor3A_4300 = arith.xori %iota3A, %xor3A_4299 : vector<16xi32>
      %lt3A_4301 = arith.constant 0 : i32
      %lt3A_4302 = vector.broadcast %lt3A_4301 : i32 to vector<16xi32>
      %lt3A_4303 = arith.cmpi slt, %xor3A_4300, %lt3A_4302 : vector<16xi32>
      %add3A_4304 = arith.constant 16 : i32
      %add3A_4305 = vector.broadcast %add3A_4304 : i32 to vector<16xi32>
      %add3A_4306 = arith.addi %xor3A_4300, %add3A_4305 : vector<16xi32>
      %select_n3A_4307 = arith.select %lt3A_4303, %add3A_4306, %xor3A_4300 : vector<16xi1>, vector<16xi32>
      %broadcast_in_dim3A_4308 = vector.shape_cast %select_n3A_4307 : vector<16xi32> to vector<16x1xi32>
      %gather3A_4309 = vector.shape_cast %broadcast_in_dim3A_4308 : vector<16x1xi32> to vector<16xi32>
      %gather3A_4310 = tpu.dynamic_gather %add3A_4297[%gather3A_4309] in [0] : vector<16xf32>, vector<16xi32> -> vector<16xf32>
      %add3A_4311 = arith.addf %add3A_4297, %gather3A_4310 : vector<16xf32>
      %xor3A_4312 = arith.constant 2 : i32
      %xor3A_4313 = vector.broadcast %xor3A_4312 : i32 to vector<16xi32>
      %xor3A_4314 = arith.xori %iota3A, %xor3A_4313 : vector<16xi32>
      %lt3A_4315 = arith.constant 0 : i32
      %lt3A_4316 = vector.broadcast %lt3A_4315 : i32 to vector<16xi32>
      %lt3A_4317 = arith.cmpi slt, %xor3A_4314, %lt3A_4316 : vector<16xi32>
      %add3A_4318 = arith.constant 16 : i32
      %add3A_4319 = vector.broadcast %add3A_4318 : i32 to vector<16xi32>
      %add3A_4320 = arith.addi %xor3A_4314, %add3A_4319 : vector<16xi32>
      %select_n3A_4321 = arith.select %lt3A_4317, %add3A_4320, %xor3A_4314 : vector<16xi1>, vector<16xi32>
      %broadcast_in_dim3A_4322 = vector.shape_cast %select_n3A_4321 : vector<16xi32> to vector<16x1xi32>
      %gather3A_4323 = vector.shape_cast %broadcast_in_dim3A_4322 : vector<16x1xi32> to vector<16xi32>
      %gather3A_4324 = tpu.dynamic_gather %add3A_4311[%gather3A_4323] in [0] : vector<16xf32>, vector<16xi32> -> vector<16xf32>
      %add3A_4325 = arith.addf %add3A_4311, %gather3A_4324 : vector<16xf32>
      %xor3A_4326 = arith.constant 4 : i32
      %xor3A_4327 = vector.broadcast %xor3A_4326 : i32 to vector<16xi32>
      %xor3A_4328 = arith.xori %iota3A, %xor3A_4327 : vector<16xi32>
      %lt3A_4329 = arith.constant 0 : i32
      %lt3A_4330 = vector.broadcast %lt3A_4329 : i32 to vector<16xi32>
      %lt3A_4331 = arith.cmpi slt, %xor3A_4328, %lt3A_4330 : vector<16xi32>
      %add3A_4332 = arith.constant 16 : i32
      %add3A_4333 = vector.broadcast %add3A_4332 : i32 to vector<16xi32>
      %add3A_4334 = arith.addi %xor3A_4328, %add3A_4333 : vector<16xi32>
      %select_n3A_4335 = arith.select %lt3A_4331, %add3A_4334, %xor3A_4328 : vector<16xi1>, vector<16xi32>
      %broadcast_in_dim3A_4336 = vector.shape_cast %select_n3A_4335 : vector<16xi32> to vector<16x1xi32>
      %gather3A_4337 = vector.shape_cast %broadcast_in_dim3A_4336 : vector<16x1xi32> to vector<16xi32>
      %gather3A_4338 = tpu.dynamic_gather %add3A_4325[%gather3A_4337] in [0] : vector<16xf32>, vector<16xi32> -> vector<16xf32>
      %add3A_4339 = arith.addf %add3A_4325, %gather3A_4338 : vector<16xf32>
      %xor3A_4340 = arith.constant 8 : i32
      %xor3A_4341 = vector.broadcast %xor3A_4340 : i32 to vector<16xi32>
      %xor3A_4342 = arith.xori %iota3A, %xor3A_4341 : vector<16xi32>
      %lt3A_4343 = arith.constant 0 : i32
      %lt3A_4344 = vector.broadcast %lt3A_4343 : i32 to vector<16xi32>
      %lt3A_4345 = arith.cmpi slt, %xor3A_4342, %lt3A_4344 : vector<16xi32>
      %add3A_4346 = arith.constant 16 : i32
      %add3A_4347 = vector.broadcast %add3A_4346 : i32 to vector<16xi32>
      %add3A_4348 = arith.addi %xor3A_4342, %add3A_4347 : vector<16xi32>
      %select_n3A_4349 = arith.select %lt3A_4345, %add3A_4348, %xor3A_4342 : vector<16xi1>, vector<16xi32>
      %broadcast_in_dim3A_4350 = vector.shape_cast %select_n3A_4349 : vector<16xi32> to vector<16x1xi32>
      %gather3A_4351 = vector.shape_cast %broadcast_in_dim3A_4350 : vector<16x1xi32> to vector<16xi32>
      %gather3A_4352 = tpu.dynamic_gather %add3A_4339[%gather3A_4351] in [0] : vector<16xf32>, vector<16xi32> -> vector<16xf32>
      %add3A_4353 = arith.addf %add3A_4339, %gather3A_4352 : vector<16xf32>
      %eq3A_4354 = arith.constant 15 : i32
      %eq3A_4355 = vector.broadcast %eq3A_4354 : i32 to vector<16xi32>
      %eq3A_4356 = arith.cmpi eq, %iota3A, %eq3A_4355 : vector<16xi32>
      %select_n3A_4357 = arith.select %eq3A_4356, %add3A_4353, %select_n3A_4250 : vector<16xi1>, vector<16xf32>
      %mul3A_4358 = arith.constant 16 : i32
      %mul3A_4359 = arith.muli %add3A_2627, %mul3A_4358 : i32
      %swap3A_4360 = arith.index_cast %mul3A_4359 : i32 to index
      %swap3A_4361 = tpu.vector_load %arg13[%swap3A_4360] {strides = array<i32>} : memref<512xf32, #tpu.memory_space<vmem>>, vector<16xf32>,
      %swap3A_4362 = vector.shape_cast %swap3A_4361 : vector<16xf32> to vector<16xf32>
      %swap3A_4363 = vector.shape_cast %select_n3A_4357 : vector<16xf32> to vector<16xf32>
      tpu.vector_store %arg13[%swap3A_4360], %swap3A_4363 {strides = array<i32>} : memref<512xf32, #tpu.memory_space<vmem>>, vector<16xf32>,
      %scan3A_4364 = arith.constant 0 : i32
      scf.yield %scan3A_4364 : i32
    }
    %scan3A_430 = arith.constant 16 : i32
    "tpu.region"() ({
      %run_scoped3A = tpu.sem_alloc : memref<!tpu.dma_semaphore, #tpu.memory_space<semaphore_mem>>
      %dma_start3A_431 = tpu.memref_slice %arg6[%mul3A_2] : memref<16384xf32, #tpu.memory_space<hbm>> -> memref<512xf32, #tpu.memory_space<hbm>>
      %dma_start3A_432 = tpu.memref_slice %arg6[%mul3A_2] : memref<16384xf32, #tpu.memory_space<hbm>> -> memref<512xf32, #tpu.memory_space<hbm>>
      tpu.enqueue_dma source(%arg13 : memref<512xf32, #tpu.memory_space<vmem>>) target(%dma_start3A_432 : memref<512xf32, #tpu.memory_space<hbm>>) target_semaphore(%run_scoped3A : memref<!tpu.dma_semaphore, #tpu.memory_space<semaphore_mem>>)
      %dma_wait3A = tpu.memref_slice %arg6[%mul3A_2] : memref<16384xf32, #tpu.memory_space<hbm>> -> memref<512xf32, #tpu.memory_space<hbm>>
      %dma_wait3A_433 = tpu.memref_slice %arg6[%mul3A_2] : memref<16384xf32, #tpu.memory_space<hbm>> -> memref<512xf32, #tpu.memory_space<hbm>>
      tpu.wait_dma2 semaphore(%run_scoped3A : memref<!tpu.dma_semaphore, #tpu.memory_space<semaphore_mem>>) src(%arg13 : memref<512xf32, #tpu.memory_space<vmem>>) dst(%dma_wait3A_433 : memref<512xf32, #tpu.memory_space<hbm>>)
      tpu.yield
    }) : () -> ()
    return
  }
}

</mosaic_0001>

<sc_bundles>
// kernel: kernel.3.cloned.1.call-start
scs
__scs_entry_jumppad:
0x0: {  	(pc) =	sbr.rel $0x88, $3  }
0x1: {  	(tag) =	ssettag $0x0;
	lr =	simm.s32 $0x1  }
0x2: {  	[smem:$0x3F9D] =	sst lr;
	_ =	strace $0xD0000000  }
0x3: {  	_ = 	snop  }
0x4: {  	_ = 	snop  }
0x5: {  	_ = 	snop  }
0x6: {  	_ = 	snop  }
0x7: {  	_ = 	snop  }
__scs_overlays_trampoline_lowered:
0x8: {  	[smem:$0x3FAC] =	sst s0  }
0x9: {  	[smem:$0x3FAD] =	sst s1  }
0xa: {  	[smem:$0x3FAE] =	sst s2  }
0xb: {  	[smem:$0x3FAF] =	sst s3  }
0xc: {  	[smem:$0x3FB0] =	sst s4  }
0xd: {  	[smem:$0x3FB1] =	sst s5  }
0xe: {  	[smem:$0x3FB2] =	sst s6  }
0xf: {  	[smem:$0x3FB3] =	sst s7  }
0x10: {  	[smem:$0x3FB4] =	sst s8  }
0x11: {  	[smem:$0x3FB5] =	sst s9;
	s0 =	simm.s32 @!p0 $0x0  }
0x12: {  	s1 =	sld [smem:$0x3F9B];
	s0 =	simm.s32 @p0 $0x1  }
0x13: {  	[smem:$0x3FB6] =	sst s0;
	s0 =	simm.s32 @!p1 $0x0  }
0x14: {  	s2 =	sld [smem:$0x3F9A];
	s0 =	simm.s32 @p1 $0x1  }
0x15: {  	[smem:$0x3FB7] =	sst s0;
	s0 =	simm.s32 @!p2 $0x0  }
0x16: {  	s3 =	sld [smem:$0x3FDB];
	s0 =	simm.s32 @p2 $0x1  }
0x17: {  	s4 =	simm.s32 $0x1BF5;
	[smem:$0x3FB9] =	sst s0  }
0x18: {  	s0 =	sld [smem:$0x3F9C];
	_ =	swait.ge [sflag:s4], $0x0  }
0x19: {  	s7 =	sld [smem:$0x3F9D]  }
0x1a: {  	s8 =	sadd.s32 $0xFFFFE003, lr  }
0x1b: {  	s9 =	sadd.s32 $0xFFFFFEF7, lr;
	s5 =	simm.s32 $0xFFFFFFFF;
	p2 =	slt.u32 s8, $0xFFFFF086  }
0x1c: {  	p1 =	slt.u32 s9, $0xF7A;
	s5 =	simm.s32 @!p2 $0x0  }
0x1d: {  	s5 =	simm.s32 @p1 $0x1;
	p0 =	seq.s32 s7, s2  }
0x1e: {  	s7 =	smul.u32 @!p0 $0xF7A, s2;
	p2 =	seq.s32 @!p0 s5, $0x0  }
0x1f: {  	s9 =	smul.u32 $0xF7A, s1;
	s8 =	simm.s32 @!p0 $0x1BF5;
	p2 =	por !p2, p0  }
0x20: {  	[sflag:s8] =	ssyncset.s32 @!p0 $0xFFFFF086;
	s6 =	sadd.s32 @!p0 s3, s7;
	s7 =	simm.s32 @!p0 $0x108  }
0x21: {  	s3 =	sadd.s32 s3, s9;
	s6 =	sadd.s32 @!p0 $0x88, s6;
	s7 =	simm.s32 @p2 $0x1082  }
0x22: {  	[simem:s7], [sflag:s8] =	dma.local @!p0 [hbm:s6], $0xF7A  }
0x23: {  	s9 =	sor.u32 $0xD0000000, s2;
	s6 =	simm.s32 $0x108;
	_ =	swait.ge @!p0 [sflag:s8], $0x0  }
0x24: {  	s3 =	sadd.s32 $0x88, s3;
	s6 =	simm.s32 @!p1 $0x1082;
	[sflag:s4] =	ssyncset.s32 $0xFFFFF086  }
0x25: {  	[simem:s6], [sflag:s4] =	dma.local [hbm:s3], $0xF7A  }
0x26: {  	[smem:$0x3F9D] =	sst s1;
	(tag) =	ssettag s2;
	_ =	strace s9  }
0x27: {  	s1 =	sld [smem:$0x3FAD]  }
0x28: {  	s2 =	sld [smem:$0x3FAE]  }
0x29: {  	s4 =	sld [smem:$0x3FB0]  }
0x2a: {  	p0 =	seq.s32 s5, $0x0;
	s5 =	sld [smem:$0x3FB1]  }
0x2b: {  	s6 =	sld [smem:$0x3FB2]  }
0x2c: {  	s7 =	sld [smem:$0x3FB3]  }
0x2d: {  	s3 =	simm.s32 $0x108;
	s8 =	sld [smem:$0x3FB4]  }
0x2e: {  	s3 =	simm.s32 @!p0 $0x1082;
	s9 =	sld [smem:$0x3FB5]  }
0x2f: {  	lr =	sadd.s32 s0, s3;
	s0 =	sld [smem:$0x3FAC]  }
0x30: {  	s3 =	sld [smem:$0x3FAF]  }
0x31: {  	[smem:$0x3FB8] =	sst s10  }
0x32: {  	s10 =	sld [smem:$0x3FB6];
	_ =	sdelay $0x3  }
0x33: {  	p0 =	seq.s32 s10, $0x1;
	s10 =	sld [smem:$0x3FB8];
	_ =	sdelay $0x3  }
0x34: {  	[smem:$0x3FB8] =	sst s10  }
0x35: {  	s10 =	sld [smem:$0x3FB7];
	_ =	sdelay $0x3  }
0x36: {  	p1 =	seq.s32 s10, $0x1;
	s10 =	sld [smem:$0x3FB8];
	_ =	sdelay $0x3  }
0x37: {  	[smem:$0x3FB8] =	sst s10  }
0x38: {  	s10 =	sld [smem:$0x3FB9]  }
0x39: {  	_ = 	snop;
	(pc) =	sbr.ind lr, $3  }
0x3a: {  	_ = 	snop  }
0x3b: {  	_ = 	snop  }
0x3c: {  	p2 =	seq.s32 s10, $0x1;
	s10 =	sld [smem:$0x3FB8]  }
0x3d: {  	_ =	shalt  }
0x3e: {  	_ =	shalt  }
0x3f: {  	_ =	shalt  }
0x40: {  	_ =	shalt  }
0x41: {  	_ =	shalt  }
0x42: {  	_ =	shalt  }
0x43: {  	_ =	shalt  }
0x44: {  	_ =	shalt  }
0x45: {  	_ =	shalt  }
0x46: {  	_ =	shalt  }
0x47: {  	_ =	shalt  }
0x48: {  	_ =	shalt  }
0x49: {  	_ =	shalt  }
0x4a: {  	_ =	shalt  }
0x4b: {  	_ =	shalt  }
0x4c: {  	_ =	shalt  }
0x4d: {  	_ =	shalt  }
0x4e: {  	_ =	shalt  }
0x4f: {  	_ =	shalt  }
0x50: {  	_ =	shalt  }
0x51: {  	_ =	shalt  }
0x52: {  	_ =	shalt  }
0x53: {  	_ =	shalt  }
0x54: {  	_ =	shalt  }
0x55: {  	_ =	shalt  }
0x56: {  	_ =	shalt  }
0x57: {  	_ =	shalt  }
0x58: {  	_ =	shalt  }
0x59: {  	_ =	shalt  }
0x5a: {  	_ =	shalt  }
0x5b: {  	_ =	shalt  }
0x5c: {  	_ =	shalt  }
0x5d: {  	_ =	shalt  }
0x5e: {  	_ =	shalt  }
0x5f: {  	_ =	shalt  }
0x60: {  	_ =	shalt  }
0x61: {  	_ =	shalt  }
0x62: {  	_ =	shalt  }
0x63: {  	_ =	shalt  }
0x64: {  	_ =	shalt  }
0x65: {  	_ =	shalt  }
0x66: {  	_ =	shalt  }
0x67: {  	_ =	shalt  }
0x68: {  	_ =	shalt  }
0x69: {  	_ =	shalt  }
0x6a: {  	_ =	shalt  }
0x6b: {  	_ =	shalt  }
0x6c: {  	_ =	shalt  }
0x6d: {  	_ =	shalt  }
0x6e: {  	_ =	shalt  }
0x6f: {  	_ =	shalt  }
0x70: {  	_ =	shalt  }
0x71: {  	_ =	shalt  }
0x72: {  	_ =	shalt  }
0x73: {  	_ =	shalt  }
0x74: {  	_ =	shalt  }
0x75: {  	_ =	shalt  }
0x76: {  	_ =	shalt  }
0x77: {  	_ =	shalt  }
0x78: {  	_ =	shalt  }
0x79: {  	_ =	shalt  }
0x7a: {  	_ =	shalt  }
0x7b: {  	_ =	shalt  }
0x7c: {  	_ =	shalt  }
0x7d: {  	_ =	shalt  }
0x7e: {  	_ =	shalt  }
0x7f: {  	_ =	shalt  }
0x80: {  	_ =	shalt  }
0x81: {  	_ =	shalt  }
0x82: {  	_ =	shalt  }
0x83: {  	_ =	shalt  }
0x84: {  	_ =	shalt  }
0x85: {  	_ =	shalt  }
0x86: {  	_ =	shalt  }
0x87: {  	_ =	shalt  }
.Lfunc_end0:
.L_simem_size_0:
called_computation_lowered:
.L_overlay_start_0:
0x88: {  	s2 =	sld [smem:$0x3FD9]  }
0x89: {  	s3 =	sld [smem:$0x3FFE];
	_ =	sdelay $0x1  }
0x8a: {  	s1 =	srdreg.scid  }
0x8b: {  	s0 =	sand.u32 $0x1, s1  }
0x8c: {  	s17 =	sshll.u32 s0, $0xA;
	s2 =	sadd.s32 s3, s2  }
0x8d: {  	s2 =	sadd.s32 s2, s17  }
0x8e: {  	[smem:$0x3FC4] =	sst s2  }
0x8f: {  	_ = 	snop  }
0x90: {  	s2 =	sld [smem:$0x3FC9]  }
0x91: {  	s18 =	sld [smem:$0x3FC8]  }
0x92: {  	s4 =	sld [smem:$0x3FD0];
	(tm) =	ssettm $0x1  }
0x93: {  	s5 =	sld [smem:$0x3FFB];
	_ =	sdelay $0x3  }
0x94: {  	_ =	strace s5  }
0x95: {  	s5 =	sld [smem:$0x3FFC];
	_ =	sdelay $0x3  }
0x96: {  	_ =	strace s5  }
0x97: {  	s5 =	sld [smem:$0x3FFD];
	_ =	sdelay $0x3  }
0x98: {  	_ =	strace s5  }
0x99: {  	_ =	strace $0x8FFFFFFF  }
0x9a: {  	s19 =	sld [smem:$0x3FDB];
	_ =	sdelay $0x1  }
0x9b: {  	s6 =	simm.s32 $_scs_section_size  }
0x9c: {  	s7 =	simm.s32 $_size__tile_overlayer_lowered;
	s8 =	simm.s32 $_tile_overlayer_lowered  }
0x9d: {  	s22 =	simm.s32 $0x1BFF;
	s21 =	sshll.u32 s8, $0x1;
	s5 =	sadd.s32 s6, s19  }
0x9e: {  	s9 =	simm.s32 $0x0;
	s20 =	sshll.u32 s7, $0x1;
	s7 =	sadd.s32 s21, s5  }
0x9f: {  	[timem:s9], [sflag:s22] =	dma.local [hbm:s7], s20  }
0xa0: {  	_ =	swait.ge [sflag:s22], s20  }
0xa1: {  	s6 =	ssub.s32 $0x0, s20;
	[sflag:s22] =	ssyncset.done $0x0  }
0xa2: {  	[sflag:s22] =	ssyncadd.s32 s6;
	_ =	sdelay $0x1  }
0xa3: {  	s23 =	simm.s32 $0x1B8B  }
0xa4: {  	_ =	swait.ge [sflag:s23], $0x1  }
0xa5: {  	[sflag:s23] =	ssyncset.done $0x0  }
0xa6: {  	s25 =	simm.s32 $0x1B8E;
	s24 =	sld [smem:$0x3FFE];
	[sflag:s23] =	ssyncadd.s32 $0xFFFFFFFF  }
0xa7: {  	s26 =	simm.s32 $execute0_lowered;
	[smem:$0x3FD2] =	sst s25  }
0xa8: {  	s7 =	sshll.u32 s26, $0x1;
	_ =	strace $0x80000046;
	[dreg:$0x1] =	wrdreg $0xFFFFFFFF  }
0xa9: {  	s28 =	simm.s32 $_size_execute0_lowered;
	s5 =	sadd.s32 s5, s7;
	[dreg:$0x0] =	wrdreg $0x0  }
0xaa: {  	s7 =	sshll.u32 s28, $0x1;
	[dreg:$0x2] =	wrdreg s5  }
0xab: {  	[dreg:$0x3] =	wrdreg s7  }
0xac: {  	[dreg:$0x4] =	wrdreg $0xC0  }
0xad: {  	_ =	task [dreg:s9], $0x5FFFF  }
0xae: {  	[dreg:$0x1] =	wrdreg $0xFFFFFFFF  }
0xaf: {  	[dreg:$0x0] =	wrdreg $0x60  }
0xb0: {  	[dreg:$0x2] =	wrdreg s2  }
0xb1: {  	[dreg:$0x3] =	wrdreg s18  }
0xb2: {  	[dreg:$0x4] =	wrdreg s24  }
0xb3: {  	[dreg:$0x5] =	wrdreg s4  }
0xb4: {  	[dreg:$0x6] =	wrdreg $0x9  }
0xb5: {  	_ =	task.clear_ibuf [dreg:s9], $0x7FFFF;
	_ =	strace $0x90000046  }
0xb6: {  	s29 =	simm.s32 $0x9;
	_ =	strace $0x80000048  }
0xb7: {  	_ =	swait.ge [sflag:s29], $0x1  }
0xb8: {  	[sflag:s29] =	ssyncadd.s32 $0xFFFFFFFF  }
0xb9: {  	_ =	strace $0x90000048  }
0xba: {  	_ =	sfence  }
0xbb: {  	s30 =	sld [smem:$0x0];
	_ =	sdelay $0x2  }
0xbc: {  	s31 =	sshll.u32 s1, $0xD;
	s1 =	sshrl.u32 s1, $0x2  }
0xbd: {  	s3 =	sand.u32 $0x4000, s31;
	s1 =	sadd.s32 s1, s30  }
0xbe: {  	s0 =	sor.u32 s3, s0;
	s1 =	sshll.u32 s1, $0x11  }
0xbf: {  	s0 =	sor.u32 s1, s0  }
0xc0: {  	s0 =	sadd.s32 $0x8F2B, s0  }
0xc1: {  	[sflag:s0] =	ssyncadd.remote.s32 $0x1  }
0xc2: {  	_ =	sfence.sel $0xFFFF  }
0xc3: {  	[dreg:$0x0] =	wrdreg $0xFFFFFFFF;
	(pc) =	sbr.abs _section_cstart, $3  }
0xc4: {  	[dreg:$0x1] =	wrdreg $0xFFFFFFFF  }
0xc5: {  	_ =	task.clear_ibuf [dreg:s9], $0x2FFFF;
	_ =	strace $0x9FFFFFFF  }
0xc6: {  	(tm) =	ssettm $0x7FFFFFFF  }
0xc7: {  	_ =	shalt  }
tec
execute0_lowered:
.L_overlay_start_1:
0x0: {  	(tag) =	ssettag $0x1  }
0x1: {  	s0 =	rddreg [dreg:$0x0]  }
0x2: {  	s2 =	rddreg [dreg:$0x1]  }
0x3: {  	s4 =	rddreg [dreg:$0x2];
	v0 =	vimm.s32 $0xEFCDAB89;
	v1 =	vimm.s32 $0x67452301  }
0x4: {  	s5 =	rddreg [dreg:$0x3];
	s1 =	simm.s32 $0x0;
	s6 =	srdreg.scid;
	v2 =	vimm.s32 $0xDCFE98BA;
	v3 =	vimm.s32 $0x54761032;
	v4 =	vimm.s32 $0xBA98FEDC  }
0x5: {  	s8 =	stileid.u32;
	s22 =	simm.s32 $0x3;
	v5 =	vimm.s32 $0x32107654;
	v6 =	vimm.s32 $0xFEDCBA98;
	s28 =	simm.s32 $0x5C00  }
0x6: {  	v7 =	vimm.s32 $0x76543210;
	s29 =	simm.s32 $0xDC00;
	s30 =	simm.s32 $0x6000;
	s31 =	simm.s32 $0xE000  }
0x7: {  	s10 =	simm.s32 $0x6800;
	vm0 =	vmmov $0x1;
	vm1 =	vmmov $0x3;
	vm2 =	vmmov $0x7;
	s11 =	simm.s32 $0x7400;
	s12 =	simm.s32 $0xF400  }
0x8: {  	vm3 =	vmmov $0xf;
	vm4 =	vmmov $0x1f;
	vm5 =	vmmov $0x3f;
	s13 =	simm.s32 $0x7800;
	s14 =	simm.s32 $0xF800;
	s15 =	simm.s32 $0x7C00  }
0x9: {  	vm6 =	vmmov $0x7f;
	vm7 =	vmmov $0xff;
	vm8 =	vmmov $0x1ff;
	s16 =	simm.s32 $0xFC00;
	s17 =	simm.s32 $0x8000;
	s18 =	simm.s32 $0x10000  }
0xa: {  	vm9 =	vmmov $0x3ff;
	vm10 =	vmmov $0x7ff;
	vm11 =	vmmov $0xfff;
	s19 =	simm.s32 $0x1;
	s20 =	simm.s32 $0x2;
	s23 =	simm.s32 $0x0  }
0xb: {  	vm12 =	vmmov $0x1fff;
	[smem:$0x7FF] =	sst s1;
	s3 =	sadd.s32 $0x400, s4;
	s6 =	sand.u32 $0x1, s6;
	v0 =	vunpack.c.l.s4.s8 v0;
	v1 =	vunpack.c.l.s4.s8 v1  }
0xc: {  	s8 =	sshll.u32 s8, $0x7;
	s4 =	sadd.s32 $0xF42800, s4;
	v2 =	vunpack.c.l.s4.s8 v2;
	v3 =	vunpack.c.l.s4.s8 v3;
	v4 =	vunpack.c.l.s4.s8 v4;
	s7 =	ssub.s32 $0x2, s6  }
0xd: {  	v5 =	vunpack.c.l.s4.s8 v5;
	v6 =	vunpack.c.l.s4.s8 v6;
	v7 =	vunpack.c.l.s4.s8 v7;
	_ =	strace $0x80000047;
	s6 =	sshll.u32 s6, $0x6;
	s9 =	sshrl.u32 s7, $0x1  }
0xe: {  	s6 =	sor.u32 s6, s8;
	v0 =	vunpack.c.0.s8.s32 v0;
	v1 =	vunpack.c.0.s8.s32 v1;
	v2 =	vunpack.c.0.s8.s32 v2;
	s8 =	simm.s32 $0x7000;
	s7 =	ssub.s32 s7, s9  }
.Ltmp0:
0xf: {  	v3 =	vunpack.c.0.s8.s32 v3;
	v4 =	vunpack.c.0.s8.s32 v4;
	v5 =	vunpack.c.0.s8.s32 v5;
	s0 =	sadd.s32 s0, s6;
	s24 =	sadd.s32 s2, s6;
	(pc) =	sbr.rel .LBB2_1-.Ltmp0, $4  }
0x10: {  	vm13 =	vmmov $0x3fff;
	s25 =	sadd.s32 s5, s6;
	s2 =	simm.s32 $0xE400;
	[dreg:$0x5] =	wrdreg s0;
	v0 =	vcombine.low v1, v0;
	v1 =	vunpack.c.0.s8.s32 v6  }
0x11: {  	s5 =	simm.s32 $0xE800;
	s6 =	simm.s32 $0x6C00;
	[dreg:$0x6] =	wrdreg s24;
	v2 =	vcombine.low v3, v2;
	v3 =	vcombine.low v5, v4;
	v4 =	vunpack.c.0.s8.s32 v7  }
0x12: {  	vm14 =	vmmov $0x7fff;
	s9 =	simm.s32 $0xF000;
	[dreg:$0x7] =	wrdreg s25;
	s26 =	smax.u32 s7, $0x1;
	v0 =	vand.u32 $0xF, v0;
	v5 =	vand.u32 $0xF, v1  }
0x13: {  	s0 =	simm.s32 $0x6400;
	s7 =	simm.s32 $0xEC00;
	[dreg:$0x8] =	wrdreg s26;
	v1 =	vand.u32 $0xF, v2;
	v2 =	vand.u32 $0xF, v3;
	v3 =	vcombine.low v5, v4  }
.LBB2_5:
0x14: {  	s21 =	rddreg [dreg:$0x7];
	s22 =	simm.s32 $0x10400  }
0x15: {  	[hbm4b:s21+s1] =	stream.linear.scatter [tilespmem:s22], [sflag:$0x3], $0x200, $0x38;
	[tilespmem:$0x10600] =	vst v63  }
0x16: {  	s22 =	simm.s32 $0x3  }
0x17: {  	_ =	swait.ge [sflag:s22], $0x200  }
0x18: {  	s23 =	rddreg [dreg:$0x9]  }
0x19: {  	s26 =	rddreg [dreg:$0x8];
	s23 =	sadd.s32 $0x1, s23  }
0x1a: {  	p0 =	sne.s32 s23, s26  }
.Ltmp1:
0x1b: {  	_ = 	snop;
	(pc) =	sbr.rel @!p0 .LBB2_6-.Ltmp1, $3  }
0x1c: {  	_ =	sdelay $0x1  }
0x1d: {  	[sflag:s22] =	ssyncset.done $0x0  }
0x1e: {  	[sflag:s22] =	ssyncadd.s32 $0xFFFFFE00  }
.LBB2_1:
0x1f: {  	[dreg:$0x9] =	wrdreg s23  }
0x20: {  	s21 =	rddreg [dreg:$0x5]  }
0x21: {  	[tilespmem:s1], [sflag:$0x3] =	stream.linear.gather [hbm4b:s21+s1], $0x200, $0x38;
	[tilespmem:$0x10600] =	vst v63  }
0x22: {  	_ =	swait.ge [sflag:s22], $0x200  }
0x23: {  	[sflag:s22] =	ssyncset.done $0x0  }
0x24: {  	s26 =	simm.s32 $0x200;
	s25 =	rddreg [dreg:$0x6];
	[sflag:s22] =	ssyncadd.s32 $0xFFFFFE00  }
0x25: {  	[tilespmem:s26], [sflag:$0x3] =	stream.linear.gather [hbm4b:s25+s1], $0x200, $0x38;
	[tilespmem:$0x10600] =	vst v63  }
0x26: {  	_ =	swait.ge [sflag:s22], $0x200  }
0x27: {  	[sflag:s22] =	ssyncset.done $0x0  }
0x28: {  	[sflag:s22] =	ssyncadd.s32 $0xFFFFFE00  }
0x29: {  	v4 =	vld [tilespmem:$0x0];
	_ =	sdelay $0x1  }
0x2a: {  	v5 =	vld [tilespmem:$0x200];
	_ =	sdelay $0x2  }
0x2b: {  	v4 =	vand.u32 $0xFFFFFFF8, v4  }
0x2c: {  	v4 =	vshll.u32 v4, $0x4  }
0x2d: {  	v5 =	vand.u32 $0xFFFFFFF8, v5;
	v4 =	vadd.s32 s3, v4  }
0x2e: {  	v5 =	vshll.u32 v5, $0x4;
	(v2sf) =	vpush v4, $0x0  }
0x2f: {  	v5 =	vadd.s32 s4, v5  }
0x30: {  	(v2sf) =	vpush v5, $0x0;
	_ =	sdelay $0x1  }
0x31: {  	(v2sf) =	vpush v4, $0x1;
	_ =	sdelay $0x1  }
0x32: {  	(v2sf) =	vpush v5, $0x1;
	_ =	sdelay $0x1  }
0x33: {  	(v2sf) =	vpush v4, $0x2;
	_ =	sdelay $0x1  }
0x34: {  	(v2sf) =	vpush v5, $0x2;
	_ =	sdelay $0x1  }
0x35: {  	(v2sf) =	vpush v4, $0x3;
	_ =	sdelay $0x1  }
0x36: {  	(v2sf) =	vpush v5, $0x3  }
0x37: {  	s24 =	simm.s32 $0x400;
	s23 =	spop (v2sf)  }
0x38: {  	(v2sf) =	vpush v4, $0x4;
	[tilespmem:s24], [sflag:$0x1] =	stream.linear.gather [hbm4b:s23+s1], $0x400, $0x38;
	[tilespmem:$0x10600] =	vst v63  }
0x39: {  	s26 =	simm.s32 $0x8400;
	s25 =	spop (v2sf)  }
0x3a: {  	(v2sf) =	vpush v5, $0x4;
	[tilespmem:s26], [sflag:$0x1] =	stream.linear.gather [hbm4b:s25+s1], $0x400, $0x38;
	[tilespmem:$0x10600] =	vst v63  }
0x3b: {  	s24 =	simm.s32 $0x800;
	s23 =	spop (v2sf)  }
0x3c: {  	(v2sf) =	vpush v4, $0x5;
	[tilespmem:s24], [sflag:$0x1] =	stream.linear.gather [hbm4b:s23+s1], $0x400, $0x38;
	[tilespmem:$0x10600] =	vst v63  }
0x3d: {  	s25 =	spop (v2sf);
	s26 =	simm.s32 $0x8800  }
0x3e: {  	(v2sf) =	vpush v5, $0x5;
	[tilespmem:s26], [sflag:$0x1] =	stream.linear.gather [hbm4b:s25+s1], $0x400, $0x38;
	[tilespmem:$0x10600] =	vst v63  }
0x3f: {  	s23 =	spop (v2sf);
	s24 =	simm.s32 $0xC00  }
0x40: {  	(v2sf) =	vpush v4, $0x6;
	[tilespmem:s24], [sflag:$0x1] =	stream.linear.gather [hbm4b:s23+s1], $0x400, $0x38;
	[tilespmem:$0x10600] =	vst v63  }
0x41: {  	s25 =	spop (v2sf);
	s26 =	simm.s32 $0x8C00  }
0x42: {  	(v2sf) =	vpush v5, $0x6;
	[tilespmem:s26], [sflag:$0x1] =	stream.linear.gather [hbm4b:s25+s1], $0x400, $0x38;
	[tilespmem:$0x10600] =	vst v63  }
0x43: {  	s23 =	spop (v2sf);
	s24 =	simm.s32 $0x1000  }
0x44: {  	(v2sf) =	vpush v4, $0x7;
	[tilespmem:s24], [sflag:$0x1] =	stream.linear.gather [hbm4b:s23+s1], $0x400, $0x38;
	[tilespmem:$0x10600] =	vst v63  }
0x45: {  	s25 =	spop (v2sf);
	s26 =	simm.s32 $0x9000  }
0x46: {  	(v2sf) =	vpush v5, $0x7;
	[tilespmem:s26], [sflag:$0x1] =	stream.linear.gather [hbm4b:s25+s1], $0x400, $0x38;
	[tilespmem:$0x10600] =	vst v63  }
0x47: {  	s24 =	simm.s32 $0x1400;
	s23 =	spop (v2sf)  }
0x48: {  	(v2sf) =	vpush v4, $0x8;
	[tilespmem:s24], [sflag:$0x1] =	stream.linear.gather [hbm4b:s23+s1], $0x400, $0x38;
	[tilespmem:$0x10600] =	vst v63  }
0x49: {  	s26 =	simm.s32 $0x9400;
	s25 =	spop (v2sf)  }
0x4a: {  	(v2sf) =	vpush v5, $0x8;
	[tilespmem:s26], [sflag:$0x1] =	stream.linear.gather [hbm4b:s25+s1], $0x400, $0x38;
	[tilespmem:$0x10600] =	vst v63  }
0x4b: {  	s23 =	spop (v2sf);
	s24 =	simm.s32 $0x1800  }
0x4c: {  	(v2sf) =	vpush v4, $0x9;
	[tilespmem:s24], [sflag:$0x1] =	stream.linear.gather [hbm4b:s23+s1], $0x400, $0x38;
	[tilespmem:$0x10600] =	vst v63  }
0x4d: {  	s25 =	spop (v2sf);
	s26 =	simm.s32 $0x9800  }
0x4e: {  	(v2sf) =	vpush v5, $0x9;
	[tilespmem:s26], [sflag:$0x1] =	stream.linear.gather [hbm4b:s25+s1], $0x400, $0x38;
	[tilespmem:$0x10600] =	vst v63  }
0x4f: {  	s23 =	spop (v2sf);
	s24 =	simm.s32 $0x1C00  }
0x50: {  	(v2sf) =	vpush v4, $0xA;
	[tilespmem:s24], [sflag:$0x1] =	stream.linear.gather [hbm4b:s23+s1], $0x400, $0x38;
	[tilespmem:$0x10600] =	vst v63  }
0x51: {  	s25 =	spop (v2sf);
	s26 =	simm.s32 $0x9C00  }
0x52: {  	(v2sf) =	vpush v5, $0xA;
	[tilespmem:s26], [sflag:$0x1] =	stream.linear.gather [hbm4b:s25+s1], $0x400, $0x38;
	[tilespmem:$0x10600] =	vst v63  }
0x53: {  	s23 =	spop (v2sf);
	s24 =	simm.s32 $0x2000  }
0x54: {  	(v2sf) =	vpush v4, $0xB;
	[tilespmem:s24], [sflag:$0x1] =	stream.linear.gather [hbm4b:s23+s1], $0x400, $0x38;
	[tilespmem:$0x10600] =	vst v63  }
0x55: {  	s25 =	spop (v2sf);
	s26 =	simm.s32 $0xA000  }
0x56: {  	(v2sf) =	vpush v5, $0xB;
	[tilespmem:s26], [sflag:$0x1] =	stream.linear.gather [hbm4b:s25+s1], $0x400, $0x38;
	[tilespmem:$0x10600] =	vst v63  }
0x57: {  	s24 =	simm.s32 $0x2400;
	s23 =	spop (v2sf)  }
0x58: {  	(v2sf) =	vpush v4, $0xC;
	[tilespmem:s24], [sflag:$0x1] =	stream.linear.gather [hbm4b:s23+s1], $0x400, $0x38;
	[tilespmem:$0x10600] =	vst v63  }
0x59: {  	s25 =	spop (v2sf);
	s26 =	simm.s32 $0xA400  }
0x5a: {  	(v2sf) =	vpush v5, $0xC;
	[tilespmem:s26], [sflag:$0x1] =	stream.linear.gather [hbm4b:s25+s1], $0x400, $0x38;
	[tilespmem:$0x10600] =	vst v63  }
0x5b: {  	s23 =	spop (v2sf);
	s24 =	simm.s32 $0x2800  }
0x5c: {  	(v2sf) =	vpush v4, $0xD;
	[tilespmem:s24], [sflag:$0x1] =	stream.linear.gather [hbm4b:s23+s1], $0x400, $0x38;
	[tilespmem:$0x10600] =	vst v63  }
0x5d: {  	s25 =	spop (v2sf);
	s26 =	simm.s32 $0xA800  }
0x5e: {  	(v2sf) =	vpush v5, $0xD;
	[tilespmem:s26], [sflag:$0x1] =	stream.linear.gather [hbm4b:s25+s1], $0x400, $0x38;
	[tilespmem:$0x10600] =	vst v63  }
0x5f: {  	s23 =	spop (v2sf);
	s24 =	simm.s32 $0x2C00  }
0x60: {  	(v2sf) =	vpush v4, $0xE;
	[tilespmem:s24], [sflag:$0x1] =	stream.linear.gather [hbm4b:s23+s1], $0x400, $0x38;
	[tilespmem:$0x10600] =	vst v63  }
0x61: {  	s25 =	spop (v2sf);
	s26 =	simm.s32 $0xAC00  }
0x62: {  	(v2sf) =	vpush v5, $0xE;
	[tilespmem:s26], [sflag:$0x1] =	stream.linear.gather [hbm4b:s25+s1], $0x400, $0x38;
	[tilespmem:$0x10600] =	vst v63  }
0x63: {  	s23 =	spop (v2sf);
	s24 =	simm.s32 $0x3000  }
0x64: {  	[tilespmem:s24], [sflag:$0x1] =	stream.linear.gather [hbm4b:s23+s1], $0x400, $0x38;
	[tilespmem:$0x10600] =	vst v63  }
0x65: {  	(v2sf) =	vpush v4, $0xF;
	s25 =	spop (v2sf);
	s26 =	simm.s32 $0xB000  }
0x66: {  	[tilespmem:s26], [sflag:$0x1] =	stream.linear.gather [hbm4b:s25+s1], $0x400, $0x38;
	[tilespmem:$0x10600] =	vst v63  }
0x67: {  	(v2sf) =	vpush v5, $0xF;
	s23 =	spop (v2sf);
	s24 =	simm.s32 $0x3400  }
0x68: {  	[tilespmem:s24], [sflag:$0x1] =	stream.linear.gather [hbm4b:s23+s1], $0x400, $0x38;
	[tilespmem:$0x10600] =	vst v63  }
0x69: {  	s25 =	spop (v2sf);
	s26 =	simm.s32 $0xB400  }
0x6a: {  	[tilespmem:s26], [sflag:$0x1] =	stream.linear.gather [hbm4b:s25+s1], $0x400, $0x38;
	[tilespmem:$0x10600] =	vst v63  }
0x6b: {  	s23 =	spop (v2sf);
	s24 =	simm.s32 $0x3800  }
0x6c: {  	[tilespmem:s24], [sflag:$0x1] =	stream.linear.gather [hbm4b:s23+s1], $0x400, $0x38;
	[tilespmem:$0x10600] =	vst v63  }
0x6d: {  	s25 =	spop (v2sf);
	s26 =	simm.s32 $0xB800  }
0x6e: {  	[tilespmem:s26], [sflag:$0x1] =	stream.linear.gather [hbm4b:s25+s1], $0x400, $0x38;
	[tilespmem:$0x10600] =	vst v63  }
0x6f: {  	s23 =	spop (v2sf);
	s24 =	simm.s32 $0x3C00  }
0x70: {  	[tilespmem:s24], [sflag:$0x1] =	stream.linear.gather [hbm4b:s23+s1], $0x400, $0x38;
	[tilespmem:$0x10600] =	vst v63  }
0x71: {  	s25 =	spop (v2sf);
	s26 =	simm.s32 $0xBC00  }
0x72: {  	[tilespmem:s26], [sflag:$0x1] =	stream.linear.gather [hbm4b:s25+s1], $0x400, $0x38;
	[tilespmem:$0x10600] =	vst v63  }
.Ltmp2:
0x73: {  	_ = 	snop;
	(pc) =	sbr.rel .LBB2_2-.Ltmp2, $4  }
0x74: {  	s23 =	spop (v2sf);
	s24 =	simm.s32 $0x4000  }
0x75: {  	[tilespmem:s24], [sflag:$0x1] =	stream.linear.gather [hbm4b:s23+s1], $0x400, $0x38;
	[tilespmem:$0x10600] =	vst v63  }
0x76: {  	s21 =	simm.s32 $0x0;
	s25 =	spop (v2sf);
	s26 =	simm.s32 $0xC000  }
0x77: {  	[tilespmem:s26], [sflag:$0x1] =	stream.linear.gather [hbm4b:s25+s1], $0x400, $0x38;
	[tilespmem:$0x10600] =	vst v63  }
.LBB2_4:
0x78: {  	_ =	swait.ge [sflag:s20], $0x4000  }
0x79: {  	[sflag:s20] =	ssyncset.done $0x0  }
0x7a: {  	[sflag:s20] =	ssyncadd.s32 $0xFFFFC000  }
0x7b: {  	_ =	swait.ge [sflag:s20], $0x4000  }
0x7c: {  	[sflag:s20] =	ssyncset.done $0x0  }
0x7d: {  	[sflag:s20] =	ssyncadd.s32 $0xFFFFC000  }
0x7e: {  	v4 =	vld [tilespmem:s22+$0x10];
	_ =	sdelay $0x4  }
0x7f: {  	v4 =	vand.u32 $0x7, v4  }
0x80: {  	v5 =	vshll.u32 v4, $0x7  }
0x81: {  	(v2sf) =	vpush v5, $0x1  }
0x82: {  	v6 =	vld [tilespmem:s22+$0x210];
	_ =	sdelay $0x2  }
0x83: {  	(v2sf) =	vpush v5, $0x0;
	_ =	sdelay $0x1  }
0x84: {  	v4 =	vand.u32 $0x7, v6  }
0x85: {  	v4 =	vshll.u32 v4, $0x7  }
0x86: {  	(v2sf) =	vpush v4, $0x1;
	_ =	sdelay $0x3  }
0x87: {  	(v2sf) =	vpush v4, $0x0;
	_ =	sdelay $0x2  }
0x88: {  	s23 =	spop (v2sf)  }
0x89: {  	(v2sf) =	vpush v5, $0x3;
	v28 =	vld [tilespmem:s23+$0x4800]  }
0x8a: {  	v34 =	vld [tilespmem:s23+$0x4810]  }
0x8b: {  	v36 =	vld [tilespmem:s23+$0x4820]  }
0x8c: {  	s24 =	spop (v2sf);
	v38 =	vld [tilespmem:s23+$0x4830]  }
0x8d: {  	(v2sf) =	vpush v5, $0x2;
	v6 =	vld [tilespmem:s24+$0x4400]  }
0x8e: {  	v12 =	vld [tilespmem:s24+$0x4410]  }
0x8f: {  	v16 =	vld [tilespmem:s24+$0x4420]  }
0x90: {  	s25 =	spop (v2sf);
	v23 =	vld [tilespmem:s24+$0x4430]  }
0x91: {  	(v2sf) =	vpush v4, $0x3;
	v33 =	vld [tilespmem:s25+$0xC800]  }
0x92: {  	v35 =	vld [tilespmem:s25+$0xC810]  }
0x93: {  	v37 =	vld [tilespmem:s25+$0xC820]  }
0x94: {  	s26 =	spop (v2sf);
	v39 =	vld [tilespmem:s25+$0xC830]  }
0x95: {  	(v2sf) =	vpush v4, $0x2;
	v9 =	vld [tilespmem:s26+$0xC400]  }
0x96: {  	v15 =	vld [tilespmem:s26+$0xC410]  }
0x97: {  	v21 =	vld [tilespmem:s26+$0xC420]  }
0x98: {  	v26 =	vld [tilespmem:s26+$0xC430];
	s24 =	spop (v2sf)  }
0x99: {  	(v2sf) =	vpush v5, $0x5;
	v48 =	vld [tilespmem:s24+$0x5000]  }
0x9a: {  	v50 =	vld [tilespmem:s24+$0x5010]  }
0x9b: {  	v52 =	vld [tilespmem:s24+$0x5020]  }
0x9c: {  	s23 =	spop (v2sf);
	(v2sf) =	vpush v5, $0x4;
	v54 =	vld [tilespmem:s24+$0x5030]  }
0x9d: {  	v40 =	vld [tilespmem:s23+$0x4C00]  }
0x9e: {  	v42 =	vld [tilespmem:s23+$0x4C10]  }
0x9f: {  	v44 =	vld [tilespmem:s23+$0x4C20]  }
0xa0: {  	s25 =	spop (v2sf);
	(v2sf) =	vpush v4, $0x5;
	v46 =	vld [tilespmem:s23+$0x4C30]  }
0xa1: {  	v49 =	vld [tilespmem:s25+$0xD000]  }
0xa2: {  	v51 =	vld [tilespmem:s25+$0xD010]  }
0xa3: {  	v53 =	vld [tilespmem:s25+$0xD020]  }
0xa4: {  	s26 =	spop (v2sf);
	(v2sf) =	vpush v4, $0x4;
	v55 =	vld [tilespmem:s25+$0xD030]  }
0xa5: {  	v41 =	vld [tilespmem:s26+$0xCC00]  }
0xa6: {  	v43 =	vld [tilespmem:s26+$0xCC10]  }
0xa7: {  	v45 =	vld [tilespmem:s26+$0xCC20]  }
0xa8: {  	v47 =	vld [tilespmem:s26+$0xCC30];
	s23 =	spop (v2sf)  }
0xa9: {  	(v2sf) =	vpush v5, $0x7;
	v60 =	vld [tilespmem:s23+$0x5800]  }
0xaa: {  	v62 =	vld [tilespmem:s23+$0x5810]  }
0xab: {  	s24 =	spop (v2sf);
	(v2sf) =	vpush v5, $0x6;
	v8 =	vld [tilespmem:s23+$0x5820]  }
0xac: {  	v6 =	vmul.f32 v9, v6;
	v32 =	vmul.f32 v15, v12;
	v22 =	vld [tilespmem:s23+$0x5830]  }
0xad: {  	v33 =	vmul.f32 v33, v28;
	v56 =	vld [tilespmem:s24+$0x5400]  }
0xae: {  	v34 =	vmul.f32 v35, v34;
	v9 =	vmul.f32 v21, v16;
	v6 =	vadd.f32 v32, v6;
	v58 =	vld [tilespmem:s24+$0x5410]  }
0xaf: {  	v36 =	vmul.f32 v37, v36;
	s25 =	spop (v2sf);
	(v2sf) =	vpush v4, $0x7;
	v10 =	vld [tilespmem:s24+$0x5420]  }
0xb0: {  	v35 =	vmul.f32 v26, v23;
	v12 =	vadd.f32 v34, v33;
	v6 =	vadd.f32 v9, v6;
	v11 =	vld [tilespmem:s24+$0x5430]  }
0xb1: {  	v61 =	vld [tilespmem:s25+$0xD800]  }
0xb2: {  	v39 =	vmul.f32 v39, v38;
	v37 =	vadd.f32 v36, v12;
	v6 =	vadd.f32 v35, v6;
	v63 =	vld [tilespmem:s25+$0xD810]  }
0xb3: {  	v48 =	vmul.f32 v49, v48;
	v49 =	vmul.f32 v51, v50;
	s26 =	spop (v2sf);
	(v2sf) =	vpush v4, $0x6;
	v7 =	vld [tilespmem:s25+$0xD820]  }
0xb4: {  	v41 =	vmul.f32 v41, v40;
	v43 =	vmul.f32 v43, v42;
	v29 =	vld [tilespmem:s25+$0xD830]  }
0xb5: {  	v9 =	vadd.f32 v39, v37;
	v50 =	vperm.xlane v6, v0;
	v51 =	vmul.f32 v45, v44;
	v57 =	vld [tilespmem:s26+$0xD400]  }
0xb6: {  	v45 =	vmul.f32 v53, v52;
	v12 =	vadd.f32 v49, v48;
	v15 =	vadd.f32 v43, v41;
	v59 =	vld [tilespmem:s26+$0xD410]  }
0xb7: {  	v44 =	vperm.xlane v9, v0;
	v46 =	vmul.f32 v47, v46;
	v13 =	vld [tilespmem:s26+$0xD420]  }
0xb8: {  	v47 =	vmul.f32 v55, v54;
	v12 =	vadd.f32 v45, v12;
	v15 =	vadd.f32 v51, v15;
	v14 =	vld [tilespmem:s26+$0xD430];
	s26 =	spop (v2sf)  }
0xb9: {  	v6 =	vadd.f32 v6, v50;
	v9 =	vadd.f32 v9, v44;
	v21 =	vld [tilespmem:s26+$0x6020]  }
0xba: {  	v12 =	vadd.f32 v47, v12;
	v15 =	vadd.f32 v46, v15;
	s23 =	spop (v2sf);
	v16 =	vld [tilespmem:s26+$0x6030]  }
0xbb: {  	v48 =	vperm.xlane v6, v1;
	v49 =	vperm.xlane v9, v1;
	(v2sf) =	vpush v5, $0x9;
	v20 =	vld [tilespmem:s23+$0x5C00]  }
0xbc: {  	v51 =	vperm.xlane v12, v0;
	v50 =	vperm.xlane v15, v0;
	v30 =	vld [tilespmem:s23+$0x5C10]  }
0xbd: {  	v6 =	vadd.f32 v6, v48;
	v9 =	vadd.f32 v9, v49;
	v17 =	vld [tilespmem:s23+$0x5C20]  }
0xbe: {  	v12 =	vadd.f32 v12, v51;
	v15 =	vadd.f32 v15, v50;
	s25 =	spop (v2sf);
	v19 =	vld [tilespmem:s23+$0x5C30]  }
0xbf: {  	v52 =	vperm.xlane v6, v2;
	v53 =	vperm.xlane v9, v2;
	(v2sf) =	vpush v5, $0x8;
	v24 =	vld [tilespmem:s25+$0xE000]  }
0xc0: {  	v55 =	vperm.xlane v12, v1;
	v54 =	vperm.xlane v15, v1;
	v32 =	vld [tilespmem:s25+$0xE010]  }
0xc1: {  	v45 =	vadd.f32 v6, v52;
	v46 =	vadd.f32 v9, v53;
	v28 =	vld [tilespmem:s25+$0xE020]  }
0xc2: {  	v52 =	vadd.f32 v12, v55;
	v50 =	vadd.f32 v15, v54;
	s24 =	spop (v2sf);
	v23 =	vld [tilespmem:s25+$0xE030]  }
0xc3: {  	v55 =	vmul.f32 v61, v60;
	v61 =	vmul.f32 v63, v62;
	(v2sf) =	vpush v4, $0x9;
	v27 =	vld [tilespmem:s24+$0xDC00]  }
0xc4: {  	v53 =	vmul.f32 v57, v56;
	v54 =	vmul.f32 v59, v58;
	(v2sf) =	vpush v4, $0x8;
	v25 =	vld [tilespmem:s24+$0xDC30]  }
0xc5: {  	v7 =	vmul.f32 v7, v8;
	v31 =	vld [tilespmem:s24+$0xDC10]  }
0xc6: {  	v63 =	vmul.f32 v13, v10;
	v58 =	vadd.f32 v61, v55;
	v62 =	vadd.f32 v54, v53;
	v18 =	vld [tilespmem:s24+$0xDC20]  }
0xc7: {  	[tilespmem:$0x1FFE0] =	vst v19;
	v19 =	vld [tilespmem:s26+$0x6000]  }
0xc8: {  	v61 =	vmul.f32 v14, v11;
	v7 =	vadd.f32 v7, v58;
	v59 =	vadd.f32 v63, v62;
	v58 =	vld [tilespmem:$0x1FFE0]  }
0xc9: {  	[tilespmem:$0x1FFF0] =	vst v25;
	v25 =	vld [tilespmem:s26+$0x6010]  }
0xca: {  	v8 =	vadd.f32 v61, v59;
	v59 =	vld [tilespmem:$0x1FFF0];
	s24 =	spop (v2sf)  }
0xcb: {  	(v2sf) =	vpush v5, $0xB;
	v35 =	vld [tilespmem:s24+$0x6800]  }
0xcc: {  	v44 =	vld [tilespmem:s24+$0x6810]  }
0xcd: {  	v42 =	vld [tilespmem:s24+$0x6820]  }
0xce: {  	s23 =	spop (v2sf);
	(v2sf) =	vpush v5, $0xA;
	v48 =	vld [tilespmem:s24+$0x6830]  }
0xcf: {  	v26 =	vld [tilespmem:s23+$0x6400]  }
0xd0: {  	v36 =	vld [tilespmem:s23+$0x6410]  }
0xd1: {  	v40 =	vld [tilespmem:s23+$0x6420]  }
0xd2: {  	v49 =	vperm.xlane v45, v3;
	s25 =	spop (v2sf);
	(v2sf) =	vpush v4, $0xB;
	v39 =	vld [tilespmem:s23+$0x6430]  }
0xd3: {  	s26 =	spop (v2sf);
	(v2sf) =	vpush v4, $0xA;
	v43 =	vld [tilespmem:s25+$0xE800]  }
0xd4: {  	v45 =	vadd.f32 v45, v49;
	v49 =	vperm.xlane v50, v2;
	v41 =	vld [tilespmem:s25+$0xE810]  }
0xd5: {  	v47 =	vld [tilespmem:s25+$0xE820]  }
0xd6: {  	v60 =	vperm.xlane v52, v2;
	v49 =	vadd.f32 v50, v49;
	v51 =	vld [tilespmem:s25+$0xE830]  }
0xd7: {  	v57 =	vperm.xlane v46, v3;
	v34 =	vld [tilespmem:s26+$0xE400]  }
0xd8: {  	v52 =	vadd.f32 v52, v60;
	v60 =	vperm.xlane v49, v3;
	v38 =	vld [tilespmem:s26+$0xE410]  }
0xd9: {  	v46 =	vadd.f32 v46, v57;
	v37 =	vld [tilespmem:s26+$0xE420]  }
0xda: {  	v62 =	vadd.f32 v49, v60;
	v33 =	vld [tilespmem:s26+$0xE430];
	s23 =	spop (v2sf)  }
0xdb: {  	v45 =	vsel vm0, v45, v46;
	(v2sf) =	vpush v5, $0xD;
	v49 =	vld [tilespmem:s23+$0x7000]  }
0xdc: {  	v22 =	vmul.f32 v29, v22;
	v29 =	vsel vm1, v45, v62;
	v45 =	vld [tilespmem:s23+$0x7010]  }
0xdd: {  	v56 =	vmul.f32 v32, v25;
	s24 =	spop (v2sf);
	(v2sf) =	vpush v5, $0xC;
	v25 =	vld [tilespmem:s23+$0x7020]  }
0xde: {  	v7 =	vadd.f32 v22, v7;
	v22 =	vld [tilespmem:s23+$0x7030]  }
0xdf: {  	v6 =	vld [tilespmem:s24+$0x6C00]  }
0xe0: {  	v55 =	vperm.xlane v7, v0;
	v12 =	vld [tilespmem:s24+$0x6C10]  }
0xe1: {  	v20 =	vmul.f32 v27, v20;
	v50 =	vmul.f32 v31, v30;
	s25 =	spop (v2sf);
	(v2sf) =	vpush v4, $0xD;
	v10 =	vld [tilespmem:s24+$0x6C20]  }
0xe2: {  	v7 =	vadd.f32 v7, v55;
	v11 =	vld [tilespmem:s24+$0x6C30];
	s26 =	spop (v2sf);
	(v2sf) =	vpush v4, $0xC  }
0xe3: {  	v54 =	vperm.xlane v8, v0;
	v17 =	vmul.f32 v18, v17;
	v20 =	vadd.f32 v50, v20;
	v27 =	vld [tilespmem:s25+$0xF000]  }
0xe4: {  	v46 =	vperm.xlane v7, v1;
	v18 =	vld [tilespmem:s25+$0xF010]  }
0xe5: {  	v8 =	vadd.f32 v8, v54;
	v17 =	vadd.f32 v17, v20;
	v20 =	vld [tilespmem:s25+$0xF020]  }
0xe6: {  	v63 =	vperm.xlane v52, v3;
	v7 =	vadd.f32 v7, v46;
	v30 =	vld [tilespmem:s25+$0xF030]  }
0xe7: {  	v57 =	vperm.xlane v8, v1;
	v9 =	vld [tilespmem:s26+$0xEC00]  }
0xe8: {  	v53 =	vadd.f32 v52, v63;
	v52 =	vperm.xlane v7, v2;
	v19 =	vmul.f32 v24, v19;
	v15 =	vld [tilespmem:s26+$0xEC10]  }
0xe9: {  	v8 =	vadd.f32 v8, v57;
	v13 =	vld [tilespmem:s26+$0xEC20]  }
0xea: {  	v21 =	vmul.f32 v28, v21;
	v7 =	vadd.f32 v7, v52;
	v19 =	vadd.f32 v56, v19;
	v14 =	vld [tilespmem:s26+$0xEC30];
	s24 =	spop (v2sf)  }
0xeb: {  	v62 =	vmul.f32 v43, v35;
	v43 =	vmul.f32 v33, v39;
	(v2sf) =	vpush v5, $0xF;
	v39 =	vld [tilespmem:s24+$0x7810]  }
0xec: {  	v50 =	vperm.xlane v8, v2;
	v28 =	vmul.f32 v59, v58;
	s23 =	spop (v2sf);
	v24 =	vld [tilespmem:s24+$0x7820]  }
0xed: {  	v58 =	vperm.xlane v7, v3;
	(v2sf) =	vpush v5, $0xE;
	v5 =	vadd.f32 v21, v19;
	v19 =	vld [tilespmem:s23+$0x7400]  }
0xee: {  	v29 =	vsel vm2, v29, v53;
	v60 =	vmul.f32 v34, v26;
	v61 =	vmul.f32 v38, v36;
	v31 =	vld [tilespmem:s23+$0x7410]  }
0xef: {  	v16 =	vmul.f32 v23, v16;
	v8 =	vadd.f32 v8, v50;
	v7 =	vadd.f32 v7, v58;
	v34 =	vld [tilespmem:s23+$0x7420]  }
0xf0: {  	v38 =	vmul.f32 v37, v40;
	v36 =	vadd.f32 v61, v60;
	s25 =	spop (v2sf);
	(v2sf) =	vpush v4, $0xF;
	v32 =	vld [tilespmem:s23+$0x7430]  }
0xf1: {  	v63 =	vmul.f32 v41, v44;
	s26 =	spop (v2sf);
	(v2sf) =	vpush v4, $0xE;
	v4 =	vadd.f32 v28, v17;
	v28 =	vld [tilespmem:s24+$0x7800]  }
0xf2: {  	v56 =	vperm.xlane v8, v3;
	v5 =	vadd.f32 v16, v5;
	v16 =	vadd.f32 v38, v36;
	v37 =	vld [tilespmem:s25+$0xF800]  }
0xf3: {  	v41 =	vmul.f32 v47, v42;
	v17 =	vadd.f32 v63, v62;
	v38 =	vld [tilespmem:s25+$0xF830];
	v40 =	vperm.xlane v4, v0  }
0xf4: {  	v8 =	vadd.f32 v8, v56;
	v26 =	vld [tilespmem:s26+$0xF400];
	v42 =	vperm.xlane v5, v0;
	v16 =	vadd.f32 v43, v16  }
0xf5: {  	v44 =	vmul.f32 v51, v48;
	v23 =	vld [tilespmem:s26+$0xF410];
	v17 =	vadd.f32 v41, v17;
	v4 =	vadd.f32 v4, v40  }
0xf6: {  	v8 =	vsel vm3, v29, v8;
	v33 =	vld [tilespmem:s26+$0xF420];
	v5 =	vadd.f32 v5, v42;
	v48 =	vperm.xlane v16, v0  }
0xf7: {  	v49 =	vmul.f32 v27, v49;
	v21 =	vld [tilespmem:s26+$0xF430];
	v17 =	vadd.f32 v44, v17;
	v47 =	vperm.xlane v4, v1  }
0xf8: {  	v6 =	vmul.f32 v9, v6;
	v41 =	vld [tilespmem:s25+$0xF820];
	v35 =	vperm.xlane v5, v1;
	v16 =	vadd.f32 v16, v48  }
0xf9: {  	v43 =	vld [tilespmem:s24+$0x7830];
	v44 =	vmul.f32 v15, v12;
	v51 =	vperm.xlane v17, v0;
	v4 =	vadd.f32 v4, v47  }
0xfa: {  	v52 =	vmul.f32 v13, v10;
	v5 =	vadd.f32 v5, v35;
	v35 =	vld [tilespmem:s25+$0xF810];
	v55 =	vperm.xlane v16, v1;
	s23 =	spop (v2sf)  }
0xfb: {  	v6 =	vadd.f32 v44, v6;
	v17 =	vadd.f32 v17, v51;
	v53 =	vperm.xlane v4, v2;
	v56 =	vld [tilespmem:s23+$0x8000]  }
0xfc: {  	v16 =	vadd.f32 v16, v55;
	v55 =	vmul.f32 v20, v25;
	v25 =	vmul.f32 v37, v28;
	s26 =	spop (v2sf);
	v28 =	vld [tilespmem:s23+$0x8020]  }
0xfd: {  	v7 =	vsel vm4, v8, v7;
	v54 =	vperm.xlane v5, v2;
	v57 =	vperm.xlane v17, v1;
	v36 =	vld [tilespmem:s26+$0x7C00]  }
0xfe: {  	v18 =	vmul.f32 v18, v45;
	v6 =	vadd.f32 v52, v6;
	v4 =	vadd.f32 v4, v53;
	v40 =	vld [tilespmem:s26+$0x7C10]  }
0xff: {  	v5 =	vadd.f32 v5, v54;
	v17 =	vadd.f32 v17, v57;
	v61 =	vperm.xlane v16, v2;
	v47 =	vld [tilespmem:s26+$0x7C20]  }
0x100: {  	v54 =	vadd.f32 v18, v49;
	v57 =	vmul.f32 v14, v11;
	s24 =	spop (v2sf);
	v59 =	vperm.xlane v4, v3;
	v51 =	vld [tilespmem:s26+$0x7C30]  }
0x101: {  	v60 =	vperm.xlane v5, v3;
	v62 =	vperm.xlane v17, v2;
	v63 =	vadd.f32 v16, v61;
	s25 =	spop (v2sf);
	v58 =	vld [tilespmem:s24+$0x10000]  }
0x102: {  	v6 =	vadd.f32 v57, v6;
	v61 =	vmul.f32 v26, v19;
	v26 =	vmul.f32 v35, v39;
	v46 =	vld [tilespmem:s25+$0xFC00]  }
0x103: {  	v4 =	vadd.f32 v4, v59;
	v5 =	vadd.f32 v5, v60;
	v42 =	vld [tilespmem:s25+$0xFC10];
	v48 =	vperm.xlane v63, v3  }
0x104: {  	v17 =	vadd.f32 v17, v62;
	v50 =	vld [tilespmem:s25+$0xFC20];
	v59 =	vmul.f32 v30, v22;
	v62 =	vmul.f32 v23, v31  }
0x105: {  	v60 =	vld [tilespmem:s23+$0x8010];
	v30 =	vmul.f32 v33, v34;
	v31 =	vmul.f32 v21, v32;
	v10 =	vadd.f32 v26, v25  }
0x106: {  	v33 =	vmul.f32 v41, v24;
	v4 =	vsel vm5, v7, v4;
	v7 =	vadd.f32 v63, v48;
	v63 =	vld [tilespmem:s24+$0x10010]  }
0x107: {  	v32 =	vld [tilespmem:s24+$0x10020];
	v34 =	vmul.f32 v38, v43;
	v4 =	vsel vm6, v4, v5;
	v5 =	vperm.xlane v17, v3  }
0x108: {  	v53 =	vld [tilespmem:s25+$0xFC30];
	v10 =	vadd.f32 v33, v10;
	v4 =	vsel vm7, v4, v7;
	v7 =	vadd.f32 v62, v61  }
0x109: {  	v35 =	vld [tilespmem:s23+$0x8030];
	v8 =	vmul.f32 v58, v56;
	v5 =	vadd.f32 v17, v5;
	v37 =	vmul.f32 v46, v36  }
0x10a: {  	v38 =	vld [tilespmem:s24+$0x10030];
	v10 =	vadd.f32 v34, v10;
	v16 =	vmul.f32 v42, v40;
	v12 =	vmul.f32 v50, v47  }
0x10b: {  	v4 =	vsel vm8, v4, v5;
	v5 =	vadd.f32 v55, v54;
	v11 =	vmul.f32 v63, v60  }
0x10c: {  	v39 =	vmul.f32 v32, v28;
	v7 =	vadd.f32 v30, v7;
	v13 =	vadd.f32 v16, v37  }
0x10d: {  	v9 =	vmul.f32 v53, v51;
	v5 =	vadd.f32 v59, v5;
	v8 =	vadd.f32 v11, v8  }
0x10e: {  	v40 =	vperm.xlane v6, v0;
	v7 =	vadd.f32 v31, v7;
	v12 =	vadd.f32 v12, v13  }
0x10f: {  	v41 =	vmul.f32 v38, v35;
	v8 =	vadd.f32 v39, v8;
	v42 =	vperm.xlane v5, v0  }
0x110: {  	v6 =	vadd.f32 v6, v40;
	v43 =	vperm.xlane v7, v0;
	v9 =	vadd.f32 v9, v12  }
0x111: {  	v44 =	vperm.xlane v10, v0;
	v5 =	vadd.f32 v5, v42;
	v8 =	vadd.f32 v41, v8  }
0x112: {  	v45 =	vperm.xlane v6, v1;
	v7 =	vadd.f32 v7, v43;
	v46 =	vperm.xlane v9, v0  }
0x113: {  	v10 =	vadd.f32 v10, v44;
	v14 =	vperm.xlane v5, v1;
	v47 =	vperm.xlane v8, v0  }
0x114: {  	v6 =	vadd.f32 v6, v45;
	v48 =	vperm.xlane v7, v1;
	v9 =	vadd.f32 v9, v46  }
0x115: {  	v49 =	vperm.xlane v10, v1;
	v5 =	vadd.f32 v5, v14;
	v8 =	vadd.f32 v8, v47  }
0x116: {  	v50 =	vperm.xlane v6, v2;
	v7 =	vadd.f32 v7, v48;
	v51 =	vperm.xlane v9, v1  }
0x117: {  	v10 =	vadd.f32 v10, v49;
	v14 =	vperm.xlane v5, v2;
	v52 =	vperm.xlane v8, v1  }
0x118: {  	v6 =	vadd.f32 v6, v50;
	v53 =	vperm.xlane v7, v2;
	v9 =	vadd.f32 v9, v51  }
0x119: {  	v54 =	vperm.xlane v10, v2;
	v5 =	vadd.f32 v5, v14;
	v8 =	vadd.f32 v8, v52  }
0x11a: {  	v55 =	vperm.xlane v6, v3;
	v7 =	vadd.f32 v7, v53;
	v56 =	vperm.xlane v9, v2  }
0x11b: {  	v10 =	vadd.f32 v10, v54;
	v14 =	vperm.xlane v5, v3;
	v57 =	vperm.xlane v8, v2  }
0x11c: {  	v6 =	vadd.f32 v6, v55;
	v58 =	vperm.xlane v7, v3;
	v9 =	vadd.f32 v9, v56  }
0x11d: {  	v59 =	vperm.xlane v10, v3;
	v5 =	vadd.f32 v5, v14;
	v8 =	vadd.f32 v8, v57  }
0x11e: {  	s21 =	sadd.s32 $0x80, s21;
	v4 =	vsel vm9, v4, v6;
	v60 =	vadd.f32 v7, v58;
	v61 =	vperm.xlane v9, v3  }
0x11f: {  	p0 =	sne.s32 s21, $0x800;
	v4 =	vsel vm10, v4, v5;
	v5 =	vadd.f32 v10, v59;
	v62 =	vperm.xlane v8, v3  }
.Ltmp3:
0x120: {  	v63 =	vadd.f32 v9, v61;
	v4 =	vsel vm11, v4, v60;
	(pc) =	sbr.rel @!p0 .LBB2_5-.Ltmp3, $4  }
0x121: {  	v4 =	vsel vm12, v4, v5;
	v5 =	vadd.f32 v8, v62  }
0x122: {  	v4 =	vsel vm13, v4, v63  }
0x123: {  	v4 =	vsel vm14, v4, v5  }
0x124: {  	[tilespmem:s22+$0x10410] =	vst v4  }
.LBB2_2:
0x125: {  	s22 =	sshra.s32 s21, $0x2  }
0x126: {  	v4 =	vld [tilespmem:s22+$0x10];
	_ =	sdelay $0x1  }
0x127: {  	v5 =	vld [tilespmem:s22+$0x210];
	_ =	sdelay $0x2  }
0x128: {  	v4 =	vand.u32 $0xFFFFFFF8, v4  }
0x129: {  	v4 =	vshll.u32 v4, $0x4  }
0x12a: {  	v5 =	vand.u32 $0xFFFFFFF8, v5;
	v4 =	vadd.s32 s3, v4  }
0x12b: {  	v5 =	vshll.u32 v5, $0x4;
	(v2sf) =	vpush v4, $0x0  }
0x12c: {  	v5 =	vadd.s32 s4, v5  }
0x12d: {  	(v2sf) =	vpush v5, $0x0;
	_ =	sdelay $0x1  }
0x12e: {  	(v2sf) =	vpush v4, $0x1;
	_ =	sdelay $0x1  }
0x12f: {  	(v2sf) =	vpush v5, $0x1;
	_ =	sdelay $0x1  }
0x130: {  	(v2sf) =	vpush v4, $0x2;
	_ =	sdelay $0x1  }
0x131: {  	(v2sf) =	vpush v5, $0x2;
	_ =	sdelay $0x1  }
0x132: {  	(v2sf) =	vpush v4, $0x3;
	_ =	sdelay $0x1  }
0x133: {  	(v2sf) =	vpush v5, $0x3  }
0x134: {  	s24 =	simm.s32 $0x4400;
	s23 =	spop (v2sf)  }
0x135: {  	(v2sf) =	vpush v4, $0x4;
	[tilespmem:s24], [sflag:$0x2] =	stream.linear.gather [hbm4b:s23+s1], $0x400, $0x38;
	[tilespmem:$0x10600] =	vst v63  }
0x136: {  	s26 =	simm.s32 $0xC400;
	s25 =	spop (v2sf)  }
0x137: {  	(v2sf) =	vpush v5, $0x4;
	[tilespmem:s26], [sflag:$0x2] =	stream.linear.gather [hbm4b:s25+s1], $0x400, $0x38;
	[tilespmem:$0x10600] =	vst v63  }
0x138: {  	s25 =	spop (v2sf);
	s26 =	simm.s32 $0x4800  }
0x139: {  	(v2sf) =	vpush v4, $0x5;
	[tilespmem:s26], [sflag:$0x2] =	stream.linear.gather [hbm4b:s25+s1], $0x400, $0x38;
	[tilespmem:$0x10600] =	vst v63  }
0x13a: {  	s25 =	spop (v2sf);
	s26 =	simm.s32 $0xC800  }
0x13b: {  	(v2sf) =	vpush v5, $0x5;
	[tilespmem:s26], [sflag:$0x2] =	stream.linear.gather [hbm4b:s25+s1], $0x400, $0x38;
	[tilespmem:$0x10600] =	vst v63  }
0x13c: {  	s25 =	spop (v2sf);
	s26 =	simm.s32 $0x4C00  }
0x13d: {  	(v2sf) =	vpush v4, $0x6;
	[tilespmem:s26], [sflag:$0x2] =	stream.linear.gather [hbm4b:s25+s1], $0x400, $0x38;
	[tilespmem:$0x10600] =	vst v63  }
0x13e: {  	s25 =	spop (v2sf);
	s26 =	simm.s32 $0xCC00  }
0x13f: {  	(v2sf) =	vpush v5, $0x6;
	[tilespmem:s26], [sflag:$0x2] =	stream.linear.gather [hbm4b:s25+s1], $0x400, $0x38;
	[tilespmem:$0x10600] =	vst v63  }
0x140: {  	s25 =	spop (v2sf);
	s26 =	simm.s32 $0x5000  }
0x141: {  	(v2sf) =	vpush v4, $0x7;
	[tilespmem:s26], [sflag:$0x2] =	stream.linear.gather [hbm4b:s25+s1], $0x400, $0x38;
	[tilespmem:$0x10600] =	vst v63  }
0x142: {  	s25 =	spop (v2sf);
	s26 =	simm.s32 $0xD000  }
0x143: {  	(v2sf) =	vpush v5, $0x7;
	[tilespmem:s26], [sflag:$0x2] =	stream.linear.gather [hbm4b:s25+s1], $0x400, $0x38;
	[tilespmem:$0x10600] =	vst v63  }
0x144: {  	s25 =	spop (v2sf);
	s26 =	simm.s32 $0x5400  }
0x145: {  	(v2sf) =	vpush v4, $0x8;
	[tilespmem:s26], [sflag:$0x2] =	stream.linear.gather [hbm4b:s25+s1], $0x400, $0x38;
	[tilespmem:$0x10600] =	vst v63  }
0x146: {  	s25 =	spop (v2sf);
	s26 =	simm.s32 $0xD400  }
0x147: {  	(v2sf) =	vpush v5, $0x8;
	[tilespmem:s26], [sflag:$0x2] =	stream.linear.gather [hbm4b:s25+s1], $0x400, $0x38;
	[tilespmem:$0x10600] =	vst v63  }
0x148: {  	s25 =	spop (v2sf);
	s26 =	simm.s32 $0x5800  }
0x149: {  	(v2sf) =	vpush v4, $0x9;
	[tilespmem:s26], [sflag:$0x2] =	stream.linear.gather [hbm4b:s25+s1], $0x400, $0x38;
	[tilespmem:$0x10600] =	vst v63  }
0x14a: {  	s25 =	spop (v2sf);
	s26 =	simm.s32 $0xD800  }
0x14b: {  	(v2sf) =	vpush v5, $0x9;
	[tilespmem:s26], [sflag:$0x2] =	stream.linear.gather [hbm4b:s25+s1], $0x400, $0x38;
	[tilespmem:$0x10600] =	vst v63  }
0x14c: {  	s24 =	spop (v2sf)  }
0x14d: {  	(v2sf) =	vpush v4, $0xA;
	[tilespmem:s28], [sflag:$0x2] =	stream.linear.gather [hbm4b:s24+s1], $0x400, $0x38;
	[tilespmem:$0x10600] =	vst v63  }
0x14e: {  	s25 =	spop (v2sf)  }
0x14f: {  	(v2sf) =	vpush v5, $0xA;
	[tilespmem:s29], [sflag:$0x2] =	stream.linear.gather [hbm4b:s25+s1], $0x400, $0x38;
	[tilespmem:$0x10600] =	vst v63  }
0x150: {  	s26 =	spop (v2sf)  }
0x151: {  	(v2sf) =	vpush v4, $0xB;
	[tilespmem:s30], [sflag:$0x2] =	stream.linear.gather [hbm4b:s26+s1], $0x400, $0x38;
	[tilespmem:$0x10600] =	vst v63  }
0x152: {  	s24 =	spop (v2sf)  }
0x153: {  	(v2sf) =	vpush v5, $0xB;
	[tilespmem:s31], [sflag:$0x2] =	stream.linear.gather [hbm4b:s24+s1], $0x400, $0x38;
	[tilespmem:$0x10600] =	vst v63  }
0x154: {  	s25 =	spop (v2sf)  }
0x155: {  	(v2sf) =	vpush v4, $0xC;
	[tilespmem:s0], [sflag:$0x2] =	stream.linear.gather [hbm4b:s25+s1], $0x400, $0x38;
	[tilespmem:$0x10600] =	vst v63  }
0x156: {  	s26 =	spop (v2sf)  }
0x157: {  	(v2sf) =	vpush v5, $0xC;
	[tilespmem:s2], [sflag:$0x2] =	stream.linear.gather [hbm4b:s26+s1], $0x400, $0x38;
	[tilespmem:$0x10600] =	vst v63  }
0x158: {  	s24 =	spop (v2sf)  }
0x159: {  	(v2sf) =	vpush v4, $0xD;
	[tilespmem:s10], [sflag:$0x2] =	stream.linear.gather [hbm4b:s24+s1], $0x400, $0x38;
	[tilespmem:$0x10600] =	vst v63  }
0x15a: {  	s25 =	spop (v2sf)  }
0x15b: {  	(v2sf) =	vpush v5, $0xD;
	[tilespmem:s5], [sflag:$0x2] =	stream.linear.gather [hbm4b:s25+s1], $0x400, $0x38;
	[tilespmem:$0x10600] =	vst v63  }
0x15c: {  	s26 =	spop (v2sf)  }
0x15d: {  	(v2sf) =	vpush v4, $0xE;
	[tilespmem:s6], [sflag:$0x2] =	stream.linear.gather [hbm4b:s26+s1], $0x400, $0x38;
	[tilespmem:$0x10600] =	vst v63  }
0x15e: {  	s24 =	spop (v2sf)  }
0x15f: {  	(v2sf) =	vpush v5, $0xE;
	[tilespmem:s7], [sflag:$0x2] =	stream.linear.gather [hbm4b:s24+s1], $0x400, $0x38;
	[tilespmem:$0x10600] =	vst v63  }
0x160: {  	s25 =	spop (v2sf)  }
0x161: {  	(v2sf) =	vpush v4, $0xF;
	[tilespmem:s8], [sflag:$0x2] =	stream.linear.gather [hbm4b:s25+s1], $0x400, $0x38;
	[tilespmem:$0x10600] =	vst v63  }
0x162: {  	s26 =	spop (v2sf)  }
0x163: {  	(v2sf) =	vpush v5, $0xF;
	[tilespmem:s9], [sflag:$0x2] =	stream.linear.gather [hbm4b:s26+s1], $0x400, $0x38;
	[tilespmem:$0x10600] =	vst v63  }
0x164: {  	s24 =	spop (v2sf)  }
0x165: {  	[tilespmem:s11], [sflag:$0x2] =	stream.linear.gather [hbm4b:s24+s1], $0x400, $0x38;
	[tilespmem:$0x10600] =	vst v63  }
0x166: {  	s25 =	spop (v2sf)  }
0x167: {  	[tilespmem:s12], [sflag:$0x2] =	stream.linear.gather [hbm4b:s25+s1], $0x400, $0x38;
	[tilespmem:$0x10600] =	vst v63  }
0x168: {  	s26 =	spop (v2sf)  }
0x169: {  	[tilespmem:s13], [sflag:$0x2] =	stream.linear.gather [hbm4b:s26+s1], $0x400, $0x38;
	[tilespmem:$0x10600] =	vst v63  }
0x16a: {  	s24 =	spop (v2sf)  }
0x16b: {  	[tilespmem:s14], [sflag:$0x2] =	stream.linear.gather [hbm4b:s24+s1], $0x400, $0x38;
	[tilespmem:$0x10600] =	vst v63  }
0x16c: {  	s25 =	spop (v2sf)  }
0x16d: {  	[tilespmem:s15], [sflag:$0x2] =	stream.linear.gather [hbm4b:s25+s1], $0x400, $0x38;
	[tilespmem:$0x10600] =	vst v63  }
0x16e: {  	s26 =	spop (v2sf)  }
0x16f: {  	[tilespmem:s16], [sflag:$0x2] =	stream.linear.gather [hbm4b:s26+s1], $0x400, $0x38;
	[tilespmem:$0x10600] =	vst v63  }
0x170: {  	s24 =	spop (v2sf)  }
0x171: {  	[tilespmem:s17], [sflag:$0x2] =	stream.linear.gather [hbm4b:s24+s1], $0x400, $0x38;
	[tilespmem:$0x10600] =	vst v63  }
0x172: {  	s25 =	spop (v2sf)  }
0x173: {  	[tilespmem:s18], [sflag:$0x2] =	stream.linear.gather [hbm4b:s25+s1], $0x400, $0x38;
	[tilespmem:$0x10600] =	vst v63  }
0x174: {  	_ =	swait.ge [sflag:s19], $0x4000  }
0x175: {  	[sflag:s19] =	ssyncset.done $0x0  }
0x176: {  	[sflag:s19] =	ssyncadd.s32 $0xFFFFC000  }
0x177: {  	_ =	swait.ge [sflag:s19], $0x4000  }
0x178: {  	[sflag:s19] =	ssyncset.done $0x0  }
0x179: {  	[sflag:s19] =	ssyncadd.s32 $0xFFFFC000  }
0x17a: {  	v4 =	vld [tilespmem:s22+$0x0];
	_ =	sdelay $0x4  }
0x17b: {  	v4 =	vand.u32 $0x7, v4  }
0x17c: {  	v5 =	vshll.u32 v4, $0x7  }
0x17d: {  	(v2sf) =	vpush v5, $0x1  }
0x17e: {  	v6 =	vld [tilespmem:s22+$0x200];
	_ =	sdelay $0x2  }
0x17f: {  	(v2sf) =	vpush v5, $0x0;
	_ =	sdelay $0x1  }
0x180: {  	v4 =	vand.u32 $0x7, v6  }
0x181: {  	v4 =	vshll.u32 v4, $0x7  }
0x182: {  	(v2sf) =	vpush v4, $0x1;
	_ =	sdelay $0x3  }
0x183: {  	(v2sf) =	vpush v4, $0x0;
	_ =	sdelay $0x2  }
0x184: {  	s23 =	spop (v2sf)  }
0x185: {  	(v2sf) =	vpush v5, $0x3;
	v28 =	vld [tilespmem:s23+$0x800]  }
0x186: {  	v30 =	vld [tilespmem:s23+$0x810]  }
0x187: {  	v32 =	vld [tilespmem:s23+$0x820]  }
0x188: {  	s26 =	spop (v2sf);
	v34 =	vld [tilespmem:s23+$0x830]  }
0x189: {  	(v2sf) =	vpush v5, $0x2;
	v8 =	vld [tilespmem:s26+$0x400]  }
0x18a: {  	v10 =	vld [tilespmem:s26+$0x410]  }
0x18b: {  	v15 =	vld [tilespmem:s26+$0x420]  }
0x18c: {  	s25 =	spop (v2sf);
	v20 =	vld [tilespmem:s26+$0x430]  }
0x18d: {  	(v2sf) =	vpush v4, $0x3;
	v29 =	vld [tilespmem:s25+$0x8800]  }
0x18e: {  	v31 =	vld [tilespmem:s25+$0x8810]  }
0x18f: {  	v33 =	vld [tilespmem:s25+$0x8820]  }
0x190: {  	s26 =	spop (v2sf);
	v35 =	vld [tilespmem:s25+$0x8830]  }
0x191: {  	(v2sf) =	vpush v4, $0x2;
	v22 =	vld [tilespmem:s26+$0x8400]  }
0x192: {  	v25 =	vld [tilespmem:s26+$0x8410]  }
0x193: {  	v26 =	vld [tilespmem:s26+$0x8420]  }
0x194: {  	v27 =	vld [tilespmem:s26+$0x8430];
	s23 =	spop (v2sf)  }
0x195: {  	(v2sf) =	vpush v5, $0x5;
	v44 =	vld [tilespmem:s23+$0x1000]  }
0x196: {  	v46 =	vld [tilespmem:s23+$0x1010]  }
0x197: {  	v48 =	vld [tilespmem:s23+$0x1020]  }
0x198: {  	s26 =	spop (v2sf);
	v50 =	vld [tilespmem:s23+$0x1030]  }
0x199: {  	(v2sf) =	vpush v5, $0x4;
	v36 =	vld [tilespmem:s26+$0xC00]  }
0x19a: {  	v37 =	vld [tilespmem:s26+$0xC10]  }
0x19b: {  	v38 =	vld [tilespmem:s26+$0xC20]  }
0x19c: {  	s25 =	spop (v2sf);
	v39 =	vld [tilespmem:s26+$0xC30]  }
0x19d: {  	(v2sf) =	vpush v4, $0x5;
	v45 =	vld [tilespmem:s25+$0x9000]  }
0x19e: {  	v47 =	vld [tilespmem:s25+$0x9010]  }
0x19f: {  	v49 =	vld [tilespmem:s25+$0x9020]  }
0x1a0: {  	s26 =	spop (v2sf);
	v51 =	vld [tilespmem:s25+$0x9030]  }
0x1a1: {  	(v2sf) =	vpush v4, $0x4;
	v40 =	vld [tilespmem:s26+$0x8C00]  }
0x1a2: {  	v41 =	vld [tilespmem:s26+$0x8C10]  }
0x1a3: {  	v42 =	vld [tilespmem:s26+$0x8C20]  }
0x1a4: {  	v43 =	vld [tilespmem:s26+$0x8C30];
	s23 =	spop (v2sf)  }
0x1a5: {  	(v2sf) =	vpush v5, $0x7;
	v54 =	vld [tilespmem:s23+$0x1800]  }
0x1a6: {  	v56 =	vld [tilespmem:s23+$0x1810]  }
0x1a7: {  	v23 =	vld [tilespmem:s23+$0x1820]  }
0x1a8: {  	s26 =	spop (v2sf);
	v16 =	vld [tilespmem:s23+$0x1830]  }
0x1a9: {  	(v2sf) =	vpush v5, $0x6;
	v7 =	vld [tilespmem:s26+$0x1400]  }
0x1aa: {  	v6 =	vld [tilespmem:s26+$0x1410]  }
0x1ab: {  	v13 =	vld [tilespmem:s26+$0x1420]  }
0x1ac: {  	s25 =	spop (v2sf);
	v11 =	vld [tilespmem:s26+$0x1430]  }
0x1ad: {  	(v2sf) =	vpush v4, $0x7;
	v55 =	vld [tilespmem:s25+$0x9800]  }
0x1ae: {  	v57 =	vld [tilespmem:s25+$0x9810]  }
0x1af: {  	v24 =	vld [tilespmem:s25+$0x9820]  }
0x1b0: {  	s26 =	spop (v2sf);
	v19 =	vld [tilespmem:s25+$0x9830]  }
0x1b1: {  	(v2sf) =	vpush v4, $0x6;
	v52 =	vld [tilespmem:s26+$0x9400]  }
0x1b2: {  	v8 =	vmul.f32 v22, v8;
	v10 =	vmul.f32 v25, v10;
	v53 =	vld [tilespmem:s26+$0x9410]  }
0x1b3: {  	v21 =	vld [tilespmem:s26+$0x9420]  }
0x1b4: {  	v26 =	vmul.f32 v26, v15;
	v8 =	vadd.f32 v10, v8;
	v14 =	vld [tilespmem:s26+$0x9430];
	s23 =	spop (v2sf)  }
0x1b5: {  	v20 =	vmul.f32 v27, v20;
	(v2sf) =	vpush v5, $0x9;
	v27 =	vld [tilespmem:s23+$0x2000]  }
0x1b6: {  	v8 =	vadd.f32 v26, v8;
	v26 =	vld [tilespmem:s23+$0x2010]  }
0x1b7: {  	v60 =	vmul.f32 v31, v30;
	v31 =	vld [tilespmem:s23+$0x2020]  }
0x1b8: {  	v59 =	vmul.f32 v29, v28;
	s26 =	spop (v2sf);
	v30 =	vld [tilespmem:s23+$0x2030]  }
0x1b9: {  	(v2sf) =	vpush v5, $0x8;
	v18 =	vld [tilespmem:s26+$0x1C00]  }
0x1ba: {  	v61 =	vmul.f32 v33, v32;
	v10 =	vadd.f32 v60, v59;
	v17 =	vld [tilespmem:s26+$0x1C10]  }
0x1bb: {  	v12 =	vld [tilespmem:s26+$0x1C20]  }
0x1bc: {  	v63 =	vmul.f32 v35, v34;
	v10 =	vadd.f32 v61, v10;
	v8 =	vadd.f32 v20, v8;
	s25 =	spop (v2sf);
	v9 =	vld [tilespmem:s26+$0x1C30]  }
0x1bd: {  	(v2sf) =	vpush v4, $0x9;
	v28 =	vld [tilespmem:s25+$0xA000]  }
0x1be: {  	v10 =	vadd.f32 v63, v10;
	v62 =	vperm.xlane v8, v0;
	v29 =	vld [tilespmem:s25+$0xA010]  }
0x1bf: {  	v59 =	vmul.f32 v40, v36;
	v60 =	vmul.f32 v41, v37;
	v32 =	vld [tilespmem:s25+$0xA020]  }
0x1c0: {  	v61 =	vperm.xlane v10, v0;
	v8 =	vadd.f32 v8, v62;
	v45 =	vmul.f32 v45, v44;
	s26 =	spop (v2sf);
	v34 =	vld [tilespmem:s25+$0xA030]  }
0x1c1: {  	v20 =	vadd.f32 v60, v59;
	v59 =	vmul.f32 v47, v46;
	(v2sf) =	vpush v4, $0x8;
	v25 =	vld [tilespmem:s26+$0x9C00]  }
0x1c2: {  	v62 =	vperm.xlane v8, v1;
	v63 =	vmul.f32 v42, v38;
	v58 =	vld [tilespmem:s26+$0x9C10]  }
0x1c3: {  	v10 =	vadd.f32 v10, v61;
	v61 =	vmul.f32 v49, v48;
	v35 =	vadd.f32 v59, v45;
	v22 =	vld [tilespmem:s26+$0x9C20]  }
0x1c4: {  	v8 =	vadd.f32 v8, v62;
	v20 =	vadd.f32 v63, v20;
	v15 =	vld [tilespmem:s26+$0x9C30];
	s23 =	spop (v2sf)  }
0x1c5: {  	v63 =	vadd.f32 v61, v35;
	(v2sf) =	vpush v5, $0xB;
	v35 =	vld [tilespmem:s23+$0x2800]  }
0x1c6: {  	v49 =	vperm.xlane v8, v2;
	v45 =	vld [tilespmem:s23+$0x2810]  }
0x1c7: {  	v60 =	vmul.f32 v43, v39;
	v44 =	vld [tilespmem:s23+$0x2820]  }
0x1c8: {  	v62 =	vperm.xlane v10, v1;
	v48 =	vmul.f32 v51, v50;
	v8 =	vadd.f32 v8, v49;
	s26 =	spop (v2sf);
	v49 =	vld [tilespmem:s23+$0x2830]  }
0x1c9: {  	v20 =	vadd.f32 v60, v20;
	(v2sf) =	vpush v5, $0xA;
	v36 =	vld [tilespmem:s26+$0x2400]  }
0x1ca: {  	v10 =	vadd.f32 v10, v62;
	v33 =	vadd.f32 v48, v63;
	v38 =	vld [tilespmem:s26+$0x2410]  }
0x1cb: {  	v50 =	vperm.xlane v20, v0;
	v41 =	vld [tilespmem:s26+$0x2420]  }
0x1cc: {  	v51 =	vperm.xlane v10, v2;
	v59 =	vperm.xlane v33, v0;
	s25 =	spop (v2sf);
	v39 =	vld [tilespmem:s26+$0x2430]  }
0x1cd: {  	v20 =	vadd.f32 v20, v50;
	(v2sf) =	vpush v4, $0xB;
	v47 =	vld [tilespmem:s25+$0xA800]  }
0x1ce: {  	v10 =	vadd.f32 v10, v51;
	v33 =	vadd.f32 v33, v59;
	v46 =	vld [tilespmem:s25+$0xA810]  }
0x1cf: {  	v60 =	vperm.xlane v8, v3;
	v61 =	vperm.xlane v20, v1;
	v51 =	vld [tilespmem:s25+$0xA820]  }
0x1d0: {  	v62 =	vperm.xlane v10, v3;
	v48 =	vperm.xlane v33, v1;
	s26 =	spop (v2sf);
	(v2sf) =	vpush v4, $0xA;
	v59 =	vld [tilespmem:s25+$0xA830]  }
0x1d1: {  	v20 =	vadd.f32 v20, v61;
	v54 =	vmul.f32 v55, v54;
	v56 =	vmul.f32 v57, v56;
	v42 =	vld [tilespmem:s26+$0xA400]  }
0x1d2: {  	v8 =	vadd.f32 v8, v60;
	v23 =	vmul.f32 v24, v23;
	v16 =	vmul.f32 v19, v16;
	v43 =	vld [tilespmem:s26+$0xA410]  }
0x1d3: {  	v50 =	vadd.f32 v10, v62;
	v52 =	vmul.f32 v52, v7;
	v60 =	vperm.xlane v20, v2;
	v40 =	vld [tilespmem:s26+$0xA420]  }
0x1d4: {  	v53 =	vmul.f32 v53, v6;
	v61 =	vmul.f32 v21, v13;
	v33 =	vadd.f32 v33, v48;
	v37 =	vld [tilespmem:s26+$0xA430];
	s23 =	spop (v2sf)  }
0x1d5: {  	v48 =	vsel vm0, v8, v50;
	v50 =	vadd.f32 v20, v60;
	(v2sf) =	vpush v5, $0xD;
	v19 =	vld [tilespmem:s23+$0x3000]  }
0x1d6: {  	v54 =	vadd.f32 v56, v54;
	v60 =	vperm.xlane v33, v2;
	v18 =	vmul.f32 v25, v18;
	v25 =	vld [tilespmem:s23+$0x3010]  }
0x1d7: {  	v52 =	vadd.f32 v53, v52;
	v63 =	vperm.xlane v50, v3;
	v12 =	vmul.f32 v22, v12;
	v22 =	vld [tilespmem:s23+$0x3020]  }
0x1d8: {  	v33 =	vadd.f32 v33, v60;
	v9 =	vmul.f32 v15, v9;
	s26 =	spop (v2sf);
	(v2sf) =	vpush v5, $0xC;
	v15 =	vld [tilespmem:s23+$0x3030]  }
0x1d9: {  	v14 =	vmul.f32 v14, v11;
	v23 =	vadd.f32 v23, v54;
	v10 =	vld [tilespmem:s26+$0x2C00]  }
0x1da: {  	v62 =	vadd.f32 v61, v52;
	v50 =	vadd.f32 v50, v63;
	v63 =	vperm.xlane v33, v3;
	v8 =	vld [tilespmem:s26+$0x2C10]  }
0x1db: {  	v16 =	vadd.f32 v16, v23;
	v53 =	vmul.f32 v28, v27;
	v26 =	vmul.f32 v29, v26;
	v7 =	vld [tilespmem:s26+$0x2C20]  }
0x1dc: {  	v60 =	vmul.f32 v42, v36;
	v61 =	vmul.f32 v43, v38;
	s25 =	spop (v2sf);
	v6 =	vld [tilespmem:s26+$0x2C30];
	(v2sf) =	vpush v4, $0xD  }
0x1dd: {  	v14 =	vadd.f32 v14, v62;
	v56 =	vmul.f32 v32, v31;
	v17 =	vmul.f32 v58, v17;
	v24 =	vld [tilespmem:s25+$0xB000]  }
0x1de: {  	v23 =	vadd.f32 v26, v53;
	v38 =	vmul.f32 v40, v41;
	v36 =	vadd.f32 v61, v60;
	v29 =	vld [tilespmem:s25+$0xB010]  }
0x1df: {  	v58 =	vmul.f32 v34, v30;
	v17 =	vadd.f32 v17, v18;
	s26 =	spop (v2sf);
	(v2sf) =	vpush v4, $0xC;
	v28 =	vld [tilespmem:s25+$0xB020]  }
0x1e0: {  	v57 =	vadd.f32 v56, v23;
	v41 =	vmul.f32 v37, v39;
	v18 =	vadd.f32 v38, v36;
	v23 =	vld [tilespmem:s25+$0xB030]  }
0x1e1: {  	v33 =	vadd.f32 v33, v63;
	v12 =	vadd.f32 v12, v17;
	v20 =	vld [tilespmem:s26+$0xAC00]  }
0x1e2: {  	v17 =	vadd.f32 v58, v57;
	v18 =	vadd.f32 v41, v18;
	v21 =	vld [tilespmem:s26+$0xAC10]  }
0x1e3: {  	v55 =	vperm.xlane v16, v0;
	v48 =	vsel vm1, v48, v50;
	v40 =	vmul.f32 v51, v44;
	v13 =	vld [tilespmem:s26+$0xAC20]  }
0x1e4: {  	v27 =	vsel vm2, v48, v33;
	v44 =	vperm.xlane v17, v0;
	v48 =	vperm.xlane v18, v0;
	v11 =	vld [tilespmem:s26+$0xAC30];
	s23 =	spop (v2sf)  }
0x1e5: {  	v54 =	vperm.xlane v14, v0;
	v16 =	vadd.f32 v16, v55;
	(v2sf) =	vpush v5, $0xF;
	v36 =	vld [tilespmem:s23+$0x3800]  }
0x1e6: {  	v62 =	vmul.f32 v47, v35;
	v47 =	vadd.f32 v17, v44;
	v17 =	vadd.f32 v18, v48;
	v18 =	vld [tilespmem:s23+$0x3810]  }
0x1e7: {  	v14 =	vadd.f32 v14, v54;
	v63 =	vmul.f32 v46, v45;
	v45 =	vperm.xlane v16, v1;
	s26 =	spop (v2sf);
	v38 =	vld [tilespmem:s23+$0x3830]  }
0x1e8: {  	v31 =	vld [tilespmem:s26+$0x3400]  }
0x1e9: {  	v43 =	vperm.xlane v14, v1;
	v16 =	vadd.f32 v16, v45;
	(v2sf) =	vpush v5, $0xE;
	v32 =	vld [tilespmem:s26+$0x3410]  }
0x1ea: {  	v30 =	vld [tilespmem:s26+$0x3420]  }
0x1eb: {  	v46 =	vadd.f32 v14, v43;
	v53 =	vperm.xlane v16, v2;
	s25 =	spop (v2sf);
	v33 =	vld [tilespmem:s26+$0x3430]  }
0x1ec: {  	v42 =	vmul.f32 v59, v49;
	v5 =	vadd.f32 v9, v12;
	v9 =	vadd.f32 v63, v62;
	v39 =	vld [tilespmem:s25+$0xB800]  }
0x1ed: {  	v52 =	vperm.xlane v47, v1;
	v16 =	vadd.f32 v16, v53;
	(v2sf) =	vpush v4, $0xF;
	v37 =	vld [tilespmem:s25+$0xB810]  }
0x1ee: {  	s26 =	spop (v2sf);
	(v2sf) =	vpush v4, $0xE;
	v4 =	vperm.xlane v5, v0;
	v9 =	vadd.f32 v40, v9;
	v40 =	vld [tilespmem:s23+$0x3820]  }
0x1ef: {  	v51 =	vperm.xlane v46, v2;
	v14 =	vadd.f32 v47, v52;
	v59 =	vperm.xlane v16, v3;
	v43 =	vld [tilespmem:s25+$0xB820]  }
0x1f0: {  	v54 =	vperm.xlane v17, v1;
	v41 =	vld [tilespmem:s25+$0xB830];
	v4 =	vadd.f32 v5, v4;
	v5 =	vadd.f32 v42, v9  }
0x1f1: {  	v58 =	vperm.xlane v14, v2;
	v52 =	vmul.f32 v29, v25;
	v12 =	vadd.f32 v46, v51;
	v34 =	vld [tilespmem:s26+$0xB400]  }
0x1f2: {  	v17 =	vadd.f32 v17, v54;
	v10 =	vmul.f32 v20, v10;
	v35 =	vld [tilespmem:s26+$0xB410];
	v50 =	vperm.xlane v5, v0  }
0x1f3: {  	v14 =	vadd.f32 v14, v58;
	v8 =	vmul.f32 v21, v8;
	v57 =	vperm.xlane v12, v3;
	v26 =	vld [tilespmem:s26+$0xB420]  }
0x1f4: {  	v7 =	vmul.f32 v13, v7;
	v60 =	vperm.xlane v17, v2;
	v9 =	vld [tilespmem:s26+$0xB430];
	v5 =	vadd.f32 v5, v50;
	s24 =	spop (v2sf)  }
0x1f5: {  	v8 =	vadd.f32 v8, v10;
	v12 =	vadd.f32 v12, v57;
	v49 =	vperm.xlane v4, v1;
	v57 =	vld [tilespmem:s24+$0x4000]  }
0x1f6: {  	v6 =	vmul.f32 v11, v6;
	v17 =	vadd.f32 v17, v60;
	v56 =	vperm.xlane v5, v1;
	v60 =	vld [tilespmem:s24+$0x4010]  }
0x1f7: {  	v7 =	vadd.f32 v7, v8;
	v12 =	vsel vm3, v27, v12;
	v4 =	vadd.f32 v4, v49;
	v27 =	vld [tilespmem:s24+$0x4020]  }
0x1f8: {  	v5 =	vadd.f32 v5, v56;
	v56 =	vmul.f32 v28, v22;
	v28 =	vmul.f32 v26, v30;
	s26 =	spop (v2sf);
	v30 =	vld [tilespmem:s24+$0x4030]  }
0x1f9: {  	v16 =	vadd.f32 v16, v59;
	v63 =	vperm.xlane v14, v3;
	v55 =	vperm.xlane v4, v2;
	v44 =	vld [tilespmem:s26+$0x3C00]  }
0x1fa: {  	v59 =	vmul.f32 v23, v15;
	v6 =	vadd.f32 v6, v7;
	v46 =	vperm.xlane v17, v3;
	v47 =	vld [tilespmem:s26+$0x3C10]  }
0x1fb: {  	v51 =	vmul.f32 v24, v19;
	v14 =	vadd.f32 v14, v63;
	v4 =	vadd.f32 v4, v55;
	v42 =	vld [tilespmem:s26+$0x3C20]  }
0x1fc: {  	v17 =	vadd.f32 v17, v46;
	v23 =	vmul.f32 v37, v18;
	v62 =	vperm.xlane v5, v2;
	s25 =	spop (v2sf);
	v45 =	vld [tilespmem:s26+$0x3C30]  }
0x1fd: {  	v12 =	vsel vm4, v12, v16;
	v9 =	vmul.f32 v9, v33;
	v61 =	vperm.xlane v4, v3;
	s26 =	spop (v2sf);
	v58 =	vld [tilespmem:s25+$0xC000]  }
0x1fe: {  	v55 =	vadd.f32 v52, v51;
	v22 =	vmul.f32 v39, v36;
	v5 =	vadd.f32 v5, v62;
	v48 =	vld [tilespmem:s26+$0xBC00]  }
0x1ff: {  	v4 =	vadd.f32 v4, v61;
	v61 =	vmul.f32 v34, v31;
	v62 =	vmul.f32 v35, v32;
	v50 =	vld [tilespmem:s26+$0xBC10]  }
0x200: {  	v10 =	vadd.f32 v23, v22;
	v31 =	vmul.f32 v43, v40;
	v63 =	vld [tilespmem:s25+$0xC010];
	v49 =	vperm.xlane v5, v3  }
0x201: {  	v32 =	vmul.f32 v41, v38;
	v4 =	vsel vm5, v12, v4;
	v53 =	vld [tilespmem:s26+$0xBC20];
	v7 =	vadd.f32 v62, v61  }
0x202: {  	v40 =	vperm.xlane v6, v0;
	v29 =	vld [tilespmem:s25+$0xC020];
	v4 =	vsel vm6, v4, v14;
	v5 =	vadd.f32 v5, v49  }
0x203: {  	v54 =	vld [tilespmem:s26+$0xBC30];
	v10 =	vadd.f32 v31, v10;
	v4 =	vsel vm7, v4, v17;
	v7 =	vadd.f32 v28, v7  }
0x204: {  	v33 =	vld [tilespmem:s25+$0xC030];
	v4 =	vsel vm8, v4, v5;
	v34 =	vmul.f32 v48, v44;
	v35 =	vmul.f32 v50, v47  }
0x205: {  	v5 =	vadd.f32 v56, v55;
	v8 =	vmul.f32 v58, v57;
	v11 =	vmul.f32 v63, v60  }
0x206: {  	v10 =	vadd.f32 v32, v10;
	v37 =	vmul.f32 v53, v42;
	v36 =	vadd.f32 v35, v34  }
0x207: {  	v38 =	vmul.f32 v29, v27;
	v5 =	vadd.f32 v59, v5;
	v8 =	vadd.f32 v11, v8  }
0x208: {  	v7 =	vadd.f32 v9, v7;
	v39 =	vmul.f32 v54, v45;
	v9 =	vadd.f32 v37, v36  }
0x209: {  	v41 =	vmul.f32 v33, v30;
	v8 =	vadd.f32 v38, v8;
	v42 =	vperm.xlane v5, v0  }
0x20a: {  	v6 =	vadd.f32 v6, v40;
	v43 =	vperm.xlane v7, v0;
	v9 =	vadd.f32 v39, v9  }
0x20b: {  	v44 =	vperm.xlane v10, v0;
	v5 =	vadd.f32 v5, v42;
	v8 =	vadd.f32 v41, v8  }
0x20c: {  	v45 =	vperm.xlane v6, v1;
	v7 =	vadd.f32 v7, v43;
	v46 =	vperm.xlane v9, v0  }
0x20d: {  	v10 =	vadd.f32 v10, v44;
	v14 =	vperm.xlane v5, v1;
	v47 =	vperm.xlane v8, v0  }
0x20e: {  	v6 =	vadd.f32 v6, v45;
	v48 =	vperm.xlane v7, v1;
	v9 =	vadd.f32 v9, v46  }
0x20f: {  	v49 =	vperm.xlane v10, v1;
	v5 =	vadd.f32 v5, v14;
	v8 =	vadd.f32 v8, v47  }
0x210: {  	v50 =	vperm.xlane v6, v2;
	v7 =	vadd.f32 v7, v48;
	v51 =	vperm.xlane v9, v1  }
0x211: {  	v10 =	vadd.f32 v10, v49;
	v14 =	vperm.xlane v5, v2;
	v52 =	vperm.xlane v8, v1  }
0x212: {  	v6 =	vadd.f32 v6, v50;
	v53 =	vperm.xlane v7, v2;
	v9 =	vadd.f32 v9, v51  }
0x213: {  	v54 =	vperm.xlane v10, v2;
	v5 =	vadd.f32 v5, v14;
	v8 =	vadd.f32 v8, v52  }
0x214: {  	v55 =	vperm.xlane v6, v3;
	v7 =	vadd.f32 v7, v53;
	v56 =	vperm.xlane v9, v2  }
0x215: {  	v10 =	vadd.f32 v10, v54;
	v14 =	vperm.xlane v5, v3;
	v57 =	vperm.xlane v8, v2  }
0x216: {  	v6 =	vadd.f32 v6, v55;
	v58 =	vperm.xlane v7, v3;
	v9 =	vadd.f32 v9, v56  }
0x217: {  	v59 =	vperm.xlane v10, v3;
	v5 =	vadd.f32 v5, v14;
	v8 =	vadd.f32 v8, v57  }
0x218: {  	v4 =	vsel vm9, v4, v6;
	v60 =	vadd.f32 v7, v58;
	v61 =	vperm.xlane v9, v3  }
0x219: {  	p0 =	seq.s32 s21, $0x780;
	v4 =	vsel vm10, v4, v5;
	v5 =	vadd.f32 v10, v59;
	v62 =	vperm.xlane v8, v3  }
.Ltmp4:
0x21a: {  	v4 =	vsel vm11, v4, v60;
	v63 =	vadd.f32 v9, v61;
	(pc) =	sbr.rel @p0 .LBB2_4-.Ltmp4, $4  }
0x21b: {  	v4 =	vsel vm12, v4, v5;
	v5 =	vadd.f32 v8, v62  }
0x21c: {  	v4 =	vsel vm13, v4, v63  }
0x21d: {  	v4 =	vsel vm14, v4, v5  }
0x21e: {  	[tilespmem:s22+$0x10400] =	vst v4  }
0x21f: {  	v4 =	vld [tilespmem:s22+$0x20];
	_ =	sdelay $0x1  }
0x220: {  	v5 =	vld [tilespmem:s22+$0x220];
	_ =	sdelay $0x2  }
0x221: {  	v4 =	vand.u32 $0xFFFFFFF8, v4  }
0x222: {  	v4 =	vshll.u32 v4, $0x4  }
0x223: {  	v5 =	vand.u32 $0xFFFFFFF8, v5;
	v4 =	vadd.s32 s3, v4  }
0x224: {  	v5 =	vshll.u32 v5, $0x4;
	(v2sf) =	vpush v4, $0x0  }
0x225: {  	v5 =	vadd.s32 s4, v5  }
0x226: {  	(v2sf) =	vpush v5, $0x0;
	_ =	sdelay $0x1  }
0x227: {  	(v2sf) =	vpush v4, $0x1;
	_ =	sdelay $0x1  }
0x228: {  	(v2sf) =	vpush v5, $0x1;
	_ =	sdelay $0x1  }
0x229: {  	(v2sf) =	vpush v4, $0x2;
	_ =	sdelay $0x1  }
0x22a: {  	(v2sf) =	vpush v5, $0x2;
	_ =	sdelay $0x1  }
0x22b: {  	(v2sf) =	vpush v4, $0x3;
	_ =	sdelay $0x1  }
0x22c: {  	(v2sf) =	vpush v5, $0x3  }
0x22d: {  	s24 =	simm.s32 $0x400;
	s23 =	spop (v2sf)  }
0x22e: {  	(v2sf) =	vpush v4, $0x4;
	[tilespmem:s24], [sflag:$0x1] =	stream.linear.gather [hbm4b:s23+s1], $0x400, $0x38;
	[tilespmem:$0x10600] =	vst v63  }
0x22f: {  	s26 =	simm.s32 $0x8400;
	s25 =	spop (v2sf)  }
0x230: {  	(v2sf) =	vpush v5, $0x4;
	[tilespmem:s26], [sflag:$0x1] =	stream.linear.gather [hbm4b:s25+s1], $0x400, $0x38;
	[tilespmem:$0x10600] =	vst v63  }
0x231: {  	s25 =	spop (v2sf);
	s26 =	simm.s32 $0x800  }
0x232: {  	(v2sf) =	vpush v4, $0x5;
	[tilespmem:s26], [sflag:$0x1] =	stream.linear.gather [hbm4b:s25+s1], $0x400, $0x38;
	[tilespmem:$0x10600] =	vst v63  }
0x233: {  	s25 =	spop (v2sf);
	s26 =	simm.s32 $0x8800  }
0x234: {  	(v2sf) =	vpush v5, $0x5;
	[tilespmem:s26], [sflag:$0x1] =	stream.linear.gather [hbm4b:s25+s1], $0x400, $0x38;
	[tilespmem:$0x10600] =	vst v63  }
0x235: {  	s25 =	spop (v2sf);
	s26 =	simm.s32 $0xC00  }
0x236: {  	(v2sf) =	vpush v4, $0x6;
	[tilespmem:s26], [sflag:$0x1] =	stream.linear.gather [hbm4b:s25+s1], $0x400, $0x38;
	[tilespmem:$0x10600] =	vst v63  }
0x237: {  	s25 =	spop (v2sf);
	s26 =	simm.s32 $0x8C00  }
0x238: {  	(v2sf) =	vpush v5, $0x6;
	[tilespmem:s26], [sflag:$0x1] =	stream.linear.gather [hbm4b:s25+s1], $0x400, $0x38;
	[tilespmem:$0x10600] =	vst v63  }
0x239: {  	s25 =	spop (v2sf);
	s26 =	simm.s32 $0x1000  }
0x23a: {  	(v2sf) =	vpush v4, $0x7;
	[tilespmem:s26], [sflag:$0x1] =	stream.linear.gather [hbm4b:s25+s1], $0x400, $0x38;
	[tilespmem:$0x10600] =	vst v63  }
0x23b: {  	s25 =	spop (v2sf);
	s26 =	simm.s32 $0x9000  }
0x23c: {  	(v2sf) =	vpush v5, $0x7;
	[tilespmem:s26], [sflag:$0x1] =	stream.linear.gather [hbm4b:s25+s1], $0x400, $0x38;
	[tilespmem:$0x10600] =	vst v63  }
0x23d: {  	s25 =	spop (v2sf);
	s26 =	simm.s32 $0x1400  }
0x23e: {  	(v2sf) =	vpush v4, $0x8;
	[tilespmem:s26], [sflag:$0x1] =	stream.linear.gather [hbm4b:s25+s1], $0x400, $0x38;
	[tilespmem:$0x10600] =	vst v63  }
0x23f: {  	s25 =	spop (v2sf);
	s26 =	simm.s32 $0x9400  }
0x240: {  	(v2sf) =	vpush v5, $0x8;
	[tilespmem:s26], [sflag:$0x1] =	stream.linear.gather [hbm4b:s25+s1], $0x400, $0x38;
	[tilespmem:$0x10600] =	vst v63  }
0x241: {  	s25 =	spop (v2sf);
	s26 =	simm.s32 $0x1800  }
0x242: {  	(v2sf) =	vpush v4, $0x9;
	[tilespmem:s26], [sflag:$0x1] =	stream.linear.gather [hbm4b:s25+s1], $0x400, $0x38;
	[tilespmem:$0x10600] =	vst v63  }
0x243: {  	s25 =	spop (v2sf);
	s26 =	simm.s32 $0x9800  }
0x244: {  	(v2sf) =	vpush v5, $0x9;
	[tilespmem:s26], [sflag:$0x1] =	stream.linear.gather [hbm4b:s25+s1], $0x400, $0x38;
	[tilespmem:$0x10600] =	vst v63  }
0x245: {  	s25 =	spop (v2sf);
	s26 =	simm.s32 $0x1C00  }
0x246: {  	(v2sf) =	vpush v4, $0xA;
	[tilespmem:s26], [sflag:$0x1] =	stream.linear.gather [hbm4b:s25+s1], $0x400, $0x38;
	[tilespmem:$0x10600] =	vst v63  }
0x247: {  	s25 =	spop (v2sf);
	s26 =	simm.s32 $0x9C00  }
0x248: {  	(v2sf) =	vpush v5, $0xA;
	[tilespmem:s26], [sflag:$0x1] =	stream.linear.gather [hbm4b:s25+s1], $0x400, $0x38;
	[tilespmem:$0x10600] =	vst v63  }
0x249: {  	s25 =	spop (v2sf);
	s26 =	simm.s32 $0x2000  }
0x24a: {  	(v2sf) =	vpush v4, $0xB;
	[tilespmem:s26], [sflag:$0x1] =	stream.linear.gather [hbm4b:s25+s1], $0x400, $0x38;
	[tilespmem:$0x10600] =	vst v63  }
0x24b: {  	s25 =	spop (v2sf);
	s26 =	simm.s32 $0xA000  }
0x24c: {  	(v2sf) =	vpush v5, $0xB;
	[tilespmem:s26], [sflag:$0x1] =	stream.linear.gather [hbm4b:s25+s1], $0x400, $0x38;
	[tilespmem:$0x10600] =	vst v63  }
0x24d: {  	s25 =	spop (v2sf);
	s26 =	simm.s32 $0x2400  }
0x24e: {  	(v2sf) =	vpush v4, $0xC;
	[tilespmem:s26], [sflag:$0x1] =	stream.linear.gather [hbm4b:s25+s1], $0x400, $0x38;
	[tilespmem:$0x10600] =	vst v63  }
0x24f: {  	s25 =	spop (v2sf);
	s26 =	simm.s32 $0xA400  }
0x250: {  	(v2sf) =	vpush v5, $0xC;
	[tilespmem:s26], [sflag:$0x1] =	stream.linear.gather [hbm4b:s25+s1], $0x400, $0x38;
	[tilespmem:$0x10600] =	vst v63  }
0x251: {  	s25 =	spop (v2sf);
	s26 =	simm.s32 $0x2800  }
0x252: {  	(v2sf) =	vpush v4, $0xD;
	[tilespmem:s26], [sflag:$0x1] =	stream.linear.gather [hbm4b:s25+s1], $0x400, $0x38;
	[tilespmem:$0x10600] =	vst v63  }
0x253: {  	s25 =	spop (v2sf);
	s26 =	simm.s32 $0xA800  }
0x254: {  	(v2sf) =	vpush v5, $0xD;
	[tilespmem:s26], [sflag:$0x1] =	stream.linear.gather [hbm4b:s25+s1], $0x400, $0x38;
	[tilespmem:$0x10600] =	vst v63  }
0x255: {  	s25 =	spop (v2sf);
	s26 =	simm.s32 $0x2C00  }
0x256: {  	(v2sf) =	vpush v4, $0xE;
	[tilespmem:s26], [sflag:$0x1] =	stream.linear.gather [hbm4b:s25+s1], $0x400, $0x38;
	[tilespmem:$0x10600] =	vst v63  }
0x257: {  	s25 =	spop (v2sf);
	s26 =	simm.s32 $0xAC00  }
0x258: {  	(v2sf) =	vpush v5, $0xE;
	[tilespmem:s26], [sflag:$0x1] =	stream.linear.gather [hbm4b:s25+s1], $0x400, $0x38;
	[tilespmem:$0x10600] =	vst v63  }
0x259: {  	s25 =	spop (v2sf);
	s26 =	simm.s32 $0x3000  }
0x25a: {  	[tilespmem:s26], [sflag:$0x1] =	stream.linear.gather [hbm4b:s25+s1], $0x400, $0x38;
	[tilespmem:$0x10600] =	vst v63  }
0x25b: {  	(v2sf) =	vpush v4, $0xF;
	s25 =	spop (v2sf);
	s26 =	simm.s32 $0xB000  }
0x25c: {  	[tilespmem:s26], [sflag:$0x1] =	stream.linear.gather [hbm4b:s25+s1], $0x400, $0x38;
	[tilespmem:$0x10600] =	vst v63  }
0x25d: {  	(v2sf) =	vpush v5, $0xF;
	s25 =	spop (v2sf);
	s26 =	simm.s32 $0x3400  }
0x25e: {  	[tilespmem:s26], [sflag:$0x1] =	stream.linear.gather [hbm4b:s25+s1], $0x400, $0x38;
	[tilespmem:$0x10600] =	vst v63  }
0x25f: {  	s25 =	spop (v2sf);
	s26 =	simm.s32 $0xB400  }
0x260: {  	[tilespmem:s26], [sflag:$0x1] =	stream.linear.gather [hbm4b:s25+s1], $0x400, $0x38;
	[tilespmem:$0x10600] =	vst v63  }
0x261: {  	s25 =	spop (v2sf);
	s26 =	simm.s32 $0x3800  }
0x262: {  	[tilespmem:s26], [sflag:$0x1] =	stream.linear.gather [hbm4b:s25+s1], $0x400, $0x38;
	[tilespmem:$0x10600] =	vst v63  }
0x263: {  	s25 =	spop (v2sf);
	s26 =	simm.s32 $0xB800  }
0x264: {  	[tilespmem:s26], [sflag:$0x1] =	stream.linear.gather [hbm4b:s25+s1], $0x400, $0x38;
	[tilespmem:$0x10600] =	vst v63  }
0x265: {  	s25 =	spop (v2sf);
	s26 =	simm.s32 $0x3C00  }
0x266: {  	[tilespmem:s26], [sflag:$0x1] =	stream.linear.gather [hbm4b:s25+s1], $0x400, $0x38;
	[tilespmem:$0x10600] =	vst v63  }
0x267: {  	s25 =	spop (v2sf);
	s26 =	simm.s32 $0xBC00  }
0x268: {  	[tilespmem:s26], [sflag:$0x1] =	stream.linear.gather [hbm4b:s25+s1], $0x400, $0x38;
	[tilespmem:$0x10600] =	vst v63  }
.Ltmp5:
0x269: {  	_ = 	snop;
	(pc) =	sbr.rel .LBB2_4-.Ltmp5, $4  }
0x26a: {  	s25 =	spop (v2sf);
	s26 =	simm.s32 $0x4000  }
0x26b: {  	[tilespmem:s26], [sflag:$0x1] =	stream.linear.gather [hbm4b:s25+s1], $0x400, $0x38;
	[tilespmem:$0x10600] =	vst v63  }
0x26c: {  	s25 =	spop (v2sf);
	s26 =	simm.s32 $0xC000  }
0x26d: {  	[tilespmem:s26], [sflag:$0x1] =	stream.linear.gather [hbm4b:s25+s1], $0x400, $0x38;
	[tilespmem:$0x10600] =	vst v63  }
.LBB2_6:
0x26e: {  	_ =	sfence.sel $0x180000  }
0x26f: {  	[bflag:$0x0] =	sbarrier.arrive $0xFFFF  }
0x270: {  	_ =	strace $0x90000047  }
0x271: {  	s0 =	stileid.u32;
	[bflag:$0x2] =	sbarrier.arrive $0xFFFF  }
0x272: {  	p0 =	sne.s32 s0, $0x0;
	s0 =	rddreg [dreg:$0x4]  }
0x273: {  	s0 =	sadd.s32 @!p0 $0x100000, s0  }
0x274: {  	[sflag:s0] =	ssyncadd.tile.s32 @!p0 $0x1;
	_ =	shalt  }
.Lfunc_end2:
_tile_overlayer_lowered:
.L_overlay_start_2:
0x275: {  	(tag) =	ssettag $0x2  }
0x276: {  	s0 =	rddreg [dreg:$0x0];
	s2 =	stileid.u32  }
0x277: {  	s1 =	rddreg [dreg:$0x1];
	p0 =	sne.s32 s2, $0x0  }
0x278: {  	s3 =	rddreg [dreg:$0x2];
	[bflag:$0x3] =	sbarrier.arrive $0xFFFF;
	s2 =	simm.s32 @!p0 $0x1C03  }
0x279: {  	[timem:s3], [sflag:s2] =	dma.local @!p0 [hbm:s0], s1  }
0x27a: {  	s0 =	simm.s32 @!p0 $0x3  }
0x27b: {  	_ =	swait.ge @!p0 [sflag:s0], s1  }
0x27c: {  	s1 =	ssub.s32 @!p0 $0x0, s1;
	[sflag:s0] =	ssyncset.done @!p0 $0x0  }
0x27d: {  	[sflag:s0] =	ssyncadd.s32 @!p0 s1  }
0x27e: {  	[bflag:$0x3] =	sbarrier.arrive $0xFFFF  }
0x27f: {  	_ =	shalt  }

</sc_bundles>
